<compile_context>
chip_gen: v7x
topology: tpu7x:2x2x1
jax: 0.10.2.dev20260603
libtpu: 0.0.44.dev20260713+nightly
codegen_flags: <defaults>
</compile_context>

<pallas_src>
import functools

import jax
import jax.numpy as jnp
from jax import lax
from jax.experimental import pallas as pl
from jax.experimental.pallas import tpu as pltpu
from jax.experimental.pallas import tpu_sc as plsc

_B = 4096
_L = 200
_D = 32
_NTOK = _B * _L
_SROWS = 8
_STOK = _SROWS * _L
_NSTRIPE = _B // _SROWS

_info = plsc.get_sparse_core_info()
_NC = _info.num_cores
_NS = _info.num_subcores
_NW = _NC * _NS
_SPW = _NSTRIPE // _NW
_NVREG = _STOK // 16

_mesh = plsc.VectorSubcoreMesh(core_axis_name="c", subcore_axis_name="s")


@functools.partial(
    pl.kernel,
    mesh=_mesh,
    out_type=jax.ShapeDtypeStruct((_NTOK, _D), jnp.float32),
    scratch_types=[
        pltpu.VMEM((_STOK,), jnp.int32),
        pltpu.VMEM((_STOK,), jnp.int32),
        pltpu.VMEM((_STOK,), jnp.int32),
        pltpu.VMEM((_STOK,), jnp.int32),
        pltpu.VMEM((_STOK, _D), jnp.float32),
        pltpu.VMEM((_STOK, _D), jnp.float32),
        pltpu.SemaphoreType.DMA,
        pltpu.SemaphoreType.DMA,
        pltpu.SemaphoreType.DMA,
        pltpu.SemaphoreType.DMA,
    ],
    compiler_params=pltpu.CompilerParams(
        use_tc_tiling_on_sc=False, needs_layout_passes=False
    ),
)
def _emb_gather(idx_hbm, table_hbm, out_hbm,
                raw0, raw1, ord0, ord1, rows0, rows1, g0, g1, w0, w1):
    wid = lax.axis_index("s") * _NC + lax.axis_index("c")
    base = wid * _SPW
    raw = (raw0, raw1)
    order = (ord0, ord1)
    rows = (rows0, rows1)
    gsem = (g0, g1)
    wsem = (w0, w1)

    iota = lax.iota(jnp.int32, 16)
    pattern = ((iota >> 2) & 3) * _L + (iota & 3)

    def stage_stripe(i, b):
        s = base + i
        pltpu.sync_copy(idx_hbm.at[pl.ds(s * _STOK, _STOK)], raw[b])
        for v in range(_NVREG):
            k0 = 16 * v
            a = (k0 >> 5) * 4 + ((k0 >> 2) & 7) * _L
            src = pattern + a
            order[b][pl.ds(k0, 16)] = plsc.load_gather(raw[b], [src])
        pltpu.async_copy(table_hbm.at[order[b]], rows[b], gsem[b])

    stage_stripe(0, 0)
    stage_stripe(1, 1)

    def body(i0):
        for b in range(2):
            i = i0 + b
            pltpu.make_async_copy(table_hbm.at[order[b]], rows[b], gsem[b]).wait()
            pltpu.async_copy(rows[b],
                             out_hbm.at[pl.ds((base + i) * _STOK, _STOK)],
                             wsem[b])

            @pl.when(i < _SPW - 2)
            def _():
                pltpu.make_async_copy(
                    rows[b], out_hbm.at[pl.ds(base, _STOK)], wsem[b]).wait()
                stage_stripe(i + 2, b)

    pl.loop(0, _SPW, step=2)(body)

    pltpu.make_async_copy(rows[0], out_hbm.at[pl.ds(base, _STOK)], w0).wait()
    pltpu.make_async_copy(rows[1], out_hbm.at[pl.ds(base, _STOK)], w1).wait()


def kernel(sequence, emb_weight):
    idx = sequence.reshape(-1).astype(jnp.int32)
    out = _emb_gather(idx, emb_weight)
    return (
        out.reshape(_B // 8, _L // 4, 8, 4 * _D)
        .transpose(0, 2, 1, 3)
        .reshape(_B, _L * _D)
    )

# --- scband reference (transcript-rebuilt; emitter-appended) ---
"""Pipeline reference for scband-embedding-block-75917841924737 (READ-ONLY COPY).

The authoritative reference and input builder live on the scoring server;
editing this copy changes nothing except your own understanding.
"""

import jax, jax.numpy as jnp
import numpy as np

N_VOCAB = 1000000
EMB_DIM = 32
BATCH = 4096
SEQ_LEN = 200


def setup_inputs(seed: int = 0) -> dict:
    key = jax.random.key(seed)
    k1, k2 = jax.random.split(key)
    sequence = jax.random.randint(k1, (BATCH, SEQ_LEN), 0, N_VOCAB, dtype=jnp.int64 if jax.config.jax_enable_x64 else jnp.int32)
    # nn.Embedding weight initialized uniform(-initrange, initrange); note the
    # .uniform_ call in __init__ overwrites the zeroed padding row too.
    emb_weight = jax.random.uniform(k2, (N_VOCAB, EMB_DIM), dtype=jnp.float32, minval=-0.1, maxval=0.1)
    return {"sequence": sequence, "emb_weight": emb_weight}


def reference(sequence, emb_weight):
    # embeddings = self.emb(sequence)
    embeddings = jnp.take(emb_weight, sequence, axis=0)  # [B, L, D]
    # return embeddings.view(embeddings.size(0), -1)
    return embeddings.reshape(embeddings.shape[0], -1)  # [B, L*D]

if __name__ == "__main__":
    import jax
    _d = setup_inputs()
    print(jax.jit(kernel)(*tuple(_d.values())))

</pallas_src>

<mosaic_0001>
#map = affine_map<(d0, d1) -> (0)>
#map1 = affine_map<(d0, d1) -> (0, 0)>
module attributes {stable_mosaic.version = 14 : i64} {
  func.func @_emb_gather(%arg0: i32, %arg1: i32, %arg2: memref<819200xi32, #tpu.memory_space<hbm>>, %arg3: memref<1000000x32xf32, #tpu.memory_space<hbm>>, %arg4: memref<819200x32xf32, #tpu.memory_space<hbm>>, %arg5: memref<1600xi32, #tpu.memory_space<vmem>>, %arg6: memref<1600xi32, #tpu.memory_space<vmem>>, %arg7: memref<1600xi32, #tpu.memory_space<vmem>>, %arg8: memref<1600xi32, #tpu.memory_space<vmem>>, %arg9: memref<1600x32xf32, #tpu.memory_space<vmem>>, %arg10: memref<1600x32xf32, #tpu.memory_space<vmem>>, %arg11: memref<!tpu.dma_semaphore, #tpu.memory_space<semaphore_mem>>, %arg12: memref<!tpu.dma_semaphore, #tpu.memory_space<semaphore_mem>>, %arg13: memref<!tpu.dma_semaphore, #tpu.memory_space<semaphore_mem>>, %arg14: memref<!tpu.dma_semaphore, #tpu.memory_space<semaphore_mem>>) attributes {dimension_semantics = [#tpu.dimension_semantics<core_parallel>, #tpu.dimension_semantics<subcore_parallel>], iteration_bounds = array<i64: 2, 16>, scalar_prefetch = 0 : i64, scratch_operands = 10 : i64, tpu.core_type = #tpu.core_type<sc_vector_subcore>, window_params = [{transform_indices = #map}, {transform_indices = #map1}, {transform_indices = #map1}]} {
    %mul3A = arith.constant 2 : i32
    %mul3A_0 = arith.muli %arg1, %mul3A : i32
    %add3A = arith.addi %mul3A_0, %arg0 : i32
    %mul3A_1 = arith.constant 16 : i32
    %mul3A_2 = arith.muli %add3A, %mul3A_1 : i32
    %iota3A = tpu.iota {dimensions = array<i32: 0>} : vector<16xi32>
    %shift_right_arithmetic3A = arith.constant 2 : i32
    %shift_right_arithmetic3A_3 = vector.broadcast %shift_right_arithmetic3A : i32 to vector<16xi32>
    %shift_right_arithmetic3A_4 = arith.shrsi %iota3A, %shift_right_arithmetic3A_3 : vector<16xi32>
    %and3A = arith.constant 3 : i32
    %and3A_5 = vector.broadcast %and3A : i32 to vector<16xi32>
    %and3A_6 = arith.andi %shift_right_arithmetic3A_4, %and3A_5 : vector<16xi32>
    %mul3A_7 = arith.constant 200 : i32
    %mul3A_8 = vector.broadcast %mul3A_7 : i32 to vector<16xi32>
    %mul3A_9 = arith.muli %and3A_6, %mul3A_8 : vector<16xi32>
    %and3A_10 = arith.constant 3 : i32
    %and3A_11 = vector.broadcast %and3A_10 : i32 to vector<16xi32>
    %and3A_12 = arith.andi %iota3A, %and3A_11 : vector<16xi32>
    %add3A_13 = arith.addi %mul3A_9, %and3A_12 : vector<16xi32>
    %add3A_14 = arith.constant 0 : i32
    %add3A_15 = arith.addi %mul3A_2, %add3A_14 : i32
    %mul3A_16 = arith.constant 1600 : i32
    %mul3A_17 = arith.muli %add3A_15, %mul3A_16 : i32
    "tpu.region"() ({
      %run_scoped3A = tpu.sem_alloc : memref<!tpu.dma_semaphore, #tpu.memory_space<semaphore_mem>>
      %dma_start3A_1236 = tpu.memref_slice %arg2[%mul3A_17] : memref<819200xi32, #tpu.memory_space<hbm>> -> memref<1600xi32, #tpu.memory_space<hbm>>
      %dma_start3A_1237 = tpu.memref_slice %arg2[%mul3A_17] : memref<819200xi32, #tpu.memory_space<hbm>> -> memref<1600xi32, #tpu.memory_space<hbm>>
      tpu.enqueue_dma source(%dma_start3A_1237 : memref<1600xi32, #tpu.memory_space<hbm>>) target(%arg5 : memref<1600xi32, #tpu.memory_space<vmem>>) target_semaphore(%run_scoped3A : memref<!tpu.dma_semaphore, #tpu.memory_space<semaphore_mem>>)
      %dma_wait3A_1238 = tpu.memref_slice %arg2[%mul3A_17] : memref<819200xi32, #tpu.memory_space<hbm>> -> memref<1600xi32, #tpu.memory_space<hbm>>
      %dma_wait3A_1239 = tpu.memref_slice %arg2[%mul3A_17] : memref<819200xi32, #tpu.memory_space<hbm>> -> memref<1600xi32, #tpu.memory_space<hbm>>
      tpu.wait_dma2 semaphore(%run_scoped3A : memref<!tpu.dma_semaphore, #tpu.memory_space<semaphore_mem>>) src(%dma_wait3A_1239 : memref<1600xi32, #tpu.memory_space<hbm>>) dst(%arg5 : memref<1600xi32, #tpu.memory_space<vmem>>)
      tpu.yield
    }) : () -> ()
    %add3A_18 = arith.constant 0 : i32
    %add3A_19 = vector.broadcast %add3A_18 : i32 to vector<16xi32>
    %add3A_20 = arith.addi %add3A_13, %add3A_19 : vector<16xi32>
    %gather3A = tpu.vector_load_idx %arg5[%add3A_20] : memref<1600xi32, #tpu.memory_space<vmem>>[vector<16xi32>], vector<16xi32>,
    %swap3A = arith.constant 0 : index
    %swap3A_21 = tpu.vector_load %arg7[%swap3A] {strides = array<i32>} : memref<1600xi32, #tpu.memory_space<vmem>>, vector<16xi32>,
    tpu.vector_store %arg7[%swap3A], %gather3A {strides = array<i32>} : memref<1600xi32, #tpu.memory_space<vmem>>, vector<16xi32>,
    %add3A_22 = arith.constant 800 : i32
    %add3A_23 = vector.broadcast %add3A_22 : i32 to vector<16xi32>
    %add3A_24 = arith.addi %add3A_13, %add3A_23 : vector<16xi32>
    %gather3A_25 = tpu.vector_load_idx %arg5[%add3A_24] : memref<1600xi32, #tpu.memory_space<vmem>>[vector<16xi32>], vector<16xi32>,
    %swap3A_26 = arith.constant 16 : index
    %swap3A_27 = tpu.vector_load %arg7[%swap3A_26] {strides = array<i32>} : memref<1600xi32, #tpu.memory_space<vmem>>, vector<16xi32>,
    tpu.vector_store %arg7[%swap3A_26], %gather3A_25 {strides = array<i32>} : memref<1600xi32, #tpu.memory_space<vmem>>, vector<16xi32>,
    %add3A_28 = arith.constant 4 : i32
    %add3A_29 = vector.broadcast %add3A_28 : i32 to vector<16xi32>
    %add3A_30 = arith.addi %add3A_13, %add3A_29 : vector<16xi32>
    %gather3A_31 = tpu.vector_load_idx %arg5[%add3A_30] : memref<1600xi32, #tpu.memory_space<vmem>>[vector<16xi32>], vector<16xi32>,
    %swap3A_32 = arith.constant 32 : index
    %swap3A_33 = tpu.vector_load %arg7[%swap3A_32] {strides = array<i32>} : memref<1600xi32, #tpu.memory_space<vmem>>, vector<16xi32>,
    tpu.vector_store %arg7[%swap3A_32], %gather3A_31 {strides = array<i32>} : memref<1600xi32, #tpu.memory_space<vmem>>, vector<16xi32>,
    %add3A_34 = arith.constant 804 : i32
    %add3A_35 = vector.broadcast %add3A_34 : i32 to vector<16xi32>
    %add3A_36 = arith.addi %add3A_13, %add3A_35 : vector<16xi32>
    %gather3A_37 = tpu.vector_load_idx %arg5[%add3A_36] : memref<1600xi32, #tpu.memory_space<vmem>>[vector<16xi32>], vector<16xi32>,
    %swap3A_38 = arith.constant 48 : index
    %swap3A_39 = tpu.vector_load %arg7[%swap3A_38] {strides = array<i32>} : memref<1600xi32, #tpu.memory_space<vmem>>, vector<16xi32>,
    tpu.vector_store %arg7[%swap3A_38], %gather3A_37 {strides = array<i32>} : memref<1600xi32, #tpu.memory_space<vmem>>, vector<16xi32>,
    %add3A_40 = arith.constant 8 : i32
    %add3A_41 = vector.broadcast %add3A_40 : i32 to vector<16xi32>
    %add3A_42 = arith.addi %add3A_13, %add3A_41 : vector<16xi32>
    %gather3A_43 = tpu.vector_load_idx %arg5[%add3A_42] : memref<1600xi32, #tpu.memory_space<vmem>>[vector<16xi32>], vector<16xi32>,
    %swap3A_44 = arith.constant 64 : index
    %swap3A_45 = tpu.vector_load %arg7[%swap3A_44] {strides = array<i32>} : memref<1600xi32, #tpu.memory_space<vmem>>, vector<16xi32>,
    tpu.vector_store %arg7[%swap3A_44], %gather3A_43 {strides = array<i32>} : memref<1600xi32, #tpu.memory_space<vmem>>, vector<16xi32>,
    %add3A_46 = arith.constant 808 : i32
    %add3A_47 = vector.broadcast %add3A_46 : i32 to vector<16xi32>
    %add3A_48 = arith.addi %add3A_13, %add3A_47 : vector<16xi32>
    %gather3A_49 = tpu.vector_load_idx %arg5[%add3A_48] : memref<1600xi32, #tpu.memory_space<vmem>>[vector<16xi32>], vector<16xi32>,
    %swap3A_50 = arith.constant 80 : index
    %swap3A_51 = tpu.vector_load %arg7[%swap3A_50] {strides = array<i32>} : memref<1600xi32, #tpu.memory_space<vmem>>, vector<16xi32>,
    tpu.vector_store %arg7[%swap3A_50], %gather3A_49 {strides = array<i32>} : memref<1600xi32, #tpu.memory_space<vmem>>, vector<16xi32>,
    %add3A_52 = arith.constant 12 : i32
    %add3A_53 = vector.broadcast %add3A_52 : i32 to vector<16xi32>
    %add3A_54 = arith.addi %add3A_13, %add3A_53 : vector<16xi32>
    %gather3A_55 = tpu.vector_load_idx %arg5[%add3A_54] : memref<1600xi32, #tpu.memory_space<vmem>>[vector<16xi32>], vector<16xi32>,
    %swap3A_56 = arith.constant 96 : index
    %swap3A_57 = tpu.vector_load %arg7[%swap3A_56] {strides = array<i32>} : memref<1600xi32, #tpu.memory_space<vmem>>, vector<16xi32>,
    tpu.vector_store %arg7[%swap3A_56], %gather3A_55 {strides = array<i32>} : memref<1600xi32, #tpu.memory_space<vmem>>, vector<16xi32>,
    %add3A_58 = arith.constant 812 : i32
    %add3A_59 = vector.broadcast %add3A_58 : i32 to vector<16xi32>
    %add3A_60 = arith.addi %add3A_13, %add3A_59 : vector<16xi32>
    %gather3A_61 = tpu.vector_load_idx %arg5[%add3A_60] : memref<1600xi32, #tpu.memory_space<vmem>>[vector<16xi32>], vector<16xi32>,
    %swap3A_62 = arith.constant 112 : index
    %swap3A_63 = tpu.vector_load %arg7[%swap3A_62] {strides = array<i32>} : memref<1600xi32, #tpu.memory_space<vmem>>, vector<16xi32>,
    tpu.vector_store %arg7[%swap3A_62], %gather3A_61 {strides = array<i32>} : memref<1600xi32, #tpu.memory_space<vmem>>, vector<16xi32>,
    %add3A_64 = arith.constant 16 : i32
    %add3A_65 = vector.broadcast %add3A_64 : i32 to vector<16xi32>
    %add3A_66 = arith.addi %add3A_13, %add3A_65 : vector<16xi32>
    %gather3A_67 = tpu.vector_load_idx %arg5[%add3A_66] : memref<1600xi32, #tpu.memory_space<vmem>>[vector<16xi32>], vector<16xi32>,
    %swap3A_68 = arith.constant 128 : index
    %swap3A_69 = tpu.vector_load %arg7[%swap3A_68] {strides = array<i32>} : memref<1600xi32, #tpu.memory_space<vmem>>, vector<16xi32>,
    tpu.vector_store %arg7[%swap3A_68], %gather3A_67 {strides = array<i32>} : memref<1600xi32, #tpu.memory_space<vmem>>, vector<16xi32>,
    %add3A_70 = arith.constant 816 : i32
    %add3A_71 = vector.broadcast %add3A_70 : i32 to vector<16xi32>
    %add3A_72 = arith.addi %add3A_13, %add3A_71 : vector<16xi32>
    %gather3A_73 = tpu.vector_load_idx %arg5[%add3A_72] : memref<1600xi32, #tpu.memory_space<vmem>>[vector<16xi32>], vector<16xi32>,
    %swap3A_74 = arith.constant 144 : index
    %swap3A_75 = tpu.vector_load %arg7[%swap3A_74] {strides = array<i32>} : memref<1600xi32, #tpu.memory_space<vmem>>, vector<16xi32>,
    tpu.vector_store %arg7[%swap3A_74], %gather3A_73 {strides = array<i32>} : memref<1600xi32, #tpu.memory_space<vmem>>, vector<16xi32>,
    %add3A_76 = arith.constant 20 : i32
    %add3A_77 = vector.broadcast %add3A_76 : i32 to vector<16xi32>
    %add3A_78 = arith.addi %add3A_13, %add3A_77 : vector<16xi32>
    %gather3A_79 = tpu.vector_load_idx %arg5[%add3A_78] : memref<1600xi32, #tpu.memory_space<vmem>>[vector<16xi32>], vector<16xi32>,
    %swap3A_80 = arith.constant 160 : index
    %swap3A_81 = tpu.vector_load %arg7[%swap3A_80] {strides = array<i32>} : memref<1600xi32, #tpu.memory_space<vmem>>, vector<16xi32>,
    tpu.vector_store %arg7[%swap3A_80], %gather3A_79 {strides = array<i32>} : memref<1600xi32, #tpu.memory_space<vmem>>, vector<16xi32>,
    %add3A_82 = arith.constant 820 : i32
    %add3A_83 = vector.broadcast %add3A_82 : i32 to vector<16xi32>
    %add3A_84 = arith.addi %add3A_13, %add3A_83 : vector<16xi32>
    %gather3A_85 = tpu.vector_load_idx %arg5[%add3A_84] : memref<1600xi32, #tpu.memory_space<vmem>>[vector<16xi32>], vector<16xi32>,
    %swap3A_86 = arith.constant 176 : index
    %swap3A_87 = tpu.vector_load %arg7[%swap3A_86] {strides = array<i32>} : memref<1600xi32, #tpu.memory_space<vmem>>, vector<16xi32>,
    tpu.vector_store %arg7[%swap3A_86], %gather3A_85 {strides = array<i32>} : memref<1600xi32, #tpu.memory_space<vmem>>, vector<16xi32>,
    %add3A_88 = arith.constant 24 : i32
    %add3A_89 = vector.broadcast %add3A_88 : i32 to vector<16xi32>
    %add3A_90 = arith.addi %add3A_13, %add3A_89 : vector<16xi32>
    %gather3A_91 = tpu.vector_load_idx %arg5[%add3A_90] : memref<1600xi32, #tpu.memory_space<vmem>>[vector<16xi32>], vector<16xi32>,
    %swap3A_92 = arith.constant 192 : index
    %swap3A_93 = tpu.vector_load %arg7[%swap3A_92] {strides = array<i32>} : memref<1600xi32, #tpu.memory_space<vmem>>, vector<16xi32>,
    tpu.vector_store %arg7[%swap3A_92], %gather3A_91 {strides = array<i32>} : memref<1600xi32, #tpu.memory_space<vmem>>, vector<16xi32>,
    %add3A_94 = arith.constant 824 : i32
    %add3A_95 = vector.broadcast %add3A_94 : i32 to vector<16xi32>
    %add3A_96 = arith.addi %add3A_13, %add3A_95 : vector<16xi32>
    %gather3A_97 = tpu.vector_load_idx %arg5[%add3A_96] : memref<1600xi32, #tpu.memory_space<vmem>>[vector<16xi32>], vector<16xi32>,
    %swap3A_98 = arith.constant 208 : index
    %swap3A_99 = tpu.vector_load %arg7[%swap3A_98] {strides = array<i32>} : memref<1600xi32, #tpu.memory_space<vmem>>, vector<16xi32>,
    tpu.vector_store %arg7[%swap3A_98], %gather3A_97 {strides = array<i32>} : memref<1600xi32, #tpu.memory_space<vmem>>, vector<16xi32>,
    %add3A_100 = arith.constant 28 : i32
    %add3A_101 = vector.broadcast %add3A_100 : i32 to vector<16xi32>
    %add3A_102 = arith.addi %add3A_13, %add3A_101 : vector<16xi32>
    %gather3A_103 = tpu.vector_load_idx %arg5[%add3A_102] : memref<1600xi32, #tpu.memory_space<vmem>>[vector<16xi32>], vector<16xi32>,
    %swap3A_104 = arith.constant 224 : index
    %swap3A_105 = tpu.vector_load %arg7[%swap3A_104] {strides = array<i32>} : memref<1600xi32, #tpu.memory_space<vmem>>, vector<16xi32>,
    tpu.vector_store %arg7[%swap3A_104], %gather3A_103 {strides = array<i32>} : memref<1600xi32, #tpu.memory_space<vmem>>, vector<16xi32>,
    %add3A_106 = arith.constant 828 : i32
    %add3A_107 = vector.broadcast %add3A_106 : i32 to vector<16xi32>
    %add3A_108 = arith.addi %add3A_13, %add3A_107 : vector<16xi32>
    %gather3A_109 = tpu.vector_load_idx %arg5[%add3A_108] : memref<1600xi32, #tpu.memory_space<vmem>>[vector<16xi32>], vector<16xi32>,
    %swap3A_110 = arith.constant 240 : index
    %swap3A_111 = tpu.vector_load %arg7[%swap3A_110] {strides = array<i32>} : memref<1600xi32, #tpu.memory_space<vmem>>, vector<16xi32>,
    tpu.vector_store %arg7[%swap3A_110], %gather3A_109 {strides = array<i32>} : memref<1600xi32, #tpu.memory_space<vmem>>, vector<16xi32>,
    %add3A_112 = arith.constant 32 : i32
    %add3A_113 = vector.broadcast %add3A_112 : i32 to vector<16xi32>
    %add3A_114 = arith.addi %add3A_13, %add3A_113 : vector<16xi32>
    %gather3A_115 = tpu.vector_load_idx %arg5[%add3A_114] : memref<1600xi32, #tpu.memory_space<vmem>>[vector<16xi32>], vector<16xi32>,
    %swap3A_116 = arith.constant 256 : index
    %swap3A_117 = tpu.vector_load %arg7[%swap3A_116] {strides = array<i32>} : memref<1600xi32, #tpu.memory_space<vmem>>, vector<16xi32>,
    tpu.vector_store %arg7[%swap3A_116], %gather3A_115 {strides = array<i32>} : memref<1600xi32, #tpu.memory_space<vmem>>, vector<16xi32>,
    %add3A_118 = arith.constant 832 : i32
    %add3A_119 = vector.broadcast %add3A_118 : i32 to vector<16xi32>
    %add3A_120 = arith.addi %add3A_13, %add3A_119 : vector<16xi32>
    %gather3A_121 = tpu.vector_load_idx %arg5[%add3A_120] : memref<1600xi32, #tpu.memory_space<vmem>>[vector<16xi32>], vector<16xi32>,
    %swap3A_122 = arith.constant 272 : index
    %swap3A_123 = tpu.vector_load %arg7[%swap3A_122] {strides = array<i32>} : memref<1600xi32, #tpu.memory_space<vmem>>, vector<16xi32>,
    tpu.vector_store %arg7[%swap3A_122], %gather3A_121 {strides = array<i32>} : memref<1600xi32, #tpu.memory_space<vmem>>, vector<16xi32>,
    %add3A_124 = arith.constant 36 : i32
    %add3A_125 = vector.broadcast %add3A_124 : i32 to vector<16xi32>
    %add3A_126 = arith.addi %add3A_13, %add3A_125 : vector<16xi32>
    %gather3A_127 = tpu.vector_load_idx %arg5[%add3A_126] : memref<1600xi32, #tpu.memory_space<vmem>>[vector<16xi32>], vector<16xi32>,
    %swap3A_128 = arith.constant 288 : index
    %swap3A_129 = tpu.vector_load %arg7[%swap3A_128] {strides = array<i32>} : memref<1600xi32, #tpu.memory_space<vmem>>, vector<16xi32>,
    tpu.vector_store %arg7[%swap3A_128], %gather3A_127 {strides = array<i32>} : memref<1600xi32, #tpu.memory_space<vmem>>, vector<16xi32>,
    %add3A_130 = arith.constant 836 : i32
    %add3A_131 = vector.broadcast %add3A_130 : i32 to vector<16xi32>
    %add3A_132 = arith.addi %add3A_13, %add3A_131 : vector<16xi32>
    %gather3A_133 = tpu.vector_load_idx %arg5[%add3A_132] : memref<1600xi32, #tpu.memory_space<vmem>>[vector<16xi32>], vector<16xi32>,
    %swap3A_134 = arith.constant 304 : index
    %swap3A_135 = tpu.vector_load %arg7[%swap3A_134] {strides = array<i32>} : memref<1600xi32, #tpu.memory_space<vmem>>, vector<16xi32>,
    tpu.vector_store %arg7[%swap3A_134], %gather3A_133 {strides = array<i32>} : memref<1600xi32, #tpu.memory_space<vmem>>, vector<16xi32>,
    %add3A_136 = arith.constant 40 : i32
    %add3A_137 = vector.broadcast %add3A_136 : i32 to vector<16xi32>
    %add3A_138 = arith.addi %add3A_13, %add3A_137 : vector<16xi32>
    %gather3A_139 = tpu.vector_load_idx %arg5[%add3A_138] : memref<1600xi32, #tpu.memory_space<vmem>>[vector<16xi32>], vector<16xi32>,
    %swap3A_140 = arith.constant 320 : index
    %swap3A_141 = tpu.vector_load %arg7[%swap3A_140] {strides = array<i32>} : memref<1600xi32, #tpu.memory_space<vmem>>, vector<16xi32>,
    tpu.vector_store %arg7[%swap3A_140], %gather3A_139 {strides = array<i32>} : memref<1600xi32, #tpu.memory_space<vmem>>, vector<16xi32>,
    %add3A_142 = arith.constant 840 : i32
    %add3A_143 = vector.broadcast %add3A_142 : i32 to vector<16xi32>
    %add3A_144 = arith.addi %add3A_13, %add3A_143 : vector<16xi32>
    %gather3A_145 = tpu.vector_load_idx %arg5[%add3A_144] : memref<1600xi32, #tpu.memory_space<vmem>>[vector<16xi32>], vector<16xi32>,
    %swap3A_146 = arith.constant 336 : index
    %swap3A_147 = tpu.vector_load %arg7[%swap3A_146] {strides = array<i32>} : memref<1600xi32, #tpu.memory_space<vmem>>, vector<16xi32>,
    tpu.vector_store %arg7[%swap3A_146], %gather3A_145 {strides = array<i32>} : memref<1600xi32, #tpu.memory_space<vmem>>, vector<16xi32>,
    %add3A_148 = arith.constant 44 : i32
    %add3A_149 = vector.broadcast %add3A_148 : i32 to vector<16xi32>
    %add3A_150 = arith.addi %add3A_13, %add3A_149 : vector<16xi32>
    %gather3A_151 = tpu.vector_load_idx %arg5[%add3A_150] : memref<1600xi32, #tpu.memory_space<vmem>>[vector<16xi32>], vector<16xi32>,
    %swap3A_152 = arith.constant 352 : index
    %swap3A_153 = tpu.vector_load %arg7[%swap3A_152] {strides = array<i32>} : memref<1600xi32, #tpu.memory_space<vmem>>, vector<16xi32>,
    tpu.vector_store %arg7[%swap3A_152], %gather3A_151 {strides = array<i32>} : memref<1600xi32, #tpu.memory_space<vmem>>, vector<16xi32>,
    %add3A_154 = arith.constant 844 : i32
    %add3A_155 = vector.broadcast %add3A_154 : i32 to vector<16xi32>
    %add3A_156 = arith.addi %add3A_13, %add3A_155 : vector<16xi32>
    %gather3A_157 = tpu.vector_load_idx %arg5[%add3A_156] : memref<1600xi32, #tpu.memory_space<vmem>>[vector<16xi32>], vector<16xi32>,
    %swap3A_158 = arith.constant 368 : index
    %swap3A_159 = tpu.vector_load %arg7[%swap3A_158] {strides = array<i32>} : memref<1600xi32, #tpu.memory_space<vmem>>, vector<16xi32>,
    tpu.vector_store %arg7[%swap3A_158], %gather3A_157 {strides = array<i32>} : memref<1600xi32, #tpu.memory_space<vmem>>, vector<16xi32>,
    %add3A_160 = arith.constant 48 : i32
    %add3A_161 = vector.broadcast %add3A_160 : i32 to vector<16xi32>
    %add3A_162 = arith.addi %add3A_13, %add3A_161 : vector<16xi32>
    %gather3A_163 = tpu.vector_load_idx %arg5[%add3A_162] : memref<1600xi32, #tpu.memory_space<vmem>>[vector<16xi32>], vector<16xi32>,
    %swap3A_164 = arith.constant 384 : index
    %swap3A_165 = tpu.vector_load %arg7[%swap3A_164] {strides = array<i32>} : memref<1600xi32, #tpu.memory_space<vmem>>, vector<16xi32>,
    tpu.vector_store %arg7[%swap3A_164], %gather3A_163 {strides = array<i32>} : memref<1600xi32, #tpu.memory_space<vmem>>, vector<16xi32>,
    %add3A_166 = arith.constant 848 : i32
    %add3A_167 = vector.broadcast %add3A_166 : i32 to vector<16xi32>
    %add3A_168 = arith.addi %add3A_13, %add3A_167 : vector<16xi32>
    %gather3A_169 = tpu.vector_load_idx %arg5[%add3A_168] : memref<1600xi32, #tpu.memory_space<vmem>>[vector<16xi32>], vector<16xi32>,
    %swap3A_170 = arith.constant 400 : index
    %swap3A_171 = tpu.vector_load %arg7[%swap3A_170] {strides = array<i32>} : memref<1600xi32, #tpu.memory_space<vmem>>, vector<16xi32>,
    tpu.vector_store %arg7[%swap3A_170], %gather3A_169 {strides = array<i32>} : memref<1600xi32, #tpu.memory_space<vmem>>, vector<16xi32>,
    %add3A_172 = arith.constant 52 : i32
    %add3A_173 = vector.broadcast %add3A_172 : i32 to vector<16xi32>
    %add3A_174 = arith.addi %add3A_13, %add3A_173 : vector<16xi32>
    %gather3A_175 = tpu.vector_load_idx %arg5[%add3A_174] : memref<1600xi32, #tpu.memory_space<vmem>>[vector<16xi32>], vector<16xi32>,
    %swap3A_176 = arith.constant 416 : index
    %swap3A_177 = tpu.vector_load %arg7[%swap3A_176] {strides = array<i32>} : memref<1600xi32, #tpu.memory_space<vmem>>, vector<16xi32>,
    tpu.vector_store %arg7[%swap3A_176], %gather3A_175 {strides = array<i32>} : memref<1600xi32, #tpu.memory_space<vmem>>, vector<16xi32>,
    %add3A_178 = arith.constant 852 : i32
    %add3A_179 = vector.broadcast %add3A_178 : i32 to vector<16xi32>
    %add3A_180 = arith.addi %add3A_13, %add3A_179 : vector<16xi32>
    %gather3A_181 = tpu.vector_load_idx %arg5[%add3A_180] : memref<1600xi32, #tpu.memory_space<vmem>>[vector<16xi32>], vector<16xi32>,
    %swap3A_182 = arith.constant 432 : index
    %swap3A_183 = tpu.vector_load %arg7[%swap3A_182] {strides = array<i32>} : memref<1600xi32, #tpu.memory_space<vmem>>, vector<16xi32>,
    tpu.vector_store %arg7[%swap3A_182], %gather3A_181 {strides = array<i32>} : memref<1600xi32, #tpu.memory_space<vmem>>, vector<16xi32>,
    %add3A_184 = arith.constant 56 : i32
    %add3A_185 = vector.broadcast %add3A_184 : i32 to vector<16xi32>
    %add3A_186 = arith.addi %add3A_13, %add3A_185 : vector<16xi32>
    %gather3A_187 = tpu.vector_load_idx %arg5[%add3A_186] : memref<1600xi32, #tpu.memory_space<vmem>>[vector<16xi32>], vector<16xi32>,
    %swap3A_188 = arith.constant 448 : index
    %swap3A_189 = tpu.vector_load %arg7[%swap3A_188] {strides = array<i32>} : memref<1600xi32, #tpu.memory_space<vmem>>, vector<16xi32>,
    tpu.vector_store %arg7[%swap3A_188], %gather3A_187 {strides = array<i32>} : memref<1600xi32, #tpu.memory_space<vmem>>, vector<16xi32>,
    %add3A_190 = arith.constant 856 : i32
    %add3A_191 = vector.broadcast %add3A_190 : i32 to vector<16xi32>
    %add3A_192 = arith.addi %add3A_13, %add3A_191 : vector<16xi32>
    %gather3A_193 = tpu.vector_load_idx %arg5[%add3A_192] : memref<1600xi32, #tpu.memory_space<vmem>>[vector<16xi32>], vector<16xi32>,
    %swap3A_194 = arith.constant 464 : index
    %swap3A_195 = tpu.vector_load %arg7[%swap3A_194] {strides = array<i32>} : memref<1600xi32, #tpu.memory_space<vmem>>, vector<16xi32>,
    tpu.vector_store %arg7[%swap3A_194], %gather3A_193 {strides = array<i32>} : memref<1600xi32, #tpu.memory_space<vmem>>, vector<16xi32>,
    %add3A_196 = arith.constant 60 : i32
    %add3A_197 = vector.broadcast %add3A_196 : i32 to vector<16xi32>
    %add3A_198 = arith.addi %add3A_13, %add3A_197 : vector<16xi32>
    %gather3A_199 = tpu.vector_load_idx %arg5[%add3A_198] : memref<1600xi32, #tpu.memory_space<vmem>>[vector<16xi32>], vector<16xi32>,
    %swap3A_200 = arith.constant 480 : index
    %swap3A_201 = tpu.vector_load %arg7[%swap3A_200] {strides = array<i32>} : memref<1600xi32, #tpu.memory_space<vmem>>, vector<16xi32>,
    tpu.vector_store %arg7[%swap3A_200], %gather3A_199 {strides = array<i32>} : memref<1600xi32, #tpu.memory_space<vmem>>, vector<16xi32>,
    %add3A_202 = arith.constant 860 : i32
    %add3A_203 = vector.broadcast %add3A_202 : i32 to vector<16xi32>
    %add3A_204 = arith.addi %add3A_13, %add3A_203 : vector<16xi32>
    %gather3A_205 = tpu.vector_load_idx %arg5[%add3A_204] : memref<1600xi32, #tpu.memory_space<vmem>>[vector<16xi32>], vector<16xi32>,
    %swap3A_206 = arith.constant 496 : index
    %swap3A_207 = tpu.vector_load %arg7[%swap3A_206] {strides = array<i32>} : memref<1600xi32, #tpu.memory_space<vmem>>, vector<16xi32>,
    tpu.vector_store %arg7[%swap3A_206], %gather3A_205 {strides = array<i32>} : memref<1600xi32, #tpu.memory_space<vmem>>, vector<16xi32>,
    %add3A_208 = arith.constant 64 : i32
    %add3A_209 = vector.broadcast %add3A_208 : i32 to vector<16xi32>
    %add3A_210 = arith.addi %add3A_13, %add3A_209 : vector<16xi32>
    %gather3A_211 = tpu.vector_load_idx %arg5[%add3A_210] : memref<1600xi32, #tpu.memory_space<vmem>>[vector<16xi32>], vector<16xi32>,
    %swap3A_212 = arith.constant 512 : index
    %swap3A_213 = tpu.vector_load %arg7[%swap3A_212] {strides = array<i32>} : memref<1600xi32, #tpu.memory_space<vmem>>, vector<16xi32>,
    tpu.vector_store %arg7[%swap3A_212], %gather3A_211 {strides = array<i32>} : memref<1600xi32, #tpu.memory_space<vmem>>, vector<16xi32>,
    %add3A_214 = arith.constant 864 : i32
    %add3A_215 = vector.broadcast %add3A_214 : i32 to vector<16xi32>
    %add3A_216 = arith.addi %add3A_13, %add3A_215 : vector<16xi32>
    %gather3A_217 = tpu.vector_load_idx %arg5[%add3A_216] : memref<1600xi32, #tpu.memory_space<vmem>>[vector<16xi32>], vector<16xi32>,
    %swap3A_218 = arith.constant 528 : index
    %swap3A_219 = tpu.vector_load %arg7[%swap3A_218] {strides = array<i32>} : memref<1600xi32, #tpu.memory_space<vmem>>, vector<16xi32>,
    tpu.vector_store %arg7[%swap3A_218], %gather3A_217 {strides = array<i32>} : memref<1600xi32, #tpu.memory_space<vmem>>, vector<16xi32>,
    %add3A_220 = arith.constant 68 : i32
    %add3A_221 = vector.broadcast %add3A_220 : i32 to vector<16xi32>
    %add3A_222 = arith.addi %add3A_13, %add3A_221 : vector<16xi32>
    %gather3A_223 = tpu.vector_load_idx %arg5[%add3A_222] : memref<1600xi32, #tpu.memory_space<vmem>>[vector<16xi32>], vector<16xi32>,
    %swap3A_224 = arith.constant 544 : index
    %swap3A_225 = tpu.vector_load %arg7[%swap3A_224] {strides = array<i32>} : memref<1600xi32, #tpu.memory_space<vmem>>, vector<16xi32>,
    tpu.vector_store %arg7[%swap3A_224], %gather3A_223 {strides = array<i32>} : memref<1600xi32, #tpu.memory_space<vmem>>, vector<16xi32>,
    %add3A_226 = arith.constant 868 : i32
    %add3A_227 = vector.broadcast %add3A_226 : i32 to vector<16xi32>
    %add3A_228 = arith.addi %add3A_13, %add3A_227 : vector<16xi32>
    %gather3A_229 = tpu.vector_load_idx %arg5[%add3A_228] : memref<1600xi32, #tpu.memory_space<vmem>>[vector<16xi32>], vector<16xi32>,
    %swap3A_230 = arith.constant 560 : index
    %swap3A_231 = tpu.vector_load %arg7[%swap3A_230] {strides = array<i32>} : memref<1600xi32, #tpu.memory_space<vmem>>, vector<16xi32>,
    tpu.vector_store %arg7[%swap3A_230], %gather3A_229 {strides = array<i32>} : memref<1600xi32, #tpu.memory_space<vmem>>, vector<16xi32>,
    %add3A_232 = arith.constant 72 : i32
    %add3A_233 = vector.broadcast %add3A_232 : i32 to vector<16xi32>
    %add3A_234 = arith.addi %add3A_13, %add3A_233 : vector<16xi32>
    %gather3A_235 = tpu.vector_load_idx %arg5[%add3A_234] : memref<1600xi32, #tpu.memory_space<vmem>>[vector<16xi32>], vector<16xi32>,
    %swap3A_236 = arith.constant 576 : index
    %swap3A_237 = tpu.vector_load %arg7[%swap3A_236] {strides = array<i32>} : memref<1600xi32, #tpu.memory_space<vmem>>, vector<16xi32>,
    tpu.vector_store %arg7[%swap3A_236], %gather3A_235 {strides = array<i32>} : memref<1600xi32, #tpu.memory_space<vmem>>, vector<16xi32>,
    %add3A_238 = arith.constant 872 : i32
    %add3A_239 = vector.broadcast %add3A_238 : i32 to vector<16xi32>
    %add3A_240 = arith.addi %add3A_13, %add3A_239 : vector<16xi32>
    %gather3A_241 = tpu.vector_load_idx %arg5[%add3A_240] : memref<1600xi32, #tpu.memory_space<vmem>>[vector<16xi32>], vector<16xi32>,
    %swap3A_242 = arith.constant 592 : index
    %swap3A_243 = tpu.vector_load %arg7[%swap3A_242] {strides = array<i32>} : memref<1600xi32, #tpu.memory_space<vmem>>, vector<16xi32>,
    tpu.vector_store %arg7[%swap3A_242], %gather3A_241 {strides = array<i32>} : memref<1600xi32, #tpu.memory_space<vmem>>, vector<16xi32>,
    %add3A_244 = arith.constant 76 : i32
    %add3A_245 = vector.broadcast %add3A_244 : i32 to vector<16xi32>
    %add3A_246 = arith.addi %add3A_13, %add3A_245 : vector<16xi32>
    %gather3A_247 = tpu.vector_load_idx %arg5[%add3A_246] : memref<1600xi32, #tpu.memory_space<vmem>>[vector<16xi32>], vector<16xi32>,
    %swap3A_248 = arith.constant 608 : index
    %swap3A_249 = tpu.vector_load %arg7[%swap3A_248] {strides = array<i32>} : memref<1600xi32, #tpu.memory_space<vmem>>, vector<16xi32>,
    tpu.vector_store %arg7[%swap3A_248], %gather3A_247 {strides = array<i32>} : memref<1600xi32, #tpu.memory_space<vmem>>, vector<16xi32>,
    %add3A_250 = arith.constant 876 : i32
    %add3A_251 = vector.broadcast %add3A_250 : i32 to vector<16xi32>
    %add3A_252 = arith.addi %add3A_13, %add3A_251 : vector<16xi32>
    %gather3A_253 = tpu.vector_load_idx %arg5[%add3A_252] : memref<1600xi32, #tpu.memory_space<vmem>>[vector<16xi32>], vector<16xi32>,
    %swap3A_254 = arith.constant 624 : index
    %swap3A_255 = tpu.vector_load %arg7[%swap3A_254] {strides = array<i32>} : memref<1600xi32, #tpu.memory_space<vmem>>, vector<16xi32>,
    tpu.vector_store %arg7[%swap3A_254], %gather3A_253 {strides = array<i32>} : memref<1600xi32, #tpu.memory_space<vmem>>, vector<16xi32>,
    %add3A_256 = arith.constant 80 : i32
    %add3A_257 = vector.broadcast %add3A_256 : i32 to vector<16xi32>
    %add3A_258 = arith.addi %add3A_13, %add3A_257 : vector<16xi32>
    %gather3A_259 = tpu.vector_load_idx %arg5[%add3A_258] : memref<1600xi32, #tpu.memory_space<vmem>>[vector<16xi32>], vector<16xi32>,
    %swap3A_260 = arith.constant 640 : index
    %swap3A_261 = tpu.vector_load %arg7[%swap3A_260] {strides = array<i32>} : memref<1600xi32, #tpu.memory_space<vmem>>, vector<16xi32>,
    tpu.vector_store %arg7[%swap3A_260], %gather3A_259 {strides = array<i32>} : memref<1600xi32, #tpu.memory_space<vmem>>, vector<16xi32>,
    %add3A_262 = arith.constant 880 : i32
    %add3A_263 = vector.broadcast %add3A_262 : i32 to vector<16xi32>
    %add3A_264 = arith.addi %add3A_13, %add3A_263 : vector<16xi32>
    %gather3A_265 = tpu.vector_load_idx %arg5[%add3A_264] : memref<1600xi32, #tpu.memory_space<vmem>>[vector<16xi32>], vector<16xi32>,
    %swap3A_266 = arith.constant 656 : index
    %swap3A_267 = tpu.vector_load %arg7[%swap3A_266] {strides = array<i32>} : memref<1600xi32, #tpu.memory_space<vmem>>, vector<16xi32>,
    tpu.vector_store %arg7[%swap3A_266], %gather3A_265 {strides = array<i32>} : memref<1600xi32, #tpu.memory_space<vmem>>, vector<16xi32>,
    %add3A_268 = arith.constant 84 : i32
    %add3A_269 = vector.broadcast %add3A_268 : i32 to vector<16xi32>
    %add3A_270 = arith.addi %add3A_13, %add3A_269 : vector<16xi32>
    %gather3A_271 = tpu.vector_load_idx %arg5[%add3A_270] : memref<1600xi32, #tpu.memory_space<vmem>>[vector<16xi32>], vector<16xi32>,
    %swap3A_272 = arith.constant 672 : index
    %swap3A_273 = tpu.vector_load %arg7[%swap3A_272] {strides = array<i32>} : memref<1600xi32, #tpu.memory_space<vmem>>, vector<16xi32>,
    tpu.vector_store %arg7[%swap3A_272], %gather3A_271 {strides = array<i32>} : memref<1600xi32, #tpu.memory_space<vmem>>, vector<16xi32>,
    %add3A_274 = arith.constant 884 : i32
    %add3A_275 = vector.broadcast %add3A_274 : i32 to vector<16xi32>
    %add3A_276 = arith.addi %add3A_13, %add3A_275 : vector<16xi32>
    %gather3A_277 = tpu.vector_load_idx %arg5[%add3A_276] : memref<1600xi32, #tpu.memory_space<vmem>>[vector<16xi32>], vector<16xi32>,
    %swap3A_278 = arith.constant 688 : index
    %swap3A_279 = tpu.vector_load %arg7[%swap3A_278] {strides = array<i32>} : memref<1600xi32, #tpu.memory_space<vmem>>, vector<16xi32>,
    tpu.vector_store %arg7[%swap3A_278], %gather3A_277 {strides = array<i32>} : memref<1600xi32, #tpu.memory_space<vmem>>, vector<16xi32>,
    %add3A_280 = arith.constant 88 : i32
    %add3A_281 = vector.broadcast %add3A_280 : i32 to vector<16xi32>
    %add3A_282 = arith.addi %add3A_13, %add3A_281 : vector<16xi32>
    %gather3A_283 = tpu.vector_load_idx %arg5[%add3A_282] : memref<1600xi32, #tpu.memory_space<vmem>>[vector<16xi32>], vector<16xi32>,
    %swap3A_284 = arith.constant 704 : index
    %swap3A_285 = tpu.vector_load %arg7[%swap3A_284] {strides = array<i32>} : memref<1600xi32, #tpu.memory_space<vmem>>, vector<16xi32>,
    tpu.vector_store %arg7[%swap3A_284], %gather3A_283 {strides = array<i32>} : memref<1600xi32, #tpu.memory_space<vmem>>, vector<16xi32>,
    %add3A_286 = arith.constant 888 : i32
    %add3A_287 = vector.broadcast %add3A_286 : i32 to vector<16xi32>
    %add3A_288 = arith.addi %add3A_13, %add3A_287 : vector<16xi32>
    %gather3A_289 = tpu.vector_load_idx %arg5[%add3A_288] : memref<1600xi32, #tpu.memory_space<vmem>>[vector<16xi32>], vector<16xi32>,
    %swap3A_290 = arith.constant 720 : index
    %swap3A_291 = tpu.vector_load %arg7[%swap3A_290] {strides = array<i32>} : memref<1600xi32, #tpu.memory_space<vmem>>, vector<16xi32>,
    tpu.vector_store %arg7[%swap3A_290], %gather3A_289 {strides = array<i32>} : memref<1600xi32, #tpu.memory_space<vmem>>, vector<16xi32>,
    %add3A_292 = arith.constant 92 : i32
    %add3A_293 = vector.broadcast %add3A_292 : i32 to vector<16xi32>
    %add3A_294 = arith.addi %add3A_13, %add3A_293 : vector<16xi32>
    %gather3A_295 = tpu.vector_load_idx %arg5[%add3A_294] : memref<1600xi32, #tpu.memory_space<vmem>>[vector<16xi32>], vector<16xi32>,
    %swap3A_296 = arith.constant 736 : index
    %swap3A_297 = tpu.vector_load %arg7[%swap3A_296] {strides = array<i32>} : memref<1600xi32, #tpu.memory_space<vmem>>, vector<16xi32>,
    tpu.vector_store %arg7[%swap3A_296], %gather3A_295 {strides = array<i32>} : memref<1600xi32, #tpu.memory_space<vmem>>, vector<16xi32>,
    %add3A_298 = arith.constant 892 : i32
    %add3A_299 = vector.broadcast %add3A_298 : i32 to vector<16xi32>
    %add3A_300 = arith.addi %add3A_13, %add3A_299 : vector<16xi32>
    %gather3A_301 = tpu.vector_load_idx %arg5[%add3A_300] : memref<1600xi32, #tpu.memory_space<vmem>>[vector<16xi32>], vector<16xi32>,
    %swap3A_302 = arith.constant 752 : index
    %swap3A_303 = tpu.vector_load %arg7[%swap3A_302] {strides = array<i32>} : memref<1600xi32, #tpu.memory_space<vmem>>, vector<16xi32>,
    tpu.vector_store %arg7[%swap3A_302], %gather3A_301 {strides = array<i32>} : memref<1600xi32, #tpu.memory_space<vmem>>, vector<16xi32>,
    %add3A_304 = arith.constant 96 : i32
    %add3A_305 = vector.broadcast %add3A_304 : i32 to vector<16xi32>
    %add3A_306 = arith.addi %add3A_13, %add3A_305 : vector<16xi32>
    %gather3A_307 = tpu.vector_load_idx %arg5[%add3A_306] : memref<1600xi32, #tpu.memory_space<vmem>>[vector<16xi32>], vector<16xi32>,
    %swap3A_308 = arith.constant 768 : index
    %swap3A_309 = tpu.vector_load %arg7[%swap3A_308] {strides = array<i32>} : memref<1600xi32, #tpu.memory_space<vmem>>, vector<16xi32>,
    tpu.vector_store %arg7[%swap3A_308], %gather3A_307 {strides = array<i32>} : memref<1600xi32, #tpu.memory_space<vmem>>, vector<16xi32>,
    %add3A_310 = arith.constant 896 : i32
    %add3A_311 = vector.broadcast %add3A_310 : i32 to vector<16xi32>
    %add3A_312 = arith.addi %add3A_13, %add3A_311 : vector<16xi32>
    %gather3A_313 = tpu.vector_load_idx %arg5[%add3A_312] : memref<1600xi32, #tpu.memory_space<vmem>>[vector<16xi32>], vector<16xi32>,
    %swap3A_314 = arith.constant 784 : index
    %swap3A_315 = tpu.vector_load %arg7[%swap3A_314] {strides = array<i32>} : memref<1600xi32, #tpu.memory_space<vmem>>, vector<16xi32>,
    tpu.vector_store %arg7[%swap3A_314], %gather3A_313 {strides = array<i32>} : memref<1600xi32, #tpu.memory_space<vmem>>, vector<16xi32>,
    %add3A_316 = arith.constant 100 : i32
    %add3A_317 = vector.broadcast %add3A_316 : i32 to vector<16xi32>
    %add3A_318 = arith.addi %add3A_13, %add3A_317 : vector<16xi32>
    %gather3A_319 = tpu.vector_load_idx %arg5[%add3A_318] : memref<1600xi32, #tpu.memory_space<vmem>>[vector<16xi32>], vector<16xi32>,
    %swap3A_320 = arith.constant 800 : index
    %swap3A_321 = tpu.vector_load %arg7[%swap3A_320] {strides = array<i32>} : memref<1600xi32, #tpu.memory_space<vmem>>, vector<16xi32>,
    tpu.vector_store %arg7[%swap3A_320], %gather3A_319 {strides = array<i32>} : memref<1600xi32, #tpu.memory_space<vmem>>, vector<16xi32>,
    %add3A_322 = arith.constant 900 : i32
    %add3A_323 = vector.broadcast %add3A_322 : i32 to vector<16xi32>
    %add3A_324 = arith.addi %add3A_13, %add3A_323 : vector<16xi32>
    %gather3A_325 = tpu.vector_load_idx %arg5[%add3A_324] : memref<1600xi32, #tpu.memory_space<vmem>>[vector<16xi32>], vector<16xi32>,
    %swap3A_326 = arith.constant 816 : index
    %swap3A_327 = tpu.vector_load %arg7[%swap3A_326] {strides = array<i32>} : memref<1600xi32, #tpu.memory_space<vmem>>, vector<16xi32>,
    tpu.vector_store %arg7[%swap3A_326], %gather3A_325 {strides = array<i32>} : memref<1600xi32, #tpu.memory_space<vmem>>, vector<16xi32>,
    %add3A_328 = arith.constant 104 : i32
    %add3A_329 = vector.broadcast %add3A_328 : i32 to vector<16xi32>
    %add3A_330 = arith.addi %add3A_13, %add3A_329 : vector<16xi32>
    %gather3A_331 = tpu.vector_load_idx %arg5[%add3A_330] : memref<1600xi32, #tpu.memory_space<vmem>>[vector<16xi32>], vector<16xi32>,
    %swap3A_332 = arith.constant 832 : index
    %swap3A_333 = tpu.vector_load %arg7[%swap3A_332] {strides = array<i32>} : memref<1600xi32, #tpu.memory_space<vmem>>, vector<16xi32>,
    tpu.vector_store %arg7[%swap3A_332], %gather3A_331 {strides = array<i32>} : memref<1600xi32, #tpu.memory_space<vmem>>, vector<16xi32>,
    %add3A_334 = arith.constant 904 : i32
    %add3A_335 = vector.broadcast %add3A_334 : i32 to vector<16xi32>
    %add3A_336 = arith.addi %add3A_13, %add3A_335 : vector<16xi32>
    %gather3A_337 = tpu.vector_load_idx %arg5[%add3A_336] : memref<1600xi32, #tpu.memory_space<vmem>>[vector<16xi32>], vector<16xi32>,
    %swap3A_338 = arith.constant 848 : index
    %swap3A_339 = tpu.vector_load %arg7[%swap3A_338] {strides = array<i32>} : memref<1600xi32, #tpu.memory_space<vmem>>, vector<16xi32>,
    tpu.vector_store %arg7[%swap3A_338], %gather3A_337 {strides = array<i32>} : memref<1600xi32, #tpu.memory_space<vmem>>, vector<16xi32>,
    %add3A_340 = arith.constant 108 : i32
    %add3A_341 = vector.broadcast %add3A_340 : i32 to vector<16xi32>
    %add3A_342 = arith.addi %add3A_13, %add3A_341 : vector<16xi32>
    %gather3A_343 = tpu.vector_load_idx %arg5[%add3A_342] : memref<1600xi32, #tpu.memory_space<vmem>>[vector<16xi32>], vector<16xi32>,
    %swap3A_344 = arith.constant 864 : index
    %swap3A_345 = tpu.vector_load %arg7[%swap3A_344] {strides = array<i32>} : memref<1600xi32, #tpu.memory_space<vmem>>, vector<16xi32>,
    tpu.vector_store %arg7[%swap3A_344], %gather3A_343 {strides = array<i32>} : memref<1600xi32, #tpu.memory_space<vmem>>, vector<16xi32>,
    %add3A_346 = arith.constant 908 : i32
    %add3A_347 = vector.broadcast %add3A_346 : i32 to vector<16xi32>
    %add3A_348 = arith.addi %add3A_13, %add3A_347 : vector<16xi32>
    %gather3A_349 = tpu.vector_load_idx %arg5[%add3A_348] : memref<1600xi32, #tpu.memory_space<vmem>>[vector<16xi32>], vector<16xi32>,
    %swap3A_350 = arith.constant 880 : index
    %swap3A_351 = tpu.vector_load %arg7[%swap3A_350] {strides = array<i32>} : memref<1600xi32, #tpu.memory_space<vmem>>, vector<16xi32>,
    tpu.vector_store %arg7[%swap3A_350], %gather3A_349 {strides = array<i32>} : memref<1600xi32, #tpu.memory_space<vmem>>, vector<16xi32>,
    %add3A_352 = arith.constant 112 : i32
    %add3A_353 = vector.broadcast %add3A_352 : i32 to vector<16xi32>
    %add3A_354 = arith.addi %add3A_13, %add3A_353 : vector<16xi32>
    %gather3A_355 = tpu.vector_load_idx %arg5[%add3A_354] : memref<1600xi32, #tpu.memory_space<vmem>>[vector<16xi32>], vector<16xi32>,
    %swap3A_356 = arith.constant 896 : index
    %swap3A_357 = tpu.vector_load %arg7[%swap3A_356] {strides = array<i32>} : memref<1600xi32, #tpu.memory_space<vmem>>, vector<16xi32>,
    tpu.vector_store %arg7[%swap3A_356], %gather3A_355 {strides = array<i32>} : memref<1600xi32, #tpu.memory_space<vmem>>, vector<16xi32>,
    %add3A_358 = arith.constant 912 : i32
    %add3A_359 = vector.broadcast %add3A_358 : i32 to vector<16xi32>
    %add3A_360 = arith.addi %add3A_13, %add3A_359 : vector<16xi32>
    %gather3A_361 = tpu.vector_load_idx %arg5[%add3A_360] : memref<1600xi32, #tpu.memory_space<vmem>>[vector<16xi32>], vector<16xi32>,
    %swap3A_362 = arith.constant 912 : index
    %swap3A_363 = tpu.vector_load %arg7[%swap3A_362] {strides = array<i32>} : memref<1600xi32, #tpu.memory_space<vmem>>, vector<16xi32>,
    tpu.vector_store %arg7[%swap3A_362], %gather3A_361 {strides = array<i32>} : memref<1600xi32, #tpu.memory_space<vmem>>, vector<16xi32>,
    %add3A_364 = arith.constant 116 : i32
    %add3A_365 = vector.broadcast %add3A_364 : i32 to vector<16xi32>
    %add3A_366 = arith.addi %add3A_13, %add3A_365 : vector<16xi32>
    %gather3A_367 = tpu.vector_load_idx %arg5[%add3A_366] : memref<1600xi32, #tpu.memory_space<vmem>>[vector<16xi32>], vector<16xi32>,
    %swap3A_368 = arith.constant 928 : index
    %swap3A_369 = tpu.vector_load %arg7[%swap3A_368] {strides = array<i32>} : memref<1600xi32, #tpu.memory_space<vmem>>, vector<16xi32>,
    tpu.vector_store %arg7[%swap3A_368], %gather3A_367 {strides = array<i32>} : memref<1600xi32, #tpu.memory_space<vmem>>, vector<16xi32>,
    %add3A_370 = arith.constant 916 : i32
    %add3A_371 = vector.broadcast %add3A_370 : i32 to vector<16xi32>
    %add3A_372 = arith.addi %add3A_13, %add3A_371 : vector<16xi32>
    %gather3A_373 = tpu.vector_load_idx %arg5[%add3A_372] : memref<1600xi32, #tpu.memory_space<vmem>>[vector<16xi32>], vector<16xi32>,
    %swap3A_374 = arith.constant 944 : index
    %swap3A_375 = tpu.vector_load %arg7[%swap3A_374] {strides = array<i32>} : memref<1600xi32, #tpu.memory_space<vmem>>, vector<16xi32>,
    tpu.vector_store %arg7[%swap3A_374], %gather3A_373 {strides = array<i32>} : memref<1600xi32, #tpu.memory_space<vmem>>, vector<16xi32>,
    %add3A_376 = arith.constant 120 : i32
    %add3A_377 = vector.broadcast %add3A_376 : i32 to vector<16xi32>
    %add3A_378 = arith.addi %add3A_13, %add3A_377 : vector<16xi32>
    %gather3A_379 = tpu.vector_load_idx %arg5[%add3A_378] : memref<1600xi32, #tpu.memory_space<vmem>>[vector<16xi32>], vector<16xi32>,
    %swap3A_380 = arith.constant 960 : index
    %swap3A_381 = tpu.vector_load %arg7[%swap3A_380] {strides = array<i32>} : memref<1600xi32, #tpu.memory_space<vmem>>, vector<16xi32>,
    tpu.vector_store %arg7[%swap3A_380], %gather3A_379 {strides = array<i32>} : memref<1600xi32, #tpu.memory_space<vmem>>, vector<16xi32>,
    %add3A_382 = arith.constant 920 : i32
    %add3A_383 = vector.broadcast %add3A_382 : i32 to vector<16xi32>
    %add3A_384 = arith.addi %add3A_13, %add3A_383 : vector<16xi32>
    %gather3A_385 = tpu.vector_load_idx %arg5[%add3A_384] : memref<1600xi32, #tpu.memory_space<vmem>>[vector<16xi32>], vector<16xi32>,
    %swap3A_386 = arith.constant 976 : index
    %swap3A_387 = tpu.vector_load %arg7[%swap3A_386] {strides = array<i32>} : memref<1600xi32, #tpu.memory_space<vmem>>, vector<16xi32>,
    tpu.vector_store %arg7[%swap3A_386], %gather3A_385 {strides = array<i32>} : memref<1600xi32, #tpu.memory_space<vmem>>, vector<16xi32>,
    %add3A_388 = arith.constant 124 : i32
    %add3A_389 = vector.broadcast %add3A_388 : i32 to vector<16xi32>
    %add3A_390 = arith.addi %add3A_13, %add3A_389 : vector<16xi32>
    %gather3A_391 = tpu.vector_load_idx %arg5[%add3A_390] : memref<1600xi32, #tpu.memory_space<vmem>>[vector<16xi32>], vector<16xi32>,
    %swap3A_392 = arith.constant 992 : index
    %swap3A_393 = tpu.vector_load %arg7[%swap3A_392] {strides = array<i32>} : memref<1600xi32, #tpu.memory_space<vmem>>, vector<16xi32>,
    tpu.vector_store %arg7[%swap3A_392], %gather3A_391 {strides = array<i32>} : memref<1600xi32, #tpu.memory_space<vmem>>, vector<16xi32>,
    %add3A_394 = arith.constant 924 : i32
    %add3A_395 = vector.broadcast %add3A_394 : i32 to vector<16xi32>
    %add3A_396 = arith.addi %add3A_13, %add3A_395 : vector<16xi32>
    %gather3A_397 = tpu.vector_load_idx %arg5[%add3A_396] : memref<1600xi32, #tpu.memory_space<vmem>>[vector<16xi32>], vector<16xi32>,
    %swap3A_398 = arith.constant 1008 : index
    %swap3A_399 = tpu.vector_load %arg7[%swap3A_398] {strides = array<i32>} : memref<1600xi32, #tpu.memory_space<vmem>>, vector<16xi32>,
    tpu.vector_store %arg7[%swap3A_398], %gather3A_397 {strides = array<i32>} : memref<1600xi32, #tpu.memory_space<vmem>>, vector<16xi32>,
    %add3A_400 = arith.constant 128 : i32
    %add3A_401 = vector.broadcast %add3A_400 : i32 to vector<16xi32>
    %add3A_402 = arith.addi %add3A_13, %add3A_401 : vector<16xi32>
    %gather3A_403 = tpu.vector_load_idx %arg5[%add3A_402] : memref<1600xi32, #tpu.memory_space<vmem>>[vector<16xi32>], vector<16xi32>,
    %swap3A_404 = arith.constant 1024 : index
    %swap3A_405 = tpu.vector_load %arg7[%swap3A_404] {strides = array<i32>} : memref<1600xi32, #tpu.memory_space<vmem>>, vector<16xi32>,
    tpu.vector_store %arg7[%swap3A_404], %gather3A_403 {strides = array<i32>} : memref<1600xi32, #tpu.memory_space<vmem>>, vector<16xi32>,
    %add3A_406 = arith.constant 928 : i32
    %add3A_407 = vector.broadcast %add3A_406 : i32 to vector<16xi32>
    %add3A_408 = arith.addi %add3A_13, %add3A_407 : vector<16xi32>
    %gather3A_409 = tpu.vector_load_idx %arg5[%add3A_408] : memref<1600xi32, #tpu.memory_space<vmem>>[vector<16xi32>], vector<16xi32>,
    %swap3A_410 = arith.constant 1040 : index
    %swap3A_411 = tpu.vector_load %arg7[%swap3A_410] {strides = array<i32>} : memref<1600xi32, #tpu.memory_space<vmem>>, vector<16xi32>,
    tpu.vector_store %arg7[%swap3A_410], %gather3A_409 {strides = array<i32>} : memref<1600xi32, #tpu.memory_space<vmem>>, vector<16xi32>,
    %add3A_412 = arith.constant 132 : i32
    %add3A_413 = vector.broadcast %add3A_412 : i32 to vector<16xi32>
    %add3A_414 = arith.addi %add3A_13, %add3A_413 : vector<16xi32>
    %gather3A_415 = tpu.vector_load_idx %arg5[%add3A_414] : memref<1600xi32, #tpu.memory_space<vmem>>[vector<16xi32>], vector<16xi32>,
    %swap3A_416 = arith.constant 1056 : index
    %swap3A_417 = tpu.vector_load %arg7[%swap3A_416] {strides = array<i32>} : memref<1600xi32, #tpu.memory_space<vmem>>, vector<16xi32>,
    tpu.vector_store %arg7[%swap3A_416], %gather3A_415 {strides = array<i32>} : memref<1600xi32, #tpu.memory_space<vmem>>, vector<16xi32>,
    %add3A_418 = arith.constant 932 : i32
    %add3A_419 = vector.broadcast %add3A_418 : i32 to vector<16xi32>
    %add3A_420 = arith.addi %add3A_13, %add3A_419 : vector<16xi32>
    %gather3A_421 = tpu.vector_load_idx %arg5[%add3A_420] : memref<1600xi32, #tpu.memory_space<vmem>>[vector<16xi32>], vector<16xi32>,
    %swap3A_422 = arith.constant 1072 : index
    %swap3A_423 = tpu.vector_load %arg7[%swap3A_422] {strides = array<i32>} : memref<1600xi32, #tpu.memory_space<vmem>>, vector<16xi32>,
    tpu.vector_store %arg7[%swap3A_422], %gather3A_421 {strides = array<i32>} : memref<1600xi32, #tpu.memory_space<vmem>>, vector<16xi32>,
    %add3A_424 = arith.constant 136 : i32
    %add3A_425 = vector.broadcast %add3A_424 : i32 to vector<16xi32>
    %add3A_426 = arith.addi %add3A_13, %add3A_425 : vector<16xi32>
    %gather3A_427 = tpu.vector_load_idx %arg5[%add3A_426] : memref<1600xi32, #tpu.memory_space<vmem>>[vector<16xi32>], vector<16xi32>,
    %swap3A_428 = arith.constant 1088 : index
    %swap3A_429 = tpu.vector_load %arg7[%swap3A_428] {strides = array<i32>} : memref<1600xi32, #tpu.memory_space<vmem>>, vector<16xi32>,
    tpu.vector_store %arg7[%swap3A_428], %gather3A_427 {strides = array<i32>} : memref<1600xi32, #tpu.memory_space<vmem>>, vector<16xi32>,
    %add3A_430 = arith.constant 936 : i32
    %add3A_431 = vector.broadcast %add3A_430 : i32 to vector<16xi32>
    %add3A_432 = arith.addi %add3A_13, %add3A_431 : vector<16xi32>
    %gather3A_433 = tpu.vector_load_idx %arg5[%add3A_432] : memref<1600xi32, #tpu.memory_space<vmem>>[vector<16xi32>], vector<16xi32>,
    %swap3A_434 = arith.constant 1104 : index
    %swap3A_435 = tpu.vector_load %arg7[%swap3A_434] {strides = array<i32>} : memref<1600xi32, #tpu.memory_space<vmem>>, vector<16xi32>,
    tpu.vector_store %arg7[%swap3A_434], %gather3A_433 {strides = array<i32>} : memref<1600xi32, #tpu.memory_space<vmem>>, vector<16xi32>,
    %add3A_436 = arith.constant 140 : i32
    %add3A_437 = vector.broadcast %add3A_436 : i32 to vector<16xi32>
    %add3A_438 = arith.addi %add3A_13, %add3A_437 : vector<16xi32>
    %gather3A_439 = tpu.vector_load_idx %arg5[%add3A_438] : memref<1600xi32, #tpu.memory_space<vmem>>[vector<16xi32>], vector<16xi32>,
    %swap3A_440 = arith.constant 1120 : index
    %swap3A_441 = tpu.vector_load %arg7[%swap3A_440] {strides = array<i32>} : memref<1600xi32, #tpu.memory_space<vmem>>, vector<16xi32>,
    tpu.vector_store %arg7[%swap3A_440], %gather3A_439 {strides = array<i32>} : memref<1600xi32, #tpu.memory_space<vmem>>, vector<16xi32>,
    %add3A_442 = arith.constant 940 : i32
    %add3A_443 = vector.broadcast %add3A_442 : i32 to vector<16xi32>
    %add3A_444 = arith.addi %add3A_13, %add3A_443 : vector<16xi32>
    %gather3A_445 = tpu.vector_load_idx %arg5[%add3A_444] : memref<1600xi32, #tpu.memory_space<vmem>>[vector<16xi32>], vector<16xi32>,
    %swap3A_446 = arith.constant 1136 : index
    %swap3A_447 = tpu.vector_load %arg7[%swap3A_446] {strides = array<i32>} : memref<1600xi32, #tpu.memory_space<vmem>>, vector<16xi32>,
    tpu.vector_store %arg7[%swap3A_446], %gather3A_445 {strides = array<i32>} : memref<1600xi32, #tpu.memory_space<vmem>>, vector<16xi32>,
    %add3A_448 = arith.constant 144 : i32
    %add3A_449 = vector.broadcast %add3A_448 : i32 to vector<16xi32>
    %add3A_450 = arith.addi %add3A_13, %add3A_449 : vector<16xi32>
    %gather3A_451 = tpu.vector_load_idx %arg5[%add3A_450] : memref<1600xi32, #tpu.memory_space<vmem>>[vector<16xi32>], vector<16xi32>,
    %swap3A_452 = arith.constant 1152 : index
    %swap3A_453 = tpu.vector_load %arg7[%swap3A_452] {strides = array<i32>} : memref<1600xi32, #tpu.memory_space<vmem>>, vector<16xi32>,
    tpu.vector_store %arg7[%swap3A_452], %gather3A_451 {strides = array<i32>} : memref<1600xi32, #tpu.memory_space<vmem>>, vector<16xi32>,
    %add3A_454 = arith.constant 944 : i32
    %add3A_455 = vector.broadcast %add3A_454 : i32 to vector<16xi32>
    %add3A_456 = arith.addi %add3A_13, %add3A_455 : vector<16xi32>
    %gather3A_457 = tpu.vector_load_idx %arg5[%add3A_456] : memref<1600xi32, #tpu.memory_space<vmem>>[vector<16xi32>], vector<16xi32>,
    %swap3A_458 = arith.constant 1168 : index
    %swap3A_459 = tpu.vector_load %arg7[%swap3A_458] {strides = array<i32>} : memref<1600xi32, #tpu.memory_space<vmem>>, vector<16xi32>,
    tpu.vector_store %arg7[%swap3A_458], %gather3A_457 {strides = array<i32>} : memref<1600xi32, #tpu.memory_space<vmem>>, vector<16xi32>,
    %add3A_460 = arith.constant 148 : i32
    %add3A_461 = vector.broadcast %add3A_460 : i32 to vector<16xi32>
    %add3A_462 = arith.addi %add3A_13, %add3A_461 : vector<16xi32>
    %gather3A_463 = tpu.vector_load_idx %arg5[%add3A_462] : memref<1600xi32, #tpu.memory_space<vmem>>[vector<16xi32>], vector<16xi32>,
    %swap3A_464 = arith.constant 1184 : index
    %swap3A_465 = tpu.vector_load %arg7[%swap3A_464] {strides = array<i32>} : memref<1600xi32, #tpu.memory_space<vmem>>, vector<16xi32>,
    tpu.vector_store %arg7[%swap3A_464], %gather3A_463 {strides = array<i32>} : memref<1600xi32, #tpu.memory_space<vmem>>, vector<16xi32>,
    %add3A_466 = arith.constant 948 : i32
    %add3A_467 = vector.broadcast %add3A_466 : i32 to vector<16xi32>
    %add3A_468 = arith.addi %add3A_13, %add3A_467 : vector<16xi32>
    %gather3A_469 = tpu.vector_load_idx %arg5[%add3A_468] : memref<1600xi32, #tpu.memory_space<vmem>>[vector<16xi32>], vector<16xi32>,
    %swap3A_470 = arith.constant 1200 : index
    %swap3A_471 = tpu.vector_load %arg7[%swap3A_470] {strides = array<i32>} : memref<1600xi32, #tpu.memory_space<vmem>>, vector<16xi32>,
    tpu.vector_store %arg7[%swap3A_470], %gather3A_469 {strides = array<i32>} : memref<1600xi32, #tpu.memory_space<vmem>>, vector<16xi32>,
    %add3A_472 = arith.constant 152 : i32
    %add3A_473 = vector.broadcast %add3A_472 : i32 to vector<16xi32>
    %add3A_474 = arith.addi %add3A_13, %add3A_473 : vector<16xi32>
    %gather3A_475 = tpu.vector_load_idx %arg5[%add3A_474] : memref<1600xi32, #tpu.memory_space<vmem>>[vector<16xi32>], vector<16xi32>,
    %swap3A_476 = arith.constant 1216 : index
    %swap3A_477 = tpu.vector_load %arg7[%swap3A_476] {strides = array<i32>} : memref<1600xi32, #tpu.memory_space<vmem>>, vector<16xi32>,
    tpu.vector_store %arg7[%swap3A_476], %gather3A_475 {strides = array<i32>} : memref<1600xi32, #tpu.memory_space<vmem>>, vector<16xi32>,
    %add3A_478 = arith.constant 952 : i32
    %add3A_479 = vector.broadcast %add3A_478 : i32 to vector<16xi32>
    %add3A_480 = arith.addi %add3A_13, %add3A_479 : vector<16xi32>
    %gather3A_481 = tpu.vector_load_idx %arg5[%add3A_480] : memref<1600xi32, #tpu.memory_space<vmem>>[vector<16xi32>], vector<16xi32>,
    %swap3A_482 = arith.constant 1232 : index
    %swap3A_483 = tpu.vector_load %arg7[%swap3A_482] {strides = array<i32>} : memref<1600xi32, #tpu.memory_space<vmem>>, vector<16xi32>,
    tpu.vector_store %arg7[%swap3A_482], %gather3A_481 {strides = array<i32>} : memref<1600xi32, #tpu.memory_space<vmem>>, vector<16xi32>,
    %add3A_484 = arith.constant 156 : i32
    %add3A_485 = vector.broadcast %add3A_484 : i32 to vector<16xi32>
    %add3A_486 = arith.addi %add3A_13, %add3A_485 : vector<16xi32>
    %gather3A_487 = tpu.vector_load_idx %arg5[%add3A_486] : memref<1600xi32, #tpu.memory_space<vmem>>[vector<16xi32>], vector<16xi32>,
    %swap3A_488 = arith.constant 1248 : index
    %swap3A_489 = tpu.vector_load %arg7[%swap3A_488] {strides = array<i32>} : memref<1600xi32, #tpu.memory_space<vmem>>, vector<16xi32>,
    tpu.vector_store %arg7[%swap3A_488], %gather3A_487 {strides = array<i32>} : memref<1600xi32, #tpu.memory_space<vmem>>, vector<16xi32>,
    %add3A_490 = arith.constant 956 : i32
    %add3A_491 = vector.broadcast %add3A_490 : i32 to vector<16xi32>
    %add3A_492 = arith.addi %add3A_13, %add3A_491 : vector<16xi32>
    %gather3A_493 = tpu.vector_load_idx %arg5[%add3A_492] : memref<1600xi32, #tpu.memory_space<vmem>>[vector<16xi32>], vector<16xi32>,
    %swap3A_494 = arith.constant 1264 : index
    %swap3A_495 = tpu.vector_load %arg7[%swap3A_494] {strides = array<i32>} : memref<1600xi32, #tpu.memory_space<vmem>>, vector<16xi32>,
    tpu.vector_store %arg7[%swap3A_494], %gather3A_493 {strides = array<i32>} : memref<1600xi32, #tpu.memory_space<vmem>>, vector<16xi32>,
    %add3A_496 = arith.constant 160 : i32
    %add3A_497 = vector.broadcast %add3A_496 : i32 to vector<16xi32>
    %add3A_498 = arith.addi %add3A_13, %add3A_497 : vector<16xi32>
    %gather3A_499 = tpu.vector_load_idx %arg5[%add3A_498] : memref<1600xi32, #tpu.memory_space<vmem>>[vector<16xi32>], vector<16xi32>,
    %swap3A_500 = arith.constant 1280 : index
    %swap3A_501 = tpu.vector_load %arg7[%swap3A_500] {strides = array<i32>} : memref<1600xi32, #tpu.memory_space<vmem>>, vector<16xi32>,
    tpu.vector_store %arg7[%swap3A_500], %gather3A_499 {strides = array<i32>} : memref<1600xi32, #tpu.memory_space<vmem>>, vector<16xi32>,
    %add3A_502 = arith.constant 960 : i32
    %add3A_503 = vector.broadcast %add3A_502 : i32 to vector<16xi32>
    %add3A_504 = arith.addi %add3A_13, %add3A_503 : vector<16xi32>
    %gather3A_505 = tpu.vector_load_idx %arg5[%add3A_504] : memref<1600xi32, #tpu.memory_space<vmem>>[vector<16xi32>], vector<16xi32>,
    %swap3A_506 = arith.constant 1296 : index
    %swap3A_507 = tpu.vector_load %arg7[%swap3A_506] {strides = array<i32>} : memref<1600xi32, #tpu.memory_space<vmem>>, vector<16xi32>,
    tpu.vector_store %arg7[%swap3A_506], %gather3A_505 {strides = array<i32>} : memref<1600xi32, #tpu.memory_space<vmem>>, vector<16xi32>,
    %add3A_508 = arith.constant 164 : i32
    %add3A_509 = vector.broadcast %add3A_508 : i32 to vector<16xi32>
    %add3A_510 = arith.addi %add3A_13, %add3A_509 : vector<16xi32>
    %gather3A_511 = tpu.vector_load_idx %arg5[%add3A_510] : memref<1600xi32, #tpu.memory_space<vmem>>[vector<16xi32>], vector<16xi32>,
    %swap3A_512 = arith.constant 1312 : index
    %swap3A_513 = tpu.vector_load %arg7[%swap3A_512] {strides = array<i32>} : memref<1600xi32, #tpu.memory_space<vmem>>, vector<16xi32>,
    tpu.vector_store %arg7[%swap3A_512], %gather3A_511 {strides = array<i32>} : memref<1600xi32, #tpu.memory_space<vmem>>, vector<16xi32>,
    %add3A_514 = arith.constant 964 : i32
    %add3A_515 = vector.broadcast %add3A_514 : i32 to vector<16xi32>
    %add3A_516 = arith.addi %add3A_13, %add3A_515 : vector<16xi32>
    %gather3A_517 = tpu.vector_load_idx %arg5[%add3A_516] : memref<1600xi32, #tpu.memory_space<vmem>>[vector<16xi32>], vector<16xi32>,
    %swap3A_518 = arith.constant 1328 : index
    %swap3A_519 = tpu.vector_load %arg7[%swap3A_518] {strides = array<i32>} : memref<1600xi32, #tpu.memory_space<vmem>>, vector<16xi32>,
    tpu.vector_store %arg7[%swap3A_518], %gather3A_517 {strides = array<i32>} : memref<1600xi32, #tpu.memory_space<vmem>>, vector<16xi32>,
    %add3A_520 = arith.constant 168 : i32
    %add3A_521 = vector.broadcast %add3A_520 : i32 to vector<16xi32>
    %add3A_522 = arith.addi %add3A_13, %add3A_521 : vector<16xi32>
    %gather3A_523 = tpu.vector_load_idx %arg5[%add3A_522] : memref<1600xi32, #tpu.memory_space<vmem>>[vector<16xi32>], vector<16xi32>,
    %swap3A_524 = arith.constant 1344 : index
    %swap3A_525 = tpu.vector_load %arg7[%swap3A_524] {strides = array<i32>} : memref<1600xi32, #tpu.memory_space<vmem>>, vector<16xi32>,
    tpu.vector_store %arg7[%swap3A_524], %gather3A_523 {strides = array<i32>} : memref<1600xi32, #tpu.memory_space<vmem>>, vector<16xi32>,
    %add3A_526 = arith.constant 968 : i32
    %add3A_527 = vector.broadcast %add3A_526 : i32 to vector<16xi32>
    %add3A_528 = arith.addi %add3A_13, %add3A_527 : vector<16xi32>
    %gather3A_529 = tpu.vector_load_idx %arg5[%add3A_528] : memref<1600xi32, #tpu.memory_space<vmem>>[vector<16xi32>], vector<16xi32>,
    %swap3A_530 = arith.constant 1360 : index
    %swap3A_531 = tpu.vector_load %arg7[%swap3A_530] {strides = array<i32>} : memref<1600xi32, #tpu.memory_space<vmem>>, vector<16xi32>,
    tpu.vector_store %arg7[%swap3A_530], %gather3A_529 {strides = array<i32>} : memref<1600xi32, #tpu.memory_space<vmem>>, vector<16xi32>,
    %add3A_532 = arith.constant 172 : i32
    %add3A_533 = vector.broadcast %add3A_532 : i32 to vector<16xi32>
    %add3A_534 = arith.addi %add3A_13, %add3A_533 : vector<16xi32>
    %gather3A_535 = tpu.vector_load_idx %arg5[%add3A_534] : memref<1600xi32, #tpu.memory_space<vmem>>[vector<16xi32>], vector<16xi32>,
    %swap3A_536 = arith.constant 1376 : index
    %swap3A_537 = tpu.vector_load %arg7[%swap3A_536] {strides = array<i32>} : memref<1600xi32, #tpu.memory_space<vmem>>, vector<16xi32>,
    tpu.vector_store %arg7[%swap3A_536], %gather3A_535 {strides = array<i32>} : memref<1600xi32, #tpu.memory_space<vmem>>, vector<16xi32>,
    %add3A_538 = arith.constant 972 : i32
    %add3A_539 = vector.broadcast %add3A_538 : i32 to vector<16xi32>
    %add3A_540 = arith.addi %add3A_13, %add3A_539 : vector<16xi32>
    %gather3A_541 = tpu.vector_load_idx %arg5[%add3A_540] : memref<1600xi32, #tpu.memory_space<vmem>>[vector<16xi32>], vector<16xi32>,
    %swap3A_542 = arith.constant 1392 : index
    %swap3A_543 = tpu.vector_load %arg7[%swap3A_542] {strides = array<i32>} : memref<1600xi32, #tpu.memory_space<vmem>>, vector<16xi32>,
    tpu.vector_store %arg7[%swap3A_542], %gather3A_541 {strides = array<i32>} : memref<1600xi32, #tpu.memory_space<vmem>>, vector<16xi32>,
    %add3A_544 = arith.constant 176 : i32
    %add3A_545 = vector.broadcast %add3A_544 : i32 to vector<16xi32>
    %add3A_546 = arith.addi %add3A_13, %add3A_545 : vector<16xi32>
    %gather3A_547 = tpu.vector_load_idx %arg5[%add3A_546] : memref<1600xi32, #tpu.memory_space<vmem>>[vector<16xi32>], vector<16xi32>,
    %swap3A_548 = arith.constant 1408 : index
    %swap3A_549 = tpu.vector_load %arg7[%swap3A_548] {strides = array<i32>} : memref<1600xi32, #tpu.memory_space<vmem>>, vector<16xi32>,
    tpu.vector_store %arg7[%swap3A_548], %gather3A_547 {strides = array<i32>} : memref<1600xi32, #tpu.memory_space<vmem>>, vector<16xi32>,
    %add3A_550 = arith.constant 976 : i32
    %add3A_551 = vector.broadcast %add3A_550 : i32 to vector<16xi32>
    %add3A_552 = arith.addi %add3A_13, %add3A_551 : vector<16xi32>
    %gather3A_553 = tpu.vector_load_idx %arg5[%add3A_552] : memref<1600xi32, #tpu.memory_space<vmem>>[vector<16xi32>], vector<16xi32>,
    %swap3A_554 = arith.constant 1424 : index
    %swap3A_555 = tpu.vector_load %arg7[%swap3A_554] {strides = array<i32>} : memref<1600xi32, #tpu.memory_space<vmem>>, vector<16xi32>,
    tpu.vector_store %arg7[%swap3A_554], %gather3A_553 {strides = array<i32>} : memref<1600xi32, #tpu.memory_space<vmem>>, vector<16xi32>,
    %add3A_556 = arith.constant 180 : i32
    %add3A_557 = vector.broadcast %add3A_556 : i32 to vector<16xi32>
    %add3A_558 = arith.addi %add3A_13, %add3A_557 : vector<16xi32>
    %gather3A_559 = tpu.vector_load_idx %arg5[%add3A_558] : memref<1600xi32, #tpu.memory_space<vmem>>[vector<16xi32>], vector<16xi32>,
    %swap3A_560 = arith.constant 1440 : index
    %swap3A_561 = tpu.vector_load %arg7[%swap3A_560] {strides = array<i32>} : memref<1600xi32, #tpu.memory_space<vmem>>, vector<16xi32>,
    tpu.vector_store %arg7[%swap3A_560], %gather3A_559 {strides = array<i32>} : memref<1600xi32, #tpu.memory_space<vmem>>, vector<16xi32>,
    %add3A_562 = arith.constant 980 : i32
    %add3A_563 = vector.broadcast %add3A_562 : i32 to vector<16xi32>
    %add3A_564 = arith.addi %add3A_13, %add3A_563 : vector<16xi32>
    %gather3A_565 = tpu.vector_load_idx %arg5[%add3A_564] : memref<1600xi32, #tpu.memory_space<vmem>>[vector<16xi32>], vector<16xi32>,
    %swap3A_566 = arith.constant 1456 : index
    %swap3A_567 = tpu.vector_load %arg7[%swap3A_566] {strides = array<i32>} : memref<1600xi32, #tpu.memory_space<vmem>>, vector<16xi32>,
    tpu.vector_store %arg7[%swap3A_566], %gather3A_565 {strides = array<i32>} : memref<1600xi32, #tpu.memory_space<vmem>>, vector<16xi32>,
    %add3A_568 = arith.constant 184 : i32
    %add3A_569 = vector.broadcast %add3A_568 : i32 to vector<16xi32>
    %add3A_570 = arith.addi %add3A_13, %add3A_569 : vector<16xi32>
    %gather3A_571 = tpu.vector_load_idx %arg5[%add3A_570] : memref<1600xi32, #tpu.memory_space<vmem>>[vector<16xi32>], vector<16xi32>,
    %swap3A_572 = arith.constant 1472 : index
    %swap3A_573 = tpu.vector_load %arg7[%swap3A_572] {strides = array<i32>} : memref<1600xi32, #tpu.memory_space<vmem>>, vector<16xi32>,
    tpu.vector_store %arg7[%swap3A_572], %gather3A_571 {strides = array<i32>} : memref<1600xi32, #tpu.memory_space<vmem>>, vector<16xi32>,
    %add3A_574 = arith.constant 984 : i32
    %add3A_575 = vector.broadcast %add3A_574 : i32 to vector<16xi32>
    %add3A_576 = arith.addi %add3A_13, %add3A_575 : vector<16xi32>
    %gather3A_577 = tpu.vector_load_idx %arg5[%add3A_576] : memref<1600xi32, #tpu.memory_space<vmem>>[vector<16xi32>], vector<16xi32>,
    %swap3A_578 = arith.constant 1488 : index
    %swap3A_579 = tpu.vector_load %arg7[%swap3A_578] {strides = array<i32>} : memref<1600xi32, #tpu.memory_space<vmem>>, vector<16xi32>,
    tpu.vector_store %arg7[%swap3A_578], %gather3A_577 {strides = array<i32>} : memref<1600xi32, #tpu.memory_space<vmem>>, vector<16xi32>,
    %add3A_580 = arith.constant 188 : i32
    %add3A_581 = vector.broadcast %add3A_580 : i32 to vector<16xi32>
    %add3A_582 = arith.addi %add3A_13, %add3A_581 : vector<16xi32>
    %gather3A_583 = tpu.vector_load_idx %arg5[%add3A_582] : memref<1600xi32, #tpu.memory_space<vmem>>[vector<16xi32>], vector<16xi32>,
    %swap3A_584 = arith.constant 1504 : index
    %swap3A_585 = tpu.vector_load %arg7[%swap3A_584] {strides = array<i32>} : memref<1600xi32, #tpu.memory_space<vmem>>, vector<16xi32>,
    tpu.vector_store %arg7[%swap3A_584], %gather3A_583 {strides = array<i32>} : memref<1600xi32, #tpu.memory_space<vmem>>, vector<16xi32>,
    %add3A_586 = arith.constant 988 : i32
    %add3A_587 = vector.broadcast %add3A_586 : i32 to vector<16xi32>
    %add3A_588 = arith.addi %add3A_13, %add3A_587 : vector<16xi32>
    %gather3A_589 = tpu.vector_load_idx %arg5[%add3A_588] : memref<1600xi32, #tpu.memory_space<vmem>>[vector<16xi32>], vector<16xi32>,
    %swap3A_590 = arith.constant 1520 : index
    %swap3A_591 = tpu.vector_load %arg7[%swap3A_590] {strides = array<i32>} : memref<1600xi32, #tpu.memory_space<vmem>>, vector<16xi32>,
    tpu.vector_store %arg7[%swap3A_590], %gather3A_589 {strides = array<i32>} : memref<1600xi32, #tpu.memory_space<vmem>>, vector<16xi32>,
    %add3A_592 = arith.constant 192 : i32
    %add3A_593 = vector.broadcast %add3A_592 : i32 to vector<16xi32>
    %add3A_594 = arith.addi %add3A_13, %add3A_593 : vector<16xi32>
    %gather3A_595 = tpu.vector_load_idx %arg5[%add3A_594] : memref<1600xi32, #tpu.memory_space<vmem>>[vector<16xi32>], vector<16xi32>,
    %swap3A_596 = arith.constant 1536 : index
    %swap3A_597 = tpu.vector_load %arg7[%swap3A_596] {strides = array<i32>} : memref<1600xi32, #tpu.memory_space<vmem>>, vector<16xi32>,
    tpu.vector_store %arg7[%swap3A_596], %gather3A_595 {strides = array<i32>} : memref<1600xi32, #tpu.memory_space<vmem>>, vector<16xi32>,
    %add3A_598 = arith.constant 992 : i32
    %add3A_599 = vector.broadcast %add3A_598 : i32 to vector<16xi32>
    %add3A_600 = arith.addi %add3A_13, %add3A_599 : vector<16xi32>
    %gather3A_601 = tpu.vector_load_idx %arg5[%add3A_600] : memref<1600xi32, #tpu.memory_space<vmem>>[vector<16xi32>], vector<16xi32>,
    %swap3A_602 = arith.constant 1552 : index
    %swap3A_603 = tpu.vector_load %arg7[%swap3A_602] {strides = array<i32>} : memref<1600xi32, #tpu.memory_space<vmem>>, vector<16xi32>,
    tpu.vector_store %arg7[%swap3A_602], %gather3A_601 {strides = array<i32>} : memref<1600xi32, #tpu.memory_space<vmem>>, vector<16xi32>,
    %add3A_604 = arith.constant 196 : i32
    %add3A_605 = vector.broadcast %add3A_604 : i32 to vector<16xi32>
    %add3A_606 = arith.addi %add3A_13, %add3A_605 : vector<16xi32>
    %gather3A_607 = tpu.vector_load_idx %arg5[%add3A_606] : memref<1600xi32, #tpu.memory_space<vmem>>[vector<16xi32>], vector<16xi32>,
    %swap3A_608 = arith.constant 1568 : index
    %swap3A_609 = tpu.vector_load %arg7[%swap3A_608] {strides = array<i32>} : memref<1600xi32, #tpu.memory_space<vmem>>, vector<16xi32>,
    tpu.vector_store %arg7[%swap3A_608], %gather3A_607 {strides = array<i32>} : memref<1600xi32, #tpu.memory_space<vmem>>, vector<16xi32>,
    %add3A_610 = arith.constant 996 : i32
    %add3A_611 = vector.broadcast %add3A_610 : i32 to vector<16xi32>
    %add3A_612 = arith.addi %add3A_13, %add3A_611 : vector<16xi32>
    %gather3A_613 = tpu.vector_load_idx %arg5[%add3A_612] : memref<1600xi32, #tpu.memory_space<vmem>>[vector<16xi32>], vector<16xi32>,
    %swap3A_614 = arith.constant 1584 : index
    %swap3A_615 = tpu.vector_load %arg7[%swap3A_614] {strides = array<i32>} : memref<1600xi32, #tpu.memory_space<vmem>>, vector<16xi32>,
    tpu.vector_store %arg7[%swap3A_614], %gather3A_613 {strides = array<i32>} : memref<1600xi32, #tpu.memory_space<vmem>>, vector<16xi32>,
    %dma_start3A = arith.constant 0 : i32
    %dma_start3A_616 = arith.constant 0 : i32
    %dma_start3A_617 = tpu.memref_slice %arg3[%dma_start3A, %dma_start3A_616] : memref<1000000x32xf32, #tpu.memory_space<hbm>> -> memref<1000000x32xf32, #tpu.memory_space<hbm>>
    tpu.enqueue_indirect_dma source(%dma_start3A_617 : memref<1000000x32xf32, #tpu.memory_space<hbm>>) target(%arg9 : memref<1600x32xf32, #tpu.memory_space<vmem>>) offsets(%arg7 : memref<1600xi32, #tpu.memory_space<vmem>>) semaphore(%arg11 : memref<!tpu.dma_semaphore, #tpu.memory_space<semaphore_mem>>)
    %add3A_618 = arith.constant 1 : i32
    %add3A_619 = arith.addi %mul3A_2, %add3A_618 : i32
    %mul3A_620 = arith.constant 1600 : i32
    %mul3A_621 = arith.muli %add3A_619, %mul3A_620 : i32
    "tpu.region"() ({
      %run_scoped3A = tpu.sem_alloc : memref<!tpu.dma_semaphore, #tpu.memory_space<semaphore_mem>>
      %dma_start3A_1236 = tpu.memref_slice %arg2[%mul3A_621] : memref<819200xi32, #tpu.memory_space<hbm>> -> memref<1600xi32, #tpu.memory_space<hbm>>
      %dma_start3A_1237 = tpu.memref_slice %arg2[%mul3A_621] : memref<819200xi32, #tpu.memory_space<hbm>> -> memref<1600xi32, #tpu.memory_space<hbm>>
      tpu.enqueue_dma source(%dma_start3A_1237 : memref<1600xi32, #tpu.memory_space<hbm>>) target(%arg6 : memref<1600xi32, #tpu.memory_space<vmem>>) target_semaphore(%run_scoped3A : memref<!tpu.dma_semaphore, #tpu.memory_space<semaphore_mem>>)
      %dma_wait3A_1238 = tpu.memref_slice %arg2[%mul3A_621] : memref<819200xi32, #tpu.memory_space<hbm>> -> memref<1600xi32, #tpu.memory_space<hbm>>
      %dma_wait3A_1239 = tpu.memref_slice %arg2[%mul3A_621] : memref<819200xi32, #tpu.memory_space<hbm>> -> memref<1600xi32, #tpu.memory_space<hbm>>
      tpu.wait_dma2 semaphore(%run_scoped3A : memref<!tpu.dma_semaphore, #tpu.memory_space<semaphore_mem>>) src(%dma_wait3A_1239 : memref<1600xi32, #tpu.memory_space<hbm>>) dst(%arg6 : memref<1600xi32, #tpu.memory_space<vmem>>)
      tpu.yield
    }) : () -> ()
    %add3A_622 = arith.constant 0 : i32
    %add3A_623 = vector.broadcast %add3A_622 : i32 to vector<16xi32>
    %add3A_624 = arith.addi %add3A_13, %add3A_623 : vector<16xi32>
    %gather3A_625 = tpu.vector_load_idx %arg6[%add3A_624] : memref<1600xi32, #tpu.memory_space<vmem>>[vector<16xi32>], vector<16xi32>,
    %swap3A_626 = arith.constant 0 : index
    %swap3A_627 = tpu.vector_load %arg8[%swap3A_626] {strides = array<i32>} : memref<1600xi32, #tpu.memory_space<vmem>>, vector<16xi32>,
    tpu.vector_store %arg8[%swap3A_626], %gather3A_625 {strides = array<i32>} : memref<1600xi32, #tpu.memory_space<vmem>>, vector<16xi32>,
    %add3A_628 = arith.constant 800 : i32
    %add3A_629 = vector.broadcast %add3A_628 : i32 to vector<16xi32>
    %add3A_630 = arith.addi %add3A_13, %add3A_629 : vector<16xi32>
    %gather3A_631 = tpu.vector_load_idx %arg6[%add3A_630] : memref<1600xi32, #tpu.memory_space<vmem>>[vector<16xi32>], vector<16xi32>,
    %swap3A_632 = arith.constant 16 : index
    %swap3A_633 = tpu.vector_load %arg8[%swap3A_632] {strides = array<i32>} : memref<1600xi32, #tpu.memory_space<vmem>>, vector<16xi32>,
    tpu.vector_store %arg8[%swap3A_632], %gather3A_631 {strides = array<i32>} : memref<1600xi32, #tpu.memory_space<vmem>>, vector<16xi32>,
    %add3A_634 = arith.constant 4 : i32
    %add3A_635 = vector.broadcast %add3A_634 : i32 to vector<16xi32>
    %add3A_636 = arith.addi %add3A_13, %add3A_635 : vector<16xi32>
    %gather3A_637 = tpu.vector_load_idx %arg6[%add3A_636] : memref<1600xi32, #tpu.memory_space<vmem>>[vector<16xi32>], vector<16xi32>,
    %swap3A_638 = arith.constant 32 : index
    %swap3A_639 = tpu.vector_load %arg8[%swap3A_638] {strides = array<i32>} : memref<1600xi32, #tpu.memory_space<vmem>>, vector<16xi32>,
    tpu.vector_store %arg8[%swap3A_638], %gather3A_637 {strides = array<i32>} : memref<1600xi32, #tpu.memory_space<vmem>>, vector<16xi32>,
    %add3A_640 = arith.constant 804 : i32
    %add3A_641 = vector.broadcast %add3A_640 : i32 to vector<16xi32>
    %add3A_642 = arith.addi %add3A_13, %add3A_641 : vector<16xi32>
    %gather3A_643 = tpu.vector_load_idx %arg6[%add3A_642] : memref<1600xi32, #tpu.memory_space<vmem>>[vector<16xi32>], vector<16xi32>,
    %swap3A_644 = arith.constant 48 : index
    %swap3A_645 = tpu.vector_load %arg8[%swap3A_644] {strides = array<i32>} : memref<1600xi32, #tpu.memory_space<vmem>>, vector<16xi32>,
    tpu.vector_store %arg8[%swap3A_644], %gather3A_643 {strides = array<i32>} : memref<1600xi32, #tpu.memory_space<vmem>>, vector<16xi32>,
    %add3A_646 = arith.constant 8 : i32
    %add3A_647 = vector.broadcast %add3A_646 : i32 to vector<16xi32>
    %add3A_648 = arith.addi %add3A_13, %add3A_647 : vector<16xi32>
    %gather3A_649 = tpu.vector_load_idx %arg6[%add3A_648] : memref<1600xi32, #tpu.memory_space<vmem>>[vector<16xi32>], vector<16xi32>,
    %swap3A_650 = arith.constant 64 : index
    %swap3A_651 = tpu.vector_load %arg8[%swap3A_650] {strides = array<i32>} : memref<1600xi32, #tpu.memory_space<vmem>>, vector<16xi32>,
    tpu.vector_store %arg8[%swap3A_650], %gather3A_649 {strides = array<i32>} : memref<1600xi32, #tpu.memory_space<vmem>>, vector<16xi32>,
    %add3A_652 = arith.constant 808 : i32
    %add3A_653 = vector.broadcast %add3A_652 : i32 to vector<16xi32>
    %add3A_654 = arith.addi %add3A_13, %add3A_653 : vector<16xi32>
    %gather3A_655 = tpu.vector_load_idx %arg6[%add3A_654] : memref<1600xi32, #tpu.memory_space<vmem>>[vector<16xi32>], vector<16xi32>,
    %swap3A_656 = arith.constant 80 : index
    %swap3A_657 = tpu.vector_load %arg8[%swap3A_656] {strides = array<i32>} : memref<1600xi32, #tpu.memory_space<vmem>>, vector<16xi32>,
    tpu.vector_store %arg8[%swap3A_656], %gather3A_655 {strides = array<i32>} : memref<1600xi32, #tpu.memory_space<vmem>>, vector<16xi32>,
    %add3A_658 = arith.constant 12 : i32
    %add3A_659 = vector.broadcast %add3A_658 : i32 to vector<16xi32>
    %add3A_660 = arith.addi %add3A_13, %add3A_659 : vector<16xi32>
    %gather3A_661 = tpu.vector_load_idx %arg6[%add3A_660] : memref<1600xi32, #tpu.memory_space<vmem>>[vector<16xi32>], vector<16xi32>,
    %swap3A_662 = arith.constant 96 : index
    %swap3A_663 = tpu.vector_load %arg8[%swap3A_662] {strides = array<i32>} : memref<1600xi32, #tpu.memory_space<vmem>>, vector<16xi32>,
    tpu.vector_store %arg8[%swap3A_662], %gather3A_661 {strides = array<i32>} : memref<1600xi32, #tpu.memory_space<vmem>>, vector<16xi32>,
    %add3A_664 = arith.constant 812 : i32
    %add3A_665 = vector.broadcast %add3A_664 : i32 to vector<16xi32>
    %add3A_666 = arith.addi %add3A_13, %add3A_665 : vector<16xi32>
    %gather3A_667 = tpu.vector_load_idx %arg6[%add3A_666] : memref<1600xi32, #tpu.memory_space<vmem>>[vector<16xi32>], vector<16xi32>,
    %swap3A_668 = arith.constant 112 : index
    %swap3A_669 = tpu.vector_load %arg8[%swap3A_668] {strides = array<i32>} : memref<1600xi32, #tpu.memory_space<vmem>>, vector<16xi32>,
    tpu.vector_store %arg8[%swap3A_668], %gather3A_667 {strides = array<i32>} : memref<1600xi32, #tpu.memory_space<vmem>>, vector<16xi32>,
    %add3A_670 = arith.constant 16 : i32
    %add3A_671 = vector.broadcast %add3A_670 : i32 to vector<16xi32>
    %add3A_672 = arith.addi %add3A_13, %add3A_671 : vector<16xi32>
    %gather3A_673 = tpu.vector_load_idx %arg6[%add3A_672] : memref<1600xi32, #tpu.memory_space<vmem>>[vector<16xi32>], vector<16xi32>,
    %swap3A_674 = arith.constant 128 : index
    %swap3A_675 = tpu.vector_load %arg8[%swap3A_674] {strides = array<i32>} : memref<1600xi32, #tpu.memory_space<vmem>>, vector<16xi32>,
    tpu.vector_store %arg8[%swap3A_674], %gather3A_673 {strides = array<i32>} : memref<1600xi32, #tpu.memory_space<vmem>>, vector<16xi32>,
    %add3A_676 = arith.constant 816 : i32
    %add3A_677 = vector.broadcast %add3A_676 : i32 to vector<16xi32>
    %add3A_678 = arith.addi %add3A_13, %add3A_677 : vector<16xi32>
    %gather3A_679 = tpu.vector_load_idx %arg6[%add3A_678] : memref<1600xi32, #tpu.memory_space<vmem>>[vector<16xi32>], vector<16xi32>,
    %swap3A_680 = arith.constant 144 : index
    %swap3A_681 = tpu.vector_load %arg8[%swap3A_680] {strides = array<i32>} : memref<1600xi32, #tpu.memory_space<vmem>>, vector<16xi32>,
    tpu.vector_store %arg8[%swap3A_680], %gather3A_679 {strides = array<i32>} : memref<1600xi32, #tpu.memory_space<vmem>>, vector<16xi32>,
    %add3A_682 = arith.constant 20 : i32
    %add3A_683 = vector.broadcast %add3A_682 : i32 to vector<16xi32>
    %add3A_684 = arith.addi %add3A_13, %add3A_683 : vector<16xi32>
    %gather3A_685 = tpu.vector_load_idx %arg6[%add3A_684] : memref<1600xi32, #tpu.memory_space<vmem>>[vector<16xi32>], vector<16xi32>,
    %swap3A_686 = arith.constant 160 : index
    %swap3A_687 = tpu.vector_load %arg8[%swap3A_686] {strides = array<i32>} : memref<1600xi32, #tpu.memory_space<vmem>>, vector<16xi32>,
    tpu.vector_store %arg8[%swap3A_686], %gather3A_685 {strides = array<i32>} : memref<1600xi32, #tpu.memory_space<vmem>>, vector<16xi32>,
    %add3A_688 = arith.constant 820 : i32
    %add3A_689 = vector.broadcast %add3A_688 : i32 to vector<16xi32>
    %add3A_690 = arith.addi %add3A_13, %add3A_689 : vector<16xi32>
    %gather3A_691 = tpu.vector_load_idx %arg6[%add3A_690] : memref<1600xi32, #tpu.memory_space<vmem>>[vector<16xi32>], vector<16xi32>,
    %swap3A_692 = arith.constant 176 : index
    %swap3A_693 = tpu.vector_load %arg8[%swap3A_692] {strides = array<i32>} : memref<1600xi32, #tpu.memory_space<vmem>>, vector<16xi32>,
    tpu.vector_store %arg8[%swap3A_692], %gather3A_691 {strides = array<i32>} : memref<1600xi32, #tpu.memory_space<vmem>>, vector<16xi32>,
    %add3A_694 = arith.constant 24 : i32
    %add3A_695 = vector.broadcast %add3A_694 : i32 to vector<16xi32>
    %add3A_696 = arith.addi %add3A_13, %add3A_695 : vector<16xi32>
    %gather3A_697 = tpu.vector_load_idx %arg6[%add3A_696] : memref<1600xi32, #tpu.memory_space<vmem>>[vector<16xi32>], vector<16xi32>,
    %swap3A_698 = arith.constant 192 : index
    %swap3A_699 = tpu.vector_load %arg8[%swap3A_698] {strides = array<i32>} : memref<1600xi32, #tpu.memory_space<vmem>>, vector<16xi32>,
    tpu.vector_store %arg8[%swap3A_698], %gather3A_697 {strides = array<i32>} : memref<1600xi32, #tpu.memory_space<vmem>>, vector<16xi32>,
    %add3A_700 = arith.constant 824 : i32
    %add3A_701 = vector.broadcast %add3A_700 : i32 to vector<16xi32>
    %add3A_702 = arith.addi %add3A_13, %add3A_701 : vector<16xi32>
    %gather3A_703 = tpu.vector_load_idx %arg6[%add3A_702] : memref<1600xi32, #tpu.memory_space<vmem>>[vector<16xi32>], vector<16xi32>,
    %swap3A_704 = arith.constant 208 : index
    %swap3A_705 = tpu.vector_load %arg8[%swap3A_704] {strides = array<i32>} : memref<1600xi32, #tpu.memory_space<vmem>>, vector<16xi32>,
    tpu.vector_store %arg8[%swap3A_704], %gather3A_703 {strides = array<i32>} : memref<1600xi32, #tpu.memory_space<vmem>>, vector<16xi32>,
    %add3A_706 = arith.constant 28 : i32
    %add3A_707 = vector.broadcast %add3A_706 : i32 to vector<16xi32>
    %add3A_708 = arith.addi %add3A_13, %add3A_707 : vector<16xi32>
    %gather3A_709 = tpu.vector_load_idx %arg6[%add3A_708] : memref<1600xi32, #tpu.memory_space<vmem>>[vector<16xi32>], vector<16xi32>,
    %swap3A_710 = arith.constant 224 : index
    %swap3A_711 = tpu.vector_load %arg8[%swap3A_710] {strides = array<i32>} : memref<1600xi32, #tpu.memory_space<vmem>>, vector<16xi32>,
    tpu.vector_store %arg8[%swap3A_710], %gather3A_709 {strides = array<i32>} : memref<1600xi32, #tpu.memory_space<vmem>>, vector<16xi32>,
    %add3A_712 = arith.constant 828 : i32
    %add3A_713 = vector.broadcast %add3A_712 : i32 to vector<16xi32>
    %add3A_714 = arith.addi %add3A_13, %add3A_713 : vector<16xi32>
    %gather3A_715 = tpu.vector_load_idx %arg6[%add3A_714] : memref<1600xi32, #tpu.memory_space<vmem>>[vector<16xi32>], vector<16xi32>,
    %swap3A_716 = arith.constant 240 : index
    %swap3A_717 = tpu.vector_load %arg8[%swap3A_716] {strides = array<i32>} : memref<1600xi32, #tpu.memory_space<vmem>>, vector<16xi32>,
    tpu.vector_store %arg8[%swap3A_716], %gather3A_715 {strides = array<i32>} : memref<1600xi32, #tpu.memory_space<vmem>>, vector<16xi32>,
    %add3A_718 = arith.constant 32 : i32
    %add3A_719 = vector.broadcast %add3A_718 : i32 to vector<16xi32>
    %add3A_720 = arith.addi %add3A_13, %add3A_719 : vector<16xi32>
    %gather3A_721 = tpu.vector_load_idx %arg6[%add3A_720] : memref<1600xi32, #tpu.memory_space<vmem>>[vector<16xi32>], vector<16xi32>,
    %swap3A_722 = arith.constant 256 : index
    %swap3A_723 = tpu.vector_load %arg8[%swap3A_722] {strides = array<i32>} : memref<1600xi32, #tpu.memory_space<vmem>>, vector<16xi32>,
    tpu.vector_store %arg8[%swap3A_722], %gather3A_721 {strides = array<i32>} : memref<1600xi32, #tpu.memory_space<vmem>>, vector<16xi32>,
    %add3A_724 = arith.constant 832 : i32
    %add3A_725 = vector.broadcast %add3A_724 : i32 to vector<16xi32>
    %add3A_726 = arith.addi %add3A_13, %add3A_725 : vector<16xi32>
    %gather3A_727 = tpu.vector_load_idx %arg6[%add3A_726] : memref<1600xi32, #tpu.memory_space<vmem>>[vector<16xi32>], vector<16xi32>,
    %swap3A_728 = arith.constant 272 : index
    %swap3A_729 = tpu.vector_load %arg8[%swap3A_728] {strides = array<i32>} : memref<1600xi32, #tpu.memory_space<vmem>>, vector<16xi32>,
    tpu.vector_store %arg8[%swap3A_728], %gather3A_727 {strides = array<i32>} : memref<1600xi32, #tpu.memory_space<vmem>>, vector<16xi32>,
    %add3A_730 = arith.constant 36 : i32
    %add3A_731 = vector.broadcast %add3A_730 : i32 to vector<16xi32>
    %add3A_732 = arith.addi %add3A_13, %add3A_731 : vector<16xi32>
    %gather3A_733 = tpu.vector_load_idx %arg6[%add3A_732] : memref<1600xi32, #tpu.memory_space<vmem>>[vector<16xi32>], vector<16xi32>,
    %swap3A_734 = arith.constant 288 : index
    %swap3A_735 = tpu.vector_load %arg8[%swap3A_734] {strides = array<i32>} : memref<1600xi32, #tpu.memory_space<vmem>>, vector<16xi32>,
    tpu.vector_store %arg8[%swap3A_734], %gather3A_733 {strides = array<i32>} : memref<1600xi32, #tpu.memory_space<vmem>>, vector<16xi32>,
    %add3A_736 = arith.constant 836 : i32
    %add3A_737 = vector.broadcast %add3A_736 : i32 to vector<16xi32>
    %add3A_738 = arith.addi %add3A_13, %add3A_737 : vector<16xi32>
    %gather3A_739 = tpu.vector_load_idx %arg6[%add3A_738] : memref<1600xi32, #tpu.memory_space<vmem>>[vector<16xi32>], vector<16xi32>,
    %swap3A_740 = arith.constant 304 : index
    %swap3A_741 = tpu.vector_load %arg8[%swap3A_740] {strides = array<i32>} : memref<1600xi32, #tpu.memory_space<vmem>>, vector<16xi32>,
    tpu.vector_store %arg8[%swap3A_740], %gather3A_739 {strides = array<i32>} : memref<1600xi32, #tpu.memory_space<vmem>>, vector<16xi32>,
    %add3A_742 = arith.constant 40 : i32
    %add3A_743 = vector.broadcast %add3A_742 : i32 to vector<16xi32>
    %add3A_744 = arith.addi %add3A_13, %add3A_743 : vector<16xi32>
    %gather3A_745 = tpu.vector_load_idx %arg6[%add3A_744] : memref<1600xi32, #tpu.memory_space<vmem>>[vector<16xi32>], vector<16xi32>,
    %swap3A_746 = arith.constant 320 : index
    %swap3A_747 = tpu.vector_load %arg8[%swap3A_746] {strides = array<i32>} : memref<1600xi32, #tpu.memory_space<vmem>>, vector<16xi32>,
    tpu.vector_store %arg8[%swap3A_746], %gather3A_745 {strides = array<i32>} : memref<1600xi32, #tpu.memory_space<vmem>>, vector<16xi32>,
    %add3A_748 = arith.constant 840 : i32
    %add3A_749 = vector.broadcast %add3A_748 : i32 to vector<16xi32>
    %add3A_750 = arith.addi %add3A_13, %add3A_749 : vector<16xi32>
    %gather3A_751 = tpu.vector_load_idx %arg6[%add3A_750] : memref<1600xi32, #tpu.memory_space<vmem>>[vector<16xi32>], vector<16xi32>,
    %swap3A_752 = arith.constant 336 : index
    %swap3A_753 = tpu.vector_load %arg8[%swap3A_752] {strides = array<i32>} : memref<1600xi32, #tpu.memory_space<vmem>>, vector<16xi32>,
    tpu.vector_store %arg8[%swap3A_752], %gather3A_751 {strides = array<i32>} : memref<1600xi32, #tpu.memory_space<vmem>>, vector<16xi32>,
    %add3A_754 = arith.constant 44 : i32
    %add3A_755 = vector.broadcast %add3A_754 : i32 to vector<16xi32>
    %add3A_756 = arith.addi %add3A_13, %add3A_755 : vector<16xi32>
    %gather3A_757 = tpu.vector_load_idx %arg6[%add3A_756] : memref<1600xi32, #tpu.memory_space<vmem>>[vector<16xi32>], vector<16xi32>,
    %swap3A_758 = arith.constant 352 : index
    %swap3A_759 = tpu.vector_load %arg8[%swap3A_758] {strides = array<i32>} : memref<1600xi32, #tpu.memory_space<vmem>>, vector<16xi32>,
    tpu.vector_store %arg8[%swap3A_758], %gather3A_757 {strides = array<i32>} : memref<1600xi32, #tpu.memory_space<vmem>>, vector<16xi32>,
    %add3A_760 = arith.constant 844 : i32
    %add3A_761 = vector.broadcast %add3A_760 : i32 to vector<16xi32>
    %add3A_762 = arith.addi %add3A_13, %add3A_761 : vector<16xi32>
    %gather3A_763 = tpu.vector_load_idx %arg6[%add3A_762] : memref<1600xi32, #tpu.memory_space<vmem>>[vector<16xi32>], vector<16xi32>,
    %swap3A_764 = arith.constant 368 : index
    %swap3A_765 = tpu.vector_load %arg8[%swap3A_764] {strides = array<i32>} : memref<1600xi32, #tpu.memory_space<vmem>>, vector<16xi32>,
    tpu.vector_store %arg8[%swap3A_764], %gather3A_763 {strides = array<i32>} : memref<1600xi32, #tpu.memory_space<vmem>>, vector<16xi32>,
    %add3A_766 = arith.constant 48 : i32
    %add3A_767 = vector.broadcast %add3A_766 : i32 to vector<16xi32>
    %add3A_768 = arith.addi %add3A_13, %add3A_767 : vector<16xi32>
    %gather3A_769 = tpu.vector_load_idx %arg6[%add3A_768] : memref<1600xi32, #tpu.memory_space<vmem>>[vector<16xi32>], vector<16xi32>,
    %swap3A_770 = arith.constant 384 : index
    %swap3A_771 = tpu.vector_load %arg8[%swap3A_770] {strides = array<i32>} : memref<1600xi32, #tpu.memory_space<vmem>>, vector<16xi32>,
    tpu.vector_store %arg8[%swap3A_770], %gather3A_769 {strides = array<i32>} : memref<1600xi32, #tpu.memory_space<vmem>>, vector<16xi32>,
    %add3A_772 = arith.constant 848 : i32
    %add3A_773 = vector.broadcast %add3A_772 : i32 to vector<16xi32>
    %add3A_774 = arith.addi %add3A_13, %add3A_773 : vector<16xi32>
    %gather3A_775 = tpu.vector_load_idx %arg6[%add3A_774] : memref<1600xi32, #tpu.memory_space<vmem>>[vector<16xi32>], vector<16xi32>,
    %swap3A_776 = arith.constant 400 : index
    %swap3A_777 = tpu.vector_load %arg8[%swap3A_776] {strides = array<i32>} : memref<1600xi32, #tpu.memory_space<vmem>>, vector<16xi32>,
    tpu.vector_store %arg8[%swap3A_776], %gather3A_775 {strides = array<i32>} : memref<1600xi32, #tpu.memory_space<vmem>>, vector<16xi32>,
    %add3A_778 = arith.constant 52 : i32
    %add3A_779 = vector.broadcast %add3A_778 : i32 to vector<16xi32>
    %add3A_780 = arith.addi %add3A_13, %add3A_779 : vector<16xi32>
    %gather3A_781 = tpu.vector_load_idx %arg6[%add3A_780] : memref<1600xi32, #tpu.memory_space<vmem>>[vector<16xi32>], vector<16xi32>,
    %swap3A_782 = arith.constant 416 : index
    %swap3A_783 = tpu.vector_load %arg8[%swap3A_782] {strides = array<i32>} : memref<1600xi32, #tpu.memory_space<vmem>>, vector<16xi32>,
    tpu.vector_store %arg8[%swap3A_782], %gather3A_781 {strides = array<i32>} : memref<1600xi32, #tpu.memory_space<vmem>>, vector<16xi32>,
    %add3A_784 = arith.constant 852 : i32
    %add3A_785 = vector.broadcast %add3A_784 : i32 to vector<16xi32>
    %add3A_786 = arith.addi %add3A_13, %add3A_785 : vector<16xi32>
    %gather3A_787 = tpu.vector_load_idx %arg6[%add3A_786] : memref<1600xi32, #tpu.memory_space<vmem>>[vector<16xi32>], vector<16xi32>,
    %swap3A_788 = arith.constant 432 : index
    %swap3A_789 = tpu.vector_load %arg8[%swap3A_788] {strides = array<i32>} : memref<1600xi32, #tpu.memory_space<vmem>>, vector<16xi32>,
    tpu.vector_store %arg8[%swap3A_788], %gather3A_787 {strides = array<i32>} : memref<1600xi32, #tpu.memory_space<vmem>>, vector<16xi32>,
    %add3A_790 = arith.constant 56 : i32
    %add3A_791 = vector.broadcast %add3A_790 : i32 to vector<16xi32>
    %add3A_792 = arith.addi %add3A_13, %add3A_791 : vector<16xi32>
    %gather3A_793 = tpu.vector_load_idx %arg6[%add3A_792] : memref<1600xi32, #tpu.memory_space<vmem>>[vector<16xi32>], vector<16xi32>,
    %swap3A_794 = arith.constant 448 : index
    %swap3A_795 = tpu.vector_load %arg8[%swap3A_794] {strides = array<i32>} : memref<1600xi32, #tpu.memory_space<vmem>>, vector<16xi32>,
    tpu.vector_store %arg8[%swap3A_794], %gather3A_793 {strides = array<i32>} : memref<1600xi32, #tpu.memory_space<vmem>>, vector<16xi32>,
    %add3A_796 = arith.constant 856 : i32
    %add3A_797 = vector.broadcast %add3A_796 : i32 to vector<16xi32>
    %add3A_798 = arith.addi %add3A_13, %add3A_797 : vector<16xi32>
    %gather3A_799 = tpu.vector_load_idx %arg6[%add3A_798] : memref<1600xi32, #tpu.memory_space<vmem>>[vector<16xi32>], vector<16xi32>,
    %swap3A_800 = arith.constant 464 : index
    %swap3A_801 = tpu.vector_load %arg8[%swap3A_800] {strides = array<i32>} : memref<1600xi32, #tpu.memory_space<vmem>>, vector<16xi32>,
    tpu.vector_store %arg8[%swap3A_800], %gather3A_799 {strides = array<i32>} : memref<1600xi32, #tpu.memory_space<vmem>>, vector<16xi32>,
    %add3A_802 = arith.constant 60 : i32
    %add3A_803 = vector.broadcast %add3A_802 : i32 to vector<16xi32>
    %add3A_804 = arith.addi %add3A_13, %add3A_803 : vector<16xi32>
    %gather3A_805 = tpu.vector_load_idx %arg6[%add3A_804] : memref<1600xi32, #tpu.memory_space<vmem>>[vector<16xi32>], vector<16xi32>,
    %swap3A_806 = arith.constant 480 : index
    %swap3A_807 = tpu.vector_load %arg8[%swap3A_806] {strides = array<i32>} : memref<1600xi32, #tpu.memory_space<vmem>>, vector<16xi32>,
    tpu.vector_store %arg8[%swap3A_806], %gather3A_805 {strides = array<i32>} : memref<1600xi32, #tpu.memory_space<vmem>>, vector<16xi32>,
    %add3A_808 = arith.constant 860 : i32
    %add3A_809 = vector.broadcast %add3A_808 : i32 to vector<16xi32>
    %add3A_810 = arith.addi %add3A_13, %add3A_809 : vector<16xi32>
    %gather3A_811 = tpu.vector_load_idx %arg6[%add3A_810] : memref<1600xi32, #tpu.memory_space<vmem>>[vector<16xi32>], vector<16xi32>,
    %swap3A_812 = arith.constant 496 : index
    %swap3A_813 = tpu.vector_load %arg8[%swap3A_812] {strides = array<i32>} : memref<1600xi32, #tpu.memory_space<vmem>>, vector<16xi32>,
    tpu.vector_store %arg8[%swap3A_812], %gather3A_811 {strides = array<i32>} : memref<1600xi32, #tpu.memory_space<vmem>>, vector<16xi32>,
    %add3A_814 = arith.constant 64 : i32
    %add3A_815 = vector.broadcast %add3A_814 : i32 to vector<16xi32>
    %add3A_816 = arith.addi %add3A_13, %add3A_815 : vector<16xi32>
    %gather3A_817 = tpu.vector_load_idx %arg6[%add3A_816] : memref<1600xi32, #tpu.memory_space<vmem>>[vector<16xi32>], vector<16xi32>,
    %swap3A_818 = arith.constant 512 : index
    %swap3A_819 = tpu.vector_load %arg8[%swap3A_818] {strides = array<i32>} : memref<1600xi32, #tpu.memory_space<vmem>>, vector<16xi32>,
    tpu.vector_store %arg8[%swap3A_818], %gather3A_817 {strides = array<i32>} : memref<1600xi32, #tpu.memory_space<vmem>>, vector<16xi32>,
    %add3A_820 = arith.constant 864 : i32
    %add3A_821 = vector.broadcast %add3A_820 : i32 to vector<16xi32>
    %add3A_822 = arith.addi %add3A_13, %add3A_821 : vector<16xi32>
    %gather3A_823 = tpu.vector_load_idx %arg6[%add3A_822] : memref<1600xi32, #tpu.memory_space<vmem>>[vector<16xi32>], vector<16xi32>,
    %swap3A_824 = arith.constant 528 : index
    %swap3A_825 = tpu.vector_load %arg8[%swap3A_824] {strides = array<i32>} : memref<1600xi32, #tpu.memory_space<vmem>>, vector<16xi32>,
    tpu.vector_store %arg8[%swap3A_824], %gather3A_823 {strides = array<i32>} : memref<1600xi32, #tpu.memory_space<vmem>>, vector<16xi32>,
    %add3A_826 = arith.constant 68 : i32
    %add3A_827 = vector.broadcast %add3A_826 : i32 to vector<16xi32>
    %add3A_828 = arith.addi %add3A_13, %add3A_827 : vector<16xi32>
    %gather3A_829 = tpu.vector_load_idx %arg6[%add3A_828] : memref<1600xi32, #tpu.memory_space<vmem>>[vector<16xi32>], vector<16xi32>,
    %swap3A_830 = arith.constant 544 : index
    %swap3A_831 = tpu.vector_load %arg8[%swap3A_830] {strides = array<i32>} : memref<1600xi32, #tpu.memory_space<vmem>>, vector<16xi32>,
    tpu.vector_store %arg8[%swap3A_830], %gather3A_829 {strides = array<i32>} : memref<1600xi32, #tpu.memory_space<vmem>>, vector<16xi32>,
    %add3A_832 = arith.constant 868 : i32
    %add3A_833 = vector.broadcast %add3A_832 : i32 to vector<16xi32>
    %add3A_834 = arith.addi %add3A_13, %add3A_833 : vector<16xi32>
    %gather3A_835 = tpu.vector_load_idx %arg6[%add3A_834] : memref<1600xi32, #tpu.memory_space<vmem>>[vector<16xi32>], vector<16xi32>,
    %swap3A_836 = arith.constant 560 : index
    %swap3A_837 = tpu.vector_load %arg8[%swap3A_836] {strides = array<i32>} : memref<1600xi32, #tpu.memory_space<vmem>>, vector<16xi32>,
    tpu.vector_store %arg8[%swap3A_836], %gather3A_835 {strides = array<i32>} : memref<1600xi32, #tpu.memory_space<vmem>>, vector<16xi32>,
    %add3A_838 = arith.constant 72 : i32
    %add3A_839 = vector.broadcast %add3A_838 : i32 to vector<16xi32>
    %add3A_840 = arith.addi %add3A_13, %add3A_839 : vector<16xi32>
    %gather3A_841 = tpu.vector_load_idx %arg6[%add3A_840] : memref<1600xi32, #tpu.memory_space<vmem>>[vector<16xi32>], vector<16xi32>,
    %swap3A_842 = arith.constant 576 : index
    %swap3A_843 = tpu.vector_load %arg8[%swap3A_842] {strides = array<i32>} : memref<1600xi32, #tpu.memory_space<vmem>>, vector<16xi32>,
    tpu.vector_store %arg8[%swap3A_842], %gather3A_841 {strides = array<i32>} : memref<1600xi32, #tpu.memory_space<vmem>>, vector<16xi32>,
    %add3A_844 = arith.constant 872 : i32
    %add3A_845 = vector.broadcast %add3A_844 : i32 to vector<16xi32>
    %add3A_846 = arith.addi %add3A_13, %add3A_845 : vector<16xi32>
    %gather3A_847 = tpu.vector_load_idx %arg6[%add3A_846] : memref<1600xi32, #tpu.memory_space<vmem>>[vector<16xi32>], vector<16xi32>,
    %swap3A_848 = arith.constant 592 : index
    %swap3A_849 = tpu.vector_load %arg8[%swap3A_848] {strides = array<i32>} : memref<1600xi32, #tpu.memory_space<vmem>>, vector<16xi32>,
    tpu.vector_store %arg8[%swap3A_848], %gather3A_847 {strides = array<i32>} : memref<1600xi32, #tpu.memory_space<vmem>>, vector<16xi32>,
    %add3A_850 = arith.constant 76 : i32
    %add3A_851 = vector.broadcast %add3A_850 : i32 to vector<16xi32>
    %add3A_852 = arith.addi %add3A_13, %add3A_851 : vector<16xi32>
    %gather3A_853 = tpu.vector_load_idx %arg6[%add3A_852] : memref<1600xi32, #tpu.memory_space<vmem>>[vector<16xi32>], vector<16xi32>,
    %swap3A_854 = arith.constant 608 : index
    %swap3A_855 = tpu.vector_load %arg8[%swap3A_854] {strides = array<i32>} : memref<1600xi32, #tpu.memory_space<vmem>>, vector<16xi32>,
    tpu.vector_store %arg8[%swap3A_854], %gather3A_853 {strides = array<i32>} : memref<1600xi32, #tpu.memory_space<vmem>>, vector<16xi32>,
    %add3A_856 = arith.constant 876 : i32
    %add3A_857 = vector.broadcast %add3A_856 : i32 to vector<16xi32>
    %add3A_858 = arith.addi %add3A_13, %add3A_857 : vector<16xi32>
    %gather3A_859 = tpu.vector_load_idx %arg6[%add3A_858] : memref<1600xi32, #tpu.memory_space<vmem>>[vector<16xi32>], vector<16xi32>,
    %swap3A_860 = arith.constant 624 : index
    %swap3A_861 = tpu.vector_load %arg8[%swap3A_860] {strides = array<i32>} : memref<1600xi32, #tpu.memory_space<vmem>>, vector<16xi32>,
    tpu.vector_store %arg8[%swap3A_860], %gather3A_859 {strides = array<i32>} : memref<1600xi32, #tpu.memory_space<vmem>>, vector<16xi32>,
    %add3A_862 = arith.constant 80 : i32
    %add3A_863 = vector.broadcast %add3A_862 : i32 to vector<16xi32>
    %add3A_864 = arith.addi %add3A_13, %add3A_863 : vector<16xi32>
    %gather3A_865 = tpu.vector_load_idx %arg6[%add3A_864] : memref<1600xi32, #tpu.memory_space<vmem>>[vector<16xi32>], vector<16xi32>,
    %swap3A_866 = arith.constant 640 : index
    %swap3A_867 = tpu.vector_load %arg8[%swap3A_866] {strides = array<i32>} : memref<1600xi32, #tpu.memory_space<vmem>>, vector<16xi32>,
    tpu.vector_store %arg8[%swap3A_866], %gather3A_865 {strides = array<i32>} : memref<1600xi32, #tpu.memory_space<vmem>>, vector<16xi32>,
    %add3A_868 = arith.constant 880 : i32
    %add3A_869 = vector.broadcast %add3A_868 : i32 to vector<16xi32>
    %add3A_870 = arith.addi %add3A_13, %add3A_869 : vector<16xi32>
    %gather3A_871 = tpu.vector_load_idx %arg6[%add3A_870] : memref<1600xi32, #tpu.memory_space<vmem>>[vector<16xi32>], vector<16xi32>,
    %swap3A_872 = arith.constant 656 : index
    %swap3A_873 = tpu.vector_load %arg8[%swap3A_872] {strides = array<i32>} : memref<1600xi32, #tpu.memory_space<vmem>>, vector<16xi32>,
    tpu.vector_store %arg8[%swap3A_872], %gather3A_871 {strides = array<i32>} : memref<1600xi32, #tpu.memory_space<vmem>>, vector<16xi32>,
    %add3A_874 = arith.constant 84 : i32
    %add3A_875 = vector.broadcast %add3A_874 : i32 to vector<16xi32>
    %add3A_876 = arith.addi %add3A_13, %add3A_875 : vector<16xi32>
    %gather3A_877 = tpu.vector_load_idx %arg6[%add3A_876] : memref<1600xi32, #tpu.memory_space<vmem>>[vector<16xi32>], vector<16xi32>,
    %swap3A_878 = arith.constant 672 : index
    %swap3A_879 = tpu.vector_load %arg8[%swap3A_878] {strides = array<i32>} : memref<1600xi32, #tpu.memory_space<vmem>>, vector<16xi32>,
    tpu.vector_store %arg8[%swap3A_878], %gather3A_877 {strides = array<i32>} : memref<1600xi32, #tpu.memory_space<vmem>>, vector<16xi32>,
    %add3A_880 = arith.constant 884 : i32
    %add3A_881 = vector.broadcast %add3A_880 : i32 to vector<16xi32>
    %add3A_882 = arith.addi %add3A_13, %add3A_881 : vector<16xi32>
    %gather3A_883 = tpu.vector_load_idx %arg6[%add3A_882] : memref<1600xi32, #tpu.memory_space<vmem>>[vector<16xi32>], vector<16xi32>,
    %swap3A_884 = arith.constant 688 : index
    %swap3A_885 = tpu.vector_load %arg8[%swap3A_884] {strides = array<i32>} : memref<1600xi32, #tpu.memory_space<vmem>>, vector<16xi32>,
    tpu.vector_store %arg8[%swap3A_884], %gather3A_883 {strides = array<i32>} : memref<1600xi32, #tpu.memory_space<vmem>>, vector<16xi32>,
    %add3A_886 = arith.constant 88 : i32
    %add3A_887 = vector.broadcast %add3A_886 : i32 to vector<16xi32>
    %add3A_888 = arith.addi %add3A_13, %add3A_887 : vector<16xi32>
    %gather3A_889 = tpu.vector_load_idx %arg6[%add3A_888] : memref<1600xi32, #tpu.memory_space<vmem>>[vector<16xi32>], vector<16xi32>,
    %swap3A_890 = arith.constant 704 : index
    %swap3A_891 = tpu.vector_load %arg8[%swap3A_890] {strides = array<i32>} : memref<1600xi32, #tpu.memory_space<vmem>>, vector<16xi32>,
    tpu.vector_store %arg8[%swap3A_890], %gather3A_889 {strides = array<i32>} : memref<1600xi32, #tpu.memory_space<vmem>>, vector<16xi32>,
    %add3A_892 = arith.constant 888 : i32
    %add3A_893 = vector.broadcast %add3A_892 : i32 to vector<16xi32>
    %add3A_894 = arith.addi %add3A_13, %add3A_893 : vector<16xi32>
    %gather3A_895 = tpu.vector_load_idx %arg6[%add3A_894] : memref<1600xi32, #tpu.memory_space<vmem>>[vector<16xi32>], vector<16xi32>,
    %swap3A_896 = arith.constant 720 : index
    %swap3A_897 = tpu.vector_load %arg8[%swap3A_896] {strides = array<i32>} : memref<1600xi32, #tpu.memory_space<vmem>>, vector<16xi32>,
    tpu.vector_store %arg8[%swap3A_896], %gather3A_895 {strides = array<i32>} : memref<1600xi32, #tpu.memory_space<vmem>>, vector<16xi32>,
    %add3A_898 = arith.constant 92 : i32
    %add3A_899 = vector.broadcast %add3A_898 : i32 to vector<16xi32>
    %add3A_900 = arith.addi %add3A_13, %add3A_899 : vector<16xi32>
    %gather3A_901 = tpu.vector_load_idx %arg6[%add3A_900] : memref<1600xi32, #tpu.memory_space<vmem>>[vector<16xi32>], vector<16xi32>,
    %swap3A_902 = arith.constant 736 : index
    %swap3A_903 = tpu.vector_load %arg8[%swap3A_902] {strides = array<i32>} : memref<1600xi32, #tpu.memory_space<vmem>>, vector<16xi32>,
    tpu.vector_store %arg8[%swap3A_902], %gather3A_901 {strides = array<i32>} : memref<1600xi32, #tpu.memory_space<vmem>>, vector<16xi32>,
    %add3A_904 = arith.constant 892 : i32
    %add3A_905 = vector.broadcast %add3A_904 : i32 to vector<16xi32>
    %add3A_906 = arith.addi %add3A_13, %add3A_905 : vector<16xi32>
    %gather3A_907 = tpu.vector_load_idx %arg6[%add3A_906] : memref<1600xi32, #tpu.memory_space<vmem>>[vector<16xi32>], vector<16xi32>,
    %swap3A_908 = arith.constant 752 : index
    %swap3A_909 = tpu.vector_load %arg8[%swap3A_908] {strides = array<i32>} : memref<1600xi32, #tpu.memory_space<vmem>>, vector<16xi32>,
    tpu.vector_store %arg8[%swap3A_908], %gather3A_907 {strides = array<i32>} : memref<1600xi32, #tpu.memory_space<vmem>>, vector<16xi32>,
    %add3A_910 = arith.constant 96 : i32
    %add3A_911 = vector.broadcast %add3A_910 : i32 to vector<16xi32>
    %add3A_912 = arith.addi %add3A_13, %add3A_911 : vector<16xi32>
    %gather3A_913 = tpu.vector_load_idx %arg6[%add3A_912] : memref<1600xi32, #tpu.memory_space<vmem>>[vector<16xi32>], vector<16xi32>,
    %swap3A_914 = arith.constant 768 : index
    %swap3A_915 = tpu.vector_load %arg8[%swap3A_914] {strides = array<i32>} : memref<1600xi32, #tpu.memory_space<vmem>>, vector<16xi32>,
    tpu.vector_store %arg8[%swap3A_914], %gather3A_913 {strides = array<i32>} : memref<1600xi32, #tpu.memory_space<vmem>>, vector<16xi32>,
    %add3A_916 = arith.constant 896 : i32
    %add3A_917 = vector.broadcast %add3A_916 : i32 to vector<16xi32>
    %add3A_918 = arith.addi %add3A_13, %add3A_917 : vector<16xi32>
    %gather3A_919 = tpu.vector_load_idx %arg6[%add3A_918] : memref<1600xi32, #tpu.memory_space<vmem>>[vector<16xi32>], vector<16xi32>,
    %swap3A_920 = arith.constant 784 : index
    %swap3A_921 = tpu.vector_load %arg8[%swap3A_920] {strides = array<i32>} : memref<1600xi32, #tpu.memory_space<vmem>>, vector<16xi32>,
    tpu.vector_store %arg8[%swap3A_920], %gather3A_919 {strides = array<i32>} : memref<1600xi32, #tpu.memory_space<vmem>>, vector<16xi32>,
    %add3A_922 = arith.constant 100 : i32
    %add3A_923 = vector.broadcast %add3A_922 : i32 to vector<16xi32>
    %add3A_924 = arith.addi %add3A_13, %add3A_923 : vector<16xi32>
    %gather3A_925 = tpu.vector_load_idx %arg6[%add3A_924] : memref<1600xi32, #tpu.memory_space<vmem>>[vector<16xi32>], vector<16xi32>,
    %swap3A_926 = arith.constant 800 : index
    %swap3A_927 = tpu.vector_load %arg8[%swap3A_926] {strides = array<i32>} : memref<1600xi32, #tpu.memory_space<vmem>>, vector<16xi32>,
    tpu.vector_store %arg8[%swap3A_926], %gather3A_925 {strides = array<i32>} : memref<1600xi32, #tpu.memory_space<vmem>>, vector<16xi32>,
    %add3A_928 = arith.constant 900 : i32
    %add3A_929 = vector.broadcast %add3A_928 : i32 to vector<16xi32>
    %add3A_930 = arith.addi %add3A_13, %add3A_929 : vector<16xi32>
    %gather3A_931 = tpu.vector_load_idx %arg6[%add3A_930] : memref<1600xi32, #tpu.memory_space<vmem>>[vector<16xi32>], vector<16xi32>,
    %swap3A_932 = arith.constant 816 : index
    %swap3A_933 = tpu.vector_load %arg8[%swap3A_932] {strides = array<i32>} : memref<1600xi32, #tpu.memory_space<vmem>>, vector<16xi32>,
    tpu.vector_store %arg8[%swap3A_932], %gather3A_931 {strides = array<i32>} : memref<1600xi32, #tpu.memory_space<vmem>>, vector<16xi32>,
    %add3A_934 = arith.constant 104 : i32
    %add3A_935 = vector.broadcast %add3A_934 : i32 to vector<16xi32>
    %add3A_936 = arith.addi %add3A_13, %add3A_935 : vector<16xi32>
    %gather3A_937 = tpu.vector_load_idx %arg6[%add3A_936] : memref<1600xi32, #tpu.memory_space<vmem>>[vector<16xi32>], vector<16xi32>,
    %swap3A_938 = arith.constant 832 : index
    %swap3A_939 = tpu.vector_load %arg8[%swap3A_938] {strides = array<i32>} : memref<1600xi32, #tpu.memory_space<vmem>>, vector<16xi32>,
    tpu.vector_store %arg8[%swap3A_938], %gather3A_937 {strides = array<i32>} : memref<1600xi32, #tpu.memory_space<vmem>>, vector<16xi32>,
    %add3A_940 = arith.constant 904 : i32
    %add3A_941 = vector.broadcast %add3A_940 : i32 to vector<16xi32>
    %add3A_942 = arith.addi %add3A_13, %add3A_941 : vector<16xi32>
    %gather3A_943 = tpu.vector_load_idx %arg6[%add3A_942] : memref<1600xi32, #tpu.memory_space<vmem>>[vector<16xi32>], vector<16xi32>,
    %swap3A_944 = arith.constant 848 : index
    %swap3A_945 = tpu.vector_load %arg8[%swap3A_944] {strides = array<i32>} : memref<1600xi32, #tpu.memory_space<vmem>>, vector<16xi32>,
    tpu.vector_store %arg8[%swap3A_944], %gather3A_943 {strides = array<i32>} : memref<1600xi32, #tpu.memory_space<vmem>>, vector<16xi32>,
    %add3A_946 = arith.constant 108 : i32
    %add3A_947 = vector.broadcast %add3A_946 : i32 to vector<16xi32>
    %add3A_948 = arith.addi %add3A_13, %add3A_947 : vector<16xi32>
    %gather3A_949 = tpu.vector_load_idx %arg6[%add3A_948] : memref<1600xi32, #tpu.memory_space<vmem>>[vector<16xi32>], vector<16xi32>,
    %swap3A_950 = arith.constant 864 : index
    %swap3A_951 = tpu.vector_load %arg8[%swap3A_950] {strides = array<i32>} : memref<1600xi32, #tpu.memory_space<vmem>>, vector<16xi32>,
    tpu.vector_store %arg8[%swap3A_950], %gather3A_949 {strides = array<i32>} : memref<1600xi32, #tpu.memory_space<vmem>>, vector<16xi32>,
    %add3A_952 = arith.constant 908 : i32
    %add3A_953 = vector.broadcast %add3A_952 : i32 to vector<16xi32>
    %add3A_954 = arith.addi %add3A_13, %add3A_953 : vector<16xi32>
    %gather3A_955 = tpu.vector_load_idx %arg6[%add3A_954] : memref<1600xi32, #tpu.memory_space<vmem>>[vector<16xi32>], vector<16xi32>,
    %swap3A_956 = arith.constant 880 : index
    %swap3A_957 = tpu.vector_load %arg8[%swap3A_956] {strides = array<i32>} : memref<1600xi32, #tpu.memory_space<vmem>>, vector<16xi32>,
    tpu.vector_store %arg8[%swap3A_956], %gather3A_955 {strides = array<i32>} : memref<1600xi32, #tpu.memory_space<vmem>>, vector<16xi32>,
    %add3A_958 = arith.constant 112 : i32
    %add3A_959 = vector.broadcast %add3A_958 : i32 to vector<16xi32>
    %add3A_960 = arith.addi %add3A_13, %add3A_959 : vector<16xi32>
    %gather3A_961 = tpu.vector_load_idx %arg6[%add3A_960] : memref<1600xi32, #tpu.memory_space<vmem>>[vector<16xi32>], vector<16xi32>,
    %swap3A_962 = arith.constant 896 : index
    %swap3A_963 = tpu.vector_load %arg8[%swap3A_962] {strides = array<i32>} : memref<1600xi32, #tpu.memory_space<vmem>>, vector<16xi32>,
    tpu.vector_store %arg8[%swap3A_962], %gather3A_961 {strides = array<i32>} : memref<1600xi32, #tpu.memory_space<vmem>>, vector<16xi32>,
    %add3A_964 = arith.constant 912 : i32
    %add3A_965 = vector.broadcast %add3A_964 : i32 to vector<16xi32>
    %add3A_966 = arith.addi %add3A_13, %add3A_965 : vector<16xi32>
    %gather3A_967 = tpu.vector_load_idx %arg6[%add3A_966] : memref<1600xi32, #tpu.memory_space<vmem>>[vector<16xi32>], vector<16xi32>,
    %swap3A_968 = arith.constant 912 : index
    %swap3A_969 = tpu.vector_load %arg8[%swap3A_968] {strides = array<i32>} : memref<1600xi32, #tpu.memory_space<vmem>>, vector<16xi32>,
    tpu.vector_store %arg8[%swap3A_968], %gather3A_967 {strides = array<i32>} : memref<1600xi32, #tpu.memory_space<vmem>>, vector<16xi32>,
    %add3A_970 = arith.constant 116 : i32
    %add3A_971 = vector.broadcast %add3A_970 : i32 to vector<16xi32>
    %add3A_972 = arith.addi %add3A_13, %add3A_971 : vector<16xi32>
    %gather3A_973 = tpu.vector_load_idx %arg6[%add3A_972] : memref<1600xi32, #tpu.memory_space<vmem>>[vector<16xi32>], vector<16xi32>,
    %swap3A_974 = arith.constant 928 : index
    %swap3A_975 = tpu.vector_load %arg8[%swap3A_974] {strides = array<i32>} : memref<1600xi32, #tpu.memory_space<vmem>>, vector<16xi32>,
    tpu.vector_store %arg8[%swap3A_974], %gather3A_973 {strides = array<i32>} : memref<1600xi32, #tpu.memory_space<vmem>>, vector<16xi32>,
    %add3A_976 = arith.constant 916 : i32
    %add3A_977 = vector.broadcast %add3A_976 : i32 to vector<16xi32>
    %add3A_978 = arith.addi %add3A_13, %add3A_977 : vector<16xi32>
    %gather3A_979 = tpu.vector_load_idx %arg6[%add3A_978] : memref<1600xi32, #tpu.memory_space<vmem>>[vector<16xi32>], vector<16xi32>,
    %swap3A_980 = arith.constant 944 : index
    %swap3A_981 = tpu.vector_load %arg8[%swap3A_980] {strides = array<i32>} : memref<1600xi32, #tpu.memory_space<vmem>>, vector<16xi32>,
    tpu.vector_store %arg8[%swap3A_980], %gather3A_979 {strides = array<i32>} : memref<1600xi32, #tpu.memory_space<vmem>>, vector<16xi32>,
    %add3A_982 = arith.constant 120 : i32
    %add3A_983 = vector.broadcast %add3A_982 : i32 to vector<16xi32>
    %add3A_984 = arith.addi %add3A_13, %add3A_983 : vector<16xi32>
    %gather3A_985 = tpu.vector_load_idx %arg6[%add3A_984] : memref<1600xi32, #tpu.memory_space<vmem>>[vector<16xi32>], vector<16xi32>,
    %swap3A_986 = arith.constant 960 : index
    %swap3A_987 = tpu.vector_load %arg8[%swap3A_986] {strides = array<i32>} : memref<1600xi32, #tpu.memory_space<vmem>>, vector<16xi32>,
    tpu.vector_store %arg8[%swap3A_986], %gather3A_985 {strides = array<i32>} : memref<1600xi32, #tpu.memory_space<vmem>>, vector<16xi32>,
    %add3A_988 = arith.constant 920 : i32
    %add3A_989 = vector.broadcast %add3A_988 : i32 to vector<16xi32>
    %add3A_990 = arith.addi %add3A_13, %add3A_989 : vector<16xi32>
    %gather3A_991 = tpu.vector_load_idx %arg6[%add3A_990] : memref<1600xi32, #tpu.memory_space<vmem>>[vector<16xi32>], vector<16xi32>,
    %swap3A_992 = arith.constant 976 : index
    %swap3A_993 = tpu.vector_load %arg8[%swap3A_992] {strides = array<i32>} : memref<1600xi32, #tpu.memory_space<vmem>>, vector<16xi32>,
    tpu.vector_store %arg8[%swap3A_992], %gather3A_991 {strides = array<i32>} : memref<1600xi32, #tpu.memory_space<vmem>>, vector<16xi32>,
    %add3A_994 = arith.constant 124 : i32
    %add3A_995 = vector.broadcast %add3A_994 : i32 to vector<16xi32>
    %add3A_996 = arith.addi %add3A_13, %add3A_995 : vector<16xi32>
    %gather3A_997 = tpu.vector_load_idx %arg6[%add3A_996] : memref<1600xi32, #tpu.memory_space<vmem>>[vector<16xi32>], vector<16xi32>,
    %swap3A_998 = arith.constant 992 : index
    %swap3A_999 = tpu.vector_load %arg8[%swap3A_998] {strides = array<i32>} : memref<1600xi32, #tpu.memory_space<vmem>>, vector<16xi32>,
    tpu.vector_store %arg8[%swap3A_998], %gather3A_997 {strides = array<i32>} : memref<1600xi32, #tpu.memory_space<vmem>>, vector<16xi32>,
    %add3A_1000 = arith.constant 924 : i32
    %add3A_1001 = vector.broadcast %add3A_1000 : i32 to vector<16xi32>
    %add3A_1002 = arith.addi %add3A_13, %add3A_1001 : vector<16xi32>
    %gather3A_1003 = tpu.vector_load_idx %arg6[%add3A_1002] : memref<1600xi32, #tpu.memory_space<vmem>>[vector<16xi32>], vector<16xi32>,
    %swap3A_1004 = arith.constant 1008 : index
    %swap3A_1005 = tpu.vector_load %arg8[%swap3A_1004] {strides = array<i32>} : memref<1600xi32, #tpu.memory_space<vmem>>, vector<16xi32>,
    tpu.vector_store %arg8[%swap3A_1004], %gather3A_1003 {strides = array<i32>} : memref<1600xi32, #tpu.memory_space<vmem>>, vector<16xi32>,
    %add3A_1006 = arith.constant 128 : i32
    %add3A_1007 = vector.broadcast %add3A_1006 : i32 to vector<16xi32>
    %add3A_1008 = arith.addi %add3A_13, %add3A_1007 : vector<16xi32>
    %gather3A_1009 = tpu.vector_load_idx %arg6[%add3A_1008] : memref<1600xi32, #tpu.memory_space<vmem>>[vector<16xi32>], vector<16xi32>,
    %swap3A_1010 = arith.constant 1024 : index
    %swap3A_1011 = tpu.vector_load %arg8[%swap3A_1010] {strides = array<i32>} : memref<1600xi32, #tpu.memory_space<vmem>>, vector<16xi32>,
    tpu.vector_store %arg8[%swap3A_1010], %gather3A_1009 {strides = array<i32>} : memref<1600xi32, #tpu.memory_space<vmem>>, vector<16xi32>,
    %add3A_1012 = arith.constant 928 : i32
    %add3A_1013 = vector.broadcast %add3A_1012 : i32 to vector<16xi32>
    %add3A_1014 = arith.addi %add3A_13, %add3A_1013 : vector<16xi32>
    %gather3A_1015 = tpu.vector_load_idx %arg6[%add3A_1014] : memref<1600xi32, #tpu.memory_space<vmem>>[vector<16xi32>], vector<16xi32>,
    %swap3A_1016 = arith.constant 1040 : index
    %swap3A_1017 = tpu.vector_load %arg8[%swap3A_1016] {strides = array<i32>} : memref<1600xi32, #tpu.memory_space<vmem>>, vector<16xi32>,
    tpu.vector_store %arg8[%swap3A_1016], %gather3A_1015 {strides = array<i32>} : memref<1600xi32, #tpu.memory_space<vmem>>, vector<16xi32>,
    %add3A_1018 = arith.constant 132 : i32
    %add3A_1019 = vector.broadcast %add3A_1018 : i32 to vector<16xi32>
    %add3A_1020 = arith.addi %add3A_13, %add3A_1019 : vector<16xi32>
    %gather3A_1021 = tpu.vector_load_idx %arg6[%add3A_1020] : memref<1600xi32, #tpu.memory_space<vmem>>[vector<16xi32>], vector<16xi32>,
    %swap3A_1022 = arith.constant 1056 : index
    %swap3A_1023 = tpu.vector_load %arg8[%swap3A_1022] {strides = array<i32>} : memref<1600xi32, #tpu.memory_space<vmem>>, vector<16xi32>,
    tpu.vector_store %arg8[%swap3A_1022], %gather3A_1021 {strides = array<i32>} : memref<1600xi32, #tpu.memory_space<vmem>>, vector<16xi32>,
    %add3A_1024 = arith.constant 932 : i32
    %add3A_1025 = vector.broadcast %add3A_1024 : i32 to vector<16xi32>
    %add3A_1026 = arith.addi %add3A_13, %add3A_1025 : vector<16xi32>
    %gather3A_1027 = tpu.vector_load_idx %arg6[%add3A_1026] : memref<1600xi32, #tpu.memory_space<vmem>>[vector<16xi32>], vector<16xi32>,
    %swap3A_1028 = arith.constant 1072 : index
    %swap3A_1029 = tpu.vector_load %arg8[%swap3A_1028] {strides = array<i32>} : memref<1600xi32, #tpu.memory_space<vmem>>, vector<16xi32>,
    tpu.vector_store %arg8[%swap3A_1028], %gather3A_1027 {strides = array<i32>} : memref<1600xi32, #tpu.memory_space<vmem>>, vector<16xi32>,
    %add3A_1030 = arith.constant 136 : i32
    %add3A_1031 = vector.broadcast %add3A_1030 : i32 to vector<16xi32>
    %add3A_1032 = arith.addi %add3A_13, %add3A_1031 : vector<16xi32>
    %gather3A_1033 = tpu.vector_load_idx %arg6[%add3A_1032] : memref<1600xi32, #tpu.memory_space<vmem>>[vector<16xi32>], vector<16xi32>,
    %swap3A_1034 = arith.constant 1088 : index
    %swap3A_1035 = tpu.vector_load %arg8[%swap3A_1034] {strides = array<i32>} : memref<1600xi32, #tpu.memory_space<vmem>>, vector<16xi32>,
    tpu.vector_store %arg8[%swap3A_1034], %gather3A_1033 {strides = array<i32>} : memref<1600xi32, #tpu.memory_space<vmem>>, vector<16xi32>,
    %add3A_1036 = arith.constant 936 : i32
    %add3A_1037 = vector.broadcast %add3A_1036 : i32 to vector<16xi32>
    %add3A_1038 = arith.addi %add3A_13, %add3A_1037 : vector<16xi32>
    %gather3A_1039 = tpu.vector_load_idx %arg6[%add3A_1038] : memref<1600xi32, #tpu.memory_space<vmem>>[vector<16xi32>], vector<16xi32>,
    %swap3A_1040 = arith.constant 1104 : index
    %swap3A_1041 = tpu.vector_load %arg8[%swap3A_1040] {strides = array<i32>} : memref<1600xi32, #tpu.memory_space<vmem>>, vector<16xi32>,
    tpu.vector_store %arg8[%swap3A_1040], %gather3A_1039 {strides = array<i32>} : memref<1600xi32, #tpu.memory_space<vmem>>, vector<16xi32>,
    %add3A_1042 = arith.constant 140 : i32
    %add3A_1043 = vector.broadcast %add3A_1042 : i32 to vector<16xi32>
    %add3A_1044 = arith.addi %add3A_13, %add3A_1043 : vector<16xi32>
    %gather3A_1045 = tpu.vector_load_idx %arg6[%add3A_1044] : memref<1600xi32, #tpu.memory_space<vmem>>[vector<16xi32>], vector<16xi32>,
    %swap3A_1046 = arith.constant 1120 : index
    %swap3A_1047 = tpu.vector_load %arg8[%swap3A_1046] {strides = array<i32>} : memref<1600xi32, #tpu.memory_space<vmem>>, vector<16xi32>,
    tpu.vector_store %arg8[%swap3A_1046], %gather3A_1045 {strides = array<i32>} : memref<1600xi32, #tpu.memory_space<vmem>>, vector<16xi32>,
    %add3A_1048 = arith.constant 940 : i32
    %add3A_1049 = vector.broadcast %add3A_1048 : i32 to vector<16xi32>
    %add3A_1050 = arith.addi %add3A_13, %add3A_1049 : vector<16xi32>
    %gather3A_1051 = tpu.vector_load_idx %arg6[%add3A_1050] : memref<1600xi32, #tpu.memory_space<vmem>>[vector<16xi32>], vector<16xi32>,
    %swap3A_1052 = arith.constant 1136 : index
    %swap3A_1053 = tpu.vector_load %arg8[%swap3A_1052] {strides = array<i32>} : memref<1600xi32, #tpu.memory_space<vmem>>, vector<16xi32>,
    tpu.vector_store %arg8[%swap3A_1052], %gather3A_1051 {strides = array<i32>} : memref<1600xi32, #tpu.memory_space<vmem>>, vector<16xi32>,
    %add3A_1054 = arith.constant 144 : i32
    %add3A_1055 = vector.broadcast %add3A_1054 : i32 to vector<16xi32>
    %add3A_1056 = arith.addi %add3A_13, %add3A_1055 : vector<16xi32>
    %gather3A_1057 = tpu.vector_load_idx %arg6[%add3A_1056] : memref<1600xi32, #tpu.memory_space<vmem>>[vector<16xi32>], vector<16xi32>,
    %swap3A_1058 = arith.constant 1152 : index
    %swap3A_1059 = tpu.vector_load %arg8[%swap3A_1058] {strides = array<i32>} : memref<1600xi32, #tpu.memory_space<vmem>>, vector<16xi32>,
    tpu.vector_store %arg8[%swap3A_1058], %gather3A_1057 {strides = array<i32>} : memref<1600xi32, #tpu.memory_space<vmem>>, vector<16xi32>,
    %add3A_1060 = arith.constant 944 : i32
    %add3A_1061 = vector.broadcast %add3A_1060 : i32 to vector<16xi32>
    %add3A_1062 = arith.addi %add3A_13, %add3A_1061 : vector<16xi32>
    %gather3A_1063 = tpu.vector_load_idx %arg6[%add3A_1062] : memref<1600xi32, #tpu.memory_space<vmem>>[vector<16xi32>], vector<16xi32>,
    %swap3A_1064 = arith.constant 1168 : index
    %swap3A_1065 = tpu.vector_load %arg8[%swap3A_1064] {strides = array<i32>} : memref<1600xi32, #tpu.memory_space<vmem>>, vector<16xi32>,
    tpu.vector_store %arg8[%swap3A_1064], %gather3A_1063 {strides = array<i32>} : memref<1600xi32, #tpu.memory_space<vmem>>, vector<16xi32>,
    %add3A_1066 = arith.constant 148 : i32
    %add3A_1067 = vector.broadcast %add3A_1066 : i32 to vector<16xi32>
    %add3A_1068 = arith.addi %add3A_13, %add3A_1067 : vector<16xi32>
    %gather3A_1069 = tpu.vector_load_idx %arg6[%add3A_1068] : memref<1600xi32, #tpu.memory_space<vmem>>[vector<16xi32>], vector<16xi32>,
    %swap3A_1070 = arith.constant 1184 : index
    %swap3A_1071 = tpu.vector_load %arg8[%swap3A_1070] {strides = array<i32>} : memref<1600xi32, #tpu.memory_space<vmem>>, vector<16xi32>,
    tpu.vector_store %arg8[%swap3A_1070], %gather3A_1069 {strides = array<i32>} : memref<1600xi32, #tpu.memory_space<vmem>>, vector<16xi32>,
    %add3A_1072 = arith.constant 948 : i32
    %add3A_1073 = vector.broadcast %add3A_1072 : i32 to vector<16xi32>
    %add3A_1074 = arith.addi %add3A_13, %add3A_1073 : vector<16xi32>
    %gather3A_1075 = tpu.vector_load_idx %arg6[%add3A_1074] : memref<1600xi32, #tpu.memory_space<vmem>>[vector<16xi32>], vector<16xi32>,
    %swap3A_1076 = arith.constant 1200 : index
    %swap3A_1077 = tpu.vector_load %arg8[%swap3A_1076] {strides = array<i32>} : memref<1600xi32, #tpu.memory_space<vmem>>, vector<16xi32>,
    tpu.vector_store %arg8[%swap3A_1076], %gather3A_1075 {strides = array<i32>} : memref<1600xi32, #tpu.memory_space<vmem>>, vector<16xi32>,
    %add3A_1078 = arith.constant 152 : i32
    %add3A_1079 = vector.broadcast %add3A_1078 : i32 to vector<16xi32>
    %add3A_1080 = arith.addi %add3A_13, %add3A_1079 : vector<16xi32>
    %gather3A_1081 = tpu.vector_load_idx %arg6[%add3A_1080] : memref<1600xi32, #tpu.memory_space<vmem>>[vector<16xi32>], vector<16xi32>,
    %swap3A_1082 = arith.constant 1216 : index
    %swap3A_1083 = tpu.vector_load %arg8[%swap3A_1082] {strides = array<i32>} : memref<1600xi32, #tpu.memory_space<vmem>>, vector<16xi32>,
    tpu.vector_store %arg8[%swap3A_1082], %gather3A_1081 {strides = array<i32>} : memref<1600xi32, #tpu.memory_space<vmem>>, vector<16xi32>,
    %add3A_1084 = arith.constant 952 : i32
    %add3A_1085 = vector.broadcast %add3A_1084 : i32 to vector<16xi32>
    %add3A_1086 = arith.addi %add3A_13, %add3A_1085 : vector<16xi32>
    %gather3A_1087 = tpu.vector_load_idx %arg6[%add3A_1086] : memref<1600xi32, #tpu.memory_space<vmem>>[vector<16xi32>], vector<16xi32>,
    %swap3A_1088 = arith.constant 1232 : index
    %swap3A_1089 = tpu.vector_load %arg8[%swap3A_1088] {strides = array<i32>} : memref<1600xi32, #tpu.memory_space<vmem>>, vector<16xi32>,
    tpu.vector_store %arg8[%swap3A_1088], %gather3A_1087 {strides = array<i32>} : memref<1600xi32, #tpu.memory_space<vmem>>, vector<16xi32>,
    %add3A_1090 = arith.constant 156 : i32
    %add3A_1091 = vector.broadcast %add3A_1090 : i32 to vector<16xi32>
    %add3A_1092 = arith.addi %add3A_13, %add3A_1091 : vector<16xi32>
    %gather3A_1093 = tpu.vector_load_idx %arg6[%add3A_1092] : memref<1600xi32, #tpu.memory_space<vmem>>[vector<16xi32>], vector<16xi32>,
    %swap3A_1094 = arith.constant 1248 : index
    %swap3A_1095 = tpu.vector_load %arg8[%swap3A_1094] {strides = array<i32>} : memref<1600xi32, #tpu.memory_space<vmem>>, vector<16xi32>,
    tpu.vector_store %arg8[%swap3A_1094], %gather3A_1093 {strides = array<i32>} : memref<1600xi32, #tpu.memory_space<vmem>>, vector<16xi32>,
    %add3A_1096 = arith.constant 956 : i32
    %add3A_1097 = vector.broadcast %add3A_1096 : i32 to vector<16xi32>
    %add3A_1098 = arith.addi %add3A_13, %add3A_1097 : vector<16xi32>
    %gather3A_1099 = tpu.vector_load_idx %arg6[%add3A_1098] : memref<1600xi32, #tpu.memory_space<vmem>>[vector<16xi32>], vector<16xi32>,
    %swap3A_1100 = arith.constant 1264 : index
    %swap3A_1101 = tpu.vector_load %arg8[%swap3A_1100] {strides = array<i32>} : memref<1600xi32, #tpu.memory_space<vmem>>, vector<16xi32>,
    tpu.vector_store %arg8[%swap3A_1100], %gather3A_1099 {strides = array<i32>} : memref<1600xi32, #tpu.memory_space<vmem>>, vector<16xi32>,
    %add3A_1102 = arith.constant 160 : i32
    %add3A_1103 = vector.broadcast %add3A_1102 : i32 to vector<16xi32>
    %add3A_1104 = arith.addi %add3A_13, %add3A_1103 : vector<16xi32>
    %gather3A_1105 = tpu.vector_load_idx %arg6[%add3A_1104] : memref<1600xi32, #tpu.memory_space<vmem>>[vector<16xi32>], vector<16xi32>,
    %swap3A_1106 = arith.constant 1280 : index
    %swap3A_1107 = tpu.vector_load %arg8[%swap3A_1106] {strides = array<i32>} : memref<1600xi32, #tpu.memory_space<vmem>>, vector<16xi32>,
    tpu.vector_store %arg8[%swap3A_1106], %gather3A_1105 {strides = array<i32>} : memref<1600xi32, #tpu.memory_space<vmem>>, vector<16xi32>,
    %add3A_1108 = arith.constant 960 : i32
    %add3A_1109 = vector.broadcast %add3A_1108 : i32 to vector<16xi32>
    %add3A_1110 = arith.addi %add3A_13, %add3A_1109 : vector<16xi32>
    %gather3A_1111 = tpu.vector_load_idx %arg6[%add3A_1110] : memref<1600xi32, #tpu.memory_space<vmem>>[vector<16xi32>], vector<16xi32>,
    %swap3A_1112 = arith.constant 1296 : index
    %swap3A_1113 = tpu.vector_load %arg8[%swap3A_1112] {strides = array<i32>} : memref<1600xi32, #tpu.memory_space<vmem>>, vector<16xi32>,
    tpu.vector_store %arg8[%swap3A_1112], %gather3A_1111 {strides = array<i32>} : memref<1600xi32, #tpu.memory_space<vmem>>, vector<16xi32>,
    %add3A_1114 = arith.constant 164 : i32
    %add3A_1115 = vector.broadcast %add3A_1114 : i32 to vector<16xi32>
    %add3A_1116 = arith.addi %add3A_13, %add3A_1115 : vector<16xi32>
    %gather3A_1117 = tpu.vector_load_idx %arg6[%add3A_1116] : memref<1600xi32, #tpu.memory_space<vmem>>[vector<16xi32>], vector<16xi32>,
    %swap3A_1118 = arith.constant 1312 : index
    %swap3A_1119 = tpu.vector_load %arg8[%swap3A_1118] {strides = array<i32>} : memref<1600xi32, #tpu.memory_space<vmem>>, vector<16xi32>,
    tpu.vector_store %arg8[%swap3A_1118], %gather3A_1117 {strides = array<i32>} : memref<1600xi32, #tpu.memory_space<vmem>>, vector<16xi32>,
    %add3A_1120 = arith.constant 964 : i32
    %add3A_1121 = vector.broadcast %add3A_1120 : i32 to vector<16xi32>
    %add3A_1122 = arith.addi %add3A_13, %add3A_1121 : vector<16xi32>
    %gather3A_1123 = tpu.vector_load_idx %arg6[%add3A_1122] : memref<1600xi32, #tpu.memory_space<vmem>>[vector<16xi32>], vector<16xi32>,
    %swap3A_1124 = arith.constant 1328 : index
    %swap3A_1125 = tpu.vector_load %arg8[%swap3A_1124] {strides = array<i32>} : memref<1600xi32, #tpu.memory_space<vmem>>, vector<16xi32>,
    tpu.vector_store %arg8[%swap3A_1124], %gather3A_1123 {strides = array<i32>} : memref<1600xi32, #tpu.memory_space<vmem>>, vector<16xi32>,
    %add3A_1126 = arith.constant 168 : i32
    %add3A_1127 = vector.broadcast %add3A_1126 : i32 to vector<16xi32>
    %add3A_1128 = arith.addi %add3A_13, %add3A_1127 : vector<16xi32>
    %gather3A_1129 = tpu.vector_load_idx %arg6[%add3A_1128] : memref<1600xi32, #tpu.memory_space<vmem>>[vector<16xi32>], vector<16xi32>,
    %swap3A_1130 = arith.constant 1344 : index
    %swap3A_1131 = tpu.vector_load %arg8[%swap3A_1130] {strides = array<i32>} : memref<1600xi32, #tpu.memory_space<vmem>>, vector<16xi32>,
    tpu.vector_store %arg8[%swap3A_1130], %gather3A_1129 {strides = array<i32>} : memref<1600xi32, #tpu.memory_space<vmem>>, vector<16xi32>,
    %add3A_1132 = arith.constant 968 : i32
    %add3A_1133 = vector.broadcast %add3A_1132 : i32 to vector<16xi32>
    %add3A_1134 = arith.addi %add3A_13, %add3A_1133 : vector<16xi32>
    %gather3A_1135 = tpu.vector_load_idx %arg6[%add3A_1134] : memref<1600xi32, #tpu.memory_space<vmem>>[vector<16xi32>], vector<16xi32>,
    %swap3A_1136 = arith.constant 1360 : index
    %swap3A_1137 = tpu.vector_load %arg8[%swap3A_1136] {strides = array<i32>} : memref<1600xi32, #tpu.memory_space<vmem>>, vector<16xi32>,
    tpu.vector_store %arg8[%swap3A_1136], %gather3A_1135 {strides = array<i32>} : memref<1600xi32, #tpu.memory_space<vmem>>, vector<16xi32>,
    %add3A_1138 = arith.constant 172 : i32
    %add3A_1139 = vector.broadcast %add3A_1138 : i32 to vector<16xi32>
    %add3A_1140 = arith.addi %add3A_13, %add3A_1139 : vector<16xi32>
    %gather3A_1141 = tpu.vector_load_idx %arg6[%add3A_1140] : memref<1600xi32, #tpu.memory_space<vmem>>[vector<16xi32>], vector<16xi32>,
    %swap3A_1142 = arith.constant 1376 : index
    %swap3A_1143 = tpu.vector_load %arg8[%swap3A_1142] {strides = array<i32>} : memref<1600xi32, #tpu.memory_space<vmem>>, vector<16xi32>,
    tpu.vector_store %arg8[%swap3A_1142], %gather3A_1141 {strides = array<i32>} : memref<1600xi32, #tpu.memory_space<vmem>>, vector<16xi32>,
    %add3A_1144 = arith.constant 972 : i32
    %add3A_1145 = vector.broadcast %add3A_1144 : i32 to vector<16xi32>
    %add3A_1146 = arith.addi %add3A_13, %add3A_1145 : vector<16xi32>
    %gather3A_1147 = tpu.vector_load_idx %arg6[%add3A_1146] : memref<1600xi32, #tpu.memory_space<vmem>>[vector<16xi32>], vector<16xi32>,
    %swap3A_1148 = arith.constant 1392 : index
    %swap3A_1149 = tpu.vector_load %arg8[%swap3A_1148] {strides = array<i32>} : memref<1600xi32, #tpu.memory_space<vmem>>, vector<16xi32>,
    tpu.vector_store %arg8[%swap3A_1148], %gather3A_1147 {strides = array<i32>} : memref<1600xi32, #tpu.memory_space<vmem>>, vector<16xi32>,
    %add3A_1150 = arith.constant 176 : i32
    %add3A_1151 = vector.broadcast %add3A_1150 : i32 to vector<16xi32>
    %add3A_1152 = arith.addi %add3A_13, %add3A_1151 : vector<16xi32>
    %gather3A_1153 = tpu.vector_load_idx %arg6[%add3A_1152] : memref<1600xi32, #tpu.memory_space<vmem>>[vector<16xi32>], vector<16xi32>,
    %swap3A_1154 = arith.constant 1408 : index
    %swap3A_1155 = tpu.vector_load %arg8[%swap3A_1154] {strides = array<i32>} : memref<1600xi32, #tpu.memory_space<vmem>>, vector<16xi32>,
    tpu.vector_store %arg8[%swap3A_1154], %gather3A_1153 {strides = array<i32>} : memref<1600xi32, #tpu.memory_space<vmem>>, vector<16xi32>,
    %add3A_1156 = arith.constant 976 : i32
    %add3A_1157 = vector.broadcast %add3A_1156 : i32 to vector<16xi32>
    %add3A_1158 = arith.addi %add3A_13, %add3A_1157 : vector<16xi32>
    %gather3A_1159 = tpu.vector_load_idx %arg6[%add3A_1158] : memref<1600xi32, #tpu.memory_space<vmem>>[vector<16xi32>], vector<16xi32>,
    %swap3A_1160 = arith.constant 1424 : index
    %swap3A_1161 = tpu.vector_load %arg8[%swap3A_1160] {strides = array<i32>} : memref<1600xi32, #tpu.memory_space<vmem>>, vector<16xi32>,
    tpu.vector_store %arg8[%swap3A_1160], %gather3A_1159 {strides = array<i32>} : memref<1600xi32, #tpu.memory_space<vmem>>, vector<16xi32>,
    %add3A_1162 = arith.constant 180 : i32
    %add3A_1163 = vector.broadcast %add3A_1162 : i32 to vector<16xi32>
    %add3A_1164 = arith.addi %add3A_13, %add3A_1163 : vector<16xi32>
    %gather3A_1165 = tpu.vector_load_idx %arg6[%add3A_1164] : memref<1600xi32, #tpu.memory_space<vmem>>[vector<16xi32>], vector<16xi32>,
    %swap3A_1166 = arith.constant 1440 : index
    %swap3A_1167 = tpu.vector_load %arg8[%swap3A_1166] {strides = array<i32>} : memref<1600xi32, #tpu.memory_space<vmem>>, vector<16xi32>,
    tpu.vector_store %arg8[%swap3A_1166], %gather3A_1165 {strides = array<i32>} : memref<1600xi32, #tpu.memory_space<vmem>>, vector<16xi32>,
    %add3A_1168 = arith.constant 980 : i32
    %add3A_1169 = vector.broadcast %add3A_1168 : i32 to vector<16xi32>
    %add3A_1170 = arith.addi %add3A_13, %add3A_1169 : vector<16xi32>
    %gather3A_1171 = tpu.vector_load_idx %arg6[%add3A_1170] : memref<1600xi32, #tpu.memory_space<vmem>>[vector<16xi32>], vector<16xi32>,
    %swap3A_1172 = arith.constant 1456 : index
    %swap3A_1173 = tpu.vector_load %arg8[%swap3A_1172] {strides = array<i32>} : memref<1600xi32, #tpu.memory_space<vmem>>, vector<16xi32>,
    tpu.vector_store %arg8[%swap3A_1172], %gather3A_1171 {strides = array<i32>} : memref<1600xi32, #tpu.memory_space<vmem>>, vector<16xi32>,
    %add3A_1174 = arith.constant 184 : i32
    %add3A_1175 = vector.broadcast %add3A_1174 : i32 to vector<16xi32>
    %add3A_1176 = arith.addi %add3A_13, %add3A_1175 : vector<16xi32>
    %gather3A_1177 = tpu.vector_load_idx %arg6[%add3A_1176] : memref<1600xi32, #tpu.memory_space<vmem>>[vector<16xi32>], vector<16xi32>,
    %swap3A_1178 = arith.constant 1472 : index
    %swap3A_1179 = tpu.vector_load %arg8[%swap3A_1178] {strides = array<i32>} : memref<1600xi32, #tpu.memory_space<vmem>>, vector<16xi32>,
    tpu.vector_store %arg8[%swap3A_1178], %gather3A_1177 {strides = array<i32>} : memref<1600xi32, #tpu.memory_space<vmem>>, vector<16xi32>,
    %add3A_1180 = arith.constant 984 : i32
    %add3A_1181 = vector.broadcast %add3A_1180 : i32 to vector<16xi32>
    %add3A_1182 = arith.addi %add3A_13, %add3A_1181 : vector<16xi32>
    %gather3A_1183 = tpu.vector_load_idx %arg6[%add3A_1182] : memref<1600xi32, #tpu.memory_space<vmem>>[vector<16xi32>], vector<16xi32>,
    %swap3A_1184 = arith.constant 1488 : index
    %swap3A_1185 = tpu.vector_load %arg8[%swap3A_1184] {strides = array<i32>} : memref<1600xi32, #tpu.memory_space<vmem>>, vector<16xi32>,
    tpu.vector_store %arg8[%swap3A_1184], %gather3A_1183 {strides = array<i32>} : memref<1600xi32, #tpu.memory_space<vmem>>, vector<16xi32>,
    %add3A_1186 = arith.constant 188 : i32
    %add3A_1187 = vector.broadcast %add3A_1186 : i32 to vector<16xi32>
    %add3A_1188 = arith.addi %add3A_13, %add3A_1187 : vector<16xi32>
    %gather3A_1189 = tpu.vector_load_idx %arg6[%add3A_1188] : memref<1600xi32, #tpu.memory_space<vmem>>[vector<16xi32>], vector<16xi32>,
    %swap3A_1190 = arith.constant 1504 : index
    %swap3A_1191 = tpu.vector_load %arg8[%swap3A_1190] {strides = array<i32>} : memref<1600xi32, #tpu.memory_space<vmem>>, vector<16xi32>,
    tpu.vector_store %arg8[%swap3A_1190], %gather3A_1189 {strides = array<i32>} : memref<1600xi32, #tpu.memory_space<vmem>>, vector<16xi32>,
    %add3A_1192 = arith.constant 988 : i32
    %add3A_1193 = vector.broadcast %add3A_1192 : i32 to vector<16xi32>
    %add3A_1194 = arith.addi %add3A_13, %add3A_1193 : vector<16xi32>
    %gather3A_1195 = tpu.vector_load_idx %arg6[%add3A_1194] : memref<1600xi32, #tpu.memory_space<vmem>>[vector<16xi32>], vector<16xi32>,
    %swap3A_1196 = arith.constant 1520 : index
    %swap3A_1197 = tpu.vector_load %arg8[%swap3A_1196] {strides = array<i32>} : memref<1600xi32, #tpu.memory_space<vmem>>, vector<16xi32>,
    tpu.vector_store %arg8[%swap3A_1196], %gather3A_1195 {strides = array<i32>} : memref<1600xi32, #tpu.memory_space<vmem>>, vector<16xi32>,
    %add3A_1198 = arith.constant 192 : i32
    %add3A_1199 = vector.broadcast %add3A_1198 : i32 to vector<16xi32>
    %add3A_1200 = arith.addi %add3A_13, %add3A_1199 : vector<16xi32>
    %gather3A_1201 = tpu.vector_load_idx %arg6[%add3A_1200] : memref<1600xi32, #tpu.memory_space<vmem>>[vector<16xi32>], vector<16xi32>,
    %swap3A_1202 = arith.constant 1536 : index
    %swap3A_1203 = tpu.vector_load %arg8[%swap3A_1202] {strides = array<i32>} : memref<1600xi32, #tpu.memory_space<vmem>>, vector<16xi32>,
    tpu.vector_store %arg8[%swap3A_1202], %gather3A_1201 {strides = array<i32>} : memref<1600xi32, #tpu.memory_space<vmem>>, vector<16xi32>,
    %add3A_1204 = arith.constant 992 : i32
    %add3A_1205 = vector.broadcast %add3A_1204 : i32 to vector<16xi32>
    %add3A_1206 = arith.addi %add3A_13, %add3A_1205 : vector<16xi32>
    %gather3A_1207 = tpu.vector_load_idx %arg6[%add3A_1206] : memref<1600xi32, #tpu.memory_space<vmem>>[vector<16xi32>], vector<16xi32>,
    %swap3A_1208 = arith.constant 1552 : index
    %swap3A_1209 = tpu.vector_load %arg8[%swap3A_1208] {strides = array<i32>} : memref<1600xi32, #tpu.memory_space<vmem>>, vector<16xi32>,
    tpu.vector_store %arg8[%swap3A_1208], %gather3A_1207 {strides = array<i32>} : memref<1600xi32, #tpu.memory_space<vmem>>, vector<16xi32>,
    %add3A_1210 = arith.constant 196 : i32
    %add3A_1211 = vector.broadcast %add3A_1210 : i32 to vector<16xi32>
    %add3A_1212 = arith.addi %add3A_13, %add3A_1211 : vector<16xi32>
    %gather3A_1213 = tpu.vector_load_idx %arg6[%add3A_1212] : memref<1600xi32, #tpu.memory_space<vmem>>[vector<16xi32>], vector<16xi32>,
    %swap3A_1214 = arith.constant 1568 : index
    %swap3A_1215 = tpu.vector_load %arg8[%swap3A_1214] {strides = array<i32>} : memref<1600xi32, #tpu.memory_space<vmem>>, vector<16xi32>,
    tpu.vector_store %arg8[%swap3A_1214], %gather3A_1213 {strides = array<i32>} : memref<1600xi32, #tpu.memory_space<vmem>>, vector<16xi32>,
    %add3A_1216 = arith.constant 996 : i32
    %add3A_1217 = vector.broadcast %add3A_1216 : i32 to vector<16xi32>
    %add3A_1218 = arith.addi %add3A_13, %add3A_1217 : vector<16xi32>
    %gather3A_1219 = tpu.vector_load_idx %arg6[%add3A_1218] : memref<1600xi32, #tpu.memory_space<vmem>>[vector<16xi32>], vector<16xi32>,
    %swap3A_1220 = arith.constant 1584 : index
    %swap3A_1221 = tpu.vector_load %arg8[%swap3A_1220] {strides = array<i32>} : memref<1600xi32, #tpu.memory_space<vmem>>, vector<16xi32>,
    tpu.vector_store %arg8[%swap3A_1220], %gather3A_1219 {strides = array<i32>} : memref<1600xi32, #tpu.memory_space<vmem>>, vector<16xi32>,
    %dma_start3A_1222 = arith.constant 0 : i32
    %dma_start3A_1223 = arith.constant 0 : i32
    %dma_start3A_1224 = tpu.memref_slice %arg3[%dma_start3A_1222, %dma_start3A_1223] : memref<1000000x32xf32, #tpu.memory_space<hbm>> -> memref<1000000x32xf32, #tpu.memory_space<hbm>>
    tpu.enqueue_indirect_dma source(%dma_start3A_1224 : memref<1000000x32xf32, #tpu.memory_space<hbm>>) target(%arg10 : memref<1600x32xf32, #tpu.memory_space<vmem>>) offsets(%arg8 : memref<1600xi32, #tpu.memory_space<vmem>>) semaphore(%arg12 : memref<!tpu.dma_semaphore, #tpu.memory_space<semaphore_mem>>)
    %scan3A = arith.constant 0 : i32
    %scan3A_1225 = arith.constant 8 : i32
    %scan3A_1226 = arith.addi %scan3A, %scan3A_1225 : i32
    %scan3A_1227 = arith.constant 1 : i32
    scf.for %scan3A_1236 = %scan3A to %scan3A_1226 step %scan3A_1227  : i32 {
      %mul3A_1237 = arith.constant 2 : i32
      %mul3A_1238 = arith.muli %scan3A_1236, %mul3A_1237 : i32
      %add3A_1239 = arith.constant 0 : i32
      %add3A_1240 = arith.addi %add3A_1239, %mul3A_1238 : i32
      %add3A_1241 = arith.constant 0 : i32
      %add3A_1242 = arith.addi %add3A_1240, %add3A_1241 : i32
      %dma_wait3A_1243 = arith.constant 0 : i32
      %dma_wait3A_1244 = arith.constant 0 : i32
      %dma_wait3A_1245 = tpu.memref_slice %arg3[%dma_wait3A_1243, %dma_wait3A_1244] : memref<1000000x32xf32, #tpu.memory_space<hbm>> -> memref<1000000x32xf32, #tpu.memory_space<hbm>>
      tpu.wait_indirect_dma semaphore(%arg11 : memref<!tpu.dma_semaphore, #tpu.memory_space<semaphore_mem>>) src(%dma_wait3A_1245 : memref<1000000x32xf32, #tpu.memory_space<hbm>>) dst(%arg9 : memref<1600x32xf32, #tpu.memory_space<vmem>>)
      %add3A_1246 = arith.addi %mul3A_2, %add3A_1242 : i32
      %mul3A_1247 = arith.constant 1600 : i32
      %mul3A_1248 = arith.muli %add3A_1246, %mul3A_1247 : i32
      %dma_start3A_1249 = arith.constant 0 : i32
      %dma_start3A_1250 = tpu.memref_slice %arg4[%mul3A_1248, %dma_start3A_1249] : memref<819200x32xf32, #tpu.memory_space<hbm>> -> memref<1600x32xf32, #tpu.memory_space<hbm>>
      %dma_start3A_1251 = arith.constant 0 : i32
      %dma_start3A_1252 = tpu.memref_slice %arg4[%mul3A_1248, %dma_start3A_1251] : memref<819200x32xf32, #tpu.memory_space<hbm>> -> memref<1600x32xf32, #tpu.memory_space<hbm>>
      tpu.enqueue_dma source(%arg9 : memref<1600x32xf32, #tpu.memory_space<vmem>>) target(%dma_start3A_1252 : memref<1600x32xf32, #tpu.memory_space<hbm>>) target_semaphore(%arg13 : memref<!tpu.dma_semaphore, #tpu.memory_space<semaphore_mem>>)
      %lt3A = arith.constant 14 : i32
      %lt3A_1253 = arith.cmpi slt, %add3A_1242, %lt3A : i32
      %convert_element_type3A = arith.extui %lt3A_1253 : i1 to i32
      %cond3A = arith.constant 0 : i32
      %cond3A_1254 = arith.cmpi ne, %convert_element_type3A, %cond3A : i32
      scf.if %cond3A_1254 {
        %dma_wait3A_1272 = arith.constant 0 : i32
        %dma_wait3A_1273 = tpu.memref_slice %arg4[%mul3A_2, %dma_wait3A_1272] : memref<819200x32xf32, #tpu.memory_space<hbm>> -> memref<1600x32xf32, #tpu.memory_space<hbm>>
        %dma_wait3A_1274 = arith.constant 0 : i32
        %dma_wait3A_1275 = tpu.memref_slice %arg4[%mul3A_2, %dma_wait3A_1274] : memref<819200x32xf32, #tpu.memory_space<hbm>> -> memref<1600x32xf32, #tpu.memory_space<hbm>>
        tpu.wait_dma2 semaphore(%arg13 : memref<!tpu.dma_semaphore, #tpu.memory_space<semaphore_mem>>) src(%arg9 : memref<1600x32xf32, #tpu.memory_space<vmem>>) dst(%dma_wait3A_1275 : memref<1600x32xf32, #tpu.memory_space<hbm>>)
        %add3A_1276 = arith.constant 2 : i32
        %add3A_1277 = arith.addi %add3A_1242, %add3A_1276 : i32
        %add3A_1278 = arith.addi %mul3A_2, %add3A_1277 : i32
        %mul3A_1279 = arith.constant 1600 : i32
        %mul3A_1280 = arith.muli %add3A_1278, %mul3A_1279 : i32
        "tpu.region"() ({
          %run_scoped3A = tpu.sem_alloc : memref<!tpu.dma_semaphore, #tpu.memory_space<semaphore_mem>>
          %dma_start3A_1884 = tpu.memref_slice %arg2[%mul3A_1280] : memref<819200xi32, #tpu.memory_space<hbm>> -> memref<1600xi32, #tpu.memory_space<hbm>>
          %dma_start3A_1885 = tpu.memref_slice %arg2[%mul3A_1280] : memref<819200xi32, #tpu.memory_space<hbm>> -> memref<1600xi32, #tpu.memory_space<hbm>>
          tpu.enqueue_dma source(%dma_start3A_1885 : memref<1600xi32, #tpu.memory_space<hbm>>) target(%arg5 : memref<1600xi32, #tpu.memory_space<vmem>>) target_semaphore(%run_scoped3A : memref<!tpu.dma_semaphore, #tpu.memory_space<semaphore_mem>>)
          %dma_wait3A_1886 = tpu.memref_slice %arg2[%mul3A_1280] : memref<819200xi32, #tpu.memory_space<hbm>> -> memref<1600xi32, #tpu.memory_space<hbm>>
          %dma_wait3A_1887 = tpu.memref_slice %arg2[%mul3A_1280] : memref<819200xi32, #tpu.memory_space<hbm>> -> memref<1600xi32, #tpu.memory_space<hbm>>
          tpu.wait_dma2 semaphore(%run_scoped3A : memref<!tpu.dma_semaphore, #tpu.memory_space<semaphore_mem>>) src(%dma_wait3A_1887 : memref<1600xi32, #tpu.memory_space<hbm>>) dst(%arg5 : memref<1600xi32, #tpu.memory_space<vmem>>)
          tpu.yield
        }) : () -> ()
        %add3A_1281 = arith.constant 0 : i32
        %add3A_1282 = vector.broadcast %add3A_1281 : i32 to vector<16xi32>
        %add3A_1283 = arith.addi %add3A_13, %add3A_1282 : vector<16xi32>
        %gather3A_1284 = tpu.vector_load_idx %arg5[%add3A_1283] : memref<1600xi32, #tpu.memory_space<vmem>>[vector<16xi32>], vector<16xi32>,
        %swap3A_1285 = arith.constant 0 : index
        %swap3A_1286 = tpu.vector_load %arg7[%swap3A_1285] {strides = array<i32>} : memref<1600xi32, #tpu.memory_space<vmem>>, vector<16xi32>,
        tpu.vector_store %arg7[%swap3A_1285], %gather3A_1284 {strides = array<i32>} : memref<1600xi32, #tpu.memory_space<vmem>>, vector<16xi32>,
        %add3A_1287 = arith.constant 800 : i32
        %add3A_1288 = vector.broadcast %add3A_1287 : i32 to vector<16xi32>
        %add3A_1289 = arith.addi %add3A_13, %add3A_1288 : vector<16xi32>
        %gather3A_1290 = tpu.vector_load_idx %arg5[%add3A_1289] : memref<1600xi32, #tpu.memory_space<vmem>>[vector<16xi32>], vector<16xi32>,
        %swap3A_1291 = arith.constant 16 : index
        %swap3A_1292 = tpu.vector_load %arg7[%swap3A_1291] {strides = array<i32>} : memref<1600xi32, #tpu.memory_space<vmem>>, vector<16xi32>,
        tpu.vector_store %arg7[%swap3A_1291], %gather3A_1290 {strides = array<i32>} : memref<1600xi32, #tpu.memory_space<vmem>>, vector<16xi32>,
        %add3A_1293 = arith.constant 4 : i32
        %add3A_1294 = vector.broadcast %add3A_1293 : i32 to vector<16xi32>
        %add3A_1295 = arith.addi %add3A_13, %add3A_1294 : vector<16xi32>
        %gather3A_1296 = tpu.vector_load_idx %arg5[%add3A_1295] : memref<1600xi32, #tpu.memory_space<vmem>>[vector<16xi32>], vector<16xi32>,
        %swap3A_1297 = arith.constant 32 : index
        %swap3A_1298 = tpu.vector_load %arg7[%swap3A_1297] {strides = array<i32>} : memref<1600xi32, #tpu.memory_space<vmem>>, vector<16xi32>,
        tpu.vector_store %arg7[%swap3A_1297], %gather3A_1296 {strides = array<i32>} : memref<1600xi32, #tpu.memory_space<vmem>>, vector<16xi32>,
        %add3A_1299 = arith.constant 804 : i32
        %add3A_1300 = vector.broadcast %add3A_1299 : i32 to vector<16xi32>
        %add3A_1301 = arith.addi %add3A_13, %add3A_1300 : vector<16xi32>
        %gather3A_1302 = tpu.vector_load_idx %arg5[%add3A_1301] : memref<1600xi32, #tpu.memory_space<vmem>>[vector<16xi32>], vector<16xi32>,
        %swap3A_1303 = arith.constant 48 : index
        %swap3A_1304 = tpu.vector_load %arg7[%swap3A_1303] {strides = array<i32>} : memref<1600xi32, #tpu.memory_space<vmem>>, vector<16xi32>,
        tpu.vector_store %arg7[%swap3A_1303], %gather3A_1302 {strides = array<i32>} : memref<1600xi32, #tpu.memory_space<vmem>>, vector<16xi32>,
        %add3A_1305 = arith.constant 8 : i32
        %add3A_1306 = vector.broadcast %add3A_1305 : i32 to vector<16xi32>
        %add3A_1307 = arith.addi %add3A_13, %add3A_1306 : vector<16xi32>
        %gather3A_1308 = tpu.vector_load_idx %arg5[%add3A_1307] : memref<1600xi32, #tpu.memory_space<vmem>>[vector<16xi32>], vector<16xi32>,
        %swap3A_1309 = arith.constant 64 : index
        %swap3A_1310 = tpu.vector_load %arg7[%swap3A_1309] {strides = array<i32>} : memref<1600xi32, #tpu.memory_space<vmem>>, vector<16xi32>,
        tpu.vector_store %arg7[%swap3A_1309], %gather3A_1308 {strides = array<i32>} : memref<1600xi32, #tpu.memory_space<vmem>>, vector<16xi32>,
        %add3A_1311 = arith.constant 808 : i32
        %add3A_1312 = vector.broadcast %add3A_1311 : i32 to vector<16xi32>
        %add3A_1313 = arith.addi %add3A_13, %add3A_1312 : vector<16xi32>
        %gather3A_1314 = tpu.vector_load_idx %arg5[%add3A_1313] : memref<1600xi32, #tpu.memory_space<vmem>>[vector<16xi32>], vector<16xi32>,
        %swap3A_1315 = arith.constant 80 : index
        %swap3A_1316 = tpu.vector_load %arg7[%swap3A_1315] {strides = array<i32>} : memref<1600xi32, #tpu.memory_space<vmem>>, vector<16xi32>,
        tpu.vector_store %arg7[%swap3A_1315], %gather3A_1314 {strides = array<i32>} : memref<1600xi32, #tpu.memory_space<vmem>>, vector<16xi32>,
        %add3A_1317 = arith.constant 12 : i32
        %add3A_1318 = vector.broadcast %add3A_1317 : i32 to vector<16xi32>
        %add3A_1319 = arith.addi %add3A_13, %add3A_1318 : vector<16xi32>
        %gather3A_1320 = tpu.vector_load_idx %arg5[%add3A_1319] : memref<1600xi32, #tpu.memory_space<vmem>>[vector<16xi32>], vector<16xi32>,
        %swap3A_1321 = arith.constant 96 : index
        %swap3A_1322 = tpu.vector_load %arg7[%swap3A_1321] {strides = array<i32>} : memref<1600xi32, #tpu.memory_space<vmem>>, vector<16xi32>,
        tpu.vector_store %arg7[%swap3A_1321], %gather3A_1320 {strides = array<i32>} : memref<1600xi32, #tpu.memory_space<vmem>>, vector<16xi32>,
        %add3A_1323 = arith.constant 812 : i32
        %add3A_1324 = vector.broadcast %add3A_1323 : i32 to vector<16xi32>
        %add3A_1325 = arith.addi %add3A_13, %add3A_1324 : vector<16xi32>
        %gather3A_1326 = tpu.vector_load_idx %arg5[%add3A_1325] : memref<1600xi32, #tpu.memory_space<vmem>>[vector<16xi32>], vector<16xi32>,
        %swap3A_1327 = arith.constant 112 : index
        %swap3A_1328 = tpu.vector_load %arg7[%swap3A_1327] {strides = array<i32>} : memref<1600xi32, #tpu.memory_space<vmem>>, vector<16xi32>,
        tpu.vector_store %arg7[%swap3A_1327], %gather3A_1326 {strides = array<i32>} : memref<1600xi32, #tpu.memory_space<vmem>>, vector<16xi32>,
        %add3A_1329 = arith.constant 16 : i32
        %add3A_1330 = vector.broadcast %add3A_1329 : i32 to vector<16xi32>
        %add3A_1331 = arith.addi %add3A_13, %add3A_1330 : vector<16xi32>
        %gather3A_1332 = tpu.vector_load_idx %arg5[%add3A_1331] : memref<1600xi32, #tpu.memory_space<vmem>>[vector<16xi32>], vector<16xi32>,
        %swap3A_1333 = arith.constant 128 : index
        %swap3A_1334 = tpu.vector_load %arg7[%swap3A_1333] {strides = array<i32>} : memref<1600xi32, #tpu.memory_space<vmem>>, vector<16xi32>,
        tpu.vector_store %arg7[%swap3A_1333], %gather3A_1332 {strides = array<i32>} : memref<1600xi32, #tpu.memory_space<vmem>>, vector<16xi32>,
        %add3A_1335 = arith.constant 816 : i32
        %add3A_1336 = vector.broadcast %add3A_1335 : i32 to vector<16xi32>
        %add3A_1337 = arith.addi %add3A_13, %add3A_1336 : vector<16xi32>
        %gather3A_1338 = tpu.vector_load_idx %arg5[%add3A_1337] : memref<1600xi32, #tpu.memory_space<vmem>>[vector<16xi32>], vector<16xi32>,
        %swap3A_1339 = arith.constant 144 : index
        %swap3A_1340 = tpu.vector_load %arg7[%swap3A_1339] {strides = array<i32>} : memref<1600xi32, #tpu.memory_space<vmem>>, vector<16xi32>,
        tpu.vector_store %arg7[%swap3A_1339], %gather3A_1338 {strides = array<i32>} : memref<1600xi32, #tpu.memory_space<vmem>>, vector<16xi32>,
        %add3A_1341 = arith.constant 20 : i32
        %add3A_1342 = vector.broadcast %add3A_1341 : i32 to vector<16xi32>
        %add3A_1343 = arith.addi %add3A_13, %add3A_1342 : vector<16xi32>
        %gather3A_1344 = tpu.vector_load_idx %arg5[%add3A_1343] : memref<1600xi32, #tpu.memory_space<vmem>>[vector<16xi32>], vector<16xi32>,
        %swap3A_1345 = arith.constant 160 : index
        %swap3A_1346 = tpu.vector_load %arg7[%swap3A_1345] {strides = array<i32>} : memref<1600xi32, #tpu.memory_space<vmem>>, vector<16xi32>,
        tpu.vector_store %arg7[%swap3A_1345], %gather3A_1344 {strides = array<i32>} : memref<1600xi32, #tpu.memory_space<vmem>>, vector<16xi32>,
        %add3A_1347 = arith.constant 820 : i32
        %add3A_1348 = vector.broadcast %add3A_1347 : i32 to vector<16xi32>
        %add3A_1349 = arith.addi %add3A_13, %add3A_1348 : vector<16xi32>
        %gather3A_1350 = tpu.vector_load_idx %arg5[%add3A_1349] : memref<1600xi32, #tpu.memory_space<vmem>>[vector<16xi32>], vector<16xi32>,
        %swap3A_1351 = arith.constant 176 : index
        %swap3A_1352 = tpu.vector_load %arg7[%swap3A_1351] {strides = array<i32>} : memref<1600xi32, #tpu.memory_space<vmem>>, vector<16xi32>,
        tpu.vector_store %arg7[%swap3A_1351], %gather3A_1350 {strides = array<i32>} : memref<1600xi32, #tpu.memory_space<vmem>>, vector<16xi32>,
        %add3A_1353 = arith.constant 24 : i32
        %add3A_1354 = vector.broadcast %add3A_1353 : i32 to vector<16xi32>
        %add3A_1355 = arith.addi %add3A_13, %add3A_1354 : vector<16xi32>
        %gather3A_1356 = tpu.vector_load_idx %arg5[%add3A_1355] : memref<1600xi32, #tpu.memory_space<vmem>>[vector<16xi32>], vector<16xi32>,
        %swap3A_1357 = arith.constant 192 : index
        %swap3A_1358 = tpu.vector_load %arg7[%swap3A_1357] {strides = array<i32>} : memref<1600xi32, #tpu.memory_space<vmem>>, vector<16xi32>,
        tpu.vector_store %arg7[%swap3A_1357], %gather3A_1356 {strides = array<i32>} : memref<1600xi32, #tpu.memory_space<vmem>>, vector<16xi32>,
        %add3A_1359 = arith.constant 824 : i32
        %add3A_1360 = vector.broadcast %add3A_1359 : i32 to vector<16xi32>
        %add3A_1361 = arith.addi %add3A_13, %add3A_1360 : vector<16xi32>
        %gather3A_1362 = tpu.vector_load_idx %arg5[%add3A_1361] : memref<1600xi32, #tpu.memory_space<vmem>>[vector<16xi32>], vector<16xi32>,
        %swap3A_1363 = arith.constant 208 : index
        %swap3A_1364 = tpu.vector_load %arg7[%swap3A_1363] {strides = array<i32>} : memref<1600xi32, #tpu.memory_space<vmem>>, vector<16xi32>,
        tpu.vector_store %arg7[%swap3A_1363], %gather3A_1362 {strides = array<i32>} : memref<1600xi32, #tpu.memory_space<vmem>>, vector<16xi32>,
        %add3A_1365 = arith.constant 28 : i32
        %add3A_1366 = vector.broadcast %add3A_1365 : i32 to vector<16xi32>
        %add3A_1367 = arith.addi %add3A_13, %add3A_1366 : vector<16xi32>
        %gather3A_1368 = tpu.vector_load_idx %arg5[%add3A_1367] : memref<1600xi32, #tpu.memory_space<vmem>>[vector<16xi32>], vector<16xi32>,
        %swap3A_1369 = arith.constant 224 : index
        %swap3A_1370 = tpu.vector_load %arg7[%swap3A_1369] {strides = array<i32>} : memref<1600xi32, #tpu.memory_space<vmem>>, vector<16xi32>,
        tpu.vector_store %arg7[%swap3A_1369], %gather3A_1368 {strides = array<i32>} : memref<1600xi32, #tpu.memory_space<vmem>>, vector<16xi32>,
        %add3A_1371 = arith.constant 828 : i32
        %add3A_1372 = vector.broadcast %add3A_1371 : i32 to vector<16xi32>
        %add3A_1373 = arith.addi %add3A_13, %add3A_1372 : vector<16xi32>
        %gather3A_1374 = tpu.vector_load_idx %arg5[%add3A_1373] : memref<1600xi32, #tpu.memory_space<vmem>>[vector<16xi32>], vector<16xi32>,
        %swap3A_1375 = arith.constant 240 : index
        %swap3A_1376 = tpu.vector_load %arg7[%swap3A_1375] {strides = array<i32>} : memref<1600xi32, #tpu.memory_space<vmem>>, vector<16xi32>,
        tpu.vector_store %arg7[%swap3A_1375], %gather3A_1374 {strides = array<i32>} : memref<1600xi32, #tpu.memory_space<vmem>>, vector<16xi32>,
        %add3A_1377 = arith.constant 32 : i32
        %add3A_1378 = vector.broadcast %add3A_1377 : i32 to vector<16xi32>
        %add3A_1379 = arith.addi %add3A_13, %add3A_1378 : vector<16xi32>
        %gather3A_1380 = tpu.vector_load_idx %arg5[%add3A_1379] : memref<1600xi32, #tpu.memory_space<vmem>>[vector<16xi32>], vector<16xi32>,
        %swap3A_1381 = arith.constant 256 : index
        %swap3A_1382 = tpu.vector_load %arg7[%swap3A_1381] {strides = array<i32>} : memref<1600xi32, #tpu.memory_space<vmem>>, vector<16xi32>,
        tpu.vector_store %arg7[%swap3A_1381], %gather3A_1380 {strides = array<i32>} : memref<1600xi32, #tpu.memory_space<vmem>>, vector<16xi32>,
        %add3A_1383 = arith.constant 832 : i32
        %add3A_1384 = vector.broadcast %add3A_1383 : i32 to vector<16xi32>
        %add3A_1385 = arith.addi %add3A_13, %add3A_1384 : vector<16xi32>
        %gather3A_1386 = tpu.vector_load_idx %arg5[%add3A_1385] : memref<1600xi32, #tpu.memory_space<vmem>>[vector<16xi32>], vector<16xi32>,
        %swap3A_1387 = arith.constant 272 : index
        %swap3A_1388 = tpu.vector_load %arg7[%swap3A_1387] {strides = array<i32>} : memref<1600xi32, #tpu.memory_space<vmem>>, vector<16xi32>,
        tpu.vector_store %arg7[%swap3A_1387], %gather3A_1386 {strides = array<i32>} : memref<1600xi32, #tpu.memory_space<vmem>>, vector<16xi32>,
        %add3A_1389 = arith.constant 36 : i32
        %add3A_1390 = vector.broadcast %add3A_1389 : i32 to vector<16xi32>
        %add3A_1391 = arith.addi %add3A_13, %add3A_1390 : vector<16xi32>
        %gather3A_1392 = tpu.vector_load_idx %arg5[%add3A_1391] : memref<1600xi32, #tpu.memory_space<vmem>>[vector<16xi32>], vector<16xi32>,
        %swap3A_1393 = arith.constant 288 : index
        %swap3A_1394 = tpu.vector_load %arg7[%swap3A_1393] {strides = array<i32>} : memref<1600xi32, #tpu.memory_space<vmem>>, vector<16xi32>,
        tpu.vector_store %arg7[%swap3A_1393], %gather3A_1392 {strides = array<i32>} : memref<1600xi32, #tpu.memory_space<vmem>>, vector<16xi32>,
        %add3A_1395 = arith.constant 836 : i32
        %add3A_1396 = vector.broadcast %add3A_1395 : i32 to vector<16xi32>
        %add3A_1397 = arith.addi %add3A_13, %add3A_1396 : vector<16xi32>
        %gather3A_1398 = tpu.vector_load_idx %arg5[%add3A_1397] : memref<1600xi32, #tpu.memory_space<vmem>>[vector<16xi32>], vector<16xi32>,
        %swap3A_1399 = arith.constant 304 : index
        %swap3A_1400 = tpu.vector_load %arg7[%swap3A_1399] {strides = array<i32>} : memref<1600xi32, #tpu.memory_space<vmem>>, vector<16xi32>,
        tpu.vector_store %arg7[%swap3A_1399], %gather3A_1398 {strides = array<i32>} : memref<1600xi32, #tpu.memory_space<vmem>>, vector<16xi32>,
        %add3A_1401 = arith.constant 40 : i32
        %add3A_1402 = vector.broadcast %add3A_1401 : i32 to vector<16xi32>
        %add3A_1403 = arith.addi %add3A_13, %add3A_1402 : vector<16xi32>
        %gather3A_1404 = tpu.vector_load_idx %arg5[%add3A_1403] : memref<1600xi32, #tpu.memory_space<vmem>>[vector<16xi32>], vector<16xi32>,
        %swap3A_1405 = arith.constant 320 : index
        %swap3A_1406 = tpu.vector_load %arg7[%swap3A_1405] {strides = array<i32>} : memref<1600xi32, #tpu.memory_space<vmem>>, vector<16xi32>,
        tpu.vector_store %arg7[%swap3A_1405], %gather3A_1404 {strides = array<i32>} : memref<1600xi32, #tpu.memory_space<vmem>>, vector<16xi32>,
        %add3A_1407 = arith.constant 840 : i32
        %add3A_1408 = vector.broadcast %add3A_1407 : i32 to vector<16xi32>
        %add3A_1409 = arith.addi %add3A_13, %add3A_1408 : vector<16xi32>
        %gather3A_1410 = tpu.vector_load_idx %arg5[%add3A_1409] : memref<1600xi32, #tpu.memory_space<vmem>>[vector<16xi32>], vector<16xi32>,
        %swap3A_1411 = arith.constant 336 : index
        %swap3A_1412 = tpu.vector_load %arg7[%swap3A_1411] {strides = array<i32>} : memref<1600xi32, #tpu.memory_space<vmem>>, vector<16xi32>,
        tpu.vector_store %arg7[%swap3A_1411], %gather3A_1410 {strides = array<i32>} : memref<1600xi32, #tpu.memory_space<vmem>>, vector<16xi32>,
        %add3A_1413 = arith.constant 44 : i32
        %add3A_1414 = vector.broadcast %add3A_1413 : i32 to vector<16xi32>
        %add3A_1415 = arith.addi %add3A_13, %add3A_1414 : vector<16xi32>
        %gather3A_1416 = tpu.vector_load_idx %arg5[%add3A_1415] : memref<1600xi32, #tpu.memory_space<vmem>>[vector<16xi32>], vector<16xi32>,
        %swap3A_1417 = arith.constant 352 : index
        %swap3A_1418 = tpu.vector_load %arg7[%swap3A_1417] {strides = array<i32>} : memref<1600xi32, #tpu.memory_space<vmem>>, vector<16xi32>,
        tpu.vector_store %arg7[%swap3A_1417], %gather3A_1416 {strides = array<i32>} : memref<1600xi32, #tpu.memory_space<vmem>>, vector<16xi32>,
        %add3A_1419 = arith.constant 844 : i32
        %add3A_1420 = vector.broadcast %add3A_1419 : i32 to vector<16xi32>
        %add3A_1421 = arith.addi %add3A_13, %add3A_1420 : vector<16xi32>
        %gather3A_1422 = tpu.vector_load_idx %arg5[%add3A_1421] : memref<1600xi32, #tpu.memory_space<vmem>>[vector<16xi32>], vector<16xi32>,
        %swap3A_1423 = arith.constant 368 : index
        %swap3A_1424 = tpu.vector_load %arg7[%swap3A_1423] {strides = array<i32>} : memref<1600xi32, #tpu.memory_space<vmem>>, vector<16xi32>,
        tpu.vector_store %arg7[%swap3A_1423], %gather3A_1422 {strides = array<i32>} : memref<1600xi32, #tpu.memory_space<vmem>>, vector<16xi32>,
        %add3A_1425 = arith.constant 48 : i32
        %add3A_1426 = vector.broadcast %add3A_1425 : i32 to vector<16xi32>
        %add3A_1427 = arith.addi %add3A_13, %add3A_1426 : vector<16xi32>
        %gather3A_1428 = tpu.vector_load_idx %arg5[%add3A_1427] : memref<1600xi32, #tpu.memory_space<vmem>>[vector<16xi32>], vector<16xi32>,
        %swap3A_1429 = arith.constant 384 : index
        %swap3A_1430 = tpu.vector_load %arg7[%swap3A_1429] {strides = array<i32>} : memref<1600xi32, #tpu.memory_space<vmem>>, vector<16xi32>,
        tpu.vector_store %arg7[%swap3A_1429], %gather3A_1428 {strides = array<i32>} : memref<1600xi32, #tpu.memory_space<vmem>>, vector<16xi32>,
        %add3A_1431 = arith.constant 848 : i32
        %add3A_1432 = vector.broadcast %add3A_1431 : i32 to vector<16xi32>
        %add3A_1433 = arith.addi %add3A_13, %add3A_1432 : vector<16xi32>
        %gather3A_1434 = tpu.vector_load_idx %arg5[%add3A_1433] : memref<1600xi32, #tpu.memory_space<vmem>>[vector<16xi32>], vector<16xi32>,
        %swap3A_1435 = arith.constant 400 : index
        %swap3A_1436 = tpu.vector_load %arg7[%swap3A_1435] {strides = array<i32>} : memref<1600xi32, #tpu.memory_space<vmem>>, vector<16xi32>,
        tpu.vector_store %arg7[%swap3A_1435], %gather3A_1434 {strides = array<i32>} : memref<1600xi32, #tpu.memory_space<vmem>>, vector<16xi32>,
        %add3A_1437 = arith.constant 52 : i32
        %add3A_1438 = vector.broadcast %add3A_1437 : i32 to vector<16xi32>
        %add3A_1439 = arith.addi %add3A_13, %add3A_1438 : vector<16xi32>
        %gather3A_1440 = tpu.vector_load_idx %arg5[%add3A_1439] : memref<1600xi32, #tpu.memory_space<vmem>>[vector<16xi32>], vector<16xi32>,
        %swap3A_1441 = arith.constant 416 : index
        %swap3A_1442 = tpu.vector_load %arg7[%swap3A_1441] {strides = array<i32>} : memref<1600xi32, #tpu.memory_space<vmem>>, vector<16xi32>,
        tpu.vector_store %arg7[%swap3A_1441], %gather3A_1440 {strides = array<i32>} : memref<1600xi32, #tpu.memory_space<vmem>>, vector<16xi32>,
        %add3A_1443 = arith.constant 852 : i32
        %add3A_1444 = vector.broadcast %add3A_1443 : i32 to vector<16xi32>
        %add3A_1445 = arith.addi %add3A_13, %add3A_1444 : vector<16xi32>
        %gather3A_1446 = tpu.vector_load_idx %arg5[%add3A_1445] : memref<1600xi32, #tpu.memory_space<vmem>>[vector<16xi32>], vector<16xi32>,
        %swap3A_1447 = arith.constant 432 : index
        %swap3A_1448 = tpu.vector_load %arg7[%swap3A_1447] {strides = array<i32>} : memref<1600xi32, #tpu.memory_space<vmem>>, vector<16xi32>,
        tpu.vector_store %arg7[%swap3A_1447], %gather3A_1446 {strides = array<i32>} : memref<1600xi32, #tpu.memory_space<vmem>>, vector<16xi32>,
        %add3A_1449 = arith.constant 56 : i32
        %add3A_1450 = vector.broadcast %add3A_1449 : i32 to vector<16xi32>
        %add3A_1451 = arith.addi %add3A_13, %add3A_1450 : vector<16xi32>
        %gather3A_1452 = tpu.vector_load_idx %arg5[%add3A_1451] : memref<1600xi32, #tpu.memory_space<vmem>>[vector<16xi32>], vector<16xi32>,
        %swap3A_1453 = arith.constant 448 : index
        %swap3A_1454 = tpu.vector_load %arg7[%swap3A_1453] {strides = array<i32>} : memref<1600xi32, #tpu.memory_space<vmem>>, vector<16xi32>,
        tpu.vector_store %arg7[%swap3A_1453], %gather3A_1452 {strides = array<i32>} : memref<1600xi32, #tpu.memory_space<vmem>>, vector<16xi32>,
        %add3A_1455 = arith.constant 856 : i32
        %add3A_1456 = vector.broadcast %add3A_1455 : i32 to vector<16xi32>
        %add3A_1457 = arith.addi %add3A_13, %add3A_1456 : vector<16xi32>
        %gather3A_1458 = tpu.vector_load_idx %arg5[%add3A_1457] : memref<1600xi32, #tpu.memory_space<vmem>>[vector<16xi32>], vector<16xi32>,
        %swap3A_1459 = arith.constant 464 : index
        %swap3A_1460 = tpu.vector_load %arg7[%swap3A_1459] {strides = array<i32>} : memref<1600xi32, #tpu.memory_space<vmem>>, vector<16xi32>,
        tpu.vector_store %arg7[%swap3A_1459], %gather3A_1458 {strides = array<i32>} : memref<1600xi32, #tpu.memory_space<vmem>>, vector<16xi32>,
        %add3A_1461 = arith.constant 60 : i32
        %add3A_1462 = vector.broadcast %add3A_1461 : i32 to vector<16xi32>
        %add3A_1463 = arith.addi %add3A_13, %add3A_1462 : vector<16xi32>
        %gather3A_1464 = tpu.vector_load_idx %arg5[%add3A_1463] : memref<1600xi32, #tpu.memory_space<vmem>>[vector<16xi32>], vector<16xi32>,
        %swap3A_1465 = arith.constant 480 : index
        %swap3A_1466 = tpu.vector_load %arg7[%swap3A_1465] {strides = array<i32>} : memref<1600xi32, #tpu.memory_space<vmem>>, vector<16xi32>,
        tpu.vector_store %arg7[%swap3A_1465], %gather3A_1464 {strides = array<i32>} : memref<1600xi32, #tpu.memory_space<vmem>>, vector<16xi32>,
        %add3A_1467 = arith.constant 860 : i32
        %add3A_1468 = vector.broadcast %add3A_1467 : i32 to vector<16xi32>
        %add3A_1469 = arith.addi %add3A_13, %add3A_1468 : vector<16xi32>
        %gather3A_1470 = tpu.vector_load_idx %arg5[%add3A_1469] : memref<1600xi32, #tpu.memory_space<vmem>>[vector<16xi32>], vector<16xi32>,
        %swap3A_1471 = arith.constant 496 : index
        %swap3A_1472 = tpu.vector_load %arg7[%swap3A_1471] {strides = array<i32>} : memref<1600xi32, #tpu.memory_space<vmem>>, vector<16xi32>,
        tpu.vector_store %arg7[%swap3A_1471], %gather3A_1470 {strides = array<i32>} : memref<1600xi32, #tpu.memory_space<vmem>>, vector<16xi32>,
        %add3A_1473 = arith.constant 64 : i32
        %add3A_1474 = vector.broadcast %add3A_1473 : i32 to vector<16xi32>
        %add3A_1475 = arith.addi %add3A_13, %add3A_1474 : vector<16xi32>
        %gather3A_1476 = tpu.vector_load_idx %arg5[%add3A_1475] : memref<1600xi32, #tpu.memory_space<vmem>>[vector<16xi32>], vector<16xi32>,
        %swap3A_1477 = arith.constant 512 : index
        %swap3A_1478 = tpu.vector_load %arg7[%swap3A_1477] {strides = array<i32>} : memref<1600xi32, #tpu.memory_space<vmem>>, vector<16xi32>,
        tpu.vector_store %arg7[%swap3A_1477], %gather3A_1476 {strides = array<i32>} : memref<1600xi32, #tpu.memory_space<vmem>>, vector<16xi32>,
        %add3A_1479 = arith.constant 864 : i32
        %add3A_1480 = vector.broadcast %add3A_1479 : i32 to vector<16xi32>
        %add3A_1481 = arith.addi %add3A_13, %add3A_1480 : vector<16xi32>
        %gather3A_1482 = tpu.vector_load_idx %arg5[%add3A_1481] : memref<1600xi32, #tpu.memory_space<vmem>>[vector<16xi32>], vector<16xi32>,
        %swap3A_1483 = arith.constant 528 : index
        %swap3A_1484 = tpu.vector_load %arg7[%swap3A_1483] {strides = array<i32>} : memref<1600xi32, #tpu.memory_space<vmem>>, vector<16xi32>,
        tpu.vector_store %arg7[%swap3A_1483], %gather3A_1482 {strides = array<i32>} : memref<1600xi32, #tpu.memory_space<vmem>>, vector<16xi32>,
        %add3A_1485 = arith.constant 68 : i32
        %add3A_1486 = vector.broadcast %add3A_1485 : i32 to vector<16xi32>
        %add3A_1487 = arith.addi %add3A_13, %add3A_1486 : vector<16xi32>
        %gather3A_1488 = tpu.vector_load_idx %arg5[%add3A_1487] : memref<1600xi32, #tpu.memory_space<vmem>>[vector<16xi32>], vector<16xi32>,
        %swap3A_1489 = arith.constant 544 : index
        %swap3A_1490 = tpu.vector_load %arg7[%swap3A_1489] {strides = array<i32>} : memref<1600xi32, #tpu.memory_space<vmem>>, vector<16xi32>,
        tpu.vector_store %arg7[%swap3A_1489], %gather3A_1488 {strides = array<i32>} : memref<1600xi32, #tpu.memory_space<vmem>>, vector<16xi32>,
        %add3A_1491 = arith.constant 868 : i32
        %add3A_1492 = vector.broadcast %add3A_1491 : i32 to vector<16xi32>
        %add3A_1493 = arith.addi %add3A_13, %add3A_1492 : vector<16xi32>
        %gather3A_1494 = tpu.vector_load_idx %arg5[%add3A_1493] : memref<1600xi32, #tpu.memory_space<vmem>>[vector<16xi32>], vector<16xi32>,
        %swap3A_1495 = arith.constant 560 : index
        %swap3A_1496 = tpu.vector_load %arg7[%swap3A_1495] {strides = array<i32>} : memref<1600xi32, #tpu.memory_space<vmem>>, vector<16xi32>,
        tpu.vector_store %arg7[%swap3A_1495], %gather3A_1494 {strides = array<i32>} : memref<1600xi32, #tpu.memory_space<vmem>>, vector<16xi32>,
        %add3A_1497 = arith.constant 72 : i32
        %add3A_1498 = vector.broadcast %add3A_1497 : i32 to vector<16xi32>
        %add3A_1499 = arith.addi %add3A_13, %add3A_1498 : vector<16xi32>
        %gather3A_1500 = tpu.vector_load_idx %arg5[%add3A_1499] : memref<1600xi32, #tpu.memory_space<vmem>>[vector<16xi32>], vector<16xi32>,
        %swap3A_1501 = arith.constant 576 : index
        %swap3A_1502 = tpu.vector_load %arg7[%swap3A_1501] {strides = array<i32>} : memref<1600xi32, #tpu.memory_space<vmem>>, vector<16xi32>,
        tpu.vector_store %arg7[%swap3A_1501], %gather3A_1500 {strides = array<i32>} : memref<1600xi32, #tpu.memory_space<vmem>>, vector<16xi32>,
        %add3A_1503 = arith.constant 872 : i32
        %add3A_1504 = vector.broadcast %add3A_1503 : i32 to vector<16xi32>
        %add3A_1505 = arith.addi %add3A_13, %add3A_1504 : vector<16xi32>
        %gather3A_1506 = tpu.vector_load_idx %arg5[%add3A_1505] : memref<1600xi32, #tpu.memory_space<vmem>>[vector<16xi32>], vector<16xi32>,
        %swap3A_1507 = arith.constant 592 : index
        %swap3A_1508 = tpu.vector_load %arg7[%swap3A_1507] {strides = array<i32>} : memref<1600xi32, #tpu.memory_space<vmem>>, vector<16xi32>,
        tpu.vector_store %arg7[%swap3A_1507], %gather3A_1506 {strides = array<i32>} : memref<1600xi32, #tpu.memory_space<vmem>>, vector<16xi32>,
        %add3A_1509 = arith.constant 76 : i32
        %add3A_1510 = vector.broadcast %add3A_1509 : i32 to vector<16xi32>
        %add3A_1511 = arith.addi %add3A_13, %add3A_1510 : vector<16xi32>
        %gather3A_1512 = tpu.vector_load_idx %arg5[%add3A_1511] : memref<1600xi32, #tpu.memory_space<vmem>>[vector<16xi32>], vector<16xi32>,
        %swap3A_1513 = arith.constant 608 : index
        %swap3A_1514 = tpu.vector_load %arg7[%swap3A_1513] {strides = array<i32>} : memref<1600xi32, #tpu.memory_space<vmem>>, vector<16xi32>,
        tpu.vector_store %arg7[%swap3A_1513], %gather3A_1512 {strides = array<i32>} : memref<1600xi32, #tpu.memory_space<vmem>>, vector<16xi32>,
        %add3A_1515 = arith.constant 876 : i32
        %add3A_1516 = vector.broadcast %add3A_1515 : i32 to vector<16xi32>
        %add3A_1517 = arith.addi %add3A_13, %add3A_1516 : vector<16xi32>
        %gather3A_1518 = tpu.vector_load_idx %arg5[%add3A_1517] : memref<1600xi32, #tpu.memory_space<vmem>>[vector<16xi32>], vector<16xi32>,
        %swap3A_1519 = arith.constant 624 : index
        %swap3A_1520 = tpu.vector_load %arg7[%swap3A_1519] {strides = array<i32>} : memref<1600xi32, #tpu.memory_space<vmem>>, vector<16xi32>,
        tpu.vector_store %arg7[%swap3A_1519], %gather3A_1518 {strides = array<i32>} : memref<1600xi32, #tpu.memory_space<vmem>>, vector<16xi32>,
        %add3A_1521 = arith.constant 80 : i32
        %add3A_1522 = vector.broadcast %add3A_1521 : i32 to vector<16xi32>
        %add3A_1523 = arith.addi %add3A_13, %add3A_1522 : vector<16xi32>
        %gather3A_1524 = tpu.vector_load_idx %arg5[%add3A_1523] : memref<1600xi32, #tpu.memory_space<vmem>>[vector<16xi32>], vector<16xi32>,
        %swap3A_1525 = arith.constant 640 : index
        %swap3A_1526 = tpu.vector_load %arg7[%swap3A_1525] {strides = array<i32>} : memref<1600xi32, #tpu.memory_space<vmem>>, vector<16xi32>,
        tpu.vector_store %arg7[%swap3A_1525], %gather3A_1524 {strides = array<i32>} : memref<1600xi32, #tpu.memory_space<vmem>>, vector<16xi32>,
        %add3A_1527 = arith.constant 880 : i32
        %add3A_1528 = vector.broadcast %add3A_1527 : i32 to vector<16xi32>
        %add3A_1529 = arith.addi %add3A_13, %add3A_1528 : vector<16xi32>
        %gather3A_1530 = tpu.vector_load_idx %arg5[%add3A_1529] : memref<1600xi32, #tpu.memory_space<vmem>>[vector<16xi32>], vector<16xi32>,
        %swap3A_1531 = arith.constant 656 : index
        %swap3A_1532 = tpu.vector_load %arg7[%swap3A_1531] {strides = array<i32>} : memref<1600xi32, #tpu.memory_space<vmem>>, vector<16xi32>,
        tpu.vector_store %arg7[%swap3A_1531], %gather3A_1530 {strides = array<i32>} : memref<1600xi32, #tpu.memory_space<vmem>>, vector<16xi32>,
        %add3A_1533 = arith.constant 84 : i32
        %add3A_1534 = vector.broadcast %add3A_1533 : i32 to vector<16xi32>
        %add3A_1535 = arith.addi %add3A_13, %add3A_1534 : vector<16xi32>
        %gather3A_1536 = tpu.vector_load_idx %arg5[%add3A_1535] : memref<1600xi32, #tpu.memory_space<vmem>>[vector<16xi32>], vector<16xi32>,
        %swap3A_1537 = arith.constant 672 : index
        %swap3A_1538 = tpu.vector_load %arg7[%swap3A_1537] {strides = array<i32>} : memref<1600xi32, #tpu.memory_space<vmem>>, vector<16xi32>,
        tpu.vector_store %arg7[%swap3A_1537], %gather3A_1536 {strides = array<i32>} : memref<1600xi32, #tpu.memory_space<vmem>>, vector<16xi32>,
        %add3A_1539 = arith.constant 884 : i32
        %add3A_1540 = vector.broadcast %add3A_1539 : i32 to vector<16xi32>
        %add3A_1541 = arith.addi %add3A_13, %add3A_1540 : vector<16xi32>
        %gather3A_1542 = tpu.vector_load_idx %arg5[%add3A_1541] : memref<1600xi32, #tpu.memory_space<vmem>>[vector<16xi32>], vector<16xi32>,
        %swap3A_1543 = arith.constant 688 : index
        %swap3A_1544 = tpu.vector_load %arg7[%swap3A_1543] {strides = array<i32>} : memref<1600xi32, #tpu.memory_space<vmem>>, vector<16xi32>,
        tpu.vector_store %arg7[%swap3A_1543], %gather3A_1542 {strides = array<i32>} : memref<1600xi32, #tpu.memory_space<vmem>>, vector<16xi32>,
        %add3A_1545 = arith.constant 88 : i32
        %add3A_1546 = vector.broadcast %add3A_1545 : i32 to vector<16xi32>
        %add3A_1547 = arith.addi %add3A_13, %add3A_1546 : vector<16xi32>
        %gather3A_1548 = tpu.vector_load_idx %arg5[%add3A_1547] : memref<1600xi32, #tpu.memory_space<vmem>>[vector<16xi32>], vector<16xi32>,
        %swap3A_1549 = arith.constant 704 : index
        %swap3A_1550 = tpu.vector_load %arg7[%swap3A_1549] {strides = array<i32>} : memref<1600xi32, #tpu.memory_space<vmem>>, vector<16xi32>,
        tpu.vector_store %arg7[%swap3A_1549], %gather3A_1548 {strides = array<i32>} : memref<1600xi32, #tpu.memory_space<vmem>>, vector<16xi32>,
        %add3A_1551 = arith.constant 888 : i32
        %add3A_1552 = vector.broadcast %add3A_1551 : i32 to vector<16xi32>
        %add3A_1553 = arith.addi %add3A_13, %add3A_1552 : vector<16xi32>
        %gather3A_1554 = tpu.vector_load_idx %arg5[%add3A_1553] : memref<1600xi32, #tpu.memory_space<vmem>>[vector<16xi32>], vector<16xi32>,
        %swap3A_1555 = arith.constant 720 : index
        %swap3A_1556 = tpu.vector_load %arg7[%swap3A_1555] {strides = array<i32>} : memref<1600xi32, #tpu.memory_space<vmem>>, vector<16xi32>,
        tpu.vector_store %arg7[%swap3A_1555], %gather3A_1554 {strides = array<i32>} : memref<1600xi32, #tpu.memory_space<vmem>>, vector<16xi32>,
        %add3A_1557 = arith.constant 92 : i32
        %add3A_1558 = vector.broadcast %add3A_1557 : i32 to vector<16xi32>
        %add3A_1559 = arith.addi %add3A_13, %add3A_1558 : vector<16xi32>
        %gather3A_1560 = tpu.vector_load_idx %arg5[%add3A_1559] : memref<1600xi32, #tpu.memory_space<vmem>>[vector<16xi32>], vector<16xi32>,
        %swap3A_1561 = arith.constant 736 : index
        %swap3A_1562 = tpu.vector_load %arg7[%swap3A_1561] {strides = array<i32>} : memref<1600xi32, #tpu.memory_space<vmem>>, vector<16xi32>,
        tpu.vector_store %arg7[%swap3A_1561], %gather3A_1560 {strides = array<i32>} : memref<1600xi32, #tpu.memory_space<vmem>>, vector<16xi32>,
        %add3A_1563 = arith.constant 892 : i32
        %add3A_1564 = vector.broadcast %add3A_1563 : i32 to vector<16xi32>
        %add3A_1565 = arith.addi %add3A_13, %add3A_1564 : vector<16xi32>
        %gather3A_1566 = tpu.vector_load_idx %arg5[%add3A_1565] : memref<1600xi32, #tpu.memory_space<vmem>>[vector<16xi32>], vector<16xi32>,
        %swap3A_1567 = arith.constant 752 : index
        %swap3A_1568 = tpu.vector_load %arg7[%swap3A_1567] {strides = array<i32>} : memref<1600xi32, #tpu.memory_space<vmem>>, vector<16xi32>,
        tpu.vector_store %arg7[%swap3A_1567], %gather3A_1566 {strides = array<i32>} : memref<1600xi32, #tpu.memory_space<vmem>>, vector<16xi32>,
        %add3A_1569 = arith.constant 96 : i32
        %add3A_1570 = vector.broadcast %add3A_1569 : i32 to vector<16xi32>
        %add3A_1571 = arith.addi %add3A_13, %add3A_1570 : vector<16xi32>
        %gather3A_1572 = tpu.vector_load_idx %arg5[%add3A_1571] : memref<1600xi32, #tpu.memory_space<vmem>>[vector<16xi32>], vector<16xi32>,
        %swap3A_1573 = arith.constant 768 : index
        %swap3A_1574 = tpu.vector_load %arg7[%swap3A_1573] {strides = array<i32>} : memref<1600xi32, #tpu.memory_space<vmem>>, vector<16xi32>,
        tpu.vector_store %arg7[%swap3A_1573], %gather3A_1572 {strides = array<i32>} : memref<1600xi32, #tpu.memory_space<vmem>>, vector<16xi32>,
        %add3A_1575 = arith.constant 896 : i32
        %add3A_1576 = vector.broadcast %add3A_1575 : i32 to vector<16xi32>
        %add3A_1577 = arith.addi %add3A_13, %add3A_1576 : vector<16xi32>
        %gather3A_1578 = tpu.vector_load_idx %arg5[%add3A_1577] : memref<1600xi32, #tpu.memory_space<vmem>>[vector<16xi32>], vector<16xi32>,
        %swap3A_1579 = arith.constant 784 : index
        %swap3A_1580 = tpu.vector_load %arg7[%swap3A_1579] {strides = array<i32>} : memref<1600xi32, #tpu.memory_space<vmem>>, vector<16xi32>,
        tpu.vector_store %arg7[%swap3A_1579], %gather3A_1578 {strides = array<i32>} : memref<1600xi32, #tpu.memory_space<vmem>>, vector<16xi32>,
        %add3A_1581 = arith.constant 100 : i32
        %add3A_1582 = vector.broadcast %add3A_1581 : i32 to vector<16xi32>
        %add3A_1583 = arith.addi %add3A_13, %add3A_1582 : vector<16xi32>
        %gather3A_1584 = tpu.vector_load_idx %arg5[%add3A_1583] : memref<1600xi32, #tpu.memory_space<vmem>>[vector<16xi32>], vector<16xi32>,
        %swap3A_1585 = arith.constant 800 : index
        %swap3A_1586 = tpu.vector_load %arg7[%swap3A_1585] {strides = array<i32>} : memref<1600xi32, #tpu.memory_space<vmem>>, vector<16xi32>,
        tpu.vector_store %arg7[%swap3A_1585], %gather3A_1584 {strides = array<i32>} : memref<1600xi32, #tpu.memory_space<vmem>>, vector<16xi32>,
        %add3A_1587 = arith.constant 900 : i32
        %add3A_1588 = vector.broadcast %add3A_1587 : i32 to vector<16xi32>
        %add3A_1589 = arith.addi %add3A_13, %add3A_1588 : vector<16xi32>
        %gather3A_1590 = tpu.vector_load_idx %arg5[%add3A_1589] : memref<1600xi32, #tpu.memory_space<vmem>>[vector<16xi32>], vector<16xi32>,
        %swap3A_1591 = arith.constant 816 : index
        %swap3A_1592 = tpu.vector_load %arg7[%swap3A_1591] {strides = array<i32>} : memref<1600xi32, #tpu.memory_space<vmem>>, vector<16xi32>,
        tpu.vector_store %arg7[%swap3A_1591], %gather3A_1590 {strides = array<i32>} : memref<1600xi32, #tpu.memory_space<vmem>>, vector<16xi32>,
        %add3A_1593 = arith.constant 104 : i32
        %add3A_1594 = vector.broadcast %add3A_1593 : i32 to vector<16xi32>
        %add3A_1595 = arith.addi %add3A_13, %add3A_1594 : vector<16xi32>
        %gather3A_1596 = tpu.vector_load_idx %arg5[%add3A_1595] : memref<1600xi32, #tpu.memory_space<vmem>>[vector<16xi32>], vector<16xi32>,
        %swap3A_1597 = arith.constant 832 : index
        %swap3A_1598 = tpu.vector_load %arg7[%swap3A_1597] {strides = array<i32>} : memref<1600xi32, #tpu.memory_space<vmem>>, vector<16xi32>,
        tpu.vector_store %arg7[%swap3A_1597], %gather3A_1596 {strides = array<i32>} : memref<1600xi32, #tpu.memory_space<vmem>>, vector<16xi32>,
        %add3A_1599 = arith.constant 904 : i32
        %add3A_1600 = vector.broadcast %add3A_1599 : i32 to vector<16xi32>
        %add3A_1601 = arith.addi %add3A_13, %add3A_1600 : vector<16xi32>
        %gather3A_1602 = tpu.vector_load_idx %arg5[%add3A_1601] : memref<1600xi32, #tpu.memory_space<vmem>>[vector<16xi32>], vector<16xi32>,
        %swap3A_1603 = arith.constant 848 : index
        %swap3A_1604 = tpu.vector_load %arg7[%swap3A_1603] {strides = array<i32>} : memref<1600xi32, #tpu.memory_space<vmem>>, vector<16xi32>,
        tpu.vector_store %arg7[%swap3A_1603], %gather3A_1602 {strides = array<i32>} : memref<1600xi32, #tpu.memory_space<vmem>>, vector<16xi32>,
        %add3A_1605 = arith.constant 108 : i32
        %add3A_1606 = vector.broadcast %add3A_1605 : i32 to vector<16xi32>
        %add3A_1607 = arith.addi %add3A_13, %add3A_1606 : vector<16xi32>
        %gather3A_1608 = tpu.vector_load_idx %arg5[%add3A_1607] : memref<1600xi32, #tpu.memory_space<vmem>>[vector<16xi32>], vector<16xi32>,
        %swap3A_1609 = arith.constant 864 : index
        %swap3A_1610 = tpu.vector_load %arg7[%swap3A_1609] {strides = array<i32>} : memref<1600xi32, #tpu.memory_space<vmem>>, vector<16xi32>,
        tpu.vector_store %arg7[%swap3A_1609], %gather3A_1608 {strides = array<i32>} : memref<1600xi32, #tpu.memory_space<vmem>>, vector<16xi32>,
        %add3A_1611 = arith.constant 908 : i32
        %add3A_1612 = vector.broadcast %add3A_1611 : i32 to vector<16xi32>
        %add3A_1613 = arith.addi %add3A_13, %add3A_1612 : vector<16xi32>
        %gather3A_1614 = tpu.vector_load_idx %arg5[%add3A_1613] : memref<1600xi32, #tpu.memory_space<vmem>>[vector<16xi32>], vector<16xi32>,
        %swap3A_1615 = arith.constant 880 : index
        %swap3A_1616 = tpu.vector_load %arg7[%swap3A_1615] {strides = array<i32>} : memref<1600xi32, #tpu.memory_space<vmem>>, vector<16xi32>,
        tpu.vector_store %arg7[%swap3A_1615], %gather3A_1614 {strides = array<i32>} : memref<1600xi32, #tpu.memory_space<vmem>>, vector<16xi32>,
        %add3A_1617 = arith.constant 112 : i32
        %add3A_1618 = vector.broadcast %add3A_1617 : i32 to vector<16xi32>
        %add3A_1619 = arith.addi %add3A_13, %add3A_1618 : vector<16xi32>
        %gather3A_1620 = tpu.vector_load_idx %arg5[%add3A_1619] : memref<1600xi32, #tpu.memory_space<vmem>>[vector<16xi32>], vector<16xi32>,
        %swap3A_1621 = arith.constant 896 : index
        %swap3A_1622 = tpu.vector_load %arg7[%swap3A_1621] {strides = array<i32>} : memref<1600xi32, #tpu.memory_space<vmem>>, vector<16xi32>,
        tpu.vector_store %arg7[%swap3A_1621], %gather3A_1620 {strides = array<i32>} : memref<1600xi32, #tpu.memory_space<vmem>>, vector<16xi32>,
        %add3A_1623 = arith.constant 912 : i32
        %add3A_1624 = vector.broadcast %add3A_1623 : i32 to vector<16xi32>
        %add3A_1625 = arith.addi %add3A_13, %add3A_1624 : vector<16xi32>
        %gather3A_1626 = tpu.vector_load_idx %arg5[%add3A_1625] : memref<1600xi32, #tpu.memory_space<vmem>>[vector<16xi32>], vector<16xi32>,
        %swap3A_1627 = arith.constant 912 : index
        %swap3A_1628 = tpu.vector_load %arg7[%swap3A_1627] {strides = array<i32>} : memref<1600xi32, #tpu.memory_space<vmem>>, vector<16xi32>,
        tpu.vector_store %arg7[%swap3A_1627], %gather3A_1626 {strides = array<i32>} : memref<1600xi32, #tpu.memory_space<vmem>>, vector<16xi32>,
        %add3A_1629 = arith.constant 116 : i32
        %add3A_1630 = vector.broadcast %add3A_1629 : i32 to vector<16xi32>
        %add3A_1631 = arith.addi %add3A_13, %add3A_1630 : vector<16xi32>
        %gather3A_1632 = tpu.vector_load_idx %arg5[%add3A_1631] : memref<1600xi32, #tpu.memory_space<vmem>>[vector<16xi32>], vector<16xi32>,
        %swap3A_1633 = arith.constant 928 : index
        %swap3A_1634 = tpu.vector_load %arg7[%swap3A_1633] {strides = array<i32>} : memref<1600xi32, #tpu.memory_space<vmem>>, vector<16xi32>,
        tpu.vector_store %arg7[%swap3A_1633], %gather3A_1632 {strides = array<i32>} : memref<1600xi32, #tpu.memory_space<vmem>>, vector<16xi32>,
        %add3A_1635 = arith.constant 916 : i32
        %add3A_1636 = vector.broadcast %add3A_1635 : i32 to vector<16xi32>
        %add3A_1637 = arith.addi %add3A_13, %add3A_1636 : vector<16xi32>
        %gather3A_1638 = tpu.vector_load_idx %arg5[%add3A_1637] : memref<1600xi32, #tpu.memory_space<vmem>>[vector<16xi32>], vector<16xi32>,
        %swap3A_1639 = arith.constant 944 : index
        %swap3A_1640 = tpu.vector_load %arg7[%swap3A_1639] {strides = array<i32>} : memref<1600xi32, #tpu.memory_space<vmem>>, vector<16xi32>,
        tpu.vector_store %arg7[%swap3A_1639], %gather3A_1638 {strides = array<i32>} : memref<1600xi32, #tpu.memory_space<vmem>>, vector<16xi32>,
        %add3A_1641 = arith.constant 120 : i32
        %add3A_1642 = vector.broadcast %add3A_1641 : i32 to vector<16xi32>
        %add3A_1643 = arith.addi %add3A_13, %add3A_1642 : vector<16xi32>
        %gather3A_1644 = tpu.vector_load_idx %arg5[%add3A_1643] : memref<1600xi32, #tpu.memory_space<vmem>>[vector<16xi32>], vector<16xi32>,
        %swap3A_1645 = arith.constant 960 : index
        %swap3A_1646 = tpu.vector_load %arg7[%swap3A_1645] {strides = array<i32>} : memref<1600xi32, #tpu.memory_space<vmem>>, vector<16xi32>,
        tpu.vector_store %arg7[%swap3A_1645], %gather3A_1644 {strides = array<i32>} : memref<1600xi32, #tpu.memory_space<vmem>>, vector<16xi32>,
        %add3A_1647 = arith.constant 920 : i32
        %add3A_1648 = vector.broadcast %add3A_1647 : i32 to vector<16xi32>
        %add3A_1649 = arith.addi %add3A_13, %add3A_1648 : vector<16xi32>
        %gather3A_1650 = tpu.vector_load_idx %arg5[%add3A_1649] : memref<1600xi32, #tpu.memory_space<vmem>>[vector<16xi32>], vector<16xi32>,
        %swap3A_1651 = arith.constant 976 : index
        %swap3A_1652 = tpu.vector_load %arg7[%swap3A_1651] {strides = array<i32>} : memref<1600xi32, #tpu.memory_space<vmem>>, vector<16xi32>,
        tpu.vector_store %arg7[%swap3A_1651], %gather3A_1650 {strides = array<i32>} : memref<1600xi32, #tpu.memory_space<vmem>>, vector<16xi32>,
        %add3A_1653 = arith.constant 124 : i32
        %add3A_1654 = vector.broadcast %add3A_1653 : i32 to vector<16xi32>
        %add3A_1655 = arith.addi %add3A_13, %add3A_1654 : vector<16xi32>
        %gather3A_1656 = tpu.vector_load_idx %arg5[%add3A_1655] : memref<1600xi32, #tpu.memory_space<vmem>>[vector<16xi32>], vector<16xi32>,
        %swap3A_1657 = arith.constant 992 : index
        %swap3A_1658 = tpu.vector_load %arg7[%swap3A_1657] {strides = array<i32>} : memref<1600xi32, #tpu.memory_space<vmem>>, vector<16xi32>,
        tpu.vector_store %arg7[%swap3A_1657], %gather3A_1656 {strides = array<i32>} : memref<1600xi32, #tpu.memory_space<vmem>>, vector<16xi32>,
        %add3A_1659 = arith.constant 924 : i32
        %add3A_1660 = vector.broadcast %add3A_1659 : i32 to vector<16xi32>
        %add3A_1661 = arith.addi %add3A_13, %add3A_1660 : vector<16xi32>
        %gather3A_1662 = tpu.vector_load_idx %arg5[%add3A_1661] : memref<1600xi32, #tpu.memory_space<vmem>>[vector<16xi32>], vector<16xi32>,
        %swap3A_1663 = arith.constant 1008 : index
        %swap3A_1664 = tpu.vector_load %arg7[%swap3A_1663] {strides = array<i32>} : memref<1600xi32, #tpu.memory_space<vmem>>, vector<16xi32>,
        tpu.vector_store %arg7[%swap3A_1663], %gather3A_1662 {strides = array<i32>} : memref<1600xi32, #tpu.memory_space<vmem>>, vector<16xi32>,
        %add3A_1665 = arith.constant 128 : i32
        %add3A_1666 = vector.broadcast %add3A_1665 : i32 to vector<16xi32>
        %add3A_1667 = arith.addi %add3A_13, %add3A_1666 : vector<16xi32>
        %gather3A_1668 = tpu.vector_load_idx %arg5[%add3A_1667] : memref<1600xi32, #tpu.memory_space<vmem>>[vector<16xi32>], vector<16xi32>,
        %swap3A_1669 = arith.constant 1024 : index
        %swap3A_1670 = tpu.vector_load %arg7[%swap3A_1669] {strides = array<i32>} : memref<1600xi32, #tpu.memory_space<vmem>>, vector<16xi32>,
        tpu.vector_store %arg7[%swap3A_1669], %gather3A_1668 {strides = array<i32>} : memref<1600xi32, #tpu.memory_space<vmem>>, vector<16xi32>,
        %add3A_1671 = arith.constant 928 : i32
        %add3A_1672 = vector.broadcast %add3A_1671 : i32 to vector<16xi32>
        %add3A_1673 = arith.addi %add3A_13, %add3A_1672 : vector<16xi32>
        %gather3A_1674 = tpu.vector_load_idx %arg5[%add3A_1673] : memref<1600xi32, #tpu.memory_space<vmem>>[vector<16xi32>], vector<16xi32>,
        %swap3A_1675 = arith.constant 1040 : index
        %swap3A_1676 = tpu.vector_load %arg7[%swap3A_1675] {strides = array<i32>} : memref<1600xi32, #tpu.memory_space<vmem>>, vector<16xi32>,
        tpu.vector_store %arg7[%swap3A_1675], %gather3A_1674 {strides = array<i32>} : memref<1600xi32, #tpu.memory_space<vmem>>, vector<16xi32>,
        %add3A_1677 = arith.constant 132 : i32
        %add3A_1678 = vector.broadcast %add3A_1677 : i32 to vector<16xi32>
        %add3A_1679 = arith.addi %add3A_13, %add3A_1678 : vector<16xi32>
        %gather3A_1680 = tpu.vector_load_idx %arg5[%add3A_1679] : memref<1600xi32, #tpu.memory_space<vmem>>[vector<16xi32>], vector<16xi32>,
        %swap3A_1681 = arith.constant 1056 : index
        %swap3A_1682 = tpu.vector_load %arg7[%swap3A_1681] {strides = array<i32>} : memref<1600xi32, #tpu.memory_space<vmem>>, vector<16xi32>,
        tpu.vector_store %arg7[%swap3A_1681], %gather3A_1680 {strides = array<i32>} : memref<1600xi32, #tpu.memory_space<vmem>>, vector<16xi32>,
        %add3A_1683 = arith.constant 932 : i32
        %add3A_1684 = vector.broadcast %add3A_1683 : i32 to vector<16xi32>
        %add3A_1685 = arith.addi %add3A_13, %add3A_1684 : vector<16xi32>
        %gather3A_1686 = tpu.vector_load_idx %arg5[%add3A_1685] : memref<1600xi32, #tpu.memory_space<vmem>>[vector<16xi32>], vector<16xi32>,
        %swap3A_1687 = arith.constant 1072 : index
        %swap3A_1688 = tpu.vector_load %arg7[%swap3A_1687] {strides = array<i32>} : memref<1600xi32, #tpu.memory_space<vmem>>, vector<16xi32>,
        tpu.vector_store %arg7[%swap3A_1687], %gather3A_1686 {strides = array<i32>} : memref<1600xi32, #tpu.memory_space<vmem>>, vector<16xi32>,
        %add3A_1689 = arith.constant 136 : i32
        %add3A_1690 = vector.broadcast %add3A_1689 : i32 to vector<16xi32>
        %add3A_1691 = arith.addi %add3A_13, %add3A_1690 : vector<16xi32>
        %gather3A_1692 = tpu.vector_load_idx %arg5[%add3A_1691] : memref<1600xi32, #tpu.memory_space<vmem>>[vector<16xi32>], vector<16xi32>,
        %swap3A_1693 = arith.constant 1088 : index
        %swap3A_1694 = tpu.vector_load %arg7[%swap3A_1693] {strides = array<i32>} : memref<1600xi32, #tpu.memory_space<vmem>>, vector<16xi32>,
        tpu.vector_store %arg7[%swap3A_1693], %gather3A_1692 {strides = array<i32>} : memref<1600xi32, #tpu.memory_space<vmem>>, vector<16xi32>,
        %add3A_1695 = arith.constant 936 : i32
        %add3A_1696 = vector.broadcast %add3A_1695 : i32 to vector<16xi32>
        %add3A_1697 = arith.addi %add3A_13, %add3A_1696 : vector<16xi32>
        %gather3A_1698 = tpu.vector_load_idx %arg5[%add3A_1697] : memref<1600xi32, #tpu.memory_space<vmem>>[vector<16xi32>], vector<16xi32>,
        %swap3A_1699 = arith.constant 1104 : index
        %swap3A_1700 = tpu.vector_load %arg7[%swap3A_1699] {strides = array<i32>} : memref<1600xi32, #tpu.memory_space<vmem>>, vector<16xi32>,
        tpu.vector_store %arg7[%swap3A_1699], %gather3A_1698 {strides = array<i32>} : memref<1600xi32, #tpu.memory_space<vmem>>, vector<16xi32>,
        %add3A_1701 = arith.constant 140 : i32
        %add3A_1702 = vector.broadcast %add3A_1701 : i32 to vector<16xi32>
        %add3A_1703 = arith.addi %add3A_13, %add3A_1702 : vector<16xi32>
        %gather3A_1704 = tpu.vector_load_idx %arg5[%add3A_1703] : memref<1600xi32, #tpu.memory_space<vmem>>[vector<16xi32>], vector<16xi32>,
        %swap3A_1705 = arith.constant 1120 : index
        %swap3A_1706 = tpu.vector_load %arg7[%swap3A_1705] {strides = array<i32>} : memref<1600xi32, #tpu.memory_space<vmem>>, vector<16xi32>,
        tpu.vector_store %arg7[%swap3A_1705], %gather3A_1704 {strides = array<i32>} : memref<1600xi32, #tpu.memory_space<vmem>>, vector<16xi32>,
        %add3A_1707 = arith.constant 940 : i32
        %add3A_1708 = vector.broadcast %add3A_1707 : i32 to vector<16xi32>
        %add3A_1709 = arith.addi %add3A_13, %add3A_1708 : vector<16xi32>
        %gather3A_1710 = tpu.vector_load_idx %arg5[%add3A_1709] : memref<1600xi32, #tpu.memory_space<vmem>>[vector<16xi32>], vector<16xi32>,
        %swap3A_1711 = arith.constant 1136 : index
        %swap3A_1712 = tpu.vector_load %arg7[%swap3A_1711] {strides = array<i32>} : memref<1600xi32, #tpu.memory_space<vmem>>, vector<16xi32>,
        tpu.vector_store %arg7[%swap3A_1711], %gather3A_1710 {strides = array<i32>} : memref<1600xi32, #tpu.memory_space<vmem>>, vector<16xi32>,
        %add3A_1713 = arith.constant 144 : i32
        %add3A_1714 = vector.broadcast %add3A_1713 : i32 to vector<16xi32>
        %add3A_1715 = arith.addi %add3A_13, %add3A_1714 : vector<16xi32>
        %gather3A_1716 = tpu.vector_load_idx %arg5[%add3A_1715] : memref<1600xi32, #tpu.memory_space<vmem>>[vector<16xi32>], vector<16xi32>,
        %swap3A_1717 = arith.constant 1152 : index
        %swap3A_1718 = tpu.vector_load %arg7[%swap3A_1717] {strides = array<i32>} : memref<1600xi32, #tpu.memory_space<vmem>>, vector<16xi32>,
        tpu.vector_store %arg7[%swap3A_1717], %gather3A_1716 {strides = array<i32>} : memref<1600xi32, #tpu.memory_space<vmem>>, vector<16xi32>,
        %add3A_1719 = arith.constant 944 : i32
        %add3A_1720 = vector.broadcast %add3A_1719 : i32 to vector<16xi32>
        %add3A_1721 = arith.addi %add3A_13, %add3A_1720 : vector<16xi32>
        %gather3A_1722 = tpu.vector_load_idx %arg5[%add3A_1721] : memref<1600xi32, #tpu.memory_space<vmem>>[vector<16xi32>], vector<16xi32>,
        %swap3A_1723 = arith.constant 1168 : index
        %swap3A_1724 = tpu.vector_load %arg7[%swap3A_1723] {strides = array<i32>} : memref<1600xi32, #tpu.memory_space<vmem>>, vector<16xi32>,
        tpu.vector_store %arg7[%swap3A_1723], %gather3A_1722 {strides = array<i32>} : memref<1600xi32, #tpu.memory_space<vmem>>, vector<16xi32>,
        %add3A_1725 = arith.constant 148 : i32
        %add3A_1726 = vector.broadcast %add3A_1725 : i32 to vector<16xi32>
        %add3A_1727 = arith.addi %add3A_13, %add3A_1726 : vector<16xi32>
        %gather3A_1728 = tpu.vector_load_idx %arg5[%add3A_1727] : memref<1600xi32, #tpu.memory_space<vmem>>[vector<16xi32>], vector<16xi32>,
        %swap3A_1729 = arith.constant 1184 : index
        %swap3A_1730 = tpu.vector_load %arg7[%swap3A_1729] {strides = array<i32>} : memref<1600xi32, #tpu.memory_space<vmem>>, vector<16xi32>,
        tpu.vector_store %arg7[%swap3A_1729], %gather3A_1728 {strides = array<i32>} : memref<1600xi32, #tpu.memory_space<vmem>>, vector<16xi32>,
        %add3A_1731 = arith.constant 948 : i32
        %add3A_1732 = vector.broadcast %add3A_1731 : i32 to vector<16xi32>
        %add3A_1733 = arith.addi %add3A_13, %add3A_1732 : vector<16xi32>
        %gather3A_1734 = tpu.vector_load_idx %arg5[%add3A_1733] : memref<1600xi32, #tpu.memory_space<vmem>>[vector<16xi32>], vector<16xi32>,
        %swap3A_1735 = arith.constant 1200 : index
        %swap3A_1736 = tpu.vector_load %arg7[%swap3A_1735] {strides = array<i32>} : memref<1600xi32, #tpu.memory_space<vmem>>, vector<16xi32>,
        tpu.vector_store %arg7[%swap3A_1735], %gather3A_1734 {strides = array<i32>} : memref<1600xi32, #tpu.memory_space<vmem>>, vector<16xi32>,
        %add3A_1737 = arith.constant 152 : i32
        %add3A_1738 = vector.broadcast %add3A_1737 : i32 to vector<16xi32>
        %add3A_1739 = arith.addi %add3A_13, %add3A_1738 : vector<16xi32>
        %gather3A_1740 = tpu.vector_load_idx %arg5[%add3A_1739] : memref<1600xi32, #tpu.memory_space<vmem>>[vector<16xi32>], vector<16xi32>,
        %swap3A_1741 = arith.constant 1216 : index
        %swap3A_1742 = tpu.vector_load %arg7[%swap3A_1741] {strides = array<i32>} : memref<1600xi32, #tpu.memory_space<vmem>>, vector<16xi32>,
        tpu.vector_store %arg7[%swap3A_1741], %gather3A_1740 {strides = array<i32>} : memref<1600xi32, #tpu.memory_space<vmem>>, vector<16xi32>,
        %add3A_1743 = arith.constant 952 : i32
        %add3A_1744 = vector.broadcast %add3A_1743 : i32 to vector<16xi32>
        %add3A_1745 = arith.addi %add3A_13, %add3A_1744 : vector<16xi32>
        %gather3A_1746 = tpu.vector_load_idx %arg5[%add3A_1745] : memref<1600xi32, #tpu.memory_space<vmem>>[vector<16xi32>], vector<16xi32>,
        %swap3A_1747 = arith.constant 1232 : index
        %swap3A_1748 = tpu.vector_load %arg7[%swap3A_1747] {strides = array<i32>} : memref<1600xi32, #tpu.memory_space<vmem>>, vector<16xi32>,
        tpu.vector_store %arg7[%swap3A_1747], %gather3A_1746 {strides = array<i32>} : memref<1600xi32, #tpu.memory_space<vmem>>, vector<16xi32>,
        %add3A_1749 = arith.constant 156 : i32
        %add3A_1750 = vector.broadcast %add3A_1749 : i32 to vector<16xi32>
        %add3A_1751 = arith.addi %add3A_13, %add3A_1750 : vector<16xi32>
        %gather3A_1752 = tpu.vector_load_idx %arg5[%add3A_1751] : memref<1600xi32, #tpu.memory_space<vmem>>[vector<16xi32>], vector<16xi32>,
        %swap3A_1753 = arith.constant 1248 : index
        %swap3A_1754 = tpu.vector_load %arg7[%swap3A_1753] {strides = array<i32>} : memref<1600xi32, #tpu.memory_space<vmem>>, vector<16xi32>,
        tpu.vector_store %arg7[%swap3A_1753], %gather3A_1752 {strides = array<i32>} : memref<1600xi32, #tpu.memory_space<vmem>>, vector<16xi32>,
        %add3A_1755 = arith.constant 956 : i32
        %add3A_1756 = vector.broadcast %add3A_1755 : i32 to vector<16xi32>
        %add3A_1757 = arith.addi %add3A_13, %add3A_1756 : vector<16xi32>
        %gather3A_1758 = tpu.vector_load_idx %arg5[%add3A_1757] : memref<1600xi32, #tpu.memory_space<vmem>>[vector<16xi32>], vector<16xi32>,
        %swap3A_1759 = arith.constant 1264 : index
        %swap3A_1760 = tpu.vector_load %arg7[%swap3A_1759] {strides = array<i32>} : memref<1600xi32, #tpu.memory_space<vmem>>, vector<16xi32>,
        tpu.vector_store %arg7[%swap3A_1759], %gather3A_1758 {strides = array<i32>} : memref<1600xi32, #tpu.memory_space<vmem>>, vector<16xi32>,
        %add3A_1761 = arith.constant 160 : i32
        %add3A_1762 = vector.broadcast %add3A_1761 : i32 to vector<16xi32>
        %add3A_1763 = arith.addi %add3A_13, %add3A_1762 : vector<16xi32>
        %gather3A_1764 = tpu.vector_load_idx %arg5[%add3A_1763] : memref<1600xi32, #tpu.memory_space<vmem>>[vector<16xi32>], vector<16xi32>,
        %swap3A_1765 = arith.constant 1280 : index
        %swap3A_1766 = tpu.vector_load %arg7[%swap3A_1765] {strides = array<i32>} : memref<1600xi32, #tpu.memory_space<vmem>>, vector<16xi32>,
        tpu.vector_store %arg7[%swap3A_1765], %gather3A_1764 {strides = array<i32>} : memref<1600xi32, #tpu.memory_space<vmem>>, vector<16xi32>,
        %add3A_1767 = arith.constant 960 : i32
        %add3A_1768 = vector.broadcast %add3A_1767 : i32 to vector<16xi32>
        %add3A_1769 = arith.addi %add3A_13, %add3A_1768 : vector<16xi32>
        %gather3A_1770 = tpu.vector_load_idx %arg5[%add3A_1769] : memref<1600xi32, #tpu.memory_space<vmem>>[vector<16xi32>], vector<16xi32>,
        %swap3A_1771 = arith.constant 1296 : index
        %swap3A_1772 = tpu.vector_load %arg7[%swap3A_1771] {strides = array<i32>} : memref<1600xi32, #tpu.memory_space<vmem>>, vector<16xi32>,
        tpu.vector_store %arg7[%swap3A_1771], %gather3A_1770 {strides = array<i32>} : memref<1600xi32, #tpu.memory_space<vmem>>, vector<16xi32>,
        %add3A_1773 = arith.constant 164 : i32
        %add3A_1774 = vector.broadcast %add3A_1773 : i32 to vector<16xi32>
        %add3A_1775 = arith.addi %add3A_13, %add3A_1774 : vector<16xi32>
        %gather3A_1776 = tpu.vector_load_idx %arg5[%add3A_1775] : memref<1600xi32, #tpu.memory_space<vmem>>[vector<16xi32>], vector<16xi32>,
        %swap3A_1777 = arith.constant 1312 : index
        %swap3A_1778 = tpu.vector_load %arg7[%swap3A_1777] {strides = array<i32>} : memref<1600xi32, #tpu.memory_space<vmem>>, vector<16xi32>,
        tpu.vector_store %arg7[%swap3A_1777], %gather3A_1776 {strides = array<i32>} : memref<1600xi32, #tpu.memory_space<vmem>>, vector<16xi32>,
        %add3A_1779 = arith.constant 964 : i32
        %add3A_1780 = vector.broadcast %add3A_1779 : i32 to vector<16xi32>
        %add3A_1781 = arith.addi %add3A_13, %add3A_1780 : vector<16xi32>
        %gather3A_1782 = tpu.vector_load_idx %arg5[%add3A_1781] : memref<1600xi32, #tpu.memory_space<vmem>>[vector<16xi32>], vector<16xi32>,
        %swap3A_1783 = arith.constant 1328 : index
        %swap3A_1784 = tpu.vector_load %arg7[%swap3A_1783] {strides = array<i32>} : memref<1600xi32, #tpu.memory_space<vmem>>, vector<16xi32>,
        tpu.vector_store %arg7[%swap3A_1783], %gather3A_1782 {strides = array<i32>} : memref<1600xi32, #tpu.memory_space<vmem>>, vector<16xi32>,
        %add3A_1785 = arith.constant 168 : i32
        %add3A_1786 = vector.broadcast %add3A_1785 : i32 to vector<16xi32>
        %add3A_1787 = arith.addi %add3A_13, %add3A_1786 : vector<16xi32>
        %gather3A_1788 = tpu.vector_load_idx %arg5[%add3A_1787] : memref<1600xi32, #tpu.memory_space<vmem>>[vector<16xi32>], vector<16xi32>,
        %swap3A_1789 = arith.constant 1344 : index
        %swap3A_1790 = tpu.vector_load %arg7[%swap3A_1789] {strides = array<i32>} : memref<1600xi32, #tpu.memory_space<vmem>>, vector<16xi32>,
        tpu.vector_store %arg7[%swap3A_1789], %gather3A_1788 {strides = array<i32>} : memref<1600xi32, #tpu.memory_space<vmem>>, vector<16xi32>,
        %add3A_1791 = arith.constant 968 : i32
        %add3A_1792 = vector.broadcast %add3A_1791 : i32 to vector<16xi32>
        %add3A_1793 = arith.addi %add3A_13, %add3A_1792 : vector<16xi32>
        %gather3A_1794 = tpu.vector_load_idx %arg5[%add3A_1793] : memref<1600xi32, #tpu.memory_space<vmem>>[vector<16xi32>], vector<16xi32>,
        %swap3A_1795 = arith.constant 1360 : index
        %swap3A_1796 = tpu.vector_load %arg7[%swap3A_1795] {strides = array<i32>} : memref<1600xi32, #tpu.memory_space<vmem>>, vector<16xi32>,
        tpu.vector_store %arg7[%swap3A_1795], %gather3A_1794 {strides = array<i32>} : memref<1600xi32, #tpu.memory_space<vmem>>, vector<16xi32>,
        %add3A_1797 = arith.constant 172 : i32
        %add3A_1798 = vector.broadcast %add3A_1797 : i32 to vector<16xi32>
        %add3A_1799 = arith.addi %add3A_13, %add3A_1798 : vector<16xi32>
        %gather3A_1800 = tpu.vector_load_idx %arg5[%add3A_1799] : memref<1600xi32, #tpu.memory_space<vmem>>[vector<16xi32>], vector<16xi32>,
        %swap3A_1801 = arith.constant 1376 : index
        %swap3A_1802 = tpu.vector_load %arg7[%swap3A_1801] {strides = array<i32>} : memref<1600xi32, #tpu.memory_space<vmem>>, vector<16xi32>,
        tpu.vector_store %arg7[%swap3A_1801], %gather3A_1800 {strides = array<i32>} : memref<1600xi32, #tpu.memory_space<vmem>>, vector<16xi32>,
        %add3A_1803 = arith.constant 972 : i32
        %add3A_1804 = vector.broadcast %add3A_1803 : i32 to vector<16xi32>
        %add3A_1805 = arith.addi %add3A_13, %add3A_1804 : vector<16xi32>
        %gather3A_1806 = tpu.vector_load_idx %arg5[%add3A_1805] : memref<1600xi32, #tpu.memory_space<vmem>>[vector<16xi32>], vector<16xi32>,
        %swap3A_1807 = arith.constant 1392 : index
        %swap3A_1808 = tpu.vector_load %arg7[%swap3A_1807] {strides = array<i32>} : memref<1600xi32, #tpu.memory_space<vmem>>, vector<16xi32>,
        tpu.vector_store %arg7[%swap3A_1807], %gather3A_1806 {strides = array<i32>} : memref<1600xi32, #tpu.memory_space<vmem>>, vector<16xi32>,
        %add3A_1809 = arith.constant 176 : i32
        %add3A_1810 = vector.broadcast %add3A_1809 : i32 to vector<16xi32>
        %add3A_1811 = arith.addi %add3A_13, %add3A_1810 : vector<16xi32>
        %gather3A_1812 = tpu.vector_load_idx %arg5[%add3A_1811] : memref<1600xi32, #tpu.memory_space<vmem>>[vector<16xi32>], vector<16xi32>,
        %swap3A_1813 = arith.constant 1408 : index
        %swap3A_1814 = tpu.vector_load %arg7[%swap3A_1813] {strides = array<i32>} : memref<1600xi32, #tpu.memory_space<vmem>>, vector<16xi32>,
        tpu.vector_store %arg7[%swap3A_1813], %gather3A_1812 {strides = array<i32>} : memref<1600xi32, #tpu.memory_space<vmem>>, vector<16xi32>,
        %add3A_1815 = arith.constant 976 : i32
        %add3A_1816 = vector.broadcast %add3A_1815 : i32 to vector<16xi32>
        %add3A_1817 = arith.addi %add3A_13, %add3A_1816 : vector<16xi32>
        %gather3A_1818 = tpu.vector_load_idx %arg5[%add3A_1817] : memref<1600xi32, #tpu.memory_space<vmem>>[vector<16xi32>], vector<16xi32>,
        %swap3A_1819 = arith.constant 1424 : index
        %swap3A_1820 = tpu.vector_load %arg7[%swap3A_1819] {strides = array<i32>} : memref<1600xi32, #tpu.memory_space<vmem>>, vector<16xi32>,
        tpu.vector_store %arg7[%swap3A_1819], %gather3A_1818 {strides = array<i32>} : memref<1600xi32, #tpu.memory_space<vmem>>, vector<16xi32>,
        %add3A_1821 = arith.constant 180 : i32
        %add3A_1822 = vector.broadcast %add3A_1821 : i32 to vector<16xi32>
        %add3A_1823 = arith.addi %add3A_13, %add3A_1822 : vector<16xi32>
        %gather3A_1824 = tpu.vector_load_idx %arg5[%add3A_1823] : memref<1600xi32, #tpu.memory_space<vmem>>[vector<16xi32>], vector<16xi32>,
        %swap3A_1825 = arith.constant 1440 : index
        %swap3A_1826 = tpu.vector_load %arg7[%swap3A_1825] {strides = array<i32>} : memref<1600xi32, #tpu.memory_space<vmem>>, vector<16xi32>,
        tpu.vector_store %arg7[%swap3A_1825], %gather3A_1824 {strides = array<i32>} : memref<1600xi32, #tpu.memory_space<vmem>>, vector<16xi32>,
        %add3A_1827 = arith.constant 980 : i32
        %add3A_1828 = vector.broadcast %add3A_1827 : i32 to vector<16xi32>
        %add3A_1829 = arith.addi %add3A_13, %add3A_1828 : vector<16xi32>
        %gather3A_1830 = tpu.vector_load_idx %arg5[%add3A_1829] : memref<1600xi32, #tpu.memory_space<vmem>>[vector<16xi32>], vector<16xi32>,
        %swap3A_1831 = arith.constant 1456 : index
        %swap3A_1832 = tpu.vector_load %arg7[%swap3A_1831] {strides = array<i32>} : memref<1600xi32, #tpu.memory_space<vmem>>, vector<16xi32>,
        tpu.vector_store %arg7[%swap3A_1831], %gather3A_1830 {strides = array<i32>} : memref<1600xi32, #tpu.memory_space<vmem>>, vector<16xi32>,
        %add3A_1833 = arith.constant 184 : i32
        %add3A_1834 = vector.broadcast %add3A_1833 : i32 to vector<16xi32>
        %add3A_1835 = arith.addi %add3A_13, %add3A_1834 : vector<16xi32>
        %gather3A_1836 = tpu.vector_load_idx %arg5[%add3A_1835] : memref<1600xi32, #tpu.memory_space<vmem>>[vector<16xi32>], vector<16xi32>,
        %swap3A_1837 = arith.constant 1472 : index
        %swap3A_1838 = tpu.vector_load %arg7[%swap3A_1837] {strides = array<i32>} : memref<1600xi32, #tpu.memory_space<vmem>>, vector<16xi32>,
        tpu.vector_store %arg7[%swap3A_1837], %gather3A_1836 {strides = array<i32>} : memref<1600xi32, #tpu.memory_space<vmem>>, vector<16xi32>,
        %add3A_1839 = arith.constant 984 : i32
        %add3A_1840 = vector.broadcast %add3A_1839 : i32 to vector<16xi32>
        %add3A_1841 = arith.addi %add3A_13, %add3A_1840 : vector<16xi32>
        %gather3A_1842 = tpu.vector_load_idx %arg5[%add3A_1841] : memref<1600xi32, #tpu.memory_space<vmem>>[vector<16xi32>], vector<16xi32>,
        %swap3A_1843 = arith.constant 1488 : index
        %swap3A_1844 = tpu.vector_load %arg7[%swap3A_1843] {strides = array<i32>} : memref<1600xi32, #tpu.memory_space<vmem>>, vector<16xi32>,
        tpu.vector_store %arg7[%swap3A_1843], %gather3A_1842 {strides = array<i32>} : memref<1600xi32, #tpu.memory_space<vmem>>, vector<16xi32>,
        %add3A_1845 = arith.constant 188 : i32
        %add3A_1846 = vector.broadcast %add3A_1845 : i32 to vector<16xi32>
        %add3A_1847 = arith.addi %add3A_13, %add3A_1846 : vector<16xi32>
        %gather3A_1848 = tpu.vector_load_idx %arg5[%add3A_1847] : memref<1600xi32, #tpu.memory_space<vmem>>[vector<16xi32>], vector<16xi32>,
        %swap3A_1849 = arith.constant 1504 : index
        %swap3A_1850 = tpu.vector_load %arg7[%swap3A_1849] {strides = array<i32>} : memref<1600xi32, #tpu.memory_space<vmem>>, vector<16xi32>,
        tpu.vector_store %arg7[%swap3A_1849], %gather3A_1848 {strides = array<i32>} : memref<1600xi32, #tpu.memory_space<vmem>>, vector<16xi32>,
        %add3A_1851 = arith.constant 988 : i32
        %add3A_1852 = vector.broadcast %add3A_1851 : i32 to vector<16xi32>
        %add3A_1853 = arith.addi %add3A_13, %add3A_1852 : vector<16xi32>
        %gather3A_1854 = tpu.vector_load_idx %arg5[%add3A_1853] : memref<1600xi32, #tpu.memory_space<vmem>>[vector<16xi32>], vector<16xi32>,
        %swap3A_1855 = arith.constant 1520 : index
        %swap3A_1856 = tpu.vector_load %arg7[%swap3A_1855] {strides = array<i32>} : memref<1600xi32, #tpu.memory_space<vmem>>, vector<16xi32>,
        tpu.vector_store %arg7[%swap3A_1855], %gather3A_1854 {strides = array<i32>} : memref<1600xi32, #tpu.memory_space<vmem>>, vector<16xi32>,
        %add3A_1857 = arith.constant 192 : i32
        %add3A_1858 = vector.broadcast %add3A_1857 : i32 to vector<16xi32>
        %add3A_1859 = arith.addi %add3A_13, %add3A_1858 : vector<16xi32>
        %gather3A_1860 = tpu.vector_load_idx %arg5[%add3A_1859] : memref<1600xi32, #tpu.memory_space<vmem>>[vector<16xi32>], vector<16xi32>,
        %swap3A_1861 = arith.constant 1536 : index
        %swap3A_1862 = tpu.vector_load %arg7[%swap3A_1861] {strides = array<i32>} : memref<1600xi32, #tpu.memory_space<vmem>>, vector<16xi32>,
        tpu.vector_store %arg7[%swap3A_1861], %gather3A_1860 {strides = array<i32>} : memref<1600xi32, #tpu.memory_space<vmem>>, vector<16xi32>,
        %add3A_1863 = arith.constant 992 : i32
        %add3A_1864 = vector.broadcast %add3A_1863 : i32 to vector<16xi32>
        %add3A_1865 = arith.addi %add3A_13, %add3A_1864 : vector<16xi32>
        %gather3A_1866 = tpu.vector_load_idx %arg5[%add3A_1865] : memref<1600xi32, #tpu.memory_space<vmem>>[vector<16xi32>], vector<16xi32>,
        %swap3A_1867 = arith.constant 1552 : index
        %swap3A_1868 = tpu.vector_load %arg7[%swap3A_1867] {strides = array<i32>} : memref<1600xi32, #tpu.memory_space<vmem>>, vector<16xi32>,
        tpu.vector_store %arg7[%swap3A_1867], %gather3A_1866 {strides = array<i32>} : memref<1600xi32, #tpu.memory_space<vmem>>, vector<16xi32>,
        %add3A_1869 = arith.constant 196 : i32
        %add3A_1870 = vector.broadcast %add3A_1869 : i32 to vector<16xi32>
        %add3A_1871 = arith.addi %add3A_13, %add3A_1870 : vector<16xi32>
        %gather3A_1872 = tpu.vector_load_idx %arg5[%add3A_1871] : memref<1600xi32, #tpu.memory_space<vmem>>[vector<16xi32>], vector<16xi32>,
        %swap3A_1873 = arith.constant 1568 : index
        %swap3A_1874 = tpu.vector_load %arg7[%swap3A_1873] {strides = array<i32>} : memref<1600xi32, #tpu.memory_space<vmem>>, vector<16xi32>,
        tpu.vector_store %arg7[%swap3A_1873], %gather3A_1872 {strides = array<i32>} : memref<1600xi32, #tpu.memory_space<vmem>>, vector<16xi32>,
        %add3A_1875 = arith.constant 996 : i32
        %add3A_1876 = vector.broadcast %add3A_1875 : i32 to vector<16xi32>
        %add3A_1877 = arith.addi %add3A_13, %add3A_1876 : vector<16xi32>
        %gather3A_1878 = tpu.vector_load_idx %arg5[%add3A_1877] : memref<1600xi32, #tpu.memory_space<vmem>>[vector<16xi32>], vector<16xi32>,
        %swap3A_1879 = arith.constant 1584 : index
        %swap3A_1880 = tpu.vector_load %arg7[%swap3A_1879] {strides = array<i32>} : memref<1600xi32, #tpu.memory_space<vmem>>, vector<16xi32>,
        tpu.vector_store %arg7[%swap3A_1879], %gather3A_1878 {strides = array<i32>} : memref<1600xi32, #tpu.memory_space<vmem>>, vector<16xi32>,
        %dma_start3A_1881 = arith.constant 0 : i32
        %dma_start3A_1882 = arith.constant 0 : i32
        %dma_start3A_1883 = tpu.memref_slice %arg3[%dma_start3A_1881, %dma_start3A_1882] : memref<1000000x32xf32, #tpu.memory_space<hbm>> -> memref<1000000x32xf32, #tpu.memory_space<hbm>>
        tpu.enqueue_indirect_dma source(%dma_start3A_1883 : memref<1000000x32xf32, #tpu.memory_space<hbm>>) target(%arg9 : memref<1600x32xf32, #tpu.memory_space<vmem>>) offsets(%arg7 : memref<1600xi32, #tpu.memory_space<vmem>>) semaphore(%arg11 : memref<!tpu.dma_semaphore, #tpu.memory_space<semaphore_mem>>)
      } else {
      }
      %add3A_1255 = arith.constant 1 : i32
      %add3A_1256 = arith.addi %add3A_1240, %add3A_1255 : i32
      %dma_wait3A_1257 = arith.constant 0 : i32
      %dma_wait3A_1258 = arith.constant 0 : i32
      %dma_wait3A_1259 = tpu.memref_slice %arg3[%dma_wait3A_1257, %dma_wait3A_1258] : memref<1000000x32xf32, #tpu.memory_space<hbm>> -> memref<1000000x32xf32, #tpu.memory_space<hbm>>
      tpu.wait_indirect_dma semaphore(%arg12 : memref<!tpu.dma_semaphore, #tpu.memory_space<semaphore_mem>>) src(%dma_wait3A_1259 : memref<1000000x32xf32, #tpu.memory_space<hbm>>) dst(%arg10 : memref<1600x32xf32, #tpu.memory_space<vmem>>)
      %add3A_1260 = arith.addi %mul3A_2, %add3A_1256 : i32
      %mul3A_1261 = arith.constant 1600 : i32
      %mul3A_1262 = arith.muli %add3A_1260, %mul3A_1261 : i32
      %dma_start3A_1263 = arith.constant 0 : i32
      %dma_start3A_1264 = tpu.memref_slice %arg4[%mul3A_1262, %dma_start3A_1263] : memref<819200x32xf32, #tpu.memory_space<hbm>> -> memref<1600x32xf32, #tpu.memory_space<hbm>>
      %dma_start3A_1265 = arith.constant 0 : i32
      %dma_start3A_1266 = tpu.memref_slice %arg4[%mul3A_1262, %dma_start3A_1265] : memref<819200x32xf32, #tpu.memory_space<hbm>> -> memref<1600x32xf32, #tpu.memory_space<hbm>>
      tpu.enqueue_dma source(%arg10 : memref<1600x32xf32, #tpu.memory_space<vmem>>) target(%dma_start3A_1266 : memref<1600x32xf32, #tpu.memory_space<hbm>>) target_semaphore(%arg14 : memref<!tpu.dma_semaphore, #tpu.memory_space<semaphore_mem>>)
      %lt3A_1267 = arith.constant 14 : i32
      %lt3A_1268 = arith.cmpi slt, %add3A_1256, %lt3A_1267 : i32
      %convert_element_type3A_1269 = arith.extui %lt3A_1268 : i1 to i32
      %cond3A_1270 = arith.constant 0 : i32
      %cond3A_1271 = arith.cmpi ne, %convert_element_type3A_1269, %cond3A_1270 : i32
      scf.if %cond3A_1271 {
        %dma_wait3A_1272 = arith.constant 0 : i32
        %dma_wait3A_1273 = tpu.memref_slice %arg4[%mul3A_2, %dma_wait3A_1272] : memref<819200x32xf32, #tpu.memory_space<hbm>> -> memref<1600x32xf32, #tpu.memory_space<hbm>>
        %dma_wait3A_1274 = arith.constant 0 : i32
        %dma_wait3A_1275 = tpu.memref_slice %arg4[%mul3A_2, %dma_wait3A_1274] : memref<819200x32xf32, #tpu.memory_space<hbm>> -> memref<1600x32xf32, #tpu.memory_space<hbm>>
        tpu.wait_dma2 semaphore(%arg14 : memref<!tpu.dma_semaphore, #tpu.memory_space<semaphore_mem>>) src(%arg10 : memref<1600x32xf32, #tpu.memory_space<vmem>>) dst(%dma_wait3A_1275 : memref<1600x32xf32, #tpu.memory_space<hbm>>)
        %add3A_1276 = arith.constant 2 : i32
        %add3A_1277 = arith.addi %add3A_1256, %add3A_1276 : i32
        %add3A_1278 = arith.addi %mul3A_2, %add3A_1277 : i32
        %mul3A_1279 = arith.constant 1600 : i32
        %mul3A_1280 = arith.muli %add3A_1278, %mul3A_1279 : i32
        "tpu.region"() ({
          %run_scoped3A = tpu.sem_alloc : memref<!tpu.dma_semaphore, #tpu.memory_space<semaphore_mem>>
          %dma_start3A_1884 = tpu.memref_slice %arg2[%mul3A_1280] : memref<819200xi32, #tpu.memory_space<hbm>> -> memref<1600xi32, #tpu.memory_space<hbm>>
          %dma_start3A_1885 = tpu.memref_slice %arg2[%mul3A_1280] : memref<819200xi32, #tpu.memory_space<hbm>> -> memref<1600xi32, #tpu.memory_space<hbm>>
          tpu.enqueue_dma source(%dma_start3A_1885 : memref<1600xi32, #tpu.memory_space<hbm>>) target(%arg6 : memref<1600xi32, #tpu.memory_space<vmem>>) target_semaphore(%run_scoped3A : memref<!tpu.dma_semaphore, #tpu.memory_space<semaphore_mem>>)
          %dma_wait3A_1886 = tpu.memref_slice %arg2[%mul3A_1280] : memref<819200xi32, #tpu.memory_space<hbm>> -> memref<1600xi32, #tpu.memory_space<hbm>>
          %dma_wait3A_1887 = tpu.memref_slice %arg2[%mul3A_1280] : memref<819200xi32, #tpu.memory_space<hbm>> -> memref<1600xi32, #tpu.memory_space<hbm>>
          tpu.wait_dma2 semaphore(%run_scoped3A : memref<!tpu.dma_semaphore, #tpu.memory_space<semaphore_mem>>) src(%dma_wait3A_1887 : memref<1600xi32, #tpu.memory_space<hbm>>) dst(%arg6 : memref<1600xi32, #tpu.memory_space<vmem>>)
          tpu.yield
        }) : () -> ()
        %add3A_1281 = arith.constant 0 : i32
        %add3A_1282 = vector.broadcast %add3A_1281 : i32 to vector<16xi32>
        %add3A_1283 = arith.addi %add3A_13, %add3A_1282 : vector<16xi32>
        %gather3A_1284 = tpu.vector_load_idx %arg6[%add3A_1283] : memref<1600xi32, #tpu.memory_space<vmem>>[vector<16xi32>], vector<16xi32>,
        %swap3A_1285 = arith.constant 0 : index
        %swap3A_1286 = tpu.vector_load %arg8[%swap3A_1285] {strides = array<i32>} : memref<1600xi32, #tpu.memory_space<vmem>>, vector<16xi32>,
        tpu.vector_store %arg8[%swap3A_1285], %gather3A_1284 {strides = array<i32>} : memref<1600xi32, #tpu.memory_space<vmem>>, vector<16xi32>,
        %add3A_1287 = arith.constant 800 : i32
        %add3A_1288 = vector.broadcast %add3A_1287 : i32 to vector<16xi32>
        %add3A_1289 = arith.addi %add3A_13, %add3A_1288 : vector<16xi32>
        %gather3A_1290 = tpu.vector_load_idx %arg6[%add3A_1289] : memref<1600xi32, #tpu.memory_space<vmem>>[vector<16xi32>], vector<16xi32>,
        %swap3A_1291 = arith.constant 16 : index
        %swap3A_1292 = tpu.vector_load %arg8[%swap3A_1291] {strides = array<i32>} : memref<1600xi32, #tpu.memory_space<vmem>>, vector<16xi32>,
        tpu.vector_store %arg8[%swap3A_1291], %gather3A_1290 {strides = array<i32>} : memref<1600xi32, #tpu.memory_space<vmem>>, vector<16xi32>,
        %add3A_1293 = arith.constant 4 : i32
        %add3A_1294 = vector.broadcast %add3A_1293 : i32 to vector<16xi32>
        %add3A_1295 = arith.addi %add3A_13, %add3A_1294 : vector<16xi32>
        %gather3A_1296 = tpu.vector_load_idx %arg6[%add3A_1295] : memref<1600xi32, #tpu.memory_space<vmem>>[vector<16xi32>], vector<16xi32>,
        %swap3A_1297 = arith.constant 32 : index
        %swap3A_1298 = tpu.vector_load %arg8[%swap3A_1297] {strides = array<i32>} : memref<1600xi32, #tpu.memory_space<vmem>>, vector<16xi32>,
        tpu.vector_store %arg8[%swap3A_1297], %gather3A_1296 {strides = array<i32>} : memref<1600xi32, #tpu.memory_space<vmem>>, vector<16xi32>,
        %add3A_1299 = arith.constant 804 : i32
        %add3A_1300 = vector.broadcast %add3A_1299 : i32 to vector<16xi32>
        %add3A_1301 = arith.addi %add3A_13, %add3A_1300 : vector<16xi32>
        %gather3A_1302 = tpu.vector_load_idx %arg6[%add3A_1301] : memref<1600xi32, #tpu.memory_space<vmem>>[vector<16xi32>], vector<16xi32>,
        %swap3A_1303 = arith.constant 48 : index
        %swap3A_1304 = tpu.vector_load %arg8[%swap3A_1303] {strides = array<i32>} : memref<1600xi32, #tpu.memory_space<vmem>>, vector<16xi32>,
        tpu.vector_store %arg8[%swap3A_1303], %gather3A_1302 {strides = array<i32>} : memref<1600xi32, #tpu.memory_space<vmem>>, vector<16xi32>,
        %add3A_1305 = arith.constant 8 : i32
        %add3A_1306 = vector.broadcast %add3A_1305 : i32 to vector<16xi32>
        %add3A_1307 = arith.addi %add3A_13, %add3A_1306 : vector<16xi32>
        %gather3A_1308 = tpu.vector_load_idx %arg6[%add3A_1307] : memref<1600xi32, #tpu.memory_space<vmem>>[vector<16xi32>], vector<16xi32>,
        %swap3A_1309 = arith.constant 64 : index
        %swap3A_1310 = tpu.vector_load %arg8[%swap3A_1309] {strides = array<i32>} : memref<1600xi32, #tpu.memory_space<vmem>>, vector<16xi32>,
        tpu.vector_store %arg8[%swap3A_1309], %gather3A_1308 {strides = array<i32>} : memref<1600xi32, #tpu.memory_space<vmem>>, vector<16xi32>,
        %add3A_1311 = arith.constant 808 : i32
        %add3A_1312 = vector.broadcast %add3A_1311 : i32 to vector<16xi32>
        %add3A_1313 = arith.addi %add3A_13, %add3A_1312 : vector<16xi32>
        %gather3A_1314 = tpu.vector_load_idx %arg6[%add3A_1313] : memref<1600xi32, #tpu.memory_space<vmem>>[vector<16xi32>], vector<16xi32>,
        %swap3A_1315 = arith.constant 80 : index
        %swap3A_1316 = tpu.vector_load %arg8[%swap3A_1315] {strides = array<i32>} : memref<1600xi32, #tpu.memory_space<vmem>>, vector<16xi32>,
        tpu.vector_store %arg8[%swap3A_1315], %gather3A_1314 {strides = array<i32>} : memref<1600xi32, #tpu.memory_space<vmem>>, vector<16xi32>,
        %add3A_1317 = arith.constant 12 : i32
        %add3A_1318 = vector.broadcast %add3A_1317 : i32 to vector<16xi32>
        %add3A_1319 = arith.addi %add3A_13, %add3A_1318 : vector<16xi32>
        %gather3A_1320 = tpu.vector_load_idx %arg6[%add3A_1319] : memref<1600xi32, #tpu.memory_space<vmem>>[vector<16xi32>], vector<16xi32>,
        %swap3A_1321 = arith.constant 96 : index
        %swap3A_1322 = tpu.vector_load %arg8[%swap3A_1321] {strides = array<i32>} : memref<1600xi32, #tpu.memory_space<vmem>>, vector<16xi32>,
        tpu.vector_store %arg8[%swap3A_1321], %gather3A_1320 {strides = array<i32>} : memref<1600xi32, #tpu.memory_space<vmem>>, vector<16xi32>,
        %add3A_1323 = arith.constant 812 : i32
        %add3A_1324 = vector.broadcast %add3A_1323 : i32 to vector<16xi32>
        %add3A_1325 = arith.addi %add3A_13, %add3A_1324 : vector<16xi32>
        %gather3A_1326 = tpu.vector_load_idx %arg6[%add3A_1325] : memref<1600xi32, #tpu.memory_space<vmem>>[vector<16xi32>], vector<16xi32>,
        %swap3A_1327 = arith.constant 112 : index
        %swap3A_1328 = tpu.vector_load %arg8[%swap3A_1327] {strides = array<i32>} : memref<1600xi32, #tpu.memory_space<vmem>>, vector<16xi32>,
        tpu.vector_store %arg8[%swap3A_1327], %gather3A_1326 {strides = array<i32>} : memref<1600xi32, #tpu.memory_space<vmem>>, vector<16xi32>,
        %add3A_1329 = arith.constant 16 : i32
        %add3A_1330 = vector.broadcast %add3A_1329 : i32 to vector<16xi32>
        %add3A_1331 = arith.addi %add3A_13, %add3A_1330 : vector<16xi32>
        %gather3A_1332 = tpu.vector_load_idx %arg6[%add3A_1331] : memref<1600xi32, #tpu.memory_space<vmem>>[vector<16xi32>], vector<16xi32>,
        %swap3A_1333 = arith.constant 128 : index
        %swap3A_1334 = tpu.vector_load %arg8[%swap3A_1333] {strides = array<i32>} : memref<1600xi32, #tpu.memory_space<vmem>>, vector<16xi32>,
        tpu.vector_store %arg8[%swap3A_1333], %gather3A_1332 {strides = array<i32>} : memref<1600xi32, #tpu.memory_space<vmem>>, vector<16xi32>,
        %add3A_1335 = arith.constant 816 : i32
        %add3A_1336 = vector.broadcast %add3A_1335 : i32 to vector<16xi32>
        %add3A_1337 = arith.addi %add3A_13, %add3A_1336 : vector<16xi32>
        %gather3A_1338 = tpu.vector_load_idx %arg6[%add3A_1337] : memref<1600xi32, #tpu.memory_space<vmem>>[vector<16xi32>], vector<16xi32>,
        %swap3A_1339 = arith.constant 144 : index
        %swap3A_1340 = tpu.vector_load %arg8[%swap3A_1339] {strides = array<i32>} : memref<1600xi32, #tpu.memory_space<vmem>>, vector<16xi32>,
        tpu.vector_store %arg8[%swap3A_1339], %gather3A_1338 {strides = array<i32>} : memref<1600xi32, #tpu.memory_space<vmem>>, vector<16xi32>,
        %add3A_1341 = arith.constant 20 : i32
        %add3A_1342 = vector.broadcast %add3A_1341 : i32 to vector<16xi32>
        %add3A_1343 = arith.addi %add3A_13, %add3A_1342 : vector<16xi32>
        %gather3A_1344 = tpu.vector_load_idx %arg6[%add3A_1343] : memref<1600xi32, #tpu.memory_space<vmem>>[vector<16xi32>], vector<16xi32>,
        %swap3A_1345 = arith.constant 160 : index
        %swap3A_1346 = tpu.vector_load %arg8[%swap3A_1345] {strides = array<i32>} : memref<1600xi32, #tpu.memory_space<vmem>>, vector<16xi32>,
        tpu.vector_store %arg8[%swap3A_1345], %gather3A_1344 {strides = array<i32>} : memref<1600xi32, #tpu.memory_space<vmem>>, vector<16xi32>,
        %add3A_1347 = arith.constant 820 : i32
        %add3A_1348 = vector.broadcast %add3A_1347 : i32 to vector<16xi32>
        %add3A_1349 = arith.addi %add3A_13, %add3A_1348 : vector<16xi32>
        %gather3A_1350 = tpu.vector_load_idx %arg6[%add3A_1349] : memref<1600xi32, #tpu.memory_space<vmem>>[vector<16xi32>], vector<16xi32>,
        %swap3A_1351 = arith.constant 176 : index
        %swap3A_1352 = tpu.vector_load %arg8[%swap3A_1351] {strides = array<i32>} : memref<1600xi32, #tpu.memory_space<vmem>>, vector<16xi32>,
        tpu.vector_store %arg8[%swap3A_1351], %gather3A_1350 {strides = array<i32>} : memref<1600xi32, #tpu.memory_space<vmem>>, vector<16xi32>,
        %add3A_1353 = arith.constant 24 : i32
        %add3A_1354 = vector.broadcast %add3A_1353 : i32 to vector<16xi32>
        %add3A_1355 = arith.addi %add3A_13, %add3A_1354 : vector<16xi32>
        %gather3A_1356 = tpu.vector_load_idx %arg6[%add3A_1355] : memref<1600xi32, #tpu.memory_space<vmem>>[vector<16xi32>], vector<16xi32>,
        %swap3A_1357 = arith.constant 192 : index
        %swap3A_1358 = tpu.vector_load %arg8[%swap3A_1357] {strides = array<i32>} : memref<1600xi32, #tpu.memory_space<vmem>>, vector<16xi32>,
        tpu.vector_store %arg8[%swap3A_1357], %gather3A_1356 {strides = array<i32>} : memref<1600xi32, #tpu.memory_space<vmem>>, vector<16xi32>,
        %add3A_1359 = arith.constant 824 : i32
        %add3A_1360 = vector.broadcast %add3A_1359 : i32 to vector<16xi32>
        %add3A_1361 = arith.addi %add3A_13, %add3A_1360 : vector<16xi32>
        %gather3A_1362 = tpu.vector_load_idx %arg6[%add3A_1361] : memref<1600xi32, #tpu.memory_space<vmem>>[vector<16xi32>], vector<16xi32>,
        %swap3A_1363 = arith.constant 208 : index
        %swap3A_1364 = tpu.vector_load %arg8[%swap3A_1363] {strides = array<i32>} : memref<1600xi32, #tpu.memory_space<vmem>>, vector<16xi32>,
        tpu.vector_store %arg8[%swap3A_1363], %gather3A_1362 {strides = array<i32>} : memref<1600xi32, #tpu.memory_space<vmem>>, vector<16xi32>,
        %add3A_1365 = arith.constant 28 : i32
        %add3A_1366 = vector.broadcast %add3A_1365 : i32 to vector<16xi32>
        %add3A_1367 = arith.addi %add3A_13, %add3A_1366 : vector<16xi32>
        %gather3A_1368 = tpu.vector_load_idx %arg6[%add3A_1367] : memref<1600xi32, #tpu.memory_space<vmem>>[vector<16xi32>], vector<16xi32>,
        %swap3A_1369 = arith.constant 224 : index
        %swap3A_1370 = tpu.vector_load %arg8[%swap3A_1369] {strides = array<i32>} : memref<1600xi32, #tpu.memory_space<vmem>>, vector<16xi32>,
        tpu.vector_store %arg8[%swap3A_1369], %gather3A_1368 {strides = array<i32>} : memref<1600xi32, #tpu.memory_space<vmem>>, vector<16xi32>,
        %add3A_1371 = arith.constant 828 : i32
        %add3A_1372 = vector.broadcast %add3A_1371 : i32 to vector<16xi32>
        %add3A_1373 = arith.addi %add3A_13, %add3A_1372 : vector<16xi32>
        %gather3A_1374 = tpu.vector_load_idx %arg6[%add3A_1373] : memref<1600xi32, #tpu.memory_space<vmem>>[vector<16xi32>], vector<16xi32>,
        %swap3A_1375 = arith.constant 240 : index
        %swap3A_1376 = tpu.vector_load %arg8[%swap3A_1375] {strides = array<i32>} : memref<1600xi32, #tpu.memory_space<vmem>>, vector<16xi32>,
        tpu.vector_store %arg8[%swap3A_1375], %gather3A_1374 {strides = array<i32>} : memref<1600xi32, #tpu.memory_space<vmem>>, vector<16xi32>,
        %add3A_1377 = arith.constant 32 : i32
        %add3A_1378 = vector.broadcast %add3A_1377 : i32 to vector<16xi32>
        %add3A_1379 = arith.addi %add3A_13, %add3A_1378 : vector<16xi32>
        %gather3A_1380 = tpu.vector_load_idx %arg6[%add3A_1379] : memref<1600xi32, #tpu.memory_space<vmem>>[vector<16xi32>], vector<16xi32>,
        %swap3A_1381 = arith.constant 256 : index
        %swap3A_1382 = tpu.vector_load %arg8[%swap3A_1381] {strides = array<i32>} : memref<1600xi32, #tpu.memory_space<vmem>>, vector<16xi32>,
        tpu.vector_store %arg8[%swap3A_1381], %gather3A_1380 {strides = array<i32>} : memref<1600xi32, #tpu.memory_space<vmem>>, vector<16xi32>,
        %add3A_1383 = arith.constant 832 : i32
        %add3A_1384 = vector.broadcast %add3A_1383 : i32 to vector<16xi32>
        %add3A_1385 = arith.addi %add3A_13, %add3A_1384 : vector<16xi32>
        %gather3A_1386 = tpu.vector_load_idx %arg6[%add3A_1385] : memref<1600xi32, #tpu.memory_space<vmem>>[vector<16xi32>], vector<16xi32>,
        %swap3A_1387 = arith.constant 272 : index
        %swap3A_1388 = tpu.vector_load %arg8[%swap3A_1387] {strides = array<i32>} : memref<1600xi32, #tpu.memory_space<vmem>>, vector<16xi32>,
        tpu.vector_store %arg8[%swap3A_1387], %gather3A_1386 {strides = array<i32>} : memref<1600xi32, #tpu.memory_space<vmem>>, vector<16xi32>,
        %add3A_1389 = arith.constant 36 : i32
        %add3A_1390 = vector.broadcast %add3A_1389 : i32 to vector<16xi32>
        %add3A_1391 = arith.addi %add3A_13, %add3A_1390 : vector<16xi32>
        %gather3A_1392 = tpu.vector_load_idx %arg6[%add3A_1391] : memref<1600xi32, #tpu.memory_space<vmem>>[vector<16xi32>], vector<16xi32>,
        %swap3A_1393 = arith.constant 288 : index
        %swap3A_1394 = tpu.vector_load %arg8[%swap3A_1393] {strides = array<i32>} : memref<1600xi32, #tpu.memory_space<vmem>>, vector<16xi32>,
        tpu.vector_store %arg8[%swap3A_1393], %gather3A_1392 {strides = array<i32>} : memref<1600xi32, #tpu.memory_space<vmem>>, vector<16xi32>,
        %add3A_1395 = arith.constant 836 : i32
        %add3A_1396 = vector.broadcast %add3A_1395 : i32 to vector<16xi32>
        %add3A_1397 = arith.addi %add3A_13, %add3A_1396 : vector<16xi32>
        %gather3A_1398 = tpu.vector_load_idx %arg6[%add3A_1397] : memref<1600xi32, #tpu.memory_space<vmem>>[vector<16xi32>], vector<16xi32>,
        %swap3A_1399 = arith.constant 304 : index
        %swap3A_1400 = tpu.vector_load %arg8[%swap3A_1399] {strides = array<i32>} : memref<1600xi32, #tpu.memory_space<vmem>>, vector<16xi32>,
        tpu.vector_store %arg8[%swap3A_1399], %gather3A_1398 {strides = array<i32>} : memref<1600xi32, #tpu.memory_space<vmem>>, vector<16xi32>,
        %add3A_1401 = arith.constant 40 : i32
        %add3A_1402 = vector.broadcast %add3A_1401 : i32 to vector<16xi32>
        %add3A_1403 = arith.addi %add3A_13, %add3A_1402 : vector<16xi32>
        %gather3A_1404 = tpu.vector_load_idx %arg6[%add3A_1403] : memref<1600xi32, #tpu.memory_space<vmem>>[vector<16xi32>], vector<16xi32>,
        %swap3A_1405 = arith.constant 320 : index
        %swap3A_1406 = tpu.vector_load %arg8[%swap3A_1405] {strides = array<i32>} : memref<1600xi32, #tpu.memory_space<vmem>>, vector<16xi32>,
        tpu.vector_store %arg8[%swap3A_1405], %gather3A_1404 {strides = array<i32>} : memref<1600xi32, #tpu.memory_space<vmem>>, vector<16xi32>,
        %add3A_1407 = arith.constant 840 : i32
        %add3A_1408 = vector.broadcast %add3A_1407 : i32 to vector<16xi32>
        %add3A_1409 = arith.addi %add3A_13, %add3A_1408 : vector<16xi32>
        %gather3A_1410 = tpu.vector_load_idx %arg6[%add3A_1409] : memref<1600xi32, #tpu.memory_space<vmem>>[vector<16xi32>], vector<16xi32>,
        %swap3A_1411 = arith.constant 336 : index
        %swap3A_1412 = tpu.vector_load %arg8[%swap3A_1411] {strides = array<i32>} : memref<1600xi32, #tpu.memory_space<vmem>>, vector<16xi32>,
        tpu.vector_store %arg8[%swap3A_1411], %gather3A_1410 {strides = array<i32>} : memref<1600xi32, #tpu.memory_space<vmem>>, vector<16xi32>,
        %add3A_1413 = arith.constant 44 : i32
        %add3A_1414 = vector.broadcast %add3A_1413 : i32 to vector<16xi32>
        %add3A_1415 = arith.addi %add3A_13, %add3A_1414 : vector<16xi32>
        %gather3A_1416 = tpu.vector_load_idx %arg6[%add3A_1415] : memref<1600xi32, #tpu.memory_space<vmem>>[vector<16xi32>], vector<16xi32>,
        %swap3A_1417 = arith.constant 352 : index
        %swap3A_1418 = tpu.vector_load %arg8[%swap3A_1417] {strides = array<i32>} : memref<1600xi32, #tpu.memory_space<vmem>>, vector<16xi32>,
        tpu.vector_store %arg8[%swap3A_1417], %gather3A_1416 {strides = array<i32>} : memref<1600xi32, #tpu.memory_space<vmem>>, vector<16xi32>,
        %add3A_1419 = arith.constant 844 : i32
        %add3A_1420 = vector.broadcast %add3A_1419 : i32 to vector<16xi32>
        %add3A_1421 = arith.addi %add3A_13, %add3A_1420 : vector<16xi32>
        %gather3A_1422 = tpu.vector_load_idx %arg6[%add3A_1421] : memref<1600xi32, #tpu.memory_space<vmem>>[vector<16xi32>], vector<16xi32>,
        %swap3A_1423 = arith.constant 368 : index
        %swap3A_1424 = tpu.vector_load %arg8[%swap3A_1423] {strides = array<i32>} : memref<1600xi32, #tpu.memory_space<vmem>>, vector<16xi32>,
        tpu.vector_store %arg8[%swap3A_1423], %gather3A_1422 {strides = array<i32>} : memref<1600xi32, #tpu.memory_space<vmem>>, vector<16xi32>,
        %add3A_1425 = arith.constant 48 : i32
        %add3A_1426 = vector.broadcast %add3A_1425 : i32 to vector<16xi32>
        %add3A_1427 = arith.addi %add3A_13, %add3A_1426 : vector<16xi32>
        %gather3A_1428 = tpu.vector_load_idx %arg6[%add3A_1427] : memref<1600xi32, #tpu.memory_space<vmem>>[vector<16xi32>], vector<16xi32>,
        %swap3A_1429 = arith.constant 384 : index
        %swap3A_1430 = tpu.vector_load %arg8[%swap3A_1429] {strides = array<i32>} : memref<1600xi32, #tpu.memory_space<vmem>>, vector<16xi32>,
        tpu.vector_store %arg8[%swap3A_1429], %gather3A_1428 {strides = array<i32>} : memref<1600xi32, #tpu.memory_space<vmem>>, vector<16xi32>,
        %add3A_1431 = arith.constant 848 : i32
        %add3A_1432 = vector.broadcast %add3A_1431 : i32 to vector<16xi32>
        %add3A_1433 = arith.addi %add3A_13, %add3A_1432 : vector<16xi32>
        %gather3A_1434 = tpu.vector_load_idx %arg6[%add3A_1433] : memref<1600xi32, #tpu.memory_space<vmem>>[vector<16xi32>], vector<16xi32>,
        %swap3A_1435 = arith.constant 400 : index
        %swap3A_1436 = tpu.vector_load %arg8[%swap3A_1435] {strides = array<i32>} : memref<1600xi32, #tpu.memory_space<vmem>>, vector<16xi32>,
        tpu.vector_store %arg8[%swap3A_1435], %gather3A_1434 {strides = array<i32>} : memref<1600xi32, #tpu.memory_space<vmem>>, vector<16xi32>,
        %add3A_1437 = arith.constant 52 : i32
        %add3A_1438 = vector.broadcast %add3A_1437 : i32 to vector<16xi32>
        %add3A_1439 = arith.addi %add3A_13, %add3A_1438 : vector<16xi32>
        %gather3A_1440 = tpu.vector_load_idx %arg6[%add3A_1439] : memref<1600xi32, #tpu.memory_space<vmem>>[vector<16xi32>], vector<16xi32>,
        %swap3A_1441 = arith.constant 416 : index
        %swap3A_1442 = tpu.vector_load %arg8[%swap3A_1441] {strides = array<i32>} : memref<1600xi32, #tpu.memory_space<vmem>>, vector<16xi32>,
        tpu.vector_store %arg8[%swap3A_1441], %gather3A_1440 {strides = array<i32>} : memref<1600xi32, #tpu.memory_space<vmem>>, vector<16xi32>,
        %add3A_1443 = arith.constant 852 : i32
        %add3A_1444 = vector.broadcast %add3A_1443 : i32 to vector<16xi32>
        %add3A_1445 = arith.addi %add3A_13, %add3A_1444 : vector<16xi32>
        %gather3A_1446 = tpu.vector_load_idx %arg6[%add3A_1445] : memref<1600xi32, #tpu.memory_space<vmem>>[vector<16xi32>], vector<16xi32>,
        %swap3A_1447 = arith.constant 432 : index
        %swap3A_1448 = tpu.vector_load %arg8[%swap3A_1447] {strides = array<i32>} : memref<1600xi32, #tpu.memory_space<vmem>>, vector<16xi32>,
        tpu.vector_store %arg8[%swap3A_1447], %gather3A_1446 {strides = array<i32>} : memref<1600xi32, #tpu.memory_space<vmem>>, vector<16xi32>,
        %add3A_1449 = arith.constant 56 : i32
        %add3A_1450 = vector.broadcast %add3A_1449 : i32 to vector<16xi32>
        %add3A_1451 = arith.addi %add3A_13, %add3A_1450 : vector<16xi32>
        %gather3A_1452 = tpu.vector_load_idx %arg6[%add3A_1451] : memref<1600xi32, #tpu.memory_space<vmem>>[vector<16xi32>], vector<16xi32>,
        %swap3A_1453 = arith.constant 448 : index
        %swap3A_1454 = tpu.vector_load %arg8[%swap3A_1453] {strides = array<i32>} : memref<1600xi32, #tpu.memory_space<vmem>>, vector<16xi32>,
        tpu.vector_store %arg8[%swap3A_1453], %gather3A_1452 {strides = array<i32>} : memref<1600xi32, #tpu.memory_space<vmem>>, vector<16xi32>,
        %add3A_1455 = arith.constant 856 : i32
        %add3A_1456 = vector.broadcast %add3A_1455 : i32 to vector<16xi32>
        %add3A_1457 = arith.addi %add3A_13, %add3A_1456 : vector<16xi32>
        %gather3A_1458 = tpu.vector_load_idx %arg6[%add3A_1457] : memref<1600xi32, #tpu.memory_space<vmem>>[vector<16xi32>], vector<16xi32>,
        %swap3A_1459 = arith.constant 464 : index
        %swap3A_1460 = tpu.vector_load %arg8[%swap3A_1459] {strides = array<i32>} : memref<1600xi32, #tpu.memory_space<vmem>>, vector<16xi32>,
        tpu.vector_store %arg8[%swap3A_1459], %gather3A_1458 {strides = array<i32>} : memref<1600xi32, #tpu.memory_space<vmem>>, vector<16xi32>,
        %add3A_1461 = arith.constant 60 : i32
        %add3A_1462 = vector.broadcast %add3A_1461 : i32 to vector<16xi32>
        %add3A_1463 = arith.addi %add3A_13, %add3A_1462 : vector<16xi32>
        %gather3A_1464 = tpu.vector_load_idx %arg6[%add3A_1463] : memref<1600xi32, #tpu.memory_space<vmem>>[vector<16xi32>], vector<16xi32>,
        %swap3A_1465 = arith.constant 480 : index
        %swap3A_1466 = tpu.vector_load %arg8[%swap3A_1465] {strides = array<i32>} : memref<1600xi32, #tpu.memory_space<vmem>>, vector<16xi32>,
        tpu.vector_store %arg8[%swap3A_1465], %gather3A_1464 {strides = array<i32>} : memref<1600xi32, #tpu.memory_space<vmem>>, vector<16xi32>,
        %add3A_1467 = arith.constant 860 : i32
        %add3A_1468 = vector.broadcast %add3A_1467 : i32 to vector<16xi32>
        %add3A_1469 = arith.addi %add3A_13, %add3A_1468 : vector<16xi32>
        %gather3A_1470 = tpu.vector_load_idx %arg6[%add3A_1469] : memref<1600xi32, #tpu.memory_space<vmem>>[vector<16xi32>], vector<16xi32>,
        %swap3A_1471 = arith.constant 496 : index
        %swap3A_1472 = tpu.vector_load %arg8[%swap3A_1471] {strides = array<i32>} : memref<1600xi32, #tpu.memory_space<vmem>>, vector<16xi32>,
        tpu.vector_store %arg8[%swap3A_1471], %gather3A_1470 {strides = array<i32>} : memref<1600xi32, #tpu.memory_space<vmem>>, vector<16xi32>,
        %add3A_1473 = arith.constant 64 : i32
        %add3A_1474 = vector.broadcast %add3A_1473 : i32 to vector<16xi32>
        %add3A_1475 = arith.addi %add3A_13, %add3A_1474 : vector<16xi32>
        %gather3A_1476 = tpu.vector_load_idx %arg6[%add3A_1475] : memref<1600xi32, #tpu.memory_space<vmem>>[vector<16xi32>], vector<16xi32>,
        %swap3A_1477 = arith.constant 512 : index
        %swap3A_1478 = tpu.vector_load %arg8[%swap3A_1477] {strides = array<i32>} : memref<1600xi32, #tpu.memory_space<vmem>>, vector<16xi32>,
        tpu.vector_store %arg8[%swap3A_1477], %gather3A_1476 {strides = array<i32>} : memref<1600xi32, #tpu.memory_space<vmem>>, vector<16xi32>,
        %add3A_1479 = arith.constant 864 : i32
        %add3A_1480 = vector.broadcast %add3A_1479 : i32 to vector<16xi32>
        %add3A_1481 = arith.addi %add3A_13, %add3A_1480 : vector<16xi32>
        %gather3A_1482 = tpu.vector_load_idx %arg6[%add3A_1481] : memref<1600xi32, #tpu.memory_space<vmem>>[vector<16xi32>], vector<16xi32>,
        %swap3A_1483 = arith.constant 528 : index
        %swap3A_1484 = tpu.vector_load %arg8[%swap3A_1483] {strides = array<i32>} : memref<1600xi32, #tpu.memory_space<vmem>>, vector<16xi32>,
        tpu.vector_store %arg8[%swap3A_1483], %gather3A_1482 {strides = array<i32>} : memref<1600xi32, #tpu.memory_space<vmem>>, vector<16xi32>,
        %add3A_1485 = arith.constant 68 : i32
        %add3A_1486 = vector.broadcast %add3A_1485 : i32 to vector<16xi32>
        %add3A_1487 = arith.addi %add3A_13, %add3A_1486 : vector<16xi32>
        %gather3A_1488 = tpu.vector_load_idx %arg6[%add3A_1487] : memref<1600xi32, #tpu.memory_space<vmem>>[vector<16xi32>], vector<16xi32>,
        %swap3A_1489 = arith.constant 544 : index
        %swap3A_1490 = tpu.vector_load %arg8[%swap3A_1489] {strides = array<i32>} : memref<1600xi32, #tpu.memory_space<vmem>>, vector<16xi32>,
        tpu.vector_store %arg8[%swap3A_1489], %gather3A_1488 {strides = array<i32>} : memref<1600xi32, #tpu.memory_space<vmem>>, vector<16xi32>,
        %add3A_1491 = arith.constant 868 : i32
        %add3A_1492 = vector.broadcast %add3A_1491 : i32 to vector<16xi32>
        %add3A_1493 = arith.addi %add3A_13, %add3A_1492 : vector<16xi32>
        %gather3A_1494 = tpu.vector_load_idx %arg6[%add3A_1493] : memref<1600xi32, #tpu.memory_space<vmem>>[vector<16xi32>], vector<16xi32>,
        %swap3A_1495 = arith.constant 560 : index
        %swap3A_1496 = tpu.vector_load %arg8[%swap3A_1495] {strides = array<i32>} : memref<1600xi32, #tpu.memory_space<vmem>>, vector<16xi32>,
        tpu.vector_store %arg8[%swap3A_1495], %gather3A_1494 {strides = array<i32>} : memref<1600xi32, #tpu.memory_space<vmem>>, vector<16xi32>,
        %add3A_1497 = arith.constant 72 : i32
        %add3A_1498 = vector.broadcast %add3A_1497 : i32 to vector<16xi32>
        %add3A_1499 = arith.addi %add3A_13, %add3A_1498 : vector<16xi32>
        %gather3A_1500 = tpu.vector_load_idx %arg6[%add3A_1499] : memref<1600xi32, #tpu.memory_space<vmem>>[vector<16xi32>], vector<16xi32>,
        %swap3A_1501 = arith.constant 576 : index
        %swap3A_1502 = tpu.vector_load %arg8[%swap3A_1501] {strides = array<i32>} : memref<1600xi32, #tpu.memory_space<vmem>>, vector<16xi32>,
        tpu.vector_store %arg8[%swap3A_1501], %gather3A_1500 {strides = array<i32>} : memref<1600xi32, #tpu.memory_space<vmem>>, vector<16xi32>,
        %add3A_1503 = arith.constant 872 : i32
        %add3A_1504 = vector.broadcast %add3A_1503 : i32 to vector<16xi32>
        %add3A_1505 = arith.addi %add3A_13, %add3A_1504 : vector<16xi32>
        %gather3A_1506 = tpu.vector_load_idx %arg6[%add3A_1505] : memref<1600xi32, #tpu.memory_space<vmem>>[vector<16xi32>], vector<16xi32>,
        %swap3A_1507 = arith.constant 592 : index
        %swap3A_1508 = tpu.vector_load %arg8[%swap3A_1507] {strides = array<i32>} : memref<1600xi32, #tpu.memory_space<vmem>>, vector<16xi32>,
        tpu.vector_store %arg8[%swap3A_1507], %gather3A_1506 {strides = array<i32>} : memref<1600xi32, #tpu.memory_space<vmem>>, vector<16xi32>,
        %add3A_1509 = arith.constant 76 : i32
        %add3A_1510 = vector.broadcast %add3A_1509 : i32 to vector<16xi32>
        %add3A_1511 = arith.addi %add3A_13, %add3A_1510 : vector<16xi32>
        %gather3A_1512 = tpu.vector_load_idx %arg6[%add3A_1511] : memref<1600xi32, #tpu.memory_space<vmem>>[vector<16xi32>], vector<16xi32>,
        %swap3A_1513 = arith.constant 608 : index
        %swap3A_1514 = tpu.vector_load %arg8[%swap3A_1513] {strides = array<i32>} : memref<1600xi32, #tpu.memory_space<vmem>>, vector<16xi32>,
        tpu.vector_store %arg8[%swap3A_1513], %gather3A_1512 {strides = array<i32>} : memref<1600xi32, #tpu.memory_space<vmem>>, vector<16xi32>,
        %add3A_1515 = arith.constant 876 : i32
        %add3A_1516 = vector.broadcast %add3A_1515 : i32 to vector<16xi32>
        %add3A_1517 = arith.addi %add3A_13, %add3A_1516 : vector<16xi32>
        %gather3A_1518 = tpu.vector_load_idx %arg6[%add3A_1517] : memref<1600xi32, #tpu.memory_space<vmem>>[vector<16xi32>], vector<16xi32>,
        %swap3A_1519 = arith.constant 624 : index
        %swap3A_1520 = tpu.vector_load %arg8[%swap3A_1519] {strides = array<i32>} : memref<1600xi32, #tpu.memory_space<vmem>>, vector<16xi32>,
        tpu.vector_store %arg8[%swap3A_1519], %gather3A_1518 {strides = array<i32>} : memref<1600xi32, #tpu.memory_space<vmem>>, vector<16xi32>,
        %add3A_1521 = arith.constant 80 : i32
        %add3A_1522 = vector.broadcast %add3A_1521 : i32 to vector<16xi32>
        %add3A_1523 = arith.addi %add3A_13, %add3A_1522 : vector<16xi32>
        %gather3A_1524 = tpu.vector_load_idx %arg6[%add3A_1523] : memref<1600xi32, #tpu.memory_space<vmem>>[vector<16xi32>], vector<16xi32>,
        %swap3A_1525 = arith.constant 640 : index
        %swap3A_1526 = tpu.vector_load %arg8[%swap3A_1525] {strides = array<i32>} : memref<1600xi32, #tpu.memory_space<vmem>>, vector<16xi32>,
        tpu.vector_store %arg8[%swap3A_1525], %gather3A_1524 {strides = array<i32>} : memref<1600xi32, #tpu.memory_space<vmem>>, vector<16xi32>,
        %add3A_1527 = arith.constant 880 : i32
        %add3A_1528 = vector.broadcast %add3A_1527 : i32 to vector<16xi32>
        %add3A_1529 = arith.addi %add3A_13, %add3A_1528 : vector<16xi32>
        %gather3A_1530 = tpu.vector_load_idx %arg6[%add3A_1529] : memref<1600xi32, #tpu.memory_space<vmem>>[vector<16xi32>], vector<16xi32>,
        %swap3A_1531 = arith.constant 656 : index
        %swap3A_1532 = tpu.vector_load %arg8[%swap3A_1531] {strides = array<i32>} : memref<1600xi32, #tpu.memory_space<vmem>>, vector<16xi32>,
        tpu.vector_store %arg8[%swap3A_1531], %gather3A_1530 {strides = array<i32>} : memref<1600xi32, #tpu.memory_space<vmem>>, vector<16xi32>,
        %add3A_1533 = arith.constant 84 : i32
        %add3A_1534 = vector.broadcast %add3A_1533 : i32 to vector<16xi32>
        %add3A_1535 = arith.addi %add3A_13, %add3A_1534 : vector<16xi32>
        %gather3A_1536 = tpu.vector_load_idx %arg6[%add3A_1535] : memref<1600xi32, #tpu.memory_space<vmem>>[vector<16xi32>], vector<16xi32>,
        %swap3A_1537 = arith.constant 672 : index
        %swap3A_1538 = tpu.vector_load %arg8[%swap3A_1537] {strides = array<i32>} : memref<1600xi32, #tpu.memory_space<vmem>>, vector<16xi32>,
        tpu.vector_store %arg8[%swap3A_1537], %gather3A_1536 {strides = array<i32>} : memref<1600xi32, #tpu.memory_space<vmem>>, vector<16xi32>,
        %add3A_1539 = arith.constant 884 : i32
        %add3A_1540 = vector.broadcast %add3A_1539 : i32 to vector<16xi32>
        %add3A_1541 = arith.addi %add3A_13, %add3A_1540 : vector<16xi32>
        %gather3A_1542 = tpu.vector_load_idx %arg6[%add3A_1541] : memref<1600xi32, #tpu.memory_space<vmem>>[vector<16xi32>], vector<16xi32>,
        %swap3A_1543 = arith.constant 688 : index
        %swap3A_1544 = tpu.vector_load %arg8[%swap3A_1543] {strides = array<i32>} : memref<1600xi32, #tpu.memory_space<vmem>>, vector<16xi32>,
        tpu.vector_store %arg8[%swap3A_1543], %gather3A_1542 {strides = array<i32>} : memref<1600xi32, #tpu.memory_space<vmem>>, vector<16xi32>,
        %add3A_1545 = arith.constant 88 : i32
        %add3A_1546 = vector.broadcast %add3A_1545 : i32 to vector<16xi32>
        %add3A_1547 = arith.addi %add3A_13, %add3A_1546 : vector<16xi32>
        %gather3A_1548 = tpu.vector_load_idx %arg6[%add3A_1547] : memref<1600xi32, #tpu.memory_space<vmem>>[vector<16xi32>], vector<16xi32>,
        %swap3A_1549 = arith.constant 704 : index
        %swap3A_1550 = tpu.vector_load %arg8[%swap3A_1549] {strides = array<i32>} : memref<1600xi32, #tpu.memory_space<vmem>>, vector<16xi32>,
        tpu.vector_store %arg8[%swap3A_1549], %gather3A_1548 {strides = array<i32>} : memref<1600xi32, #tpu.memory_space<vmem>>, vector<16xi32>,
        %add3A_1551 = arith.constant 888 : i32
        %add3A_1552 = vector.broadcast %add3A_1551 : i32 to vector<16xi32>
        %add3A_1553 = arith.addi %add3A_13, %add3A_1552 : vector<16xi32>
        %gather3A_1554 = tpu.vector_load_idx %arg6[%add3A_1553] : memref<1600xi32, #tpu.memory_space<vmem>>[vector<16xi32>], vector<16xi32>,
        %swap3A_1555 = arith.constant 720 : index
        %swap3A_1556 = tpu.vector_load %arg8[%swap3A_1555] {strides = array<i32>} : memref<1600xi32, #tpu.memory_space<vmem>>, vector<16xi32>,
        tpu.vector_store %arg8[%swap3A_1555], %gather3A_1554 {strides = array<i32>} : memref<1600xi32, #tpu.memory_space<vmem>>, vector<16xi32>,
        %add3A_1557 = arith.constant 92 : i32
        %add3A_1558 = vector.broadcast %add3A_1557 : i32 to vector<16xi32>
        %add3A_1559 = arith.addi %add3A_13, %add3A_1558 : vector<16xi32>
        %gather3A_1560 = tpu.vector_load_idx %arg6[%add3A_1559] : memref<1600xi32, #tpu.memory_space<vmem>>[vector<16xi32>], vector<16xi32>,
        %swap3A_1561 = arith.constant 736 : index
        %swap3A_1562 = tpu.vector_load %arg8[%swap3A_1561] {strides = array<i32>} : memref<1600xi32, #tpu.memory_space<vmem>>, vector<16xi32>,
        tpu.vector_store %arg8[%swap3A_1561], %gather3A_1560 {strides = array<i32>} : memref<1600xi32, #tpu.memory_space<vmem>>, vector<16xi32>,
        %add3A_1563 = arith.constant 892 : i32
        %add3A_1564 = vector.broadcast %add3A_1563 : i32 to vector<16xi32>
        %add3A_1565 = arith.addi %add3A_13, %add3A_1564 : vector<16xi32>
        %gather3A_1566 = tpu.vector_load_idx %arg6[%add3A_1565] : memref<1600xi32, #tpu.memory_space<vmem>>[vector<16xi32>], vector<16xi32>,
        %swap3A_1567 = arith.constant 752 : index
        %swap3A_1568 = tpu.vector_load %arg8[%swap3A_1567] {strides = array<i32>} : memref<1600xi32, #tpu.memory_space<vmem>>, vector<16xi32>,
        tpu.vector_store %arg8[%swap3A_1567], %gather3A_1566 {strides = array<i32>} : memref<1600xi32, #tpu.memory_space<vmem>>, vector<16xi32>,
        %add3A_1569 = arith.constant 96 : i32
        %add3A_1570 = vector.broadcast %add3A_1569 : i32 to vector<16xi32>
        %add3A_1571 = arith.addi %add3A_13, %add3A_1570 : vector<16xi32>
        %gather3A_1572 = tpu.vector_load_idx %arg6[%add3A_1571] : memref<1600xi32, #tpu.memory_space<vmem>>[vector<16xi32>], vector<16xi32>,
        %swap3A_1573 = arith.constant 768 : index
        %swap3A_1574 = tpu.vector_load %arg8[%swap3A_1573] {strides = array<i32>} : memref<1600xi32, #tpu.memory_space<vmem>>, vector<16xi32>,
        tpu.vector_store %arg8[%swap3A_1573], %gather3A_1572 {strides = array<i32>} : memref<1600xi32, #tpu.memory_space<vmem>>, vector<16xi32>,
        %add3A_1575 = arith.constant 896 : i32
        %add3A_1576 = vector.broadcast %add3A_1575 : i32 to vector<16xi32>
        %add3A_1577 = arith.addi %add3A_13, %add3A_1576 : vector<16xi32>
        %gather3A_1578 = tpu.vector_load_idx %arg6[%add3A_1577] : memref<1600xi32, #tpu.memory_space<vmem>>[vector<16xi32>], vector<16xi32>,
        %swap3A_1579 = arith.constant 784 : index
        %swap3A_1580 = tpu.vector_load %arg8[%swap3A_1579] {strides = array<i32>} : memref<1600xi32, #tpu.memory_space<vmem>>, vector<16xi32>,
        tpu.vector_store %arg8[%swap3A_1579], %gather3A_1578 {strides = array<i32>} : memref<1600xi32, #tpu.memory_space<vmem>>, vector<16xi32>,
        %add3A_1581 = arith.constant 100 : i32
        %add3A_1582 = vector.broadcast %add3A_1581 : i32 to vector<16xi32>
        %add3A_1583 = arith.addi %add3A_13, %add3A_1582 : vector<16xi32>
        %gather3A_1584 = tpu.vector_load_idx %arg6[%add3A_1583] : memref<1600xi32, #tpu.memory_space<vmem>>[vector<16xi32>], vector<16xi32>,
        %swap3A_1585 = arith.constant 800 : index
        %swap3A_1586 = tpu.vector_load %arg8[%swap3A_1585] {strides = array<i32>} : memref<1600xi32, #tpu.memory_space<vmem>>, vector<16xi32>,
        tpu.vector_store %arg8[%swap3A_1585], %gather3A_1584 {strides = array<i32>} : memref<1600xi32, #tpu.memory_space<vmem>>, vector<16xi32>,
        %add3A_1587 = arith.constant 900 : i32
        %add3A_1588 = vector.broadcast %add3A_1587 : i32 to vector<16xi32>
        %add3A_1589 = arith.addi %add3A_13, %add3A_1588 : vector<16xi32>
        %gather3A_1590 = tpu.vector_load_idx %arg6[%add3A_1589] : memref<1600xi32, #tpu.memory_space<vmem>>[vector<16xi32>], vector<16xi32>,
        %swap3A_1591 = arith.constant 816 : index
        %swap3A_1592 = tpu.vector_load %arg8[%swap3A_1591] {strides = array<i32>} : memref<1600xi32, #tpu.memory_space<vmem>>, vector<16xi32>,
        tpu.vector_store %arg8[%swap3A_1591], %gather3A_1590 {strides = array<i32>} : memref<1600xi32, #tpu.memory_space<vmem>>, vector<16xi32>,
        %add3A_1593 = arith.constant 104 : i32
        %add3A_1594 = vector.broadcast %add3A_1593 : i32 to vector<16xi32>
        %add3A_1595 = arith.addi %add3A_13, %add3A_1594 : vector<16xi32>
        %gather3A_1596 = tpu.vector_load_idx %arg6[%add3A_1595] : memref<1600xi32, #tpu.memory_space<vmem>>[vector<16xi32>], vector<16xi32>,
        %swap3A_1597 = arith.constant 832 : index
        %swap3A_1598 = tpu.vector_load %arg8[%swap3A_1597] {strides = array<i32>} : memref<1600xi32, #tpu.memory_space<vmem>>, vector<16xi32>,
        tpu.vector_store %arg8[%swap3A_1597], %gather3A_1596 {strides = array<i32>} : memref<1600xi32, #tpu.memory_space<vmem>>, vector<16xi32>,
        %add3A_1599 = arith.constant 904 : i32
        %add3A_1600 = vector.broadcast %add3A_1599 : i32 to vector<16xi32>
        %add3A_1601 = arith.addi %add3A_13, %add3A_1600 : vector<16xi32>
        %gather3A_1602 = tpu.vector_load_idx %arg6[%add3A_1601] : memref<1600xi32, #tpu.memory_space<vmem>>[vector<16xi32>], vector<16xi32>,
        %swap3A_1603 = arith.constant 848 : index
        %swap3A_1604 = tpu.vector_load %arg8[%swap3A_1603] {strides = array<i32>} : memref<1600xi32, #tpu.memory_space<vmem>>, vector<16xi32>,
        tpu.vector_store %arg8[%swap3A_1603], %gather3A_1602 {strides = array<i32>} : memref<1600xi32, #tpu.memory_space<vmem>>, vector<16xi32>,
        %add3A_1605 = arith.constant 108 : i32
        %add3A_1606 = vector.broadcast %add3A_1605 : i32 to vector<16xi32>
        %add3A_1607 = arith.addi %add3A_13, %add3A_1606 : vector<16xi32>
        %gather3A_1608 = tpu.vector_load_idx %arg6[%add3A_1607] : memref<1600xi32, #tpu.memory_space<vmem>>[vector<16xi32>], vector<16xi32>,
        %swap3A_1609 = arith.constant 864 : index
        %swap3A_1610 = tpu.vector_load %arg8[%swap3A_1609] {strides = array<i32>} : memref<1600xi32, #tpu.memory_space<vmem>>, vector<16xi32>,
        tpu.vector_store %arg8[%swap3A_1609], %gather3A_1608 {strides = array<i32>} : memref<1600xi32, #tpu.memory_space<vmem>>, vector<16xi32>,
        %add3A_1611 = arith.constant 908 : i32
        %add3A_1612 = vector.broadcast %add3A_1611 : i32 to vector<16xi32>
        %add3A_1613 = arith.addi %add3A_13, %add3A_1612 : vector<16xi32>
        %gather3A_1614 = tpu.vector_load_idx %arg6[%add3A_1613] : memref<1600xi32, #tpu.memory_space<vmem>>[vector<16xi32>], vector<16xi32>,
        %swap3A_1615 = arith.constant 880 : index
        %swap3A_1616 = tpu.vector_load %arg8[%swap3A_1615] {strides = array<i32>} : memref<1600xi32, #tpu.memory_space<vmem>>, vector<16xi32>,
        tpu.vector_store %arg8[%swap3A_1615], %gather3A_1614 {strides = array<i32>} : memref<1600xi32, #tpu.memory_space<vmem>>, vector<16xi32>,
        %add3A_1617 = arith.constant 112 : i32
        %add3A_1618 = vector.broadcast %add3A_1617 : i32 to vector<16xi32>
        %add3A_1619 = arith.addi %add3A_13, %add3A_1618 : vector<16xi32>
        %gather3A_1620 = tpu.vector_load_idx %arg6[%add3A_1619] : memref<1600xi32, #tpu.memory_space<vmem>>[vector<16xi32>], vector<16xi32>,
        %swap3A_1621 = arith.constant 896 : index
        %swap3A_1622 = tpu.vector_load %arg8[%swap3A_1621] {strides = array<i32>} : memref<1600xi32, #tpu.memory_space<vmem>>, vector<16xi32>,
        tpu.vector_store %arg8[%swap3A_1621], %gather3A_1620 {strides = array<i32>} : memref<1600xi32, #tpu.memory_space<vmem>>, vector<16xi32>,
        %add3A_1623 = arith.constant 912 : i32
        %add3A_1624 = vector.broadcast %add3A_1623 : i32 to vector<16xi32>
        %add3A_1625 = arith.addi %add3A_13, %add3A_1624 : vector<16xi32>
        %gather3A_1626 = tpu.vector_load_idx %arg6[%add3A_1625] : memref<1600xi32, #tpu.memory_space<vmem>>[vector<16xi32>], vector<16xi32>,
        %swap3A_1627 = arith.constant 912 : index
        %swap3A_1628 = tpu.vector_load %arg8[%swap3A_1627] {strides = array<i32>} : memref<1600xi32, #tpu.memory_space<vmem>>, vector<16xi32>,
        tpu.vector_store %arg8[%swap3A_1627], %gather3A_1626 {strides = array<i32>} : memref<1600xi32, #tpu.memory_space<vmem>>, vector<16xi32>,
        %add3A_1629 = arith.constant 116 : i32
        %add3A_1630 = vector.broadcast %add3A_1629 : i32 to vector<16xi32>
        %add3A_1631 = arith.addi %add3A_13, %add3A_1630 : vector<16xi32>
        %gather3A_1632 = tpu.vector_load_idx %arg6[%add3A_1631] : memref<1600xi32, #tpu.memory_space<vmem>>[vector<16xi32>], vector<16xi32>,
        %swap3A_1633 = arith.constant 928 : index
        %swap3A_1634 = tpu.vector_load %arg8[%swap3A_1633] {strides = array<i32>} : memref<1600xi32, #tpu.memory_space<vmem>>, vector<16xi32>,
        tpu.vector_store %arg8[%swap3A_1633], %gather3A_1632 {strides = array<i32>} : memref<1600xi32, #tpu.memory_space<vmem>>, vector<16xi32>,
        %add3A_1635 = arith.constant 916 : i32
        %add3A_1636 = vector.broadcast %add3A_1635 : i32 to vector<16xi32>
        %add3A_1637 = arith.addi %add3A_13, %add3A_1636 : vector<16xi32>
        %gather3A_1638 = tpu.vector_load_idx %arg6[%add3A_1637] : memref<1600xi32, #tpu.memory_space<vmem>>[vector<16xi32>], vector<16xi32>,
        %swap3A_1639 = arith.constant 944 : index
        %swap3A_1640 = tpu.vector_load %arg8[%swap3A_1639] {strides = array<i32>} : memref<1600xi32, #tpu.memory_space<vmem>>, vector<16xi32>,
        tpu.vector_store %arg8[%swap3A_1639], %gather3A_1638 {strides = array<i32>} : memref<1600xi32, #tpu.memory_space<vmem>>, vector<16xi32>,
        %add3A_1641 = arith.constant 120 : i32
        %add3A_1642 = vector.broadcast %add3A_1641 : i32 to vector<16xi32>
        %add3A_1643 = arith.addi %add3A_13, %add3A_1642 : vector<16xi32>
        %gather3A_1644 = tpu.vector_load_idx %arg6[%add3A_1643] : memref<1600xi32, #tpu.memory_space<vmem>>[vector<16xi32>], vector<16xi32>,
        %swap3A_1645 = arith.constant 960 : index
        %swap3A_1646 = tpu.vector_load %arg8[%swap3A_1645] {strides = array<i32>} : memref<1600xi32, #tpu.memory_space<vmem>>, vector<16xi32>,
        tpu.vector_store %arg8[%swap3A_1645], %gather3A_1644 {strides = array<i32>} : memref<1600xi32, #tpu.memory_space<vmem>>, vector<16xi32>,
        %add3A_1647 = arith.constant 920 : i32
        %add3A_1648 = vector.broadcast %add3A_1647 : i32 to vector<16xi32>
        %add3A_1649 = arith.addi %add3A_13, %add3A_1648 : vector<16xi32>
        %gather3A_1650 = tpu.vector_load_idx %arg6[%add3A_1649] : memref<1600xi32, #tpu.memory_space<vmem>>[vector<16xi32>], vector<16xi32>,
        %swap3A_1651 = arith.constant 976 : index
        %swap3A_1652 = tpu.vector_load %arg8[%swap3A_1651] {strides = array<i32>} : memref<1600xi32, #tpu.memory_space<vmem>>, vector<16xi32>,
        tpu.vector_store %arg8[%swap3A_1651], %gather3A_1650 {strides = array<i32>} : memref<1600xi32, #tpu.memory_space<vmem>>, vector<16xi32>,
        %add3A_1653 = arith.constant 124 : i32
        %add3A_1654 = vector.broadcast %add3A_1653 : i32 to vector<16xi32>
        %add3A_1655 = arith.addi %add3A_13, %add3A_1654 : vector<16xi32>
        %gather3A_1656 = tpu.vector_load_idx %arg6[%add3A_1655] : memref<1600xi32, #tpu.memory_space<vmem>>[vector<16xi32>], vector<16xi32>,
        %swap3A_1657 = arith.constant 992 : index
        %swap3A_1658 = tpu.vector_load %arg8[%swap3A_1657] {strides = array<i32>} : memref<1600xi32, #tpu.memory_space<vmem>>, vector<16xi32>,
        tpu.vector_store %arg8[%swap3A_1657], %gather3A_1656 {strides = array<i32>} : memref<1600xi32, #tpu.memory_space<vmem>>, vector<16xi32>,
        %add3A_1659 = arith.constant 924 : i32
        %add3A_1660 = vector.broadcast %add3A_1659 : i32 to vector<16xi32>
        %add3A_1661 = arith.addi %add3A_13, %add3A_1660 : vector<16xi32>
        %gather3A_1662 = tpu.vector_load_idx %arg6[%add3A_1661] : memref<1600xi32, #tpu.memory_space<vmem>>[vector<16xi32>], vector<16xi32>,
        %swap3A_1663 = arith.constant 1008 : index
        %swap3A_1664 = tpu.vector_load %arg8[%swap3A_1663] {strides = array<i32>} : memref<1600xi32, #tpu.memory_space<vmem>>, vector<16xi32>,
        tpu.vector_store %arg8[%swap3A_1663], %gather3A_1662 {strides = array<i32>} : memref<1600xi32, #tpu.memory_space<vmem>>, vector<16xi32>,
        %add3A_1665 = arith.constant 128 : i32
        %add3A_1666 = vector.broadcast %add3A_1665 : i32 to vector<16xi32>
        %add3A_1667 = arith.addi %add3A_13, %add3A_1666 : vector<16xi32>
        %gather3A_1668 = tpu.vector_load_idx %arg6[%add3A_1667] : memref<1600xi32, #tpu.memory_space<vmem>>[vector<16xi32>], vector<16xi32>,
        %swap3A_1669 = arith.constant 1024 : index
        %swap3A_1670 = tpu.vector_load %arg8[%swap3A_1669] {strides = array<i32>} : memref<1600xi32, #tpu.memory_space<vmem>>, vector<16xi32>,
        tpu.vector_store %arg8[%swap3A_1669], %gather3A_1668 {strides = array<i32>} : memref<1600xi32, #tpu.memory_space<vmem>>, vector<16xi32>,
        %add3A_1671 = arith.constant 928 : i32
        %add3A_1672 = vector.broadcast %add3A_1671 : i32 to vector<16xi32>
        %add3A_1673 = arith.addi %add3A_13, %add3A_1672 : vector<16xi32>
        %gather3A_1674 = tpu.vector_load_idx %arg6[%add3A_1673] : memref<1600xi32, #tpu.memory_space<vmem>>[vector<16xi32>], vector<16xi32>,
        %swap3A_1675 = arith.constant 1040 : index
        %swap3A_1676 = tpu.vector_load %arg8[%swap3A_1675] {strides = array<i32>} : memref<1600xi32, #tpu.memory_space<vmem>>, vector<16xi32>,
        tpu.vector_store %arg8[%swap3A_1675], %gather3A_1674 {strides = array<i32>} : memref<1600xi32, #tpu.memory_space<vmem>>, vector<16xi32>,
        %add3A_1677 = arith.constant 132 : i32
        %add3A_1678 = vector.broadcast %add3A_1677 : i32 to vector<16xi32>
        %add3A_1679 = arith.addi %add3A_13, %add3A_1678 : vector<16xi32>
        %gather3A_1680 = tpu.vector_load_idx %arg6[%add3A_1679] : memref<1600xi32, #tpu.memory_space<vmem>>[vector<16xi32>], vector<16xi32>,
        %swap3A_1681 = arith.constant 1056 : index
        %swap3A_1682 = tpu.vector_load %arg8[%swap3A_1681] {strides = array<i32>} : memref<1600xi32, #tpu.memory_space<vmem>>, vector<16xi32>,
        tpu.vector_store %arg8[%swap3A_1681], %gather3A_1680 {strides = array<i32>} : memref<1600xi32, #tpu.memory_space<vmem>>, vector<16xi32>,
        %add3A_1683 = arith.constant 932 : i32
        %add3A_1684 = vector.broadcast %add3A_1683 : i32 to vector<16xi32>
        %add3A_1685 = arith.addi %add3A_13, %add3A_1684 : vector<16xi32>
        %gather3A_1686 = tpu.vector_load_idx %arg6[%add3A_1685] : memref<1600xi32, #tpu.memory_space<vmem>>[vector<16xi32>], vector<16xi32>,
        %swap3A_1687 = arith.constant 1072 : index
        %swap3A_1688 = tpu.vector_load %arg8[%swap3A_1687] {strides = array<i32>} : memref<1600xi32, #tpu.memory_space<vmem>>, vector<16xi32>,
        tpu.vector_store %arg8[%swap3A_1687], %gather3A_1686 {strides = array<i32>} : memref<1600xi32, #tpu.memory_space<vmem>>, vector<16xi32>,
        %add3A_1689 = arith.constant 136 : i32
        %add3A_1690 = vector.broadcast %add3A_1689 : i32 to vector<16xi32>
        %add3A_1691 = arith.addi %add3A_13, %add3A_1690 : vector<16xi32>
        %gather3A_1692 = tpu.vector_load_idx %arg6[%add3A_1691] : memref<1600xi32, #tpu.memory_space<vmem>>[vector<16xi32>], vector<16xi32>,
        %swap3A_1693 = arith.constant 1088 : index
        %swap3A_1694 = tpu.vector_load %arg8[%swap3A_1693] {strides = array<i32>} : memref<1600xi32, #tpu.memory_space<vmem>>, vector<16xi32>,
        tpu.vector_store %arg8[%swap3A_1693], %gather3A_1692 {strides = array<i32>} : memref<1600xi32, #tpu.memory_space<vmem>>, vector<16xi32>,
        %add3A_1695 = arith.constant 936 : i32
        %add3A_1696 = vector.broadcast %add3A_1695 : i32 to vector<16xi32>
        %add3A_1697 = arith.addi %add3A_13, %add3A_1696 : vector<16xi32>
        %gather3A_1698 = tpu.vector_load_idx %arg6[%add3A_1697] : memref<1600xi32, #tpu.memory_space<vmem>>[vector<16xi32>], vector<16xi32>,
        %swap3A_1699 = arith.constant 1104 : index
        %swap3A_1700 = tpu.vector_load %arg8[%swap3A_1699] {strides = array<i32>} : memref<1600xi32, #tpu.memory_space<vmem>>, vector<16xi32>,
        tpu.vector_store %arg8[%swap3A_1699], %gather3A_1698 {strides = array<i32>} : memref<1600xi32, #tpu.memory_space<vmem>>, vector<16xi32>,
        %add3A_1701 = arith.constant 140 : i32
        %add3A_1702 = vector.broadcast %add3A_1701 : i32 to vector<16xi32>
        %add3A_1703 = arith.addi %add3A_13, %add3A_1702 : vector<16xi32>
        %gather3A_1704 = tpu.vector_load_idx %arg6[%add3A_1703] : memref<1600xi32, #tpu.memory_space<vmem>>[vector<16xi32>], vector<16xi32>,
        %swap3A_1705 = arith.constant 1120 : index
        %swap3A_1706 = tpu.vector_load %arg8[%swap3A_1705] {strides = array<i32>} : memref<1600xi32, #tpu.memory_space<vmem>>, vector<16xi32>,
        tpu.vector_store %arg8[%swap3A_1705], %gather3A_1704 {strides = array<i32>} : memref<1600xi32, #tpu.memory_space<vmem>>, vector<16xi32>,
        %add3A_1707 = arith.constant 940 : i32
        %add3A_1708 = vector.broadcast %add3A_1707 : i32 to vector<16xi32>
        %add3A_1709 = arith.addi %add3A_13, %add3A_1708 : vector<16xi32>
        %gather3A_1710 = tpu.vector_load_idx %arg6[%add3A_1709] : memref<1600xi32, #tpu.memory_space<vmem>>[vector<16xi32>], vector<16xi32>,
        %swap3A_1711 = arith.constant 1136 : index
        %swap3A_1712 = tpu.vector_load %arg8[%swap3A_1711] {strides = array<i32>} : memref<1600xi32, #tpu.memory_space<vmem>>, vector<16xi32>,
        tpu.vector_store %arg8[%swap3A_1711], %gather3A_1710 {strides = array<i32>} : memref<1600xi32, #tpu.memory_space<vmem>>, vector<16xi32>,
        %add3A_1713 = arith.constant 144 : i32
        %add3A_1714 = vector.broadcast %add3A_1713 : i32 to vector<16xi32>
        %add3A_1715 = arith.addi %add3A_13, %add3A_1714 : vector<16xi32>
        %gather3A_1716 = tpu.vector_load_idx %arg6[%add3A_1715] : memref<1600xi32, #tpu.memory_space<vmem>>[vector<16xi32>], vector<16xi32>,
        %swap3A_1717 = arith.constant 1152 : index
        %swap3A_1718 = tpu.vector_load %arg8[%swap3A_1717] {strides = array<i32>} : memref<1600xi32, #tpu.memory_space<vmem>>, vector<16xi32>,
        tpu.vector_store %arg8[%swap3A_1717], %gather3A_1716 {strides = array<i32>} : memref<1600xi32, #tpu.memory_space<vmem>>, vector<16xi32>,
        %add3A_1719 = arith.constant 944 : i32
        %add3A_1720 = vector.broadcast %add3A_1719 : i32 to vector<16xi32>
        %add3A_1721 = arith.addi %add3A_13, %add3A_1720 : vector<16xi32>
        %gather3A_1722 = tpu.vector_load_idx %arg6[%add3A_1721] : memref<1600xi32, #tpu.memory_space<vmem>>[vector<16xi32>], vector<16xi32>,
        %swap3A_1723 = arith.constant 1168 : index
        %swap3A_1724 = tpu.vector_load %arg8[%swap3A_1723] {strides = array<i32>} : memref<1600xi32, #tpu.memory_space<vmem>>, vector<16xi32>,
        tpu.vector_store %arg8[%swap3A_1723], %gather3A_1722 {strides = array<i32>} : memref<1600xi32, #tpu.memory_space<vmem>>, vector<16xi32>,
        %add3A_1725 = arith.constant 148 : i32
        %add3A_1726 = vector.broadcast %add3A_1725 : i32 to vector<16xi32>
        %add3A_1727 = arith.addi %add3A_13, %add3A_1726 : vector<16xi32>
        %gather3A_1728 = tpu.vector_load_idx %arg6[%add3A_1727] : memref<1600xi32, #tpu.memory_space<vmem>>[vector<16xi32>], vector<16xi32>,
        %swap3A_1729 = arith.constant 1184 : index
        %swap3A_1730 = tpu.vector_load %arg8[%swap3A_1729] {strides = array<i32>} : memref<1600xi32, #tpu.memory_space<vmem>>, vector<16xi32>,
        tpu.vector_store %arg8[%swap3A_1729], %gather3A_1728 {strides = array<i32>} : memref<1600xi32, #tpu.memory_space<vmem>>, vector<16xi32>,
        %add3A_1731 = arith.constant 948 : i32
        %add3A_1732 = vector.broadcast %add3A_1731 : i32 to vector<16xi32>
        %add3A_1733 = arith.addi %add3A_13, %add3A_1732 : vector<16xi32>
        %gather3A_1734 = tpu.vector_load_idx %arg6[%add3A_1733] : memref<1600xi32, #tpu.memory_space<vmem>>[vector<16xi32>], vector<16xi32>,
        %swap3A_1735 = arith.constant 1200 : index
        %swap3A_1736 = tpu.vector_load %arg8[%swap3A_1735] {strides = array<i32>} : memref<1600xi32, #tpu.memory_space<vmem>>, vector<16xi32>,
        tpu.vector_store %arg8[%swap3A_1735], %gather3A_1734 {strides = array<i32>} : memref<1600xi32, #tpu.memory_space<vmem>>, vector<16xi32>,
        %add3A_1737 = arith.constant 152 : i32
        %add3A_1738 = vector.broadcast %add3A_1737 : i32 to vector<16xi32>
        %add3A_1739 = arith.addi %add3A_13, %add3A_1738 : vector<16xi32>
        %gather3A_1740 = tpu.vector_load_idx %arg6[%add3A_1739] : memref<1600xi32, #tpu.memory_space<vmem>>[vector<16xi32>], vector<16xi32>,
        %swap3A_1741 = arith.constant 1216 : index
        %swap3A_1742 = tpu.vector_load %arg8[%swap3A_1741] {strides = array<i32>} : memref<1600xi32, #tpu.memory_space<vmem>>, vector<16xi32>,
        tpu.vector_store %arg8[%swap3A_1741], %gather3A_1740 {strides = array<i32>} : memref<1600xi32, #tpu.memory_space<vmem>>, vector<16xi32>,
        %add3A_1743 = arith.constant 952 : i32
        %add3A_1744 = vector.broadcast %add3A_1743 : i32 to vector<16xi32>
        %add3A_1745 = arith.addi %add3A_13, %add3A_1744 : vector<16xi32>
        %gather3A_1746 = tpu.vector_load_idx %arg6[%add3A_1745] : memref<1600xi32, #tpu.memory_space<vmem>>[vector<16xi32>], vector<16xi32>,
        %swap3A_1747 = arith.constant 1232 : index
        %swap3A_1748 = tpu.vector_load %arg8[%swap3A_1747] {strides = array<i32>} : memref<1600xi32, #tpu.memory_space<vmem>>, vector<16xi32>,
        tpu.vector_store %arg8[%swap3A_1747], %gather3A_1746 {strides = array<i32>} : memref<1600xi32, #tpu.memory_space<vmem>>, vector<16xi32>,
        %add3A_1749 = arith.constant 156 : i32
        %add3A_1750 = vector.broadcast %add3A_1749 : i32 to vector<16xi32>
        %add3A_1751 = arith.addi %add3A_13, %add3A_1750 : vector<16xi32>
        %gather3A_1752 = tpu.vector_load_idx %arg6[%add3A_1751] : memref<1600xi32, #tpu.memory_space<vmem>>[vector<16xi32>], vector<16xi32>,
        %swap3A_1753 = arith.constant 1248 : index
        %swap3A_1754 = tpu.vector_load %arg8[%swap3A_1753] {strides = array<i32>} : memref<1600xi32, #tpu.memory_space<vmem>>, vector<16xi32>,
        tpu.vector_store %arg8[%swap3A_1753], %gather3A_1752 {strides = array<i32>} : memref<1600xi32, #tpu.memory_space<vmem>>, vector<16xi32>,
        %add3A_1755 = arith.constant 956 : i32
        %add3A_1756 = vector.broadcast %add3A_1755 : i32 to vector<16xi32>
        %add3A_1757 = arith.addi %add3A_13, %add3A_1756 : vector<16xi32>
        %gather3A_1758 = tpu.vector_load_idx %arg6[%add3A_1757] : memref<1600xi32, #tpu.memory_space<vmem>>[vector<16xi32>], vector<16xi32>,
        %swap3A_1759 = arith.constant 1264 : index
        %swap3A_1760 = tpu.vector_load %arg8[%swap3A_1759] {strides = array<i32>} : memref<1600xi32, #tpu.memory_space<vmem>>, vector<16xi32>,
        tpu.vector_store %arg8[%swap3A_1759], %gather3A_1758 {strides = array<i32>} : memref<1600xi32, #tpu.memory_space<vmem>>, vector<16xi32>,
        %add3A_1761 = arith.constant 160 : i32
        %add3A_1762 = vector.broadcast %add3A_1761 : i32 to vector<16xi32>
        %add3A_1763 = arith.addi %add3A_13, %add3A_1762 : vector<16xi32>
        %gather3A_1764 = tpu.vector_load_idx %arg6[%add3A_1763] : memref<1600xi32, #tpu.memory_space<vmem>>[vector<16xi32>], vector<16xi32>,
        %swap3A_1765 = arith.constant 1280 : index
        %swap3A_1766 = tpu.vector_load %arg8[%swap3A_1765] {strides = array<i32>} : memref<1600xi32, #tpu.memory_space<vmem>>, vector<16xi32>,
        tpu.vector_store %arg8[%swap3A_1765], %gather3A_1764 {strides = array<i32>} : memref<1600xi32, #tpu.memory_space<vmem>>, vector<16xi32>,
        %add3A_1767 = arith.constant 960 : i32
        %add3A_1768 = vector.broadcast %add3A_1767 : i32 to vector<16xi32>
        %add3A_1769 = arith.addi %add3A_13, %add3A_1768 : vector<16xi32>
        %gather3A_1770 = tpu.vector_load_idx %arg6[%add3A_1769] : memref<1600xi32, #tpu.memory_space<vmem>>[vector<16xi32>], vector<16xi32>,
        %swap3A_1771 = arith.constant 1296 : index
        %swap3A_1772 = tpu.vector_load %arg8[%swap3A_1771] {strides = array<i32>} : memref<1600xi32, #tpu.memory_space<vmem>>, vector<16xi32>,
        tpu.vector_store %arg8[%swap3A_1771], %gather3A_1770 {strides = array<i32>} : memref<1600xi32, #tpu.memory_space<vmem>>, vector<16xi32>,
        %add3A_1773 = arith.constant 164 : i32
        %add3A_1774 = vector.broadcast %add3A_1773 : i32 to vector<16xi32>
        %add3A_1775 = arith.addi %add3A_13, %add3A_1774 : vector<16xi32>
        %gather3A_1776 = tpu.vector_load_idx %arg6[%add3A_1775] : memref<1600xi32, #tpu.memory_space<vmem>>[vector<16xi32>], vector<16xi32>,
        %swap3A_1777 = arith.constant 1312 : index
        %swap3A_1778 = tpu.vector_load %arg8[%swap3A_1777] {strides = array<i32>} : memref<1600xi32, #tpu.memory_space<vmem>>, vector<16xi32>,
        tpu.vector_store %arg8[%swap3A_1777], %gather3A_1776 {strides = array<i32>} : memref<1600xi32, #tpu.memory_space<vmem>>, vector<16xi32>,
        %add3A_1779 = arith.constant 964 : i32
        %add3A_1780 = vector.broadcast %add3A_1779 : i32 to vector<16xi32>
        %add3A_1781 = arith.addi %add3A_13, %add3A_1780 : vector<16xi32>
        %gather3A_1782 = tpu.vector_load_idx %arg6[%add3A_1781] : memref<1600xi32, #tpu.memory_space<vmem>>[vector<16xi32>], vector<16xi32>,
        %swap3A_1783 = arith.constant 1328 : index
        %swap3A_1784 = tpu.vector_load %arg8[%swap3A_1783] {strides = array<i32>} : memref<1600xi32, #tpu.memory_space<vmem>>, vector<16xi32>,
        tpu.vector_store %arg8[%swap3A_1783], %gather3A_1782 {strides = array<i32>} : memref<1600xi32, #tpu.memory_space<vmem>>, vector<16xi32>,
        %add3A_1785 = arith.constant 168 : i32
        %add3A_1786 = vector.broadcast %add3A_1785 : i32 to vector<16xi32>
        %add3A_1787 = arith.addi %add3A_13, %add3A_1786 : vector<16xi32>
        %gather3A_1788 = tpu.vector_load_idx %arg6[%add3A_1787] : memref<1600xi32, #tpu.memory_space<vmem>>[vector<16xi32>], vector<16xi32>,
        %swap3A_1789 = arith.constant 1344 : index
        %swap3A_1790 = tpu.vector_load %arg8[%swap3A_1789] {strides = array<i32>} : memref<1600xi32, #tpu.memory_space<vmem>>, vector<16xi32>,
        tpu.vector_store %arg8[%swap3A_1789], %gather3A_1788 {strides = array<i32>} : memref<1600xi32, #tpu.memory_space<vmem>>, vector<16xi32>,
        %add3A_1791 = arith.constant 968 : i32
        %add3A_1792 = vector.broadcast %add3A_1791 : i32 to vector<16xi32>
        %add3A_1793 = arith.addi %add3A_13, %add3A_1792 : vector<16xi32>
        %gather3A_1794 = tpu.vector_load_idx %arg6[%add3A_1793] : memref<1600xi32, #tpu.memory_space<vmem>>[vector<16xi32>], vector<16xi32>,
        %swap3A_1795 = arith.constant 1360 : index
        %swap3A_1796 = tpu.vector_load %arg8[%swap3A_1795] {strides = array<i32>} : memref<1600xi32, #tpu.memory_space<vmem>>, vector<16xi32>,
        tpu.vector_store %arg8[%swap3A_1795], %gather3A_1794 {strides = array<i32>} : memref<1600xi32, #tpu.memory_space<vmem>>, vector<16xi32>,
        %add3A_1797 = arith.constant 172 : i32
        %add3A_1798 = vector.broadcast %add3A_1797 : i32 to vector<16xi32>
        %add3A_1799 = arith.addi %add3A_13, %add3A_1798 : vector<16xi32>
        %gather3A_1800 = tpu.vector_load_idx %arg6[%add3A_1799] : memref<1600xi32, #tpu.memory_space<vmem>>[vector<16xi32>], vector<16xi32>,
        %swap3A_1801 = arith.constant 1376 : index
        %swap3A_1802 = tpu.vector_load %arg8[%swap3A_1801] {strides = array<i32>} : memref<1600xi32, #tpu.memory_space<vmem>>, vector<16xi32>,
        tpu.vector_store %arg8[%swap3A_1801], %gather3A_1800 {strides = array<i32>} : memref<1600xi32, #tpu.memory_space<vmem>>, vector<16xi32>,
        %add3A_1803 = arith.constant 972 : i32
        %add3A_1804 = vector.broadcast %add3A_1803 : i32 to vector<16xi32>
        %add3A_1805 = arith.addi %add3A_13, %add3A_1804 : vector<16xi32>
        %gather3A_1806 = tpu.vector_load_idx %arg6[%add3A_1805] : memref<1600xi32, #tpu.memory_space<vmem>>[vector<16xi32>], vector<16xi32>,
        %swap3A_1807 = arith.constant 1392 : index
        %swap3A_1808 = tpu.vector_load %arg8[%swap3A_1807] {strides = array<i32>} : memref<1600xi32, #tpu.memory_space<vmem>>, vector<16xi32>,
        tpu.vector_store %arg8[%swap3A_1807], %gather3A_1806 {strides = array<i32>} : memref<1600xi32, #tpu.memory_space<vmem>>, vector<16xi32>,
        %add3A_1809 = arith.constant 176 : i32
        %add3A_1810 = vector.broadcast %add3A_1809 : i32 to vector<16xi32>
        %add3A_1811 = arith.addi %add3A_13, %add3A_1810 : vector<16xi32>
        %gather3A_1812 = tpu.vector_load_idx %arg6[%add3A_1811] : memref<1600xi32, #tpu.memory_space<vmem>>[vector<16xi32>], vector<16xi32>,
        %swap3A_1813 = arith.constant 1408 : index
        %swap3A_1814 = tpu.vector_load %arg8[%swap3A_1813] {strides = array<i32>} : memref<1600xi32, #tpu.memory_space<vmem>>, vector<16xi32>,
        tpu.vector_store %arg8[%swap3A_1813], %gather3A_1812 {strides = array<i32>} : memref<1600xi32, #tpu.memory_space<vmem>>, vector<16xi32>,
        %add3A_1815 = arith.constant 976 : i32
        %add3A_1816 = vector.broadcast %add3A_1815 : i32 to vector<16xi32>
        %add3A_1817 = arith.addi %add3A_13, %add3A_1816 : vector<16xi32>
        %gather3A_1818 = tpu.vector_load_idx %arg6[%add3A_1817] : memref<1600xi32, #tpu.memory_space<vmem>>[vector<16xi32>], vector<16xi32>,
        %swap3A_1819 = arith.constant 1424 : index
        %swap3A_1820 = tpu.vector_load %arg8[%swap3A_1819] {strides = array<i32>} : memref<1600xi32, #tpu.memory_space<vmem>>, vector<16xi32>,
        tpu.vector_store %arg8[%swap3A_1819], %gather3A_1818 {strides = array<i32>} : memref<1600xi32, #tpu.memory_space<vmem>>, vector<16xi32>,
        %add3A_1821 = arith.constant 180 : i32
        %add3A_1822 = vector.broadcast %add3A_1821 : i32 to vector<16xi32>
        %add3A_1823 = arith.addi %add3A_13, %add3A_1822 : vector<16xi32>
        %gather3A_1824 = tpu.vector_load_idx %arg6[%add3A_1823] : memref<1600xi32, #tpu.memory_space<vmem>>[vector<16xi32>], vector<16xi32>,
        %swap3A_1825 = arith.constant 1440 : index
        %swap3A_1826 = tpu.vector_load %arg8[%swap3A_1825] {strides = array<i32>} : memref<1600xi32, #tpu.memory_space<vmem>>, vector<16xi32>,
        tpu.vector_store %arg8[%swap3A_1825], %gather3A_1824 {strides = array<i32>} : memref<1600xi32, #tpu.memory_space<vmem>>, vector<16xi32>,
        %add3A_1827 = arith.constant 980 : i32
        %add3A_1828 = vector.broadcast %add3A_1827 : i32 to vector<16xi32>
        %add3A_1829 = arith.addi %add3A_13, %add3A_1828 : vector<16xi32>
        %gather3A_1830 = tpu.vector_load_idx %arg6[%add3A_1829] : memref<1600xi32, #tpu.memory_space<vmem>>[vector<16xi32>], vector<16xi32>,
        %swap3A_1831 = arith.constant 1456 : index
        %swap3A_1832 = tpu.vector_load %arg8[%swap3A_1831] {strides = array<i32>} : memref<1600xi32, #tpu.memory_space<vmem>>, vector<16xi32>,
        tpu.vector_store %arg8[%swap3A_1831], %gather3A_1830 {strides = array<i32>} : memref<1600xi32, #tpu.memory_space<vmem>>, vector<16xi32>,
        %add3A_1833 = arith.constant 184 : i32
        %add3A_1834 = vector.broadcast %add3A_1833 : i32 to vector<16xi32>
        %add3A_1835 = arith.addi %add3A_13, %add3A_1834 : vector<16xi32>
        %gather3A_1836 = tpu.vector_load_idx %arg6[%add3A_1835] : memref<1600xi32, #tpu.memory_space<vmem>>[vector<16xi32>], vector<16xi32>,
        %swap3A_1837 = arith.constant 1472 : index
        %swap3A_1838 = tpu.vector_load %arg8[%swap3A_1837] {strides = array<i32>} : memref<1600xi32, #tpu.memory_space<vmem>>, vector<16xi32>,
        tpu.vector_store %arg8[%swap3A_1837], %gather3A_1836 {strides = array<i32>} : memref<1600xi32, #tpu.memory_space<vmem>>, vector<16xi32>,
        %add3A_1839 = arith.constant 984 : i32
        %add3A_1840 = vector.broadcast %add3A_1839 : i32 to vector<16xi32>
        %add3A_1841 = arith.addi %add3A_13, %add3A_1840 : vector<16xi32>
        %gather3A_1842 = tpu.vector_load_idx %arg6[%add3A_1841] : memref<1600xi32, #tpu.memory_space<vmem>>[vector<16xi32>], vector<16xi32>,
        %swap3A_1843 = arith.constant 1488 : index
        %swap3A_1844 = tpu.vector_load %arg8[%swap3A_1843] {strides = array<i32>} : memref<1600xi32, #tpu.memory_space<vmem>>, vector<16xi32>,
        tpu.vector_store %arg8[%swap3A_1843], %gather3A_1842 {strides = array<i32>} : memref<1600xi32, #tpu.memory_space<vmem>>, vector<16xi32>,
        %add3A_1845 = arith.constant 188 : i32
        %add3A_1846 = vector.broadcast %add3A_1845 : i32 to vector<16xi32>
        %add3A_1847 = arith.addi %add3A_13, %add3A_1846 : vector<16xi32>
        %gather3A_1848 = tpu.vector_load_idx %arg6[%add3A_1847] : memref<1600xi32, #tpu.memory_space<vmem>>[vector<16xi32>], vector<16xi32>,
        %swap3A_1849 = arith.constant 1504 : index
        %swap3A_1850 = tpu.vector_load %arg8[%swap3A_1849] {strides = array<i32>} : memref<1600xi32, #tpu.memory_space<vmem>>, vector<16xi32>,
        tpu.vector_store %arg8[%swap3A_1849], %gather3A_1848 {strides = array<i32>} : memref<1600xi32, #tpu.memory_space<vmem>>, vector<16xi32>,
        %add3A_1851 = arith.constant 988 : i32
        %add3A_1852 = vector.broadcast %add3A_1851 : i32 to vector<16xi32>
        %add3A_1853 = arith.addi %add3A_13, %add3A_1852 : vector<16xi32>
        %gather3A_1854 = tpu.vector_load_idx %arg6[%add3A_1853] : memref<1600xi32, #tpu.memory_space<vmem>>[vector<16xi32>], vector<16xi32>,
        %swap3A_1855 = arith.constant 1520 : index
        %swap3A_1856 = tpu.vector_load %arg8[%swap3A_1855] {strides = array<i32>} : memref<1600xi32, #tpu.memory_space<vmem>>, vector<16xi32>,
        tpu.vector_store %arg8[%swap3A_1855], %gather3A_1854 {strides = array<i32>} : memref<1600xi32, #tpu.memory_space<vmem>>, vector<16xi32>,
        %add3A_1857 = arith.constant 192 : i32
        %add3A_1858 = vector.broadcast %add3A_1857 : i32 to vector<16xi32>
        %add3A_1859 = arith.addi %add3A_13, %add3A_1858 : vector<16xi32>
        %gather3A_1860 = tpu.vector_load_idx %arg6[%add3A_1859] : memref<1600xi32, #tpu.memory_space<vmem>>[vector<16xi32>], vector<16xi32>,
        %swap3A_1861 = arith.constant 1536 : index
        %swap3A_1862 = tpu.vector_load %arg8[%swap3A_1861] {strides = array<i32>} : memref<1600xi32, #tpu.memory_space<vmem>>, vector<16xi32>,
        tpu.vector_store %arg8[%swap3A_1861], %gather3A_1860 {strides = array<i32>} : memref<1600xi32, #tpu.memory_space<vmem>>, vector<16xi32>,
        %add3A_1863 = arith.constant 992 : i32
        %add3A_1864 = vector.broadcast %add3A_1863 : i32 to vector<16xi32>
        %add3A_1865 = arith.addi %add3A_13, %add3A_1864 : vector<16xi32>
        %gather3A_1866 = tpu.vector_load_idx %arg6[%add3A_1865] : memref<1600xi32, #tpu.memory_space<vmem>>[vector<16xi32>], vector<16xi32>,
        %swap3A_1867 = arith.constant 1552 : index
        %swap3A_1868 = tpu.vector_load %arg8[%swap3A_1867] {strides = array<i32>} : memref<1600xi32, #tpu.memory_space<vmem>>, vector<16xi32>,
        tpu.vector_store %arg8[%swap3A_1867], %gather3A_1866 {strides = array<i32>} : memref<1600xi32, #tpu.memory_space<vmem>>, vector<16xi32>,
        %add3A_1869 = arith.constant 196 : i32
        %add3A_1870 = vector.broadcast %add3A_1869 : i32 to vector<16xi32>
        %add3A_1871 = arith.addi %add3A_13, %add3A_1870 : vector<16xi32>
        %gather3A_1872 = tpu.vector_load_idx %arg6[%add3A_1871] : memref<1600xi32, #tpu.memory_space<vmem>>[vector<16xi32>], vector<16xi32>,
        %swap3A_1873 = arith.constant 1568 : index
        %swap3A_1874 = tpu.vector_load %arg8[%swap3A_1873] {strides = array<i32>} : memref<1600xi32, #tpu.memory_space<vmem>>, vector<16xi32>,
        tpu.vector_store %arg8[%swap3A_1873], %gather3A_1872 {strides = array<i32>} : memref<1600xi32, #tpu.memory_space<vmem>>, vector<16xi32>,
        %add3A_1875 = arith.constant 996 : i32
        %add3A_1876 = vector.broadcast %add3A_1875 : i32 to vector<16xi32>
        %add3A_1877 = arith.addi %add3A_13, %add3A_1876 : vector<16xi32>
        %gather3A_1878 = tpu.vector_load_idx %arg6[%add3A_1877] : memref<1600xi32, #tpu.memory_space<vmem>>[vector<16xi32>], vector<16xi32>,
        %swap3A_1879 = arith.constant 1584 : index
        %swap3A_1880 = tpu.vector_load %arg8[%swap3A_1879] {strides = array<i32>} : memref<1600xi32, #tpu.memory_space<vmem>>, vector<16xi32>,
        tpu.vector_store %arg8[%swap3A_1879], %gather3A_1878 {strides = array<i32>} : memref<1600xi32, #tpu.memory_space<vmem>>, vector<16xi32>,
        %dma_start3A_1881 = arith.constant 0 : i32
        %dma_start3A_1882 = arith.constant 0 : i32
        %dma_start3A_1883 = tpu.memref_slice %arg3[%dma_start3A_1881, %dma_start3A_1882] : memref<1000000x32xf32, #tpu.memory_space<hbm>> -> memref<1000000x32xf32, #tpu.memory_space<hbm>>
        tpu.enqueue_indirect_dma source(%dma_start3A_1883 : memref<1000000x32xf32, #tpu.memory_space<hbm>>) target(%arg10 : memref<1600x32xf32, #tpu.memory_space<vmem>>) offsets(%arg8 : memref<1600xi32, #tpu.memory_space<vmem>>) semaphore(%arg12 : memref<!tpu.dma_semaphore, #tpu.memory_space<semaphore_mem>>)
      } else {
      }
    }
    %scan3A_1228 = arith.constant 8 : i32
    %dma_wait3A = arith.constant 0 : i32
    %dma_wait3A_1229 = tpu.memref_slice %arg4[%mul3A_2, %dma_wait3A] : memref<819200x32xf32, #tpu.memory_space<hbm>> -> memref<1600x32xf32, #tpu.memory_space<hbm>>
    %dma_wait3A_1230 = arith.constant 0 : i32
    %dma_wait3A_1231 = tpu.memref_slice %arg4[%mul3A_2, %dma_wait3A_1230] : memref<819200x32xf32, #tpu.memory_space<hbm>> -> memref<1600x32xf32, #tpu.memory_space<hbm>>
    tpu.wait_dma2 semaphore(%arg13 : memref<!tpu.dma_semaphore, #tpu.memory_space<semaphore_mem>>) src(%arg9 : memref<1600x32xf32, #tpu.memory_space<vmem>>) dst(%dma_wait3A_1231 : memref<1600x32xf32, #tpu.memory_space<hbm>>)
    %dma_wait3A_1232 = arith.constant 0 : i32
    %dma_wait3A_1233 = tpu.memref_slice %arg4[%mul3A_2, %dma_wait3A_1232] : memref<819200x32xf32, #tpu.memory_space<hbm>> -> memref<1600x32xf32, #tpu.memory_space<hbm>>
    %dma_wait3A_1234 = arith.constant 0 : i32
    %dma_wait3A_1235 = tpu.memref_slice %arg4[%mul3A_2, %dma_wait3A_1234] : memref<819200x32xf32, #tpu.memory_space<hbm>> -> memref<1600x32xf32, #tpu.memory_space<hbm>>
    tpu.wait_dma2 semaphore(%arg14 : memref<!tpu.dma_semaphore, #tpu.memory_space<semaphore_mem>>) src(%arg10 : memref<1600x32xf32, #tpu.memory_space<vmem>>) dst(%dma_wait3A_1235 : memref<1600x32xf32, #tpu.memory_space<hbm>>)
    return
  }
}

</mosaic_0001>

<sc_bundles>
// kernel: kernel.3.cloned.1.call-start
scs
__scs_entry_jumppad:
0x0: {  	(pc) =	sbr.rel $0x88, $3  }
0x1: {  	(tag) =	ssettag $0x0;
	lr =	simm.s32 $0x1  }
0x2: {  	[smem:$0x3F9F] =	sst lr;
	_ =	strace $0xD0000000  }
0x3: {  	_ = 	snop  }
0x4: {  	_ = 	snop  }
0x5: {  	_ = 	snop  }
0x6: {  	_ = 	snop  }
0x7: {  	_ = 	snop  }
__scs_overlays_trampoline_lowered:
0x8: {  	[smem:$0x3FAE] =	sst s0  }
0x9: {  	[smem:$0x3FAF] =	sst s1  }
0xa: {  	[smem:$0x3FB0] =	sst s2  }
0xb: {  	[smem:$0x3FB1] =	sst s3  }
0xc: {  	[smem:$0x3FB2] =	sst s4  }
0xd: {  	[smem:$0x3FB3] =	sst s5  }
0xe: {  	[smem:$0x3FB4] =	sst s6  }
0xf: {  	[smem:$0x3FB5] =	sst s7  }
0x10: {  	[smem:$0x3FB6] =	sst s8  }
0x11: {  	[smem:$0x3FB7] =	sst s9;
	s0 =	simm.s32 @!p0 $0x0  }
0x12: {  	s1 =	sld [smem:$0x3F9D];
	s0 =	simm.s32 @p0 $0x1  }
0x13: {  	[smem:$0x3FB8] =	sst s0;
	s0 =	simm.s32 @!p1 $0x0  }
0x14: {  	s2 =	sld [smem:$0x3F9C];
	s0 =	simm.s32 @p1 $0x1  }
0x15: {  	[smem:$0x3FB9] =	sst s0;
	s0 =	simm.s32 @!p2 $0x0  }
0x16: {  	s3 =	sld [smem:$0x3FDB];
	s0 =	simm.s32 @p2 $0x1  }
0x17: {  	s4 =	simm.s32 $0x1BF5;
	[smem:$0x3FBB] =	sst s0  }
0x18: {  	s0 =	sld [smem:$0x3F9E];
	_ =	swait.ge [sflag:s4], $0x0  }
0x19: {  	s7 =	sld [smem:$0x3F9F]  }
0x1a: {  	s8 =	sadd.s32 $0xFFFFE003, lr  }
0x1b: {  	s9 =	sadd.s32 $0xFFFFFEF7, lr;
	s5 =	simm.s32 $0xFFFFFFFF;
	p2 =	slt.u32 s8, $0xFFFFF086  }
0x1c: {  	p1 =	slt.u32 s9, $0xF7A;
	s5 =	simm.s32 @!p2 $0x0  }
0x1d: {  	s5 =	simm.s32 @p1 $0x1;
	p0 =	seq.s32 s7, s2  }
0x1e: {  	s7 =	smul.u32 @!p0 $0xF7A, s2;
	p2 =	seq.s32 @!p0 s5, $0x0  }
0x1f: {  	s9 =	smul.u32 $0xF7A, s1;
	s8 =	simm.s32 @!p0 $0x1BF5;
	p2 =	por !p2, p0  }
0x20: {  	[sflag:s8] =	ssyncset.s32 @!p0 $0xFFFFF086;
	s6 =	sadd.s32 @!p0 s3, s7;
	s7 =	simm.s32 @!p0 $0x108  }
0x21: {  	s3 =	sadd.s32 s3, s9;
	s6 =	sadd.s32 @!p0 $0x88, s6;
	s7 =	simm.s32 @p2 $0x1082  }
0x22: {  	[simem:s7], [sflag:s8] =	dma.local @!p0 [hbm:s6], $0xF7A  }
0x23: {  	s9 =	sor.u32 $0xD0000000, s2;
	s6 =	simm.s32 $0x108;
	_ =	swait.ge @!p0 [sflag:s8], $0x0  }
0x24: {  	s3 =	sadd.s32 $0x88, s3;
	s6 =	simm.s32 @!p1 $0x1082;
	[sflag:s4] =	ssyncset.s32 $0xFFFFF086  }
0x25: {  	[simem:s6], [sflag:s4] =	dma.local [hbm:s3], $0xF7A  }
0x26: {  	[smem:$0x3F9F] =	sst s1;
	(tag) =	ssettag s2;
	_ =	strace s9  }
0x27: {  	s1 =	sld [smem:$0x3FAF]  }
0x28: {  	s2 =	sld [smem:$0x3FB0]  }
0x29: {  	s4 =	sld [smem:$0x3FB2]  }
0x2a: {  	p0 =	seq.s32 s5, $0x0;
	s5 =	sld [smem:$0x3FB3]  }
0x2b: {  	s6 =	sld [smem:$0x3FB4]  }
0x2c: {  	s7 =	sld [smem:$0x3FB5]  }
0x2d: {  	s3 =	simm.s32 $0x108;
	s8 =	sld [smem:$0x3FB6]  }
0x2e: {  	s3 =	simm.s32 @!p0 $0x1082;
	s9 =	sld [smem:$0x3FB7]  }
0x2f: {  	lr =	sadd.s32 s0, s3;
	s0 =	sld [smem:$0x3FAE]  }
0x30: {  	s3 =	sld [smem:$0x3FB1]  }
0x31: {  	[smem:$0x3FBA] =	sst s10  }
0x32: {  	s10 =	sld [smem:$0x3FB8];
	_ =	sdelay $0x3  }
0x33: {  	p0 =	seq.s32 s10, $0x1;
	s10 =	sld [smem:$0x3FBA];
	_ =	sdelay $0x3  }
0x34: {  	[smem:$0x3FBA] =	sst s10  }
0x35: {  	s10 =	sld [smem:$0x3FB9];
	_ =	sdelay $0x3  }
0x36: {  	p1 =	seq.s32 s10, $0x1;
	s10 =	sld [smem:$0x3FBA];
	_ =	sdelay $0x3  }
0x37: {  	[smem:$0x3FBA] =	sst s10  }
0x38: {  	s10 =	sld [smem:$0x3FBB]  }
0x39: {  	_ = 	snop;
	(pc) =	sbr.ind lr, $3  }
0x3a: {  	_ = 	snop  }
0x3b: {  	_ = 	snop  }
0x3c: {  	p2 =	seq.s32 s10, $0x1;
	s10 =	sld [smem:$0x3FBA]  }
0x3d: {  	_ =	shalt  }
0x3e: {  	_ =	shalt  }
0x3f: {  	_ =	shalt  }
0x40: {  	_ =	shalt  }
0x41: {  	_ =	shalt  }
0x42: {  	_ =	shalt  }
0x43: {  	_ =	shalt  }
0x44: {  	_ =	shalt  }
0x45: {  	_ =	shalt  }
0x46: {  	_ =	shalt  }
0x47: {  	_ =	shalt  }
0x48: {  	_ =	shalt  }
0x49: {  	_ =	shalt  }
0x4a: {  	_ =	shalt  }
0x4b: {  	_ =	shalt  }
0x4c: {  	_ =	shalt  }
0x4d: {  	_ =	shalt  }
0x4e: {  	_ =	shalt  }
0x4f: {  	_ =	shalt  }
0x50: {  	_ =	shalt  }
0x51: {  	_ =	shalt  }
0x52: {  	_ =	shalt  }
0x53: {  	_ =	shalt  }
0x54: {  	_ =	shalt  }
0x55: {  	_ =	shalt  }
0x56: {  	_ =	shalt  }
0x57: {  	_ =	shalt  }
0x58: {  	_ =	shalt  }
0x59: {  	_ =	shalt  }
0x5a: {  	_ =	shalt  }
0x5b: {  	_ =	shalt  }
0x5c: {  	_ =	shalt  }
0x5d: {  	_ =	shalt  }
0x5e: {  	_ =	shalt  }
0x5f: {  	_ =	shalt  }
0x60: {  	_ =	shalt  }
0x61: {  	_ =	shalt  }
0x62: {  	_ =	shalt  }
0x63: {  	_ =	shalt  }
0x64: {  	_ =	shalt  }
0x65: {  	_ =	shalt  }
0x66: {  	_ =	shalt  }
0x67: {  	_ =	shalt  }
0x68: {  	_ =	shalt  }
0x69: {  	_ =	shalt  }
0x6a: {  	_ =	shalt  }
0x6b: {  	_ =	shalt  }
0x6c: {  	_ =	shalt  }
0x6d: {  	_ =	shalt  }
0x6e: {  	_ =	shalt  }
0x6f: {  	_ =	shalt  }
0x70: {  	_ =	shalt  }
0x71: {  	_ =	shalt  }
0x72: {  	_ =	shalt  }
0x73: {  	_ =	shalt  }
0x74: {  	_ =	shalt  }
0x75: {  	_ =	shalt  }
0x76: {  	_ =	shalt  }
0x77: {  	_ =	shalt  }
0x78: {  	_ =	shalt  }
0x79: {  	_ =	shalt  }
0x7a: {  	_ =	shalt  }
0x7b: {  	_ =	shalt  }
0x7c: {  	_ =	shalt  }
0x7d: {  	_ =	shalt  }
0x7e: {  	_ =	shalt  }
0x7f: {  	_ =	shalt  }
0x80: {  	_ =	shalt  }
0x81: {  	_ =	shalt  }
0x82: {  	_ =	shalt  }
0x83: {  	_ =	shalt  }
0x84: {  	_ =	shalt  }
0x85: {  	_ =	shalt  }
0x86: {  	_ =	shalt  }
0x87: {  	_ =	shalt  }
.Lfunc_end0:
.L_simem_size_0:
called_computation_lowered:
.L_overlay_start_0:
0x88: {  	s2 =	sld [smem:$0x3FD9]  }
0x89: {  	s3 =	sld [smem:$0x3FFE];
	_ =	sdelay $0x1  }
0x8a: {  	s1 =	srdreg.scid  }
0x8b: {  	s0 =	sand.u32 $0x1, s1  }
0x8c: {  	s17 =	sshll.u32 s0, $0xA;
	s2 =	sadd.s32 s3, s2  }
0x8d: {  	s2 =	sadd.s32 s2, s17  }
0x8e: {  	[smem:$0x3FC6] =	sst s2  }
0x8f: {  	_ = 	snop  }
0x90: {  	s2 =	sld [smem:$0x3FD0];
	(tm) =	ssettm $0x1  }
0x91: {  	s18 =	sld [smem:$0x3FFB];
	_ =	sdelay $0x3  }
0x92: {  	_ =	strace s18  }
0x93: {  	s3 =	sld [smem:$0x3FFC];
	_ =	sdelay $0x3  }
0x94: {  	_ =	strace s3  }
0x95: {  	s3 =	sld [smem:$0x3FFD];
	_ =	sdelay $0x3  }
0x96: {  	_ =	strace s3  }
0x97: {  	_ =	strace $0x8FFFFFFF  }
0x98: {  	s19 =	sld [smem:$0x3FDB];
	_ =	sdelay $0x1  }
0x99: {  	s4 =	simm.s32 $_scs_section_size  }
0x9a: {  	s5 =	simm.s32 $_size__tile_overlayer_lowered;
	s6 =	simm.s32 $_tile_overlayer_lowered  }
0x9b: {  	s22 =	simm.s32 $0x1BFF;
	s21 =	sshll.u32 s6, $0x1;
	s3 =	sadd.s32 s4, s19  }
0x9c: {  	s7 =	simm.s32 $0x0;
	s20 =	sshll.u32 s5, $0x1;
	s5 =	sadd.s32 s21, s3  }
0x9d: {  	[timem:s7], [sflag:s22] =	dma.local [hbm:s5], s20  }
0x9e: {  	_ =	swait.ge [sflag:s22], s20  }
0x9f: {  	s4 =	ssub.s32 $0x0, s20;
	[sflag:s22] =	ssyncset.done $0x0  }
0xa0: {  	[sflag:s22] =	ssyncadd.s32 s4;
	_ =	sdelay $0x1  }
0xa1: {  	s23 =	simm.s32 $0x1B8B  }
0xa2: {  	_ =	swait.ge [sflag:s23], $0x1  }
0xa3: {  	[sflag:s23] =	ssyncset.done $0x0  }
0xa4: {  	s25 =	simm.s32 $0x1B8E;
	s24 =	sld [smem:$0x3FFE];
	[sflag:s23] =	ssyncadd.s32 $0xFFFFFFFF  }
0xa5: {  	s26 =	simm.s32 $execute0_lowered;
	[smem:$0x3FD2] =	sst s25  }
0xa6: {  	s5 =	sshll.u32 s26, $0x1;
	_ =	strace $0x80000046;
	[dreg:$0x1] =	wrdreg $0xFFFFFFFF  }
0xa7: {  	s28 =	simm.s32 $_size_execute0_lowered;
	s3 =	sadd.s32 s3, s5;
	[dreg:$0x0] =	wrdreg $0x0  }
0xa8: {  	s5 =	sshll.u32 s28, $0x1;
	[dreg:$0x2] =	wrdreg s3  }
0xa9: {  	[dreg:$0x3] =	wrdreg s5  }
0xaa: {  	[dreg:$0x4] =	wrdreg $0xC0  }
0xab: {  	_ =	task [dreg:s7], $0x5FFFF  }
0xac: {  	[dreg:$0x1] =	wrdreg $0xFFFFFFFF  }
0xad: {  	[dreg:$0x0] =	wrdreg $0x60  }
0xae: {  	[dreg:$0x2] =	wrdreg s24  }
0xaf: {  	[dreg:$0x3] =	wrdreg s2  }
0xb0: {  	[dreg:$0x4] =	wrdreg $0x9  }
0xb1: {  	_ =	task.clear_ibuf [dreg:s7], $0x5FFFF;
	_ =	strace $0x90000046  }
0xb2: {  	s29 =	simm.s32 $0x9;
	_ =	strace $0x80000048  }
0xb3: {  	_ =	swait.ge [sflag:s29], $0x1  }
0xb4: {  	[sflag:s29] =	ssyncadd.s32 $0xFFFFFFFF  }
0xb5: {  	_ =	strace $0x90000048  }
0xb6: {  	_ =	sfence  }
0xb7: {  	s30 =	sld [smem:$0x0];
	_ =	sdelay $0x2  }
0xb8: {  	s31 =	sshll.u32 s1, $0xD;
	s1 =	sshrl.u32 s1, $0x2  }
0xb9: {  	s3 =	sand.u32 $0x4000, s31;
	s1 =	sadd.s32 s1, s30  }
0xba: {  	s0 =	sor.u32 s3, s0;
	s1 =	sshll.u32 s1, $0x11  }
0xbb: {  	s0 =	sor.u32 s1, s0  }
0xbc: {  	s0 =	sadd.s32 $0x8F2B, s0  }
0xbd: {  	[sflag:s0] =	ssyncadd.remote.s32 $0x1  }
0xbe: {  	_ =	sfence.sel $0xFFFF  }
0xbf: {  	[dreg:$0x0] =	wrdreg $0xFFFFFFFF;
	(pc) =	sbr.abs _section_cstart, $3  }
0xc0: {  	[dreg:$0x1] =	wrdreg $0xFFFFFFFF  }
0xc1: {  	_ =	task.clear_ibuf [dreg:s7], $0x2FFFF;
	_ =	strace $0x9FFFFFFF  }
0xc2: {  	(tm) =	ssettm $0x7FFFFFFF  }
0xc3: {  	_ =	shalt  }
tec
execute0_lowered:
.L_overlay_start_1:
0x0: {  	(tag) =	ssettag $0x1  }
0x1: {  	v0 =	vimm.s32 $0x3210  }
0x2: {  	v0 =	vunpack.c.l.s4.s8 v0  }
0x3: {  	v1 =	vimm.s32 $0xCBCAC9C8  }
0x4: {  	v1 =	vunpack.c.0.s8.s32 v1;
	v0 =	vunpack.c.0.s8.s32 v0  }
0x5: {  	vm1 =	vcmask $0xF00;
	v2 =	vimm.s32 $0x7654  }
0x6: {  	vm2 =	vcmask $0x1F10;
	v1 =	vand.u32 $0xFF, v1;
	v0 =	vnsel vm1, $0x25B, v0  }
0x7: {  	v4 =	vimm.s32 $0xF0E0D0C;
	v2 =	vunpack.c.l.s4.s8 v2;
	v0 =	vsel vm2, v1, v0  }
0x8: {  	v5 =	vimm.s32 $0xD3D2D1D0;
	[tilespmem:$0x1EC40] =	vst v0;
	v0 =	vimm.s32 $0xCFCECDCC  }
0x9: {  	v1 =	vunpack.c.0.s8.s32 v2;
	v2 =	vimm.s32 $0xB0A0908;
	v0 =	vunpack.c.0.s8.s32 v0  }
0xa: {  	v6 =	vimm.s32 $0xDBDAD9D8;
	v7 =	vimm.s32 $0x17161514;
	v2 =	vunpack.c.0.s8.s32 v2  }
0xb: {  	v4 =	vunpack.c.0.s8.s32 v4;
	v1 =	vnsel vm1, $0x25F, v1;
	v0 =	vand.u32 $0xFF, v0  }
0xc: {  	v6 =	vunpack.c.0.s8.s32 v6;
	v2 =	vand.u32 $0xFF, v2;
	v0 =	vsel vm2, v0, v1  }
0xd: {  	v1 =	vunpack.c.0.s8.s32 v5;
	v5 =	vimm.s32 $0x13121110;
	[tilespmem:$0x1EC50] =	vst v0;
	v0 =	vnsel vm1, $0x263, v2  }
0xe: {  	v2 =	vand.u32 $0xFF, v4;
	v4 =	vimm.s32 $0xD7D6D5D4;
	v5 =	vunpack.c.0.s8.s32 v5  }
0xf: {  	v7 =	vunpack.c.0.s8.s32 v7;
	v6 =	vand.u32 $0xFF, v6;
	v4 =	vunpack.c.0.s8.s32 v4  }
0x10: {  	v1 =	vand.u32 $0xFF, v1;
	v2 =	vnsel vm1, $0x267, v2;
	v5 =	vand.u32 $0xFF, v5  }
0x11: {  	v0 =	vsel vm2, v1, v0;
	v1 =	vimm.s32 $0xDFDEDDDC;
	v4 =	vand.u32 $0xFF, v4  }
0x12: {  	v5 =	vnsel vm1, $0x26B, v5;
	[tilespmem:$0x1EC60] =	vst v0;
	v1 =	vunpack.c.0.s8.s32 v1;
	v0 =	vsel vm2, v4, v2  }
0x13: {  	v2 =	vimm.s32 $0x1B1A1918;
	v4 =	vimm.s32 $0xE3E2E1E0;
	[tilespmem:$0x1EC70] =	vst v0;
	v0 =	vsel vm2, v6, v5  }
0x14: {  	v2 =	vunpack.c.0.s8.s32 v2;
	v4 =	vunpack.c.0.s8.s32 v4;
	v5 =	vimm.s32 $0x1F1E1D1C  }
0x15: {  	v1 =	vand.u32 $0xFF, v1;
	v6 =	vimm.s32 $0xEBEAE9E8;
	[tilespmem:$0x1EC80] =	vst v0;
	v0 =	vand.u32 $0xFF, v7  }
0x16: {  	v5 =	vunpack.c.0.s8.s32 v5;
	v0 =	vnsel vm1, $0x26F, v0;
	v2 =	vand.u32 $0xFF, v2  }
0x17: {  	v0 =	vsel vm2, v1, v0;
	v1 =	vand.u32 $0xFF, v4;
	v4 =	vimm.s32 $0xE7E6E5E4  }
0x18: {  	[tilespmem:$0x1EC90] =	vst v0;
	v0 =	vnsel vm1, $0x273, v2;
	v2 =	vand.u32 $0xFF, v5;
	v5 =	vimm.s32 $0x23222120  }
0x19: {  	v4 =	vunpack.c.0.s8.s32 v4;
	v5 =	vunpack.c.0.s8.s32 v5;
	v0 =	vsel vm2, v1, v0  }
0x1a: {  	v1 =	vunpack.c.0.s8.s32 v6;
	v6 =	vimm.s32 $0xF7F6F5F4;
	[tilespmem:$0x1ECA0] =	vst v0;
	v0 =	vnsel vm1, $0x277, v2  }
0x1b: {  	v2 =	vand.u32 $0xFF, v4;
	v4 =	vand.u32 $0xFF, v5;
	v5 =	vimm.s32 $0x27262524  }
0x1c: {  	v1 =	vand.u32 $0xFF, v1;
	v0 =	vsel vm2, v2, v0;
	v4 =	vnsel vm1, $0x27B, v4  }
0x1d: {  	v2 =	vimm.s32 $0x2B2A2928;
	v5 =	vunpack.c.0.s8.s32 v5;
	[tilespmem:$0x1ECB0] =	vst v0;
	v0 =	vsel vm2, v1, v4  }
0x1e: {  	v6 =	vunpack.c.0.s8.s32 v6;
	v2 =	vunpack.c.0.s8.s32 v2;
	[tilespmem:$0x1ECC0] =	vst v0;
	v0 =	vimm.s32 $0xEFEEEDEC  }
0x1f: {  	v4 =	vimm.s32 $0xF3F2F1F0;
	v1 =	vand.u32 $0xFF, v5;
	v0 =	vunpack.c.0.s8.s32 v0  }
0x20: {  	v4 =	vunpack.c.0.s8.s32 v4;
	v5 =	vimm.s32 $0x2F2E2D2C;
	v2 =	vand.u32 $0xFF, v2  }
0x21: {  	v1 =	vnsel vm1, $0x27F, v1;
	v5 =	vunpack.c.0.s8.s32 v5;
	v0 =	vand.u32 $0xFF, v0  }
0x22: {  	v2 =	vnsel vm1, $0x283, v2;
	v4 =	vand.u32 $0xFF, v4;
	v0 =	vsel vm2, v0, v1  }
0x23: {  	[tilespmem:$0x1ECD0] =	vst v0;
	v0 =	vsel vm2, v4, v2  }
0x24: {  	v1 =	vand.u32 $0xFF, v6;
	v2 =	vimm.s32 $0x33323130;
	[tilespmem:$0x1ECE0] =	vst v0;
	v0 =	vand.u32 $0xFF, v5  }
0x25: {  	v4 =	vimm.s32 $0xFBFAF9F8;
	v2 =	vunpack.c.0.s8.s32 v2;
	v0 =	vnsel vm1, $0x287, v0  }
0x26: {  	v5 =	vimm.s32 $0x37363534;
	v4 =	vunpack.c.0.s8.s32 v4;
	v0 =	vsel vm2, v1, v0  }
0x27: {  	v6 =	vimm.s32 $0xFFFEFDFC;
	v5 =	vunpack.c.0.s8.s32 v5;
	[tilespmem:$0x1ECF0] =	vst v0;
	v0 =	vand.u32 $0xFF, v2  }
0x28: {  	v1 =	vunpack.c.0.s8.s32 v6;
	v2 =	vand.u32 $0xFF, v4;
	v0 =	vnsel vm1, $0x28B, v0  }
0x29: {  	v4 =	vand.u32 $0xFF, v5;
	v0 =	vsel vm2, v2, v0  }
0x2a: {  	v1 =	vand.u32 $0xFF, v1;
	[tilespmem:$0x1ED00] =	vst v0;
	v0 =	vnsel vm1, $0x28F, v4  }
0x2b: {  	v0 =	vsel vm2, v1, v0  }
0x2c: {  	vm0 =	vcmask $0x300;
	[tilespmem:$0x1ED10] =	vst v0;
	v0 =	vimm.s32 $0x57F  }
0x2d: {  	v5 =	vsel vm0, $0x324, v0;
	v0 =	vimm.s32 $0x583  }
0x2e: {  	v6 =	vsel vm0, $0x328, v0;
	v0 =	vimm.s32 $0x58B  }
0x2f: {  	v8 =	vsel vm0, $0x330, v0;
	v0 =	vimm.s32 $0x58F  }
0x30: {  	v1 =	vimm.s32 $0x587;
	v9 =	vsel vm0, $0x334, v0;
	v0 =	vimm.s32 $0x597  }
0x31: {  	v7 =	vsel vm0, $0x32C, v1;
	v11 =	vsel vm0, $0x33C, v0;
	v0 =	vimm.s32 $0x59B  }
0x32: {  	v1 =	vimm.s32 $0x593;
	v12 =	vsel vm0, $0x340, v0;
	v0 =	vimm.s32 $0x5A3  }
0x33: {  	v10 =	vsel vm0, $0x338, v1;
	v14 =	vsel vm0, $0x348, v0;
	v0 =	vimm.s32 $0x5A7  }
0x34: {  	v1 =	vimm.s32 $0x59F;
	v15 =	vsel vm0, $0x34C, v0;
	v0 =	vimm.s32 $0x3B3A3938  }
0x35: {  	v13 =	vsel vm0, $0x344, v1;
	v1 =	vimm.s32 $0x5AB;
	v0 =	vunpack.c.0.s8.s32 v0  }
0x36: {  	v2 =	vimm.s32 $0x3F3E3D3C;
	v16 =	vsel vm0, $0x350, v1;
	v1 =	vimm.s32 $0x5AF  }
0x37: {  	v17 =	vsel vm0, $0x354, v1;
	v1 =	vunpack.c.0.s8.s32 v2;
	v0 =	vnsel vm1, $0x293, v0  }
0x38: {  	v2 =	vimm.s32 $0x43424140;
	[tilespmem:$0x1E5A0] =	vst v0;
	v0 =	vimm.s32 $0x5B3  }
0x39: {  	v2 =	vunpack.c.0.s8.s32 v2;
	v18 =	vsel vm0, $0x358, v0;
	v0 =	vnsel vm1, $0x297, v1  }
0x3a: {  	[tilespmem:$0x1E5B0] =	vst v0;
	v0 =	vimm.s32 $0x5B7  }
0x3b: {  	v19 =	vsel vm0, $0x35C, v0;
	v0 =	vnsel vm1, $0x29B, v2  }
0x3c: {  	[tilespmem:$0x1E5C0] =	vst v0;
	v0 =	vimm.s32 $0x47464544  }
0x3d: {  	v0 =	vunpack.c.0.s8.s32 v0  }
0x3e: {  	v1 =	vimm.s32 $0x5BB;
	v2 =	vimm.s32 $0x4B4A4948  }
0x3f: {  	v20 =	vsel vm0, $0x360, v1;
	v1 =	vunpack.c.0.s8.s32 v2;
	v0 =	vnsel vm1, $0x29F, v0  }
0x40: {  	v2 =	vimm.s32 $0x4F4E4D4C;
	[tilespmem:$0x1E5D0] =	vst v0;
	v0 =	vimm.s32 $0x5BF  }
0x41: {  	v2 =	vunpack.c.0.s8.s32 v2;
	v21 =	vsel vm0, $0x364, v0;
	v0 =	vnsel vm1, $0x2A3, v1  }
0x42: {  	[tilespmem:$0x1E5E0] =	vst v0;
	v0 =	vimm.s32 $0x5C3  }
0x43: {  	v22 =	vsel vm0, $0x368, v0;
	v0 =	vnsel vm1, $0x2A7, v2  }
0x44: {  	[tilespmem:$0x1E5F0] =	vst v0;
	v0 =	vimm.s32 $0x53525150  }
0x45: {  	v1 =	vimm.s32 $0x5C7;
	v0 =	vunpack.c.0.s8.s32 v0  }
0x46: {  	v1 =	vsel vm0, $0x36C, v1  }
0x47: {  	v2 =	vimm.s32 $0x57565554;
	[tilespmem:$0x1E580] =	vst v1;
	v0 =	vnsel vm1, $0x2AB, v0  }
0x48: {  	v1 =	vunpack.c.0.s8.s32 v2;
	[tilespmem:$0x1E600] =	vst v0;
	v0 =	vimm.s32 $0x5CB  }
0x49: {  	v2 =	vimm.s32 $0x5B5A5958;
	v0 =	vsel vm0, $0x370, v0  }
0x4a: {  	v2 =	vunpack.c.0.s8.s32 v2;
	[tilespmem:$0x1E590] =	vst v0;
	v0 =	vnsel vm1, $0x2AF, v1  }
0x4b: {  	[tilespmem:$0x1E610] =	vst v0;
	v0 =	vimm.s32 $0x5CF  }
0x4c: {  	v63 =	vsel vm0, $0x374, v0;
	v0 =	vnsel vm1, $0x2B3, v2  }
0x4d: {  	v3 =	vimm.s32 $0x57B;
	[tilespmem:$0x1E620] =	vst v0;
	v0 =	vimm.s32 $0x5F5E5D5C  }
0x4e: {  	v31 =	vimm.s32 $0x5F3;
	v34 =	vimm.s32 $0x8B8A8988;
	v0 =	vunpack.c.0.s8.s32 v0  }
0x4f: {  	v35 =	vimm.s32 $0x8F8E8D8C;
	v1 =	vimm.s32 $0x5D3;
	v2 =	vimm.s32 $0x63626160  }
0x50: {  	v62 =	vsel vm0, $0x378, v1;
	v1 =	vunpack.c.0.s8.s32 v2;
	v0 =	vnsel vm1, $0x2B7, v0  }
0x51: {  	v36 =	vimm.s32 $0x5FF;
	v2 =	vimm.s32 $0x67666564;
	[tilespmem:$0x1E630] =	vst v0;
	v0 =	vimm.s32 $0x5D7  }
0x52: {  	v2 =	vunpack.c.0.s8.s32 v2;
	v61 =	vsel vm0, $0x37C, v0;
	v0 =	vnsel vm1, $0x2BB, v1  }
0x53: {  	v41 =	vimm.s32 $0x603;
	v42 =	vimm.s32 $0x93929190;
	[tilespmem:$0x1E640] =	vst v0;
	v0 =	vimm.s32 $0x5DB  }
0x54: {  	v38 =	vimm.s32 $0x97969594;
	v60 =	vsel vm0, $0x380, v0;
	v0 =	vnsel vm1, $0x2BF, v2  }
0x55: {  	v37 =	vimm.s32 $0x607;
	v44 =	vimm.s32 $0x9B9A9998;
	[tilespmem:$0x1E650] =	vst v0;
	v0 =	vimm.s32 $0x6B6A6968  }
0x56: {  	v39 =	vimm.s32 $0x60B;
	v2 =	vimm.s32 $0x6F6E6D6C;
	v0 =	vunpack.c.0.s8.s32 v0  }
0x57: {  	v46 =	vimm.s32 $0x9F9E9D9C;
	v1 =	vimm.s32 $0x5DF;
	v2 =	vunpack.c.0.s8.s32 v2  }
0x58: {  	v59 =	vsel vm0, $0x384, v1;
	v1 =	vimm.s32 $0x5E3;
	v0 =	vnsel vm1, $0x2C3, v0  }
0x59: {  	v58 =	vsel vm0, $0x388, v1;
	v1 =	vnsel vm1, $0x2C7, v2;
	[tilespmem:$0x1E660] =	vst v0;
	v0 =	vimm.s32 $0x73727170  }
0x5a: {  	v48 =	vimm.s32 $0xA7A6A5A4;
	[tilespmem:$0x1E670] =	vst v1;
	v1 =	vimm.s32 $0x77767574;
	v0 =	vunpack.c.0.s8.s32 v0  }
0x5b: {  	v4 =	vsel vm0, $0x320, v3;
	v3 =	vimm.s32 $0x5EB;
	v1 =	vunpack.c.0.s8.s32 v1  }
0x5c: {  	v49 =	vimm.s32 $0xABAAA9A8;
	v56 =	vsel vm0, $0x390, v3;
	v0 =	vnsel vm1, $0x2CB, v0  }
0x5d: {  	v2 =	vimm.s32 $0x5E7;
	[tilespmem:$0x1E680] =	vst v0;
	v0 =	vnsel vm1, $0x2CF, v1;
	v1 =	vimm.s32 $0x7B7A7978  }
0x5e: {  	v57 =	vsel vm0, $0x38C, v2;
	v2 =	vimm.s32 $0x7F7E7D7C;
	v1 =	vunpack.c.0.s8.s32 v1  }
0x5f: {  	v3 =	vimm.s32 $0x83828180;
	v32 =	vunpack.c.0.s8.s32 v2;
	[tilespmem:$0x1E690] =	vst v0;
	v0 =	vimm.s32 $0x5EF  }
0x60: {  	v33 =	vunpack.c.0.s8.s32 v3;
	v55 =	vsel vm0, $0x394, v0;
	v0 =	vnsel vm1, $0x2D3, v1  }
0x61: {  	v54 =	vsel vm0, $0x398, v31;
	v34 =	vunpack.c.0.s8.s32 v34;
	[tilespmem:$0x1E6A0] =	vst v0;
	v0 =	vnsel vm1, $0x2D7, v32  }
0x62: {  	v35 =	vunpack.c.0.s8.s32 v35;
	v51 =	vsel vm0, $0x3A4, v36;
	[tilespmem:$0x1E6B0] =	vst v0;
	v0 =	vand.u32 $0xFF, v33  }
0x63: {  	v50 =	vsel vm0, $0x3A8, v41;
	v36 =	vunpack.c.0.s8.s32 v42;
	v0 =	vnsel vm1, $0x2DB, v0  }
0x64: {  	v43 =	vunpack.c.0.s8.s32 v38;
	v38 =	vunpack.c.0.s8.s32 v44;
	[tilespmem:$0x1E6C0] =	vst v0;
	v0 =	vimm.s32 $0x87868584  }
0x65: {  	v41 =	vimm.s32 $0xA3A2A1A0;
	v42 =	vimm.s32 $0x617;
	v40 =	vunpack.c.0.s8.s32 v0  }
0x66: {  	v47 =	vunpack.c.0.s8.s32 v41;
	v41 =	vunpack.c.0.s8.s32 v48;
	v31 =	vsel vm0, $0x3BC, v42  }
0x67: {  	v42 =	vunpack.c.0.s8.s32 v49;
	v0 =	vimm.s32 $0x5FB;
	v33 =	vand.u32 $0xFF, v40  }
0x68: {  	v34 =	vand.u32 $0xFF, v34;
	v52 =	vsel vm0, $0x3A0, v0;
	v0 =	vnsel vm1, $0x2DF, v33  }
0x69: {  	v35 =	vand.u32 $0xFF, v35;
	v36 =	vand.u32 $0xFF, v36;
	[tilespmem:$0x1E6D0] =	vst v0;
	v0 =	vnsel vm1, $0x2E3, v34  }
0x6a: {  	v34 =	vsel vm0, $0x3B0, v39;
	v39 =	vunpack.c.0.s8.s32 v46;
	[tilespmem:$0x1E6E0] =	vst v0;
	v0 =	vnsel vm1, $0x2E7, v35  }
0x6b: {  	v35 =	vsel vm0, $0x3AC, v37;
	v37 =	vand.u32 $0xFF, v43;
	[tilespmem:$0x1E6F0] =	vst v0;
	v0 =	vnsel vm1, $0x2EB, v36  }
0x6c: {  	v38 =	vand.u32 $0xFF, v38;
	v40 =	vimm.s32 $0x613;
	[tilespmem:$0x1E700] =	vst v0;
	v0 =	vnsel vm1, $0x2EF, v37  }
0x6d: {  	v32 =	vsel vm0, $0x3B8, v40;
	v39 =	vand.u32 $0xFF, v39;
	[tilespmem:$0x1E710] =	vst v0;
	v0 =	vnsel vm1, $0x2F3, v38  }
0x6e: {  	v40 =	vand.u32 $0xFF, v47;
	v43 =	vimm.s32 $0xAFAEADAC;
	[tilespmem:$0x1E720] =	vst v0;
	v0 =	vnsel vm1, $0x2F7, v39  }
0x6f: {  	v41 =	vand.u32 $0xFF, v41;
	v43 =	vunpack.c.0.s8.s32 v43;
	[tilespmem:$0x1E730] =	vst v0;
	v0 =	vnsel vm1, $0x2FB, v40  }
0x70: {  	v42 =	vand.u32 $0xFF, v42;
	[tilespmem:$0x1E740] =	vst v0;
	v0 =	vnsel vm1, $0x2FF, v41  }
0x71: {  	v36 =	vand.u32 $0xFF, v43;
	v38 =	vimm.s32 $0xB7B6B5B4;
	[tilespmem:$0x1E750] =	vst v0;
	v0 =	vnsel vm1, $0x303, v42  }
0x72: {  	v47 =	vunpack.c.0.s8.s32 v38;
	v38 =	vimm.s32 $0xBFBEBDBC;
	[tilespmem:$0x1E760] =	vst v0;
	v0 =	vnsel vm1, $0x307, v36  }
0x73: {  	v48 =	vimm.s32 $0xC3C2C1C0;
	v1 =	vimm.s32 $0x5F7;
	[tilespmem:$0x1E770] =	vst v0;
	v0 =	vunpack.c.0.s8.s32 v38  }
0x74: {  	v53 =	vsel vm0, $0x39C, v1;
	v1 =	vunpack.c.0.s8.s32 v48  }
0x75: {  	v0 =	vand.u32 $0xFF, v0  }
0x76: {  	v1 =	vand.u32 $0xFF, v1;
	v0 =	vnsel vm1, $0x317, v0  }
0x77: {  	[tilespmem:$0x1E7B0] =	vst v0;
	v0 =	vnsel vm1, $0x31B, v1;
	v1 =	vimm.s32 $0x627  }
0x78: {  	v28 =	vsel vm0, $0x3CC, v1;
	v1 =	vimm.s32 $0x633  }
0x79: {  	v25 =	vsel vm0, $0x3D8, v1;
	v1 =	vimm.s32 $0x63F  }
0x7a: {  	vm14 =	vcmask $0x704;
	v1 =	vsel vm0, $0x3E4, v1  }
0x7b: {  	vm15 =	vcmask $0xB08;
	v1 =	vsel vm14, $0x3E5, v1  }
0x7c: {  	vm4 =	vcmask $0xF0C;
	v1 =	vsel vm15, $0x3E6, v1  }
0x7d: {  	v1 =	vsel vm4, $0x3E7, v1  }
0x7e: {  	[tilespmem:$0x1E7E0] =	vst v1;
	v1 =	vld [tilespmem:$0x1E680];
	_ =	sdelay $0x3  }
0x7f: {  	vm5 =	vcmask $0x1310  }
0x80: {  	v1 =	vsel vm5, $0x138, v1  }
0x81: {  	[tilespmem:$0x1E7F0] =	vst v1;
	v1 =	vld [tilespmem:$0x1E690];
	_ =	sdelay $0x4  }
0x82: {  	v1 =	vsel vm5, $0x13C, v1  }
0x83: {  	[tilespmem:$0x1E800] =	vst v1;
	v1 =	vld [tilespmem:$0x1E6A0];
	_ =	sdelay $0x4  }
0x84: {  	v1 =	vsel vm5, $0x140, v1  }
0x85: {  	[tilespmem:$0x1E810] =	vst v1;
	v1 =	vld [tilespmem:$0x1E6B0];
	_ =	sdelay $0x4  }
0x86: {  	v1 =	vsel vm5, $0x144, v1  }
0x87: {  	[tilespmem:$0x1E820] =	vst v1;
	v1 =	vld [tilespmem:$0x1E6C0];
	_ =	sdelay $0x4  }
0x88: {  	v1 =	vsel vm5, $0x148, v1  }
0x89: {  	[tilespmem:$0x1E830] =	vst v1;
	v1 =	vld [tilespmem:$0x1E6D0];
	_ =	sdelay $0x4  }
0x8a: {  	v1 =	vsel vm5, $0x14C, v1  }
0x8b: {  	[tilespmem:$0x1E840] =	vst v1;
	v1 =	vld [tilespmem:$0x1E6E0];
	_ =	sdelay $0x4  }
0x8c: {  	v1 =	vsel vm5, $0x150, v1  }
0x8d: {  	[tilespmem:$0x1E850] =	vst v1;
	v1 =	vld [tilespmem:$0x1E6F0];
	_ =	sdelay $0x4  }
0x8e: {  	v1 =	vsel vm5, $0x154, v1  }
0x8f: {  	[tilespmem:$0x1E860] =	vst v1;
	v1 =	vld [tilespmem:$0x1E700];
	_ =	sdelay $0x4  }
0x90: {  	v1 =	vsel vm5, $0x158, v1  }
0x91: {  	[tilespmem:$0x1E870] =	vst v1;
	v1 =	vld [tilespmem:$0x1E710];
	_ =	sdelay $0x4  }
0x92: {  	v1 =	vsel vm5, $0x15C, v1  }
0x93: {  	[tilespmem:$0x1E880] =	vst v1;
	v1 =	vld [tilespmem:$0x1E720];
	_ =	sdelay $0x4  }
0x94: {  	v1 =	vsel vm5, $0x160, v1  }
0x95: {  	[tilespmem:$0x1E890] =	vst v1;
	v1 =	vld [tilespmem:$0x1E730];
	_ =	sdelay $0x4  }
0x96: {  	v1 =	vsel vm5, $0x164, v1  }
0x97: {  	[tilespmem:$0x1E8A0] =	vst v1;
	v1 =	vld [tilespmem:$0x1E740];
	_ =	sdelay $0x4  }
0x98: {  	v1 =	vsel vm5, $0x168, v1  }
0x99: {  	[tilespmem:$0x1E8B0] =	vst v1;
	v1 =	vld [tilespmem:$0x1E750];
	_ =	sdelay $0x4  }
0x9a: {  	v1 =	vsel vm5, $0x16C, v1  }
0x9b: {  	[tilespmem:$0x1E8C0] =	vst v1;
	v1 =	vld [tilespmem:$0x1E760];
	_ =	sdelay $0x4  }
0x9c: {  	v1 =	vsel vm5, $0x170, v1  }
0x9d: {  	v45 =	vimm.s32 $0x60F;
	v37 =	vimm.s32 $0xB3B2B1B0;
	[tilespmem:$0x1E8D0] =	vst v1;
	v1 =	vld [tilespmem:$0x1E770]  }
0x9e: {  	v33 =	vsel vm0, $0x3B4, v45;
	v45 =	vunpack.c.0.s8.s32 v37;
	_ =	sdelay $0x1  }
0x9f: {  	v41 =	vand.u32 $0xFF, v45  }
0xa0: {  	v2 =	vnsel vm1, $0x30B, v41  }
0xa1: {  	[tilespmem:$0x1E780] =	vst v2;
	v1 =	vsel vm5, $0x174, v1  }
0xa2: {  	[tilespmem:$0x1E8E0] =	vst v1;
	v1 =	vld [tilespmem:$0x1E780];
	_ =	sdelay $0x2  }
0xa3: {  	v36 =	vand.u32 $0xFF, v47  }
0xa4: {  	v2 =	vnsel vm1, $0x30F, v36  }
0xa5: {  	[tilespmem:$0x1E790] =	vst v2;
	v1 =	vsel vm5, $0x178, v1  }
0xa6: {  	v46 =	vimm.s32 $0xBBBAB9B8;
	[tilespmem:$0x1E8F0] =	vst v1;
	v1 =	vld [tilespmem:$0x1E790]  }
0xa7: {  	v46 =	vunpack.c.0.s8.s32 v46;
	_ =	sdelay $0x1  }
0xa8: {  	v37 =	vand.u32 $0xFF, v46  }
0xa9: {  	v2 =	vnsel vm1, $0x313, v37  }
0xaa: {  	[tilespmem:$0x1E7A0] =	vst v2;
	v1 =	vsel vm5, $0x17C, v1  }
0xab: {  	[tilespmem:$0x1E900] =	vst v1;
	v1 =	vld [tilespmem:$0x1E7A0];
	_ =	sdelay $0x4  }
0xac: {  	v1 =	vsel vm5, $0x180, v1  }
0xad: {  	[tilespmem:$0x1E910] =	vst v1;
	v1 =	vld [tilespmem:$0x1E7B0];
	_ =	sdelay $0x3  }
0xae: {  	v49 =	vimm.s32 $0xC7C6C5C4  }
0xaf: {  	v49 =	vunpack.c.0.s8.s32 v49;
	[tilespmem:$0x1E7C0] =	vst v0;
	v1 =	vsel vm5, $0x184, v1  }
0xb0: {  	v39 =	vimm.s32 $0x61F;
	[tilespmem:$0x1E920] =	vst v1;
	v1 =	vld [tilespmem:$0x1E7C0]  }
0xb1: {  	v29 =	vsel vm0, $0x3C4, v39;
	v39 =	vand.u32 $0xFF, v49  }
0xb2: {  	v0 =	vnsel vm1, $0x31F, v39  }
0xb3: {  	[tilespmem:$0x1E7D0] =	vst v0;
	v0 =	vimm.s32 $0x623  }
0xb4: {  	v27 =	vsel vm0, $0x3C8, v0;
	v0 =	vimm.s32 $0x62F  }
0xb5: {  	v24 =	vsel vm0, $0x3D4, v0;
	v0 =	vimm.s32 $0x63B;
	v1 =	vsel vm5, $0x188, v1  }
0xb6: {  	v0 =	vsel vm0, $0x3E0, v0;
	[tilespmem:$0x1E930] =	vst v1;
	v1 =	vld [tilespmem:$0x1E7D0]  }
0xb7: {  	v0 =	vsel vm14, $0x3E1, v0  }
0xb8: {  	v0 =	vsel vm15, $0x3E2, v0  }
0xb9: {  	v0 =	vsel vm4, $0x3E3, v0  }
0xba: {  	v0 =	vsel vm5, $0x4A8, v0  }
0xbb: {  	[tilespmem:$0x1E940] =	vst v0;
	v0 =	vsel vm5, $0x18C, v1  }
0xbc: {  	[tilespmem:$0x1E950] =	vst v0;
	v0 =	vld [tilespmem:$0x1E7E0];
	_ =	sdelay $0x4  }
0xbd: {  	v1 =	vsel vm5, $0x4AC, v0;
	v0 =	vld [tilespmem:$0x1E7F0];
	_ =	sdelay $0x3  }
0xbe: {  	vm6 =	vcmask $0x1714  }
0xbf: {  	v0 =	vsel vm6, $0x139, v0  }
0xc0: {  	[tilespmem:$0x1E960] =	vst v0;
	v0 =	vld [tilespmem:$0x1E800];
	_ =	sdelay $0x4  }
0xc1: {  	v0 =	vsel vm6, $0x13D, v0  }
0xc2: {  	[tilespmem:$0x1E970] =	vst v0;
	v0 =	vld [tilespmem:$0x1E810];
	_ =	sdelay $0x4  }
0xc3: {  	v0 =	vsel vm6, $0x141, v0  }
0xc4: {  	[tilespmem:$0x1E980] =	vst v0;
	v0 =	vld [tilespmem:$0x1E820];
	_ =	sdelay $0x4  }
0xc5: {  	v0 =	vsel vm6, $0x145, v0  }
0xc6: {  	[tilespmem:$0x1E990] =	vst v0;
	v0 =	vld [tilespmem:$0x1E830];
	_ =	sdelay $0x4  }
0xc7: {  	v0 =	vsel vm6, $0x149, v0  }
0xc8: {  	[tilespmem:$0x1E9A0] =	vst v0;
	v0 =	vld [tilespmem:$0x1E840];
	_ =	sdelay $0x4  }
0xc9: {  	v0 =	vsel vm6, $0x14D, v0  }
0xca: {  	[tilespmem:$0x1E9B0] =	vst v0;
	v0 =	vld [tilespmem:$0x1E850];
	_ =	sdelay $0x4  }
0xcb: {  	v0 =	vsel vm6, $0x151, v0  }
0xcc: {  	[tilespmem:$0x1E9C0] =	vst v0;
	v0 =	vld [tilespmem:$0x1E860];
	_ =	sdelay $0x4  }
0xcd: {  	v0 =	vsel vm6, $0x155, v0  }
0xce: {  	[tilespmem:$0x1E9D0] =	vst v0;
	v0 =	vld [tilespmem:$0x1E870];
	_ =	sdelay $0x4  }
0xcf: {  	v0 =	vsel vm6, $0x159, v0  }
0xd0: {  	[tilespmem:$0x1E9E0] =	vst v0;
	v0 =	vld [tilespmem:$0x1E880];
	_ =	sdelay $0x4  }
0xd1: {  	v0 =	vsel vm6, $0x15D, v0  }
0xd2: {  	[tilespmem:$0x1E9F0] =	vst v0;
	v0 =	vld [tilespmem:$0x1E890];
	_ =	sdelay $0x4  }
0xd3: {  	v0 =	vsel vm6, $0x161, v0  }
0xd4: {  	[tilespmem:$0x1EA00] =	vst v0;
	v0 =	vld [tilespmem:$0x1E8A0];
	_ =	sdelay $0x4  }
0xd5: {  	v0 =	vsel vm6, $0x165, v0  }
0xd6: {  	[tilespmem:$0x1EA10] =	vst v0;
	v0 =	vld [tilespmem:$0x1E8B0];
	_ =	sdelay $0x4  }
0xd7: {  	v0 =	vsel vm6, $0x169, v0  }
0xd8: {  	[tilespmem:$0x1EA20] =	vst v0;
	v0 =	vld [tilespmem:$0x1E8C0];
	_ =	sdelay $0x4  }
0xd9: {  	v0 =	vsel vm6, $0x16D, v0  }
0xda: {  	[tilespmem:$0x1EA30] =	vst v0;
	v0 =	vld [tilespmem:$0x1E8D0];
	_ =	sdelay $0x4  }
0xdb: {  	v0 =	vsel vm6, $0x171, v0  }
0xdc: {  	[tilespmem:$0x1EA40] =	vst v0;
	v0 =	vld [tilespmem:$0x1E8E0];
	_ =	sdelay $0x4  }
0xdd: {  	v0 =	vsel vm6, $0x175, v0  }
0xde: {  	[tilespmem:$0x1EA50] =	vst v0;
	v0 =	vld [tilespmem:$0x1E8F0];
	_ =	sdelay $0x4  }
0xdf: {  	v0 =	vsel vm6, $0x179, v0  }
0xe0: {  	[tilespmem:$0x1EA60] =	vst v0;
	v0 =	vld [tilespmem:$0x1E900];
	_ =	sdelay $0x4  }
0xe1: {  	v0 =	vsel vm6, $0x17D, v0  }
0xe2: {  	[tilespmem:$0x1EA70] =	vst v0;
	v0 =	vld [tilespmem:$0x1E910];
	_ =	sdelay $0x4  }
0xe3: {  	v0 =	vsel vm6, $0x181, v0  }
0xe4: {  	[tilespmem:$0x1EA80] =	vst v0;
	v0 =	vld [tilespmem:$0x1E920];
	_ =	sdelay $0x4  }
0xe5: {  	v0 =	vsel vm6, $0x185, v0  }
0xe6: {  	[tilespmem:$0x1EA90] =	vst v0;
	v0 =	vld [tilespmem:$0x1E930];
	_ =	sdelay $0x4  }
0xe7: {  	v0 =	vsel vm6, $0x189, v0  }
0xe8: {  	[tilespmem:$0x1EAA0] =	vst v0;
	v0 =	vld [tilespmem:$0x1E940];
	_ =	sdelay $0x4  }
0xe9: {  	v0 =	vsel vm6, $0x4A9, v0  }
0xea: {  	[tilespmem:$0x1EAB0] =	vst v0;
	v0 =	vld [tilespmem:$0x1E950];
	_ =	sdelay $0x3  }
0xeb: {  	v3 =	vsel vm14, $0x325, v5;
	v5 =	vsel vm14, $0x32D, v7  }
0xec: {  	v7 =	vsel vm14, $0x335, v9;
	v9 =	vsel vm14, $0x33D, v11;
	v0 =	vsel vm6, $0x18D, v0  }
0xed: {  	v11 =	vsel vm14, $0x345, v13;
	v13 =	vsel vm14, $0x34D, v15;
	v15 =	vsel vm14, $0x355, v17;
	[tilespmem:$0x1EAC0] =	vst v0;
	v0 =	vld [tilespmem:$0x1E960]  }
0xee: {  	v15 =	vsel vm15, $0x356, v15  }
0xef: {  	v15 =	vsel vm4, $0x357, v15  }
0xf0: {  	v15 =	vsel vm5, $0x41C, v15  }
0xf1: {  	vm7 =	vcmask $0x1B18;
	v15 =	vsel vm6, $0x41D, v15  }
0xf2: {  	vm8 =	vcmask $0x1F1C;
	v15 =	vsel vm7, $0x41E, v15;
	v0 =	vsel vm7, $0x13A, v0  }
0xf3: {  	v15 =	vsel vm8, $0x41F, v15;
	[tilespmem:$0x1EAD0] =	vst v0;
	v0 =	vld [tilespmem:$0x1E970]  }
0xf4: {  	[tilespmem:$0x1ED20] =	vst v15;
	v15 =	vld [tilespmem:$0x1EAD0];
	_ =	sdelay $0x3  }
0xf5: {  	v0 =	vsel vm7, $0x13E, v0  }
0xf6: {  	[tilespmem:$0x1EAE0] =	vst v0;
	v0 =	vld [tilespmem:$0x1E980];
	v15 =	vsel vm8, $0x13B, v15  }
0xf7: {  	[tilespmem:$0x1ED30] =	vst v15;
	v15 =	vld [tilespmem:$0x1EAE0];
	_ =	sdelay $0x3  }
0xf8: {  	v0 =	vsel vm7, $0x142, v0  }
0xf9: {  	[tilespmem:$0x1EAF0] =	vst v0;
	v0 =	vld [tilespmem:$0x1E990];
	v15 =	vsel vm8, $0x13F, v15  }
0xfa: {  	[tilespmem:$0x1ED40] =	vst v15;
	v15 =	vld [tilespmem:$0x1EAF0];
	_ =	sdelay $0x3  }
0xfb: {  	v0 =	vsel vm7, $0x146, v0  }
0xfc: {  	[tilespmem:$0x1EB00] =	vst v0;
	v0 =	vld [tilespmem:$0x1E9A0];
	v15 =	vsel vm8, $0x143, v15  }
0xfd: {  	[tilespmem:$0x1ED50] =	vst v15;
	v15 =	vld [tilespmem:$0x1EB00];
	_ =	sdelay $0x3  }
0xfe: {  	v0 =	vsel vm7, $0x14A, v0  }
0xff: {  	[tilespmem:$0x1EB10] =	vst v0;
	v0 =	vld [tilespmem:$0x1E9B0];
	v15 =	vsel vm8, $0x147, v15  }
0x100: {  	[tilespmem:$0x1ED60] =	vst v15;
	v15 =	vld [tilespmem:$0x1EB10];
	_ =	sdelay $0x3  }
0x101: {  	v0 =	vsel vm7, $0x14E, v0  }
0x102: {  	[tilespmem:$0x1EB20] =	vst v0;
	v0 =	vld [tilespmem:$0x1E9C0];
	v15 =	vsel vm8, $0x14B, v15  }
0x103: {  	[tilespmem:$0x1ED70] =	vst v15;
	v15 =	vld [tilespmem:$0x1EB20];
	_ =	sdelay $0x3  }
0x104: {  	v1 =	vsel vm6, $0x4AD, v1;
	v0 =	vsel vm7, $0x152, v0  }
0x105: {  	v1 =	vsel vm7, $0x4AE, v1;
	[tilespmem:$0x1EB30] =	vst v0;
	v0 =	vld [tilespmem:$0x1E9D0];
	v15 =	vsel vm8, $0x14F, v15  }
0x106: {  	v1 =	vsel vm8, $0x4AF, v1;
	[tilespmem:$0x1ED80] =	vst v15;
	v15 =	vld [tilespmem:$0x1EB30]  }
0x107: {  	[tilespmem:$0x1EE90] =	vst v1;
	v1 =	vld [tilespmem:$0x1EC40];
	_ =	sdelay $0x2  }
0x108: {  	v0 =	vsel vm7, $0x156, v0  }
0x109: {  	vm9 =	vcmask $0x2320;
	[tilespmem:$0x1EB40] =	vst v0;
	v0 =	vld [tilespmem:$0x1E9E0];
	v15 =	vsel vm8, $0x153, v15  }
0x10a: {  	v1 =	vsel vm9, $0x190, v1;
	[tilespmem:$0x1ED90] =	vst v15;
	v15 =	vld [tilespmem:$0x1EB40]  }
0x10b: {  	[tilespmem:$0x1EEA0] =	vst v1;
	v1 =	vld [tilespmem:$0x1EC50];
	_ =	sdelay $0x2  }
0x10c: {  	v0 =	vsel vm7, $0x15A, v0  }
0x10d: {  	[tilespmem:$0x1EB50] =	vst v0;
	v0 =	vld [tilespmem:$0x1E9F0];
	v15 =	vsel vm8, $0x157, v15  }
0x10e: {  	v1 =	vsel vm9, $0x194, v1;
	[tilespmem:$0x1EDA0] =	vst v15;
	v15 =	vld [tilespmem:$0x1EB50]  }
0x10f: {  	[tilespmem:$0x1EEB0] =	vst v1;
	v1 =	vld [tilespmem:$0x1EC60];
	_ =	sdelay $0x2  }
0x110: {  	v0 =	vsel vm7, $0x15E, v0  }
0x111: {  	[tilespmem:$0x1EB60] =	vst v0;
	v0 =	vld [tilespmem:$0x1EA00];
	v15 =	vsel vm8, $0x15B, v15  }
0x112: {  	v1 =	vsel vm9, $0x198, v1;
	[tilespmem:$0x1EDB0] =	vst v15;
	v15 =	vld [tilespmem:$0x1EB60]  }
0x113: {  	[tilespmem:$0x1EEC0] =	vst v1;
	v1 =	vld [tilespmem:$0x1EC70];
	_ =	sdelay $0x2  }
0x114: {  	v0 =	vsel vm7, $0x162, v0  }
0x115: {  	[tilespmem:$0x1EB70] =	vst v0;
	v0 =	vld [tilespmem:$0x1EA10];
	v15 =	vsel vm8, $0x15F, v15  }
0x116: {  	v1 =	vsel vm9, $0x19C, v1;
	[tilespmem:$0x1EDC0] =	vst v15;
	v15 =	vld [tilespmem:$0x1EB70]  }
0x117: {  	[tilespmem:$0x1EED0] =	vst v1;
	v1 =	vld [tilespmem:$0x1EC80];
	_ =	sdelay $0x2  }
0x118: {  	v0 =	vsel vm7, $0x166, v0  }
0x119: {  	[tilespmem:$0x1EB80] =	vst v0;
	v0 =	vld [tilespmem:$0x1EA20];
	v15 =	vsel vm8, $0x163, v15  }
0x11a: {  	v1 =	vsel vm9, $0x1A0, v1;
	[tilespmem:$0x1EDD0] =	vst v15;
	v15 =	vld [tilespmem:$0x1EB80]  }
0x11b: {  	[tilespmem:$0x1EEE0] =	vst v1;
	v1 =	vld [tilespmem:$0x1EC90];
	_ =	sdelay $0x2  }
0x11c: {  	v0 =	vsel vm7, $0x16A, v0  }
0x11d: {  	[tilespmem:$0x1EB90] =	vst v0;
	v0 =	vld [tilespmem:$0x1EA30];
	v15 =	vsel vm8, $0x167, v15  }
0x11e: {  	v1 =	vsel vm9, $0x1A4, v1;
	[tilespmem:$0x1EDE0] =	vst v15;
	v15 =	vld [tilespmem:$0x1EB90]  }
0x11f: {  	[tilespmem:$0x1EEF0] =	vst v1;
	v1 =	vld [tilespmem:$0x1ECA0];
	_ =	sdelay $0x2  }
0x120: {  	v0 =	vsel vm7, $0x16E, v0  }
0x121: {  	[tilespmem:$0x1EBA0] =	vst v0;
	v0 =	vld [tilespmem:$0x1EA40];
	v15 =	vsel vm8, $0x16B, v15  }
0x122: {  	v1 =	vsel vm9, $0x1A8, v1;
	[tilespmem:$0x1EDF0] =	vst v15;
	v15 =	vld [tilespmem:$0x1EBA0]  }
0x123: {  	[tilespmem:$0x1EF00] =	vst v1;
	v1 =	vld [tilespmem:$0x1ECB0];
	_ =	sdelay $0x2  }
0x124: {  	v0 =	vsel vm7, $0x172, v0  }
0x125: {  	[tilespmem:$0x1EBB0] =	vst v0;
	v0 =	vld [tilespmem:$0x1EA50];
	v15 =	vsel vm8, $0x16F, v15  }
0x126: {  	v1 =	vsel vm9, $0x1AC, v1;
	[tilespmem:$0x1EE00] =	vst v15;
	v15 =	vld [tilespmem:$0x1EBB0]  }
0x127: {  	[tilespmem:$0x1EF10] =	vst v1;
	v1 =	vld [tilespmem:$0x1ECC0];
	_ =	sdelay $0x2  }
0x128: {  	v0 =	vsel vm7, $0x176, v0  }
0x129: {  	[tilespmem:$0x1EBC0] =	vst v0;
	v0 =	vld [tilespmem:$0x1EA60];
	v15 =	vsel vm8, $0x173, v15  }
0x12a: {  	v1 =	vsel vm9, $0x1B0, v1;
	[tilespmem:$0x1EE10] =	vst v15;
	v15 =	vld [tilespmem:$0x1EBC0]  }
0x12b: {  	[tilespmem:$0x1EF20] =	vst v1;
	v1 =	vld [tilespmem:$0x1ECD0];
	_ =	sdelay $0x2  }
0x12c: {  	v0 =	vsel vm7, $0x17A, v0  }
0x12d: {  	[tilespmem:$0x1EBD0] =	vst v0;
	v0 =	vld [tilespmem:$0x1EA70];
	v15 =	vsel vm8, $0x177, v15  }
0x12e: {  	v1 =	vsel vm9, $0x1B4, v1;
	[tilespmem:$0x1EE20] =	vst v15;
	v15 =	vld [tilespmem:$0x1EBD0]  }
0x12f: {  	[tilespmem:$0x1EF30] =	vst v1;
	v1 =	vld [tilespmem:$0x1ECE0];
	_ =	sdelay $0x2  }
0x130: {  	v0 =	vsel vm7, $0x17E, v0  }
0x131: {  	[tilespmem:$0x1EBE0] =	vst v0;
	v0 =	vld [tilespmem:$0x1EA80];
	v15 =	vsel vm8, $0x17B, v15  }
0x132: {  	v1 =	vsel vm9, $0x1B8, v1;
	[tilespmem:$0x1EE30] =	vst v15;
	v15 =	vld [tilespmem:$0x1EBE0]  }
0x133: {  	[tilespmem:$0x1EF40] =	vst v1;
	v1 =	vld [tilespmem:$0x1ECF0];
	_ =	sdelay $0x2  }
0x134: {  	v0 =	vsel vm7, $0x182, v0  }
0x135: {  	[tilespmem:$0x1EBF0] =	vst v0;
	v0 =	vld [tilespmem:$0x1EA90];
	v15 =	vsel vm8, $0x17F, v15  }
0x136: {  	v1 =	vsel vm9, $0x1BC, v1;
	[tilespmem:$0x1EE40] =	vst v15;
	v15 =	vld [tilespmem:$0x1EBF0]  }
0x137: {  	[tilespmem:$0x1EF50] =	vst v1;
	v1 =	vld [tilespmem:$0x1ED00];
	_ =	sdelay $0x2  }
0x138: {  	v0 =	vsel vm7, $0x186, v0  }
0x139: {  	[tilespmem:$0x1EC00] =	vst v0;
	v0 =	vld [tilespmem:$0x1EAA0];
	v15 =	vsel vm8, $0x183, v15  }
0x13a: {  	v1 =	vsel vm9, $0x1C0, v1;
	[tilespmem:$0x1EE50] =	vst v15;
	v15 =	vld [tilespmem:$0x1EC00]  }
0x13b: {  	[tilespmem:$0x1EF60] =	vst v1;
	v1 =	vld [tilespmem:$0x1ED10];
	_ =	sdelay $0x2  }
0x13c: {  	v0 =	vsel vm7, $0x18A, v0  }
0x13d: {  	[tilespmem:$0x1EC10] =	vst v0;
	v15 =	vsel vm8, $0x187, v15  }
0x13e: {  	v1 =	vsel vm9, $0x1C4, v1;
	[tilespmem:$0x1EE60] =	vst v15;
	v15 =	vld [tilespmem:$0x1EC10]  }
0x13f: {  	[tilespmem:$0x1EF70] =	vst v1;
	v1 =	vld [tilespmem:$0x1ED20];
	_ =	sdelay $0x3  }
0x140: {  	v15 =	vsel vm8, $0x18B, v15  }
0x141: {  	[tilespmem:$0x1EE70] =	vst v15;
	v15 =	vsel vm9, $0x4E4, v1;
	v1 =	vld [tilespmem:$0x1ED30];
	_ =	sdelay $0x4  }
0x142: {  	v1 =	vsel vm9, $0x200, v1  }
0x143: {  	[tilespmem:$0x1EF80] =	vst v1;
	v1 =	vld [tilespmem:$0x1ED40];
	_ =	sdelay $0x4  }
0x144: {  	v1 =	vsel vm9, $0x204, v1  }
0x145: {  	[tilespmem:$0x1EF90] =	vst v1;
	v1 =	vld [tilespmem:$0x1ED50];
	_ =	sdelay $0x4  }
0x146: {  	v1 =	vsel vm9, $0x208, v1  }
0x147: {  	[tilespmem:$0x1EFA0] =	vst v1;
	v1 =	vld [tilespmem:$0x1ED60];
	_ =	sdelay $0x4  }
0x148: {  	v1 =	vsel vm9, $0x20C, v1  }
0x149: {  	[tilespmem:$0x1EFB0] =	vst v1;
	v1 =	vld [tilespmem:$0x1ED70];
	_ =	sdelay $0x4  }
0x14a: {  	v1 =	vsel vm9, $0x210, v1  }
0x14b: {  	[tilespmem:$0x1EFC0] =	vst v1;
	v1 =	vld [tilespmem:$0x1ED80];
	_ =	sdelay $0x4  }
0x14c: {  	v1 =	vsel vm9, $0x214, v1  }
0x14d: {  	[tilespmem:$0x1EFD0] =	vst v1;
	v1 =	vld [tilespmem:$0x1ED90];
	_ =	sdelay $0x4  }
0x14e: {  	v1 =	vsel vm9, $0x218, v1  }
0x14f: {  	[tilespmem:$0x1EFE0] =	vst v1;
	v1 =	vld [tilespmem:$0x1EDA0];
	_ =	sdelay $0x4  }
0x150: {  	v1 =	vsel vm9, $0x21C, v1  }
0x151: {  	[tilespmem:$0x1EFF0] =	vst v1;
	v1 =	vld [tilespmem:$0x1EDB0];
	_ =	sdelay $0x4  }
0x152: {  	v1 =	vsel vm9, $0x220, v1  }
0x153: {  	[tilespmem:$0x1F000] =	vst v1;
	v1 =	vld [tilespmem:$0x1EDC0];
	_ =	sdelay $0x4  }
0x154: {  	v1 =	vsel vm9, $0x224, v1  }
0x155: {  	[tilespmem:$0x1F010] =	vst v1;
	v1 =	vld [tilespmem:$0x1EDD0];
	_ =	sdelay $0x4  }
0x156: {  	v1 =	vsel vm9, $0x228, v1  }
0x157: {  	v44 =	vimm.s32 $0x61B;
	[tilespmem:$0x1F020] =	vst v1;
	v1 =	vld [tilespmem:$0x1EDE0]  }
0x158: {  	v30 =	vsel vm0, $0x3C0, v44;
	v44 =	vld [tilespmem:$0x1E5E0]  }
0x159: {  	v48 =	vld [tilespmem:$0x1E620]  }
0x15a: {  	v43 =	vld [tilespmem:$0x1E5D0]  }
0x15b: {  	v40 =	vld [tilespmem:$0x1E5A0]  }
0x15c: {  	v0 =	vld [tilespmem:$0x1EAB0];
	v1 =	vsel vm9, $0x22C, v1  }
0x15d: {  	[tilespmem:$0x1F030] =	vst v1;
	v1 =	vld [tilespmem:$0x1EDF0]  }
0x15e: {  	v49 =	vld [tilespmem:$0x1E630]  }
0x15f: {  	v45 =	vld [tilespmem:$0x1E5F0]  }
0x160: {  	v41 =	vld [tilespmem:$0x1E5B0]  }
0x161: {  	v42 =	vld [tilespmem:$0x1E5C0];
	v0 =	vsel vm7, $0x4AA, v0  }
0x162: {  	[tilespmem:$0x1EC20] =	vst v0;
	v0 =	vld [tilespmem:$0x1EAC0];
	v1 =	vsel vm9, $0x230, v1  }
0x163: {  	[tilespmem:$0x1F040] =	vst v1;
	v1 =	vld [tilespmem:$0x1EE00]  }
0x164: {  	v17 =	vsel vm14, $0x35D, v19;
	v19 =	vsel vm14, $0x365, v21;
	v46 =	vld [tilespmem:$0x1E600]  }
0x165: {  	v47 =	vld [tilespmem:$0x1E610];
	v36 =	vsel vm5, $0x100, v40;
	v40 =	vsel vm5, $0x110, v44;
	v2 =	vimm.s32 $0x62B  }
0x166: {  	v44 =	vsel vm5, $0x120, v48;
	v48 =	vld [tilespmem:$0x1E640];
	v26 =	vsel vm0, $0x3D0, v2;
	v37 =	vsel vm5, $0x104, v41  }
0x167: {  	v41 =	vsel vm5, $0x114, v45;
	v45 =	vsel vm5, $0x124, v49;
	v49 =	vld [tilespmem:$0x1E650];
	v0 =	vsel vm7, $0x18E, v0  }
0x168: {  	v2 =	vimm.s32 $0x637;
	v38 =	vsel vm5, $0x108, v42;
	[tilespmem:$0x1EC30] =	vst v0;
	v0 =	vld [tilespmem:$0x1EC20];
	v1 =	vsel vm9, $0x234, v1  }
0x169: {  	v42 =	vsel vm5, $0x118, v46;
	v23 =	vsel vm0, $0x3DC, v2;
	v2 =	vsel vm14, $0x321, v4;
	[tilespmem:$0x1F050] =	vst v1;
	v1 =	vld [tilespmem:$0x1EE10]  }
0x16a: {  	v4 =	vsel vm14, $0x329, v6;
	v6 =	vsel vm14, $0x331, v8;
	v8 =	vsel vm14, $0x339, v10  }
0x16b: {  	v21 =	vld [tilespmem:$0x1E580];
	v10 =	vsel vm14, $0x341, v12;
	v12 =	vsel vm14, $0x349, v14;
	v14 =	vsel vm14, $0x351, v16  }
0x16c: {  	v16 =	vsel vm14, $0x359, v18;
	v18 =	vsel vm14, $0x361, v20;
	v20 =	vsel vm14, $0x369, v22;
	v22 =	vld [tilespmem:$0x1E590]  }
0x16d: {  	v39 =	vsel vm5, $0x10C, v43;
	v46 =	vsel vm5, $0x128, v48;
	v48 =	vld [tilespmem:$0x1E660];
	v0 =	vsel vm8, $0x4AB, v0  }
0x16e: {  	v43 =	vsel vm5, $0x11C, v47;
	v47 =	vsel vm5, $0x12C, v49;
	v49 =	vld [tilespmem:$0x1E670];
	[tilespmem:$0x1EE80] =	vst v0;
	v1 =	vsel vm9, $0x238, v1  }
0x16f: {  	v0 =	vld [tilespmem:$0x1EC30];
	[tilespmem:$0x1F060] =	vst v1  }
0x170: {  	v1 =	vld [tilespmem:$0x1EE20];
	_ =	sdelay $0x4  }
0x171: {  	v1 =	vsel vm9, $0x23C, v1  }
0x172: {  	[tilespmem:$0x1F070] =	vst v1;
	v1 =	vld [tilespmem:$0x1EE30];
	_ =	sdelay $0x4  }
0x173: {  	v1 =	vsel vm9, $0x240, v1  }
0x174: {  	[tilespmem:$0x1F080] =	vst v1;
	v1 =	vld [tilespmem:$0x1EE40];
	_ =	sdelay $0x4  }
0x175: {  	v1 =	vsel vm9, $0x244, v1  }
0x176: {  	[tilespmem:$0x1F090] =	vst v1;
	v1 =	vld [tilespmem:$0x1EE50];
	_ =	sdelay $0x4  }
0x177: {  	v1 =	vsel vm9, $0x248, v1  }
0x178: {  	[tilespmem:$0x1F0A0] =	vst v1;
	v1 =	vld [tilespmem:$0x1EE60];
	_ =	sdelay $0x4  }
0x179: {  	v1 =	vsel vm9, $0x24C, v1  }
0x17a: {  	[tilespmem:$0x1F0B0] =	vst v1;
	v1 =	vld [tilespmem:$0x1EE70];
	_ =	sdelay $0x4  }
0x17b: {  	v0 =	vsel vm8, $0x18F, v0;
	v1 =	vsel vm9, $0x250, v1  }
0x17c: {  	v0 =	vsel vm9, $0x254, v0;
	[tilespmem:$0x1F0C0] =	vst v1;
	v1 =	vld [tilespmem:$0x1EE80]  }
0x17d: {  	[tilespmem:$0x1F0E0] =	vst v0;
	v0 =	vld [tilespmem:$0x1EE90];
	_ =	sdelay $0x3  }
0x17e: {  	v1 =	vsel vm9, $0x570, v1  }
0x17f: {  	[tilespmem:$0x1F0D0] =	vst v1;
	v1 =	vsel vm9, $0x574, v0;
	v0 =	vld [tilespmem:$0x1EEA0];
	_ =	sdelay $0x3  }
0x180: {  	vm10 =	vcmask $0x2724  }
0x181: {  	v0 =	vsel vm10, $0x191, v0  }
0x182: {  	v1 =	vsel vm10, $0x575, v1;
	[tilespmem:$0x1F0F0] =	vst v0;
	v0 =	vld [tilespmem:$0x1EEB0]  }
0x183: {  	[tilespmem:$0x1F330] =	vst v1;
	v1 =	vld [tilespmem:$0x1F0F0];
	_ =	sdelay $0x3  }
0x184: {  	vm11 =	vcmask $0x2B28;
	v0 =	vsel vm10, $0x195, v0  }
0x185: {  	[tilespmem:$0x1F100] =	vst v0;
	v0 =	vld [tilespmem:$0x1EEC0];
	v1 =	vsel vm11, $0x192, v1  }
0x186: {  	[tilespmem:$0x1F340] =	vst v1;
	v1 =	vld [tilespmem:$0x1F100];
	_ =	sdelay $0x3  }
0x187: {  	v0 =	vsel vm10, $0x199, v0  }
0x188: {  	[tilespmem:$0x1F110] =	vst v0;
	v0 =	vld [tilespmem:$0x1EED0];
	v1 =	vsel vm11, $0x196, v1  }
0x189: {  	[tilespmem:$0x1F350] =	vst v1;
	v1 =	vld [tilespmem:$0x1F110];
	_ =	sdelay $0x3  }
0x18a: {  	v0 =	vsel vm10, $0x19D, v0  }
0x18b: {  	[tilespmem:$0x1F120] =	vst v0;
	v0 =	vld [tilespmem:$0x1EEE0];
	v1 =	vsel vm11, $0x19A, v1  }
0x18c: {  	[tilespmem:$0x1F360] =	vst v1;
	v1 =	vld [tilespmem:$0x1F120];
	_ =	sdelay $0x3  }
0x18d: {  	v0 =	vsel vm10, $0x1A1, v0  }
0x18e: {  	[tilespmem:$0x1F130] =	vst v0;
	v0 =	vld [tilespmem:$0x1EEF0];
	v1 =	vsel vm11, $0x19E, v1  }
0x18f: {  	[tilespmem:$0x1F370] =	vst v1;
	v1 =	vld [tilespmem:$0x1F130];
	_ =	sdelay $0x3  }
0x190: {  	v0 =	vsel vm10, $0x1A5, v0  }
0x191: {  	[tilespmem:$0x1F140] =	vst v0;
	v0 =	vld [tilespmem:$0x1EF00];
	v1 =	vsel vm11, $0x1A2, v1  }
0x192: {  	[tilespmem:$0x1F380] =	vst v1;
	v1 =	vld [tilespmem:$0x1F140];
	_ =	sdelay $0x3  }
0x193: {  	v0 =	vsel vm10, $0x1A9, v0  }
0x194: {  	[tilespmem:$0x1F150] =	vst v0;
	v0 =	vld [tilespmem:$0x1EF10];
	v1 =	vsel vm11, $0x1A6, v1  }
0x195: {  	[tilespmem:$0x1F390] =	vst v1;
	v1 =	vld [tilespmem:$0x1F150];
	_ =	sdelay $0x3  }
0x196: {  	v0 =	vsel vm10, $0x1AD, v0  }
0x197: {  	[tilespmem:$0x1F160] =	vst v0;
	v0 =	vld [tilespmem:$0x1EF20];
	v1 =	vsel vm11, $0x1AA, v1  }
0x198: {  	[tilespmem:$0x1F3A0] =	vst v1;
	v1 =	vld [tilespmem:$0x1F160];
	_ =	sdelay $0x3  }
0x199: {  	v0 =	vsel vm10, $0x1B1, v0  }
0x19a: {  	[tilespmem:$0x1F170] =	vst v0;
	v0 =	vld [tilespmem:$0x1EF30];
	v1 =	vsel vm11, $0x1AE, v1  }
0x19b: {  	[tilespmem:$0x1F3B0] =	vst v1;
	v1 =	vld [tilespmem:$0x1F170];
	_ =	sdelay $0x3  }
0x19c: {  	v0 =	vsel vm10, $0x1B5, v0  }
0x19d: {  	[tilespmem:$0x1F180] =	vst v0;
	v0 =	vld [tilespmem:$0x1EF40];
	v1 =	vsel vm11, $0x1B2, v1  }
0x19e: {  	[tilespmem:$0x1F3C0] =	vst v1;
	v1 =	vld [tilespmem:$0x1F180];
	_ =	sdelay $0x3  }
0x19f: {  	v0 =	vsel vm10, $0x1B9, v0  }
0x1a0: {  	[tilespmem:$0x1F190] =	vst v0;
	v0 =	vld [tilespmem:$0x1EF50];
	v1 =	vsel vm11, $0x1B6, v1  }
0x1a1: {  	[tilespmem:$0x1F3D0] =	vst v1;
	v1 =	vld [tilespmem:$0x1F190];
	_ =	sdelay $0x3  }
0x1a2: {  	v0 =	vsel vm10, $0x1BD, v0  }
0x1a3: {  	[tilespmem:$0x1F1A0] =	vst v0;
	v0 =	vld [tilespmem:$0x1EF60];
	v1 =	vsel vm11, $0x1BA, v1  }
0x1a4: {  	[tilespmem:$0x1F3E0] =	vst v1;
	v1 =	vld [tilespmem:$0x1F1A0];
	_ =	sdelay $0x3  }
0x1a5: {  	v0 =	vsel vm10, $0x1C1, v0  }
0x1a6: {  	[tilespmem:$0x1F1B0] =	vst v0;
	v0 =	vld [tilespmem:$0x1EF70];
	v1 =	vsel vm11, $0x1BE, v1  }
0x1a7: {  	[tilespmem:$0x1F3F0] =	vst v1;
	v1 =	vld [tilespmem:$0x1F1B0];
	_ =	sdelay $0x3  }
0x1a8: {  	v0 =	vsel vm10, $0x1C5, v0  }
0x1a9: {  	[tilespmem:$0x1F1C0] =	vst v0;
	v0 =	vld [tilespmem:$0x1EF80];
	v1 =	vsel vm11, $0x1C2, v1  }
0x1aa: {  	[tilespmem:$0x1F400] =	vst v1;
	v1 =	vld [tilespmem:$0x1F1C0];
	_ =	sdelay $0x3  }
0x1ab: {  	v0 =	vsel vm10, $0x201, v0  }
0x1ac: {  	[tilespmem:$0x1F1D0] =	vst v0;
	v0 =	vld [tilespmem:$0x1EF90];
	v1 =	vsel vm11, $0x1C6, v1  }
0x1ad: {  	[tilespmem:$0x1F410] =	vst v1;
	v1 =	vld [tilespmem:$0x1F1D0];
	_ =	sdelay $0x3  }
0x1ae: {  	v0 =	vsel vm10, $0x205, v0  }
0x1af: {  	[tilespmem:$0x1F1E0] =	vst v0;
	v0 =	vld [tilespmem:$0x1EFA0];
	v1 =	vsel vm11, $0x202, v1  }
0x1b0: {  	[tilespmem:$0x1F420] =	vst v1;
	v1 =	vld [tilespmem:$0x1F1E0];
	_ =	sdelay $0x3  }
0x1b1: {  	v0 =	vsel vm10, $0x209, v0  }
0x1b2: {  	[tilespmem:$0x1F1F0] =	vst v0;
	v0 =	vld [tilespmem:$0x1EFB0];
	v1 =	vsel vm11, $0x206, v1  }
0x1b3: {  	[tilespmem:$0x1F430] =	vst v1;
	v1 =	vld [tilespmem:$0x1F1F0];
	_ =	sdelay $0x3  }
0x1b4: {  	v0 =	vsel vm10, $0x20D, v0  }
0x1b5: {  	[tilespmem:$0x1F200] =	vst v0;
	v0 =	vld [tilespmem:$0x1EFC0];
	v1 =	vsel vm11, $0x20A, v1  }
0x1b6: {  	[tilespmem:$0x1F440] =	vst v1;
	v1 =	vld [tilespmem:$0x1F200];
	_ =	sdelay $0x3  }
0x1b7: {  	v0 =	vsel vm10, $0x211, v0  }
0x1b8: {  	[tilespmem:$0x1F210] =	vst v0;
	v0 =	vld [tilespmem:$0x1EFD0];
	v1 =	vsel vm11, $0x20E, v1  }
0x1b9: {  	[tilespmem:$0x1F450] =	vst v1;
	v1 =	vld [tilespmem:$0x1F210];
	_ =	sdelay $0x3  }
0x1ba: {  	v0 =	vsel vm10, $0x215, v0  }
0x1bb: {  	[tilespmem:$0x1F220] =	vst v0;
	v0 =	vld [tilespmem:$0x1EFE0];
	v1 =	vsel vm11, $0x212, v1  }
0x1bc: {  	[tilespmem:$0x1F460] =	vst v1;
	v1 =	vld [tilespmem:$0x1F220];
	_ =	sdelay $0x3  }
0x1bd: {  	v0 =	vsel vm10, $0x219, v0  }
0x1be: {  	[tilespmem:$0x1F230] =	vst v0;
	v0 =	vld [tilespmem:$0x1EFF0];
	v1 =	vsel vm11, $0x216, v1  }
0x1bf: {  	[tilespmem:$0x1F470] =	vst v1;
	v1 =	vld [tilespmem:$0x1F230];
	_ =	sdelay $0x3  }
0x1c0: {  	v0 =	vsel vm10, $0x21D, v0  }
0x1c1: {  	[tilespmem:$0x1F240] =	vst v0;
	v0 =	vld [tilespmem:$0x1F000];
	v1 =	vsel vm11, $0x21A, v1  }
0x1c2: {  	[tilespmem:$0x1F480] =	vst v1;
	v1 =	vld [tilespmem:$0x1F240];
	_ =	sdelay $0x3  }
0x1c3: {  	v0 =	vsel vm10, $0x221, v0  }
0x1c4: {  	[tilespmem:$0x1F250] =	vst v0;
	v0 =	vld [tilespmem:$0x1F010];
	v1 =	vsel vm11, $0x21E, v1  }
0x1c5: {  	[tilespmem:$0x1F490] =	vst v1;
	v1 =	vld [tilespmem:$0x1F250];
	_ =	sdelay $0x3  }
0x1c6: {  	v0 =	vsel vm10, $0x225, v0  }
0x1c7: {  	[tilespmem:$0x1F260] =	vst v0;
	v0 =	vld [tilespmem:$0x1F020];
	v1 =	vsel vm11, $0x222, v1  }
0x1c8: {  	[tilespmem:$0x1F4A0] =	vst v1;
	v1 =	vld [tilespmem:$0x1F260];
	_ =	sdelay $0x3  }
0x1c9: {  	v0 =	vsel vm10, $0x229, v0  }
0x1ca: {  	[tilespmem:$0x1F270] =	vst v0;
	v0 =	vld [tilespmem:$0x1F030];
	v1 =	vsel vm11, $0x226, v1  }
0x1cb: {  	[tilespmem:$0x1F4B0] =	vst v1;
	v1 =	vld [tilespmem:$0x1F270];
	_ =	sdelay $0x3  }
0x1cc: {  	v0 =	vsel vm10, $0x22D, v0  }
0x1cd: {  	[tilespmem:$0x1F280] =	vst v0;
	v0 =	vld [tilespmem:$0x1F040];
	v1 =	vsel vm11, $0x22A, v1  }
0x1ce: {  	[tilespmem:$0x1F4C0] =	vst v1;
	v1 =	vld [tilespmem:$0x1F280];
	_ =	sdelay $0x3  }
0x1cf: {  	v0 =	vsel vm10, $0x231, v0  }
0x1d0: {  	[tilespmem:$0x1F290] =	vst v0;
	v0 =	vld [tilespmem:$0x1F050];
	v1 =	vsel vm11, $0x22E, v1  }
0x1d1: {  	[tilespmem:$0x1F4D0] =	vst v1;
	v1 =	vld [tilespmem:$0x1F290];
	_ =	sdelay $0x3  }
0x1d2: {  	v0 =	vsel vm10, $0x235, v0  }
0x1d3: {  	[tilespmem:$0x1F2A0] =	vst v0;
	v0 =	vld [tilespmem:$0x1F060];
	v1 =	vsel vm11, $0x232, v1  }
0x1d4: {  	[tilespmem:$0x1F4E0] =	vst v1;
	v1 =	vld [tilespmem:$0x1F2A0];
	_ =	sdelay $0x3  }
0x1d5: {  	v0 =	vsel vm10, $0x239, v0  }
0x1d6: {  	[tilespmem:$0x1F2B0] =	vst v0;
	v0 =	vld [tilespmem:$0x1F070];
	v1 =	vsel vm11, $0x236, v1  }
0x1d7: {  	[tilespmem:$0x1F4F0] =	vst v1;
	v1 =	vld [tilespmem:$0x1F2B0];
	_ =	sdelay $0x3  }
0x1d8: {  	v0 =	vsel vm10, $0x23D, v0  }
0x1d9: {  	[tilespmem:$0x1F2C0] =	vst v0;
	v0 =	vld [tilespmem:$0x1F080];
	v1 =	vsel vm11, $0x23A, v1  }
0x1da: {  	[tilespmem:$0x1F500] =	vst v1;
	v1 =	vld [tilespmem:$0x1F2C0];
	_ =	sdelay $0x3  }
0x1db: {  	v0 =	vsel vm10, $0x241, v0  }
0x1dc: {  	[tilespmem:$0x1F2D0] =	vst v0;
	v0 =	vld [tilespmem:$0x1F090];
	v1 =	vsel vm11, $0x23E, v1  }
0x1dd: {  	[tilespmem:$0x1F510] =	vst v1;
	v1 =	vld [tilespmem:$0x1F2D0];
	_ =	sdelay $0x3  }
0x1de: {  	v0 =	vsel vm10, $0x245, v0  }
0x1df: {  	[tilespmem:$0x1F2E0] =	vst v0;
	v0 =	vld [tilespmem:$0x1F0A0];
	v1 =	vsel vm11, $0x242, v1  }
0x1e0: {  	[tilespmem:$0x1F520] =	vst v1;
	v1 =	vld [tilespmem:$0x1F2E0];
	_ =	sdelay $0x3  }
0x1e1: {  	v0 =	vsel vm10, $0x249, v0  }
0x1e2: {  	[tilespmem:$0x1F2F0] =	vst v0;
	v0 =	vld [tilespmem:$0x1F0B0];
	v1 =	vsel vm11, $0x246, v1  }
0x1e3: {  	[tilespmem:$0x1F530] =	vst v1;
	v1 =	vld [tilespmem:$0x1F2F0];
	_ =	sdelay $0x3  }
0x1e4: {  	v0 =	vsel vm10, $0x24D, v0  }
0x1e5: {  	[tilespmem:$0x1F300] =	vst v0;
	v0 =	vld [tilespmem:$0x1F0C0];
	v1 =	vsel vm11, $0x24A, v1  }
0x1e6: {  	[tilespmem:$0x1F540] =	vst v1;
	v1 =	vld [tilespmem:$0x1F300];
	_ =	sdelay $0x3  }
0x1e7: {  	v0 =	vsel vm10, $0x251, v0  }
0x1e8: {  	[tilespmem:$0x1F310] =	vst v0;
	v0 =	vld [tilespmem:$0x1F0D0];
	v1 =	vsel vm11, $0x24E, v1  }
0x1e9: {  	[tilespmem:$0x1F550] =	vst v1;
	v1 =	vld [tilespmem:$0x1F310];
	_ =	sdelay $0x3  }
0x1ea: {  	v0 =	vsel vm10, $0x571, v0  }
0x1eb: {  	[tilespmem:$0x1F320] =	vst v0;
	v1 =	vsel vm11, $0x252, v1  }
0x1ec: {  	[tilespmem:$0x1F560] =	vst v1;
	v1 =	vld [tilespmem:$0x1F320];
	_ =	sdelay $0x4  }
0x1ed: {  	v1 =	vsel vm11, $0x572, v1  }
0x1ee: {  	[tilespmem:$0x1F570] =	vst v1;
	v1 =	vld [tilespmem:$0x1F330];
	_ =	sdelay $0x4  }
0x1ef: {  	v1 =	vsel vm11, $0x576, v1  }
0x1f0: {  	[tilespmem:$0x1F580] =	vst v1;
	v1 =	vld [tilespmem:$0x1F340];
	_ =	sdelay $0x3  }
0x1f1: {  	vm12 =	vcmask $0x2F2C  }
0x1f2: {  	v1 =	vsel vm12, $0x193, v1  }
0x1f3: {  	[tilespmem:$0x1F590] =	vst v1;
	v1 =	vld [tilespmem:$0x1F350];
	_ =	sdelay $0x4  }
0x1f4: {  	v1 =	vsel vm12, $0x197, v1  }
0x1f5: {  	[tilespmem:$0x1F5A0] =	vst v1;
	v1 =	vld [tilespmem:$0x1F360];
	_ =	sdelay $0x4  }
0x1f6: {  	v1 =	vsel vm12, $0x19B, v1  }
0x1f7: {  	[tilespmem:$0x1F5B0] =	vst v1;
	v1 =	vld [tilespmem:$0x1F370];
	_ =	sdelay $0x4  }
0x1f8: {  	v1 =	vsel vm12, $0x19F, v1  }
0x1f9: {  	[tilespmem:$0x1F5C0] =	vst v1;
	v1 =	vld [tilespmem:$0x1F380];
	_ =	sdelay $0x4  }
0x1fa: {  	v1 =	vsel vm12, $0x1A3, v1  }
0x1fb: {  	[tilespmem:$0x1F5D0] =	vst v1;
	v1 =	vld [tilespmem:$0x1F390];
	_ =	sdelay $0x4  }
0x1fc: {  	v1 =	vsel vm12, $0x1A7, v1  }
0x1fd: {  	[tilespmem:$0x1F5E0] =	vst v1;
	v1 =	vld [tilespmem:$0x1F3A0];
	_ =	sdelay $0x4  }
0x1fe: {  	v1 =	vsel vm12, $0x1AB, v1  }
0x1ff: {  	[tilespmem:$0x1F5F0] =	vst v1;
	v1 =	vld [tilespmem:$0x1F3B0];
	_ =	sdelay $0x4  }
0x200: {  	v1 =	vsel vm12, $0x1AF, v1  }
0x201: {  	[tilespmem:$0x1F600] =	vst v1;
	v1 =	vld [tilespmem:$0x1F3C0];
	_ =	sdelay $0x4  }
0x202: {  	v1 =	vsel vm12, $0x1B3, v1  }
0x203: {  	[tilespmem:$0x1F610] =	vst v1;
	v1 =	vld [tilespmem:$0x1F3D0];
	_ =	sdelay $0x4  }
0x204: {  	v1 =	vsel vm12, $0x1B7, v1  }
0x205: {  	[tilespmem:$0x1F620] =	vst v1;
	v1 =	vld [tilespmem:$0x1F3E0];
	_ =	sdelay $0x4  }
0x206: {  	v1 =	vsel vm12, $0x1BB, v1  }
0x207: {  	[tilespmem:$0x1F630] =	vst v1;
	v1 =	vld [tilespmem:$0x1F3F0];
	_ =	sdelay $0x4  }
0x208: {  	v1 =	vsel vm12, $0x1BF, v1  }
0x209: {  	[tilespmem:$0x1F640] =	vst v1;
	v1 =	vld [tilespmem:$0x1F400];
	_ =	sdelay $0x4  }
0x20a: {  	v1 =	vsel vm12, $0x1C3, v1  }
0x20b: {  	[tilespmem:$0x1F650] =	vst v1;
	v1 =	vld [tilespmem:$0x1F410];
	_ =	sdelay $0x4  }
0x20c: {  	v1 =	vsel vm12, $0x1C7, v1  }
0x20d: {  	[tilespmem:$0x1F660] =	vst v1;
	v1 =	vld [tilespmem:$0x1F420];
	_ =	sdelay $0x4  }
0x20e: {  	v1 =	vsel vm12, $0x203, v1  }
0x20f: {  	[tilespmem:$0x1F670] =	vst v1;
	v1 =	vld [tilespmem:$0x1F430];
	_ =	sdelay $0x4  }
0x210: {  	v1 =	vsel vm12, $0x207, v1  }
0x211: {  	[tilespmem:$0x1F680] =	vst v1;
	v1 =	vld [tilespmem:$0x1F440];
	_ =	sdelay $0x4  }
0x212: {  	v1 =	vsel vm12, $0x20B, v1  }
0x213: {  	[tilespmem:$0x1F690] =	vst v1;
	v1 =	vld [tilespmem:$0x1F450];
	_ =	sdelay $0x4  }
0x214: {  	v1 =	vsel vm12, $0x20F, v1  }
0x215: {  	[tilespmem:$0x1F6A0] =	vst v1;
	v1 =	vld [tilespmem:$0x1F460];
	_ =	sdelay $0x4  }
0x216: {  	v1 =	vsel vm12, $0x213, v1  }
0x217: {  	[tilespmem:$0x1F6B0] =	vst v1;
	v1 =	vld [tilespmem:$0x1F470];
	_ =	sdelay $0x4  }
0x218: {  	v1 =	vsel vm12, $0x217, v1  }
0x219: {  	[tilespmem:$0x1F6C0] =	vst v1;
	v1 =	vld [tilespmem:$0x1F480];
	_ =	sdelay $0x4  }
0x21a: {  	v1 =	vsel vm12, $0x21B, v1  }
0x21b: {  	[tilespmem:$0x1F6D0] =	vst v1;
	v1 =	vld [tilespmem:$0x1F490];
	_ =	sdelay $0x4  }
0x21c: {  	v1 =	vsel vm12, $0x21F, v1  }
0x21d: {  	[tilespmem:$0x1F6E0] =	vst v1;
	v1 =	vld [tilespmem:$0x1F4A0];
	_ =	sdelay $0x4  }
0x21e: {  	v1 =	vsel vm12, $0x223, v1  }
0x21f: {  	[tilespmem:$0x1F6F0] =	vst v1;
	v1 =	vld [tilespmem:$0x1F4B0];
	_ =	sdelay $0x4  }
0x220: {  	v1 =	vsel vm12, $0x227, v1  }
0x221: {  	[tilespmem:$0x1F700] =	vst v1;
	v1 =	vld [tilespmem:$0x1F4C0];
	_ =	sdelay $0x4  }
0x222: {  	v1 =	vsel vm12, $0x22B, v1  }
0x223: {  	[tilespmem:$0x1F710] =	vst v1;
	v1 =	vld [tilespmem:$0x1F4D0];
	_ =	sdelay $0x4  }
0x224: {  	v1 =	vsel vm12, $0x22F, v1  }
0x225: {  	[tilespmem:$0x1F720] =	vst v1;
	v1 =	vld [tilespmem:$0x1F4E0];
	_ =	sdelay $0x4  }
0x226: {  	v1 =	vsel vm12, $0x233, v1  }
0x227: {  	[tilespmem:$0x1F730] =	vst v1;
	v1 =	vld [tilespmem:$0x1F4F0];
	_ =	sdelay $0x4  }
0x228: {  	v1 =	vsel vm12, $0x237, v1  }
0x229: {  	[tilespmem:$0x1F740] =	vst v1;
	v1 =	vld [tilespmem:$0x1F500];
	_ =	sdelay $0x4  }
0x22a: {  	v1 =	vsel vm12, $0x23B, v1  }
0x22b: {  	[tilespmem:$0x1F750] =	vst v1;
	v1 =	vld [tilespmem:$0x1F510];
	_ =	sdelay $0x4  }
0x22c: {  	v1 =	vsel vm12, $0x23F, v1  }
0x22d: {  	[tilespmem:$0x1F760] =	vst v1;
	v1 =	vld [tilespmem:$0x1F520];
	_ =	sdelay $0x4  }
0x22e: {  	v1 =	vsel vm12, $0x243, v1  }
0x22f: {  	[tilespmem:$0x1F770] =	vst v1;
	v1 =	vld [tilespmem:$0x1F530];
	_ =	sdelay $0x4  }
0x230: {  	v1 =	vsel vm12, $0x247, v1  }
0x231: {  	[tilespmem:$0x1F780] =	vst v1;
	v1 =	vld [tilespmem:$0x1F540];
	_ =	sdelay $0x4  }
0x232: {  	v1 =	vsel vm12, $0x24B, v1  }
0x233: {  	[tilespmem:$0x1F790] =	vst v1;
	v1 =	vld [tilespmem:$0x1F550];
	_ =	sdelay $0x4  }
0x234: {  	v1 =	vsel vm12, $0x24F, v1  }
0x235: {  	[tilespmem:$0x1F7A0] =	vst v1;
	v1 =	vld [tilespmem:$0x1F560];
	_ =	sdelay $0x4  }
0x236: {  	v1 =	vsel vm12, $0x253, v1  }
0x237: {  	[tilespmem:$0x1F7B0] =	vst v1;
	v1 =	vld [tilespmem:$0x1F570];
	_ =	sdelay $0x4  }
0x238: {  	v0 =	vld [tilespmem:$0x1F0E0];
	v1 =	vsel vm12, $0x573, v1  }
0x239: {  	[tilespmem:$0x1F7C0] =	vst v1;
	v1 =	vld [tilespmem:$0x1F590];
	_ =	sdelay $0x3  }
0x23a: {  	vm13 =	vcmask $0x3330  }
0x23b: {  	v0 =	vsel vm10, $0x255, v0;
	v1 =	vsel vm13, $0x258, v1  }
0x23c: {  	v0 =	vsel vm11, $0x256, v0;
	[tilespmem:$0x1F7E0] =	vst v1;
	v1 =	vld [tilespmem:$0x1F5A0]  }
0x23d: {  	v0 =	vsel vm12, $0x257, v0  }
0x23e: {  	v54 =	vsel vm14, $0x399, v54;
	[tilespmem:$0x1F7D0] =	vst v0;
	v0 =	vld [tilespmem:$0x1F580]  }
0x23f: {  	v51 =	vsel vm14, $0x3A5, v51;
	v50 =	vsel vm14, $0x3A9, v50;
	v31 =	vsel vm14, $0x3BD, v31  }
0x240: {  	v30 =	vsel vm14, $0x3C1, v30;
	v56 =	vsel vm14, $0x391, v56;
	v21 =	vsel vm14, $0x36D, v21  }
0x241: {  	v62 =	vsel vm14, $0x379, v62;
	v63 =	vsel vm14, $0x375, v63;
	v1 =	vsel vm13, $0x25C, v1  }
0x242: {  	v61 =	vsel vm14, $0x37D, v61;
	v59 =	vsel vm14, $0x385, v59;
	v60 =	vsel vm14, $0x381, v60;
	[tilespmem:$0x1F7F0] =	vst v1;
	v1 =	vld [tilespmem:$0x1F5B0]  }
0x243: {  	v58 =	vsel vm14, $0x389, v58;
	v57 =	vsel vm14, $0x38D, v57;
	v0 =	vsel vm12, $0x577, v0  }
0x244: {  	v55 =	vsel vm14, $0x395, v55;
	v53 =	vsel vm14, $0x39D, v53;
	v0 =	vsel vm13, $0x63C, v0  }
0x245: {  	v52 =	vsel vm14, $0x3A1, v52;
	v33 =	vsel vm14, $0x3B5, v33;
	v32 =	vsel vm14, $0x3B9, v32;
	[tilespmem:$0x1FA30] =	vst v0;
	v0 =	vld [tilespmem:$0x1F7E0]  }
0x246: {  	v34 =	vsel vm14, $0x3B1, v34;
	v35 =	vsel vm14, $0x3AD, v35;
	v29 =	vsel vm14, $0x3C5, v29  }
0x247: {  	v26 =	vsel vm14, $0x3D1, v26;
	v23 =	vsel vm14, $0x3DD, v23;
	v1 =	vsel vm13, $0x260, v1  }
0x248: {  	v28 =	vsel vm14, $0x3CD, v28;
	v25 =	vsel vm14, $0x3D9, v25;
	v27 =	vsel vm14, $0x3C9, v27;
	[tilespmem:$0x1F800] =	vst v1;
	v1 =	vld [tilespmem:$0x1F5C0]  }
0x249: {  	v22 =	vsel vm14, $0x371, v22;
	v24 =	vsel vm14, $0x3D5, v24;
	vm14 =	vcmask $0x3734  }
0x24a: {  	v0 =	vsel vm14, $0x259, v0  }
0x24b: {  	[tilespmem:$0x1FA40] =	vst v0;
	v0 =	vld [tilespmem:$0x1F800];
	_ =	sdelay $0x1  }
0x24c: {  	v1 =	vsel vm13, $0x264, v1  }
0x24d: {  	[tilespmem:$0x1F810] =	vst v1;
	v1 =	vld [tilespmem:$0x1F5D0];
	_ =	sdelay $0x1  }
0x24e: {  	v0 =	vsel vm14, $0x261, v0  }
0x24f: {  	[tilespmem:$0x1FA90] =	vst v0;
	v0 =	vld [tilespmem:$0x1F810];
	_ =	sdelay $0x1  }
0x250: {  	v1 =	vsel vm13, $0x268, v1  }
0x251: {  	[tilespmem:$0x1F820] =	vst v1;
	v1 =	vld [tilespmem:$0x1F5E0];
	_ =	sdelay $0x1  }
0x252: {  	v0 =	vsel vm14, $0x265, v0  }
0x253: {  	[tilespmem:$0x1FAC0] =	vst v0;
	v0 =	vld [tilespmem:$0x1F820];
	_ =	sdelay $0x1  }
0x254: {  	v1 =	vsel vm13, $0x26C, v1  }
0x255: {  	[tilespmem:$0x1F830] =	vst v1;
	v1 =	vld [tilespmem:$0x1F5F0];
	_ =	sdelay $0x1  }
0x256: {  	v0 =	vsel vm14, $0x269, v0  }
0x257: {  	[tilespmem:$0x1FAF0] =	vst v0;
	v0 =	vld [tilespmem:$0x1F830];
	_ =	sdelay $0x1  }
0x258: {  	v1 =	vsel vm13, $0x270, v1  }
0x259: {  	[tilespmem:$0x1F840] =	vst v1;
	v1 =	vld [tilespmem:$0x1F600];
	_ =	sdelay $0x1  }
0x25a: {  	v0 =	vsel vm14, $0x26D, v0  }
0x25b: {  	[tilespmem:$0x1FB20] =	vst v0;
	v0 =	vld [tilespmem:$0x1F840];
	_ =	sdelay $0x1  }
0x25c: {  	v1 =	vsel vm13, $0x274, v1  }
0x25d: {  	[tilespmem:$0x1F850] =	vst v1;
	v1 =	vld [tilespmem:$0x1F610];
	_ =	sdelay $0x1  }
0x25e: {  	v0 =	vsel vm14, $0x271, v0  }
0x25f: {  	[tilespmem:$0x1FB50] =	vst v0;
	v0 =	vld [tilespmem:$0x1F850];
	_ =	sdelay $0x1  }
0x260: {  	v1 =	vsel vm13, $0x278, v1  }
0x261: {  	[tilespmem:$0x1F860] =	vst v1;
	v1 =	vld [tilespmem:$0x1F620];
	_ =	sdelay $0x1  }
0x262: {  	v0 =	vsel vm14, $0x275, v0  }
0x263: {  	[tilespmem:$0x1FB80] =	vst v0;
	v0 =	vld [tilespmem:$0x1F860];
	_ =	sdelay $0x1  }
0x264: {  	v1 =	vsel vm13, $0x27C, v1  }
0x265: {  	[tilespmem:$0x1F870] =	vst v1;
	v1 =	vld [tilespmem:$0x1F630];
	_ =	sdelay $0x1  }
0x266: {  	v0 =	vsel vm14, $0x279, v0  }
0x267: {  	[tilespmem:$0x1FBB0] =	vst v0;
	v0 =	vld [tilespmem:$0x1F870];
	_ =	sdelay $0x1  }
0x268: {  	v1 =	vsel vm13, $0x280, v1  }
0x269: {  	[tilespmem:$0x1F880] =	vst v1;
	v1 =	vld [tilespmem:$0x1F640];
	_ =	sdelay $0x1  }
0x26a: {  	v0 =	vsel vm14, $0x27D, v0  }
0x26b: {  	[tilespmem:$0x1FBE0] =	vst v0;
	v0 =	vld [tilespmem:$0x1F880];
	_ =	sdelay $0x1  }
0x26c: {  	v1 =	vsel vm13, $0x284, v1  }
0x26d: {  	[tilespmem:$0x1F890] =	vst v1;
	v1 =	vld [tilespmem:$0x1F650];
	_ =	sdelay $0x1  }
0x26e: {  	v0 =	vsel vm14, $0x281, v0  }
0x26f: {  	[tilespmem:$0x1FC10] =	vst v0;
	v0 =	vld [tilespmem:$0x1F890];
	_ =	sdelay $0x1  }
0x270: {  	v1 =	vsel vm13, $0x288, v1  }
0x271: {  	[tilespmem:$0x1F8A0] =	vst v1;
	v1 =	vld [tilespmem:$0x1F660];
	_ =	sdelay $0x1  }
0x272: {  	v0 =	vsel vm14, $0x285, v0  }
0x273: {  	[tilespmem:$0x1FC40] =	vst v0;
	v0 =	vld [tilespmem:$0x1F8A0];
	_ =	sdelay $0x1  }
0x274: {  	v1 =	vsel vm13, $0x28C, v1  }
0x275: {  	v45 =	vsel vm6, $0x125, v45;
	[tilespmem:$0x1F8B0] =	vst v1;
	v1 =	vld [tilespmem:$0x1F670]  }
0x276: {  	v45 =	vsel vm7, $0x126, v45  }
0x277: {  	v45 =	vsel vm8, $0x127, v45;
	v46 =	vsel vm6, $0x129, v46;
	v0 =	vsel vm14, $0x289, v0  }
0x278: {  	v45 =	vsel vm9, $0x1EC, v45;
	v46 =	vsel vm7, $0x12A, v46;
	[tilespmem:$0x1FC70] =	vst v0;
	v0 =	vld [tilespmem:$0x1F8B0]  }
0x279: {  	v45 =	vsel vm10, $0x1ED, v45;
	v46 =	vsel vm8, $0x12B, v46  }
0x27a: {  	v45 =	vsel vm11, $0x1EE, v45;
	v46 =	vsel vm9, $0x1F0, v46;
	v1 =	vsel vm13, $0x2C8, v1  }
0x27b: {  	v45 =	vsel vm12, $0x1EF, v45;
	v46 =	vsel vm10, $0x1F1, v46;
	[tilespmem:$0x1F8C0] =	vst v1;
	v1 =	vld [tilespmem:$0x1F680]  }
0x27c: {  	v48 =	vsel vm5, $0x130, v48;
	v45 =	vsel vm13, $0x2B4, v45;
	v46 =	vsel vm11, $0x1F2, v46  }
0x27d: {  	v48 =	vsel vm6, $0x131, v48;
	v46 =	vsel vm12, $0x1F3, v46;
	v0 =	vsel vm14, $0x28D, v0  }
0x27e: {  	v48 =	vsel vm7, $0x132, v48;
	v46 =	vsel vm13, $0x2B8, v46;
	[tilespmem:$0x1FCA0] =	vst v0;
	v0 =	vsel vm14, $0x2B5, v45  }
0x27f: {  	v48 =	vsel vm8, $0x133, v48;
	[tilespmem:$0x1FD60] =	vst v0;
	v0 =	vsel vm14, $0x2B9, v46  }
0x280: {  	v56 =	vsel vm15, $0x392, v56;
	v48 =	vsel vm9, $0x1F8, v48;
	[tilespmem:$0x1FD70] =	vst v0;
	v0 =	vld [tilespmem:$0x1F8C0];
	v1 =	vsel vm13, $0x2CC, v1  }
0x281: {  	v56 =	vsel vm4, $0x393, v56;
	v48 =	vsel vm10, $0x1F9, v48;
	[tilespmem:$0x1F8D0] =	vst v1;
	v1 =	vld [tilespmem:$0x1F690]  }
0x282: {  	v56 =	vsel vm5, $0x458, v56;
	v49 =	vsel vm5, $0x134, v49;
	v48 =	vsel vm11, $0x1FA, v48  }
0x283: {  	v56 =	vsel vm6, $0x459, v56;
	v49 =	vsel vm6, $0x135, v49;
	v48 =	vsel vm12, $0x1FB, v48  }
0x284: {  	v56 =	vsel vm7, $0x45A, v56;
	v49 =	vsel vm7, $0x136, v49;
	v48 =	vsel vm13, $0x2C0, v48  }
0x285: {  	v56 =	vsel vm8, $0x45B, v56;
	v49 =	vsel vm8, $0x137, v49;
	v48 =	vsel vm14, $0x2C1, v48  }
0x286: {  	v49 =	vsel vm9, $0x1FC, v49;
	[tilespmem:$0x1FD90] =	vst v48;
	v48 =	vsel vm14, $0x2C9, v0;
	v0 =	vld [tilespmem:$0x1F8D0];
	v1 =	vsel vm13, $0x2D0, v1  }
0x287: {  	v56 =	vsel vm9, $0x520, v56;
	v49 =	vsel vm10, $0x1FD, v49;
	[tilespmem:$0x1F8E0] =	vst v1;
	v1 =	vld [tilespmem:$0x1F6A0]  }
0x288: {  	v56 =	vsel vm10, $0x521, v56;
	v49 =	vsel vm11, $0x1FE, v49  }
0x289: {  	v56 =	vsel vm11, $0x522, v56;
	v49 =	vsel vm12, $0x1FF, v49  }
0x28a: {  	v56 =	vsel vm12, $0x523, v56;
	v49 =	vsel vm13, $0x2C4, v49  }
0x28b: {  	v56 =	vsel vm13, $0x5E8, v56;
	v49 =	vsel vm14, $0x2C5, v49  }
0x28c: {  	[tilespmem:$0x1FDA0] =	vst v49;
	v49 =	vsel vm14, $0x5E9, v56;
	v56 =	vsel vm14, $0x2CD, v0;
	v0 =	vld [tilespmem:$0x1F8E0];
	v1 =	vsel vm13, $0x2D4, v1  }
0x28d: {  	[tilespmem:$0x1F8F0] =	vst v1;
	v1 =	vld [tilespmem:$0x1F6B0];
	_ =	sdelay $0x4  }
0x28e: {  	[tilespmem:$0x1FDC0] =	vst v49;
	v49 =	vsel vm14, $0x2D1, v0;
	v0 =	vld [tilespmem:$0x1F8F0];
	v1 =	vsel vm13, $0x2D8, v1  }
0x28f: {  	[tilespmem:$0x1F900] =	vst v1;
	v1 =	vld [tilespmem:$0x1F6C0];
	_ =	sdelay $0x3  }
0x290: {  	v54 =	vsel vm15, $0x39A, v54  }
0x291: {  	v55 =	vsel vm15, $0x396, v55;
	[tilespmem:$0x1FDD0] =	vst v56;
	v56 =	vsel vm14, $0x2D5, v0;
	v0 =	vld [tilespmem:$0x1F900];
	v1 =	vsel vm13, $0x2DC, v1  }
0x292: {  	v54 =	vsel vm4, $0x39B, v54;
	v55 =	vsel vm4, $0x397, v55;
	[tilespmem:$0x1F910] =	vst v1;
	v1 =	vld [tilespmem:$0x1F6D0]  }
0x293: {  	v54 =	vsel vm5, $0x460, v54;
	v55 =	vsel vm5, $0x45C, v55  }
0x294: {  	v54 =	vsel vm6, $0x461, v54;
	v55 =	vsel vm6, $0x45D, v55  }
0x295: {  	v54 =	vsel vm7, $0x462, v54;
	v55 =	vsel vm7, $0x45E, v55  }
0x296: {  	v54 =	vsel vm8, $0x463, v54;
	v55 =	vsel vm8, $0x45F, v55  }
0x297: {  	v55 =	vsel vm9, $0x524, v55;
	[tilespmem:$0x1FDF0] =	vst v49;
	v49 =	vsel vm14, $0x2D9, v0;
	v0 =	vld [tilespmem:$0x1F910];
	v1 =	vsel vm13, $0x2E0, v1  }
0x298: {  	v54 =	vsel vm9, $0x528, v54;
	v55 =	vsel vm10, $0x525, v55;
	[tilespmem:$0x1F920] =	vst v1;
	v1 =	vld [tilespmem:$0x1F6E0]  }
0x299: {  	v54 =	vsel vm10, $0x529, v54;
	v55 =	vsel vm11, $0x526, v55  }
0x29a: {  	v54 =	vsel vm11, $0x52A, v54;
	v55 =	vsel vm12, $0x527, v55  }
0x29b: {  	v54 =	vsel vm12, $0x52B, v54;
	v55 =	vsel vm13, $0x5EC, v55  }
0x29c: {  	v54 =	vsel vm13, $0x5F0, v54;
	[tilespmem:$0x1FDB0] =	vst v48;
	v48 =	vsel vm14, $0x5ED, v55  }
0x29d: {  	v55 =	vsel vm14, $0x5F1, v54;
	v54 =	vsel vm14, $0x2DD, v0;
	v0 =	vld [tilespmem:$0x1F920];
	v1 =	vsel vm13, $0x2E4, v1  }
0x29e: {  	[tilespmem:$0x1F930] =	vst v1;
	v1 =	vld [tilespmem:$0x1F6F0];
	_ =	sdelay $0x3  }
0x29f: {  	v50 =	vsel vm15, $0x3AA, v50  }
0x2a0: {  	v53 =	vsel vm15, $0x39E, v53;
	[tilespmem:$0x1FE10] =	vst v56;
	v56 =	vsel vm14, $0x2E1, v0;
	v0 =	vld [tilespmem:$0x1F930];
	v1 =	vsel vm13, $0x2E8, v1  }
0x2a1: {  	v50 =	vsel vm4, $0x3AB, v50;
	v53 =	vsel vm4, $0x39F, v53;
	[tilespmem:$0x1F940] =	vst v1;
	v1 =	vld [tilespmem:$0x1F700]  }
0x2a2: {  	v50 =	vsel vm5, $0x470, v50;
	v53 =	vsel vm5, $0x464, v53  }
0x2a3: {  	v50 =	vsel vm6, $0x471, v50;
	v53 =	vsel vm6, $0x465, v53  }
0x2a4: {  	v51 =	vsel vm15, $0x3A6, v51;
	v50 =	vsel vm7, $0x472, v50;
	v53 =	vsel vm7, $0x466, v53  }
0x2a5: {  	v51 =	vsel vm4, $0x3A7, v51;
	v50 =	vsel vm8, $0x473, v50;
	v53 =	vsel vm8, $0x467, v53  }
0x2a6: {  	v53 =	vsel vm9, $0x52C, v53;
	[tilespmem:$0x1FE30] =	vst v49;
	v49 =	vsel vm14, $0x2E5, v0;
	v0 =	vld [tilespmem:$0x1F940];
	v1 =	vsel vm13, $0x2EC, v1  }
0x2a7: {  	v51 =	vsel vm5, $0x46C, v51;
	v50 =	vsel vm9, $0x538, v50;
	v53 =	vsel vm10, $0x52D, v53;
	[tilespmem:$0x1F950] =	vst v1;
	v1 =	vld [tilespmem:$0x1F710]  }
0x2a8: {  	v51 =	vsel vm6, $0x46D, v51;
	v50 =	vsel vm10, $0x539, v50;
	v53 =	vsel vm11, $0x52E, v53  }
0x2a9: {  	v51 =	vsel vm7, $0x46E, v51;
	v50 =	vsel vm11, $0x53A, v50;
	v53 =	vsel vm12, $0x52F, v53  }
0x2aa: {  	v51 =	vsel vm8, $0x46F, v51;
	v50 =	vsel vm12, $0x53B, v50;
	v53 =	vsel vm13, $0x5F4, v53  }
0x2ab: {  	v50 =	vsel vm13, $0x600, v50;
	v52 =	vsel vm15, $0x3A2, v52;
	[tilespmem:$0x1FDE0] =	vst v48;
	v48 =	vsel vm14, $0x5F5, v53  }
0x2ac: {  	[tilespmem:$0x1FE20] =	vst v48;
	v48 =	vsel vm14, $0x601, v50;
	v50 =	vsel vm14, $0x2E9, v0;
	v0 =	vld [tilespmem:$0x1F950];
	v1 =	vsel vm13, $0x2F0, v1  }
0x2ad: {  	v51 =	vsel vm9, $0x534, v51;
	v52 =	vsel vm4, $0x3A3, v52;
	[tilespmem:$0x1F960] =	vst v1;
	v1 =	vld [tilespmem:$0x1F720]  }
0x2ae: {  	v51 =	vsel vm10, $0x535, v51;
	v52 =	vsel vm5, $0x468, v52  }
0x2af: {  	v51 =	vsel vm11, $0x536, v51;
	v52 =	vsel vm6, $0x469, v52  }
0x2b0: {  	v51 =	vsel vm12, $0x537, v51;
	v52 =	vsel vm7, $0x46A, v52  }
0x2b1: {  	v51 =	vsel vm13, $0x5FC, v51;
	v52 =	vsel vm8, $0x46B, v52  }
0x2b2: {  	[tilespmem:$0x1FE00] =	vst v55;
	v55 =	vsel vm14, $0x5FD, v51;
	v51 =	vsel vm14, $0x2ED, v0;
	v0 =	vld [tilespmem:$0x1F960];
	v1 =	vsel vm13, $0x2F4, v1  }
0x2b3: {  	v52 =	vsel vm9, $0x530, v52;
	[tilespmem:$0x1F970] =	vst v1;
	v1 =	vld [tilespmem:$0x1F730]  }
0x2b4: {  	v52 =	vsel vm10, $0x531, v52  }
0x2b5: {  	v52 =	vsel vm11, $0x532, v52  }
0x2b6: {  	v52 =	vsel vm12, $0x533, v52  }
0x2b7: {  	v52 =	vsel vm13, $0x5F8, v52  }
0x2b8: {  	v53 =	vsel vm14, $0x5F9, v52;
	v52 =	vsel vm14, $0x2F1, v0;
	v0 =	vld [tilespmem:$0x1F970];
	v1 =	vsel vm13, $0x2F8, v1  }
0x2b9: {  	[tilespmem:$0x1F980] =	vst v1;
	v1 =	vld [tilespmem:$0x1F740];
	_ =	sdelay $0x4  }
0x2ba: {  	[tilespmem:$0x1FE40] =	vst v53;
	v53 =	vsel vm14, $0x2F5, v0;
	v0 =	vld [tilespmem:$0x1F980];
	v1 =	vsel vm13, $0x2FC, v1  }
0x2bb: {  	[tilespmem:$0x1F990] =	vst v1;
	v1 =	vld [tilespmem:$0x1F750];
	_ =	sdelay $0x4  }
0x2bc: {  	[tilespmem:$0x1FE50] =	vst v54;
	v54 =	vsel vm14, $0x2F9, v0;
	v0 =	vld [tilespmem:$0x1F990];
	v1 =	vsel vm13, $0x300, v1  }
0x2bd: {  	[tilespmem:$0x1F9A0] =	vst v1;
	v1 =	vld [tilespmem:$0x1F760];
	_ =	sdelay $0x3  }
0x2be: {  	v31 =	vsel vm15, $0x3BE, v31  }
0x2bf: {  	v27 =	vsel vm15, $0x3CA, v27;
	[tilespmem:$0x1FE60] =	vst v55;
	v55 =	vsel vm14, $0x2FD, v0;
	v0 =	vld [tilespmem:$0x1F9A0];
	v1 =	vsel vm13, $0x304, v1  }
0x2c0: {  	v30 =	vsel vm15, $0x3C2, v30;
	v3 =	vsel vm15, $0x326, v3;
	v27 =	vsel vm4, $0x3CB, v27;
	[tilespmem:$0x1F9B0] =	vst v1;
	v1 =	vld [tilespmem:$0x1F770]  }
0x2c1: {  	v5 =	vsel vm15, $0x32E, v5;
	v3 =	vsel vm4, $0x327, v3;
	v27 =	vsel vm5, $0x490, v27  }
0x2c2: {  	v3 =	vsel vm5, $0x3EC, v3;
	v7 =	vsel vm15, $0x336, v7;
	v27 =	vsel vm6, $0x491, v27  }
0x2c3: {  	v3 =	vsel vm6, $0x3ED, v3;
	v9 =	vsel vm15, $0x33E, v9;
	v27 =	vsel vm7, $0x492, v27  }
0x2c4: {  	v11 =	vsel vm15, $0x346, v11;
	v3 =	vsel vm7, $0x3EE, v3;
	v27 =	vsel vm8, $0x493, v27  }
0x2c5: {  	v27 =	vsel vm9, $0x558, v27;
	[tilespmem:$0x1FE70] =	vst v56;
	v56 =	vsel vm14, $0x301, v0;
	v0 =	vld [tilespmem:$0x1F9B0];
	v1 =	vsel vm13, $0x308, v1  }
0x2c6: {  	v3 =	vsel vm8, $0x3EF, v3;
	v28 =	vsel vm15, $0x3CE, v28;
	v27 =	vsel vm10, $0x559, v27;
	[tilespmem:$0x1F9C0] =	vst v1;
	v1 =	vld [tilespmem:$0x1F780]  }
0x2c7: {  	v3 =	vsel vm9, $0x4B4, v3;
	v28 =	vsel vm4, $0x3CF, v28;
	v27 =	vsel vm11, $0x55A, v27  }
0x2c8: {  	v13 =	vsel vm15, $0x34E, v13;
	v28 =	vsel vm5, $0x494, v28;
	v27 =	vsel vm12, $0x55B, v27  }
0x2c9: {  	v26 =	vsel vm15, $0x3D2, v26;
	v28 =	vsel vm6, $0x495, v28;
	v27 =	vsel vm13, $0x620, v27  }
0x2ca: {  	v26 =	vsel vm4, $0x3D3, v26;
	v28 =	vsel vm7, $0x496, v28;
	v27 =	vsel vm14, $0x621, v27  }
0x2cb: {  	v28 =	vsel vm8, $0x497, v28;
	[tilespmem:$0x1FF10] =	vst v27;
	v27 =	vsel vm14, $0x305, v0;
	v0 =	vld [tilespmem:$0x1F9C0];
	v1 =	vsel vm13, $0x30C, v1  }
0x2cc: {  	v3 =	vsel vm10, $0x4B5, v3;
	v26 =	vsel vm5, $0x498, v26;
	v28 =	vsel vm9, $0x55C, v28;
	[tilespmem:$0x1F9D0] =	vst v1;
	v1 =	vld [tilespmem:$0x1F790]  }
0x2cd: {  	v3 =	vsel vm11, $0x4B6, v3;
	v26 =	vsel vm6, $0x499, v26;
	v28 =	vsel vm10, $0x55D, v28  }
0x2ce: {  	v26 =	vsel vm7, $0x49A, v26;
	v24 =	vsel vm15, $0x3D6, v24;
	v28 =	vsel vm11, $0x55E, v28  }
0x2cf: {  	v26 =	vsel vm8, $0x49B, v26;
	v24 =	vsel vm4, $0x3D7, v24;
	v28 =	vsel vm12, $0x55F, v28  }
0x2d0: {  	v26 =	vsel vm9, $0x560, v26;
	v24 =	vsel vm5, $0x49C, v24;
	v28 =	vsel vm13, $0x624, v28  }
0x2d1: {  	[tilespmem:$0x1FF20] =	vst v27;
	v27 =	vsel vm14, $0x625, v28;
	v28 =	vsel vm14, $0x309, v0;
	v0 =	vld [tilespmem:$0x1F9D0];
	v1 =	vsel vm13, $0x310, v1  }
0x2d2: {  	v3 =	vsel vm12, $0x4B7, v3;
	v26 =	vsel vm10, $0x561, v26;
	v24 =	vsel vm6, $0x49D, v24;
	[tilespmem:$0x1F9E0] =	vst v1;
	v1 =	vld [tilespmem:$0x1F7A0]  }
0x2d3: {  	v25 =	vsel vm15, $0x3DA, v25;
	v26 =	vsel vm11, $0x562, v26;
	v24 =	vsel vm7, $0x49E, v24  }
0x2d4: {  	v25 =	vsel vm4, $0x3DB, v25;
	v26 =	vsel vm12, $0x563, v26;
	v24 =	vsel vm8, $0x49F, v24  }
0x2d5: {  	v25 =	vsel vm5, $0x4A0, v25;
	v26 =	vsel vm13, $0x628, v26;
	v24 =	vsel vm9, $0x564, v24  }
0x2d6: {  	v24 =	vsel vm10, $0x565, v24;
	[tilespmem:$0x1FF30] =	vst v28;
	v28 =	vsel vm14, $0x629, v26;
	v26 =	vsel vm14, $0x30D, v0;
	v0 =	vld [tilespmem:$0x1F9E0]  }
0x2d7: {  	v25 =	vsel vm6, $0x4A1, v25;
	v24 =	vsel vm11, $0x566, v24;
	v1 =	vsel vm13, $0x314, v1  }
0x2d8: {  	v3 =	vsel vm13, $0x57C, v3;
	v25 =	vsel vm7, $0x4A2, v25;
	v24 =	vsel vm12, $0x567, v24;
	[tilespmem:$0x1F9F0] =	vst v1;
	v1 =	vld [tilespmem:$0x1F7B0]  }
0x2d9: {  	v23 =	vsel vm15, $0x3DE, v23;
	v25 =	vsel vm8, $0x4A3, v25;
	v24 =	vsel vm13, $0x62C, v24  }
0x2da: {  	v23 =	vsel vm4, $0x3DF, v23;
	v25 =	vsel vm9, $0x568, v25;
	v24 =	vsel vm14, $0x62D, v24  }
0x2db: {  	v23 =	vsel vm5, $0x4A4, v23;
	v25 =	vsel vm10, $0x569, v25;
	[tilespmem:$0x1FF40] =	vst v24;
	v24 =	vsel vm14, $0x311, v0;
	v0 =	vld [tilespmem:$0x1F9F0]  }
0x2dc: {  	v17 =	vsel vm15, $0x35E, v17;
	v23 =	vsel vm6, $0x4A5, v23;
	v25 =	vsel vm11, $0x56A, v25  }
0x2dd: {  	v23 =	vsel vm7, $0x4A6, v23;
	v25 =	vsel vm12, $0x56B, v25;
	v1 =	vsel vm13, $0x318, v1  }
0x2de: {  	v19 =	vsel vm15, $0x366, v19;
	v23 =	vsel vm8, $0x4A7, v23;
	v25 =	vsel vm13, $0x630, v25;
	[tilespmem:$0x1FA00] =	vst v1;
	v1 =	vld [tilespmem:$0x1F7C0]  }
0x2df: {  	v21 =	vsel vm15, $0x36E, v21;
	v23 =	vsel vm9, $0x56C, v23;
	[tilespmem:$0x1FF50] =	vst v24;
	v24 =	vsel vm14, $0x631, v25  }
0x2e0: {  	v62 =	vsel vm15, $0x37A, v62;
	v23 =	vsel vm10, $0x56D, v23;
	[tilespmem:$0x1FF60] =	vst v24;
	v24 =	vsel vm14, $0x315, v0;
	v0 =	vld [tilespmem:$0x1FA00]  }
0x2e1: {  	v63 =	vsel vm15, $0x376, v63;
	v61 =	vsel vm15, $0x37E, v61;
	v23 =	vsel vm11, $0x56E, v23  }
0x2e2: {  	v59 =	vsel vm15, $0x386, v59;
	v60 =	vsel vm15, $0x382, v60;
	v23 =	vsel vm12, $0x56F, v23  }
0x2e3: {  	v58 =	vsel vm15, $0x38A, v58;
	v23 =	vsel vm13, $0x634, v23;
	v1 =	vsel vm13, $0x638, v1  }
0x2e4: {  	v57 =	vsel vm15, $0x38E, v57;
	v2 =	vsel vm15, $0x322, v2;
	v23 =	vsel vm14, $0x635, v23;
	[tilespmem:$0x1FA10] =	vst v1;
	v1 =	vld [tilespmem:$0x1F7D0]  }
0x2e5: {  	v33 =	vsel vm15, $0x3B6, v33;
	v2 =	vsel vm4, $0x323, v2;
	[tilespmem:$0x1FF80] =	vst v23;
	v23 =	vsel vm14, $0x319, v0;
	v0 =	vld [tilespmem:$0x1FA10]  }
0x2e6: {  	v32 =	vsel vm15, $0x3BA, v32;
	v34 =	vsel vm15, $0x3B2, v34;
	v2 =	vsel vm5, $0x3E8, v2  }
0x2e7: {  	v35 =	vsel vm15, $0x3AE, v35;
	v29 =	vsel vm15, $0x3C6, v29;
	v2 =	vsel vm6, $0x3E9, v2  }
0x2e8: {  	v4 =	vsel vm15, $0x32A, v4;
	v6 =	vsel vm15, $0x332, v6;
	v2 =	vsel vm7, $0x3EA, v2  }
0x2e9: {  	v8 =	vsel vm15, $0x33A, v8;
	v10 =	vsel vm15, $0x342, v10;
	v2 =	vsel vm8, $0x3EB, v2  }
0x2ea: {  	v2 =	vsel vm9, $0x4B0, v2;
	[tilespmem:$0x1FF90] =	vst v23;
	v1 =	vsel vm13, $0x31C, v1;
	v23 =	vsel vm14, $0x639, v0;
	v0 =	vld [tilespmem:$0x1FA40]  }
0x2eb: {  	v12 =	vsel vm15, $0x34A, v12;
	v14 =	vsel vm15, $0x352, v14;
	v2 =	vsel vm10, $0x4B1, v2;
	[tilespmem:$0x1FA20] =	vst v1;
	v1 =	vld [tilespmem:$0x1F7F0]  }
0x2ec: {  	v16 =	vsel vm15, $0x35A, v16;
	v18 =	vsel vm15, $0x362, v18;
	v2 =	vsel vm11, $0x4B2, v2  }
0x2ed: {  	v20 =	vsel vm15, $0x36A, v20;
	v4 =	vsel vm4, $0x32B, v4;
	v2 =	vsel vm12, $0x4B3, v2  }
0x2ee: {  	v22 =	vsel vm15, $0x372, v22;
	vm15 =	vcmask $0x3B38;
	v2 =	vsel vm13, $0x578, v2  }
0x2ef: {  	v4 =	vsel vm5, $0x3F0, v4;
	v2 =	vsel vm14, $0x579, v2;
	v0 =	vsel vm15, $0x25A, v0  }
0x2f0: {  	v4 =	vsel vm6, $0x3F1, v4;
	v1 =	vsel vm14, $0x25D, v1;
	[tilespmem:$0x1FA50] =	vst v0;
	v0 =	vsel vm15, $0x57A, v2  }
0x2f1: {  	v4 =	vsel vm7, $0x3F2, v4;
	v3 =	vsel vm14, $0x57D, v3;
	[tilespmem:$0x1FA60] =	vst v0;
	v0 =	vsel vm15, $0x25E, v1  }
0x2f2: {  	v4 =	vsel vm8, $0x3F3, v4;
	[tilespmem:$0x1FA70] =	vst v0;
	v0 =	vsel vm15, $0x57E, v3  }
0x2f3: {  	v4 =	vsel vm9, $0x4B8, v4;
	[tilespmem:$0x1FA80] =	vst v0;
	v0 =	vld [tilespmem:$0x1FA90]  }
0x2f4: {  	v4 =	vsel vm10, $0x4B9, v4  }
0x2f5: {  	v5 =	vsel vm4, $0x32F, v5;
	v4 =	vsel vm11, $0x4BA, v4  }
0x2f6: {  	v5 =	vsel vm5, $0x3F4, v5;
	v4 =	vsel vm12, $0x4BB, v4  }
0x2f7: {  	v5 =	vsel vm6, $0x3F5, v5;
	v4 =	vsel vm13, $0x580, v4  }
0x2f8: {  	v5 =	vsel vm7, $0x3F6, v5;
	v4 =	vsel vm14, $0x581, v4;
	v0 =	vsel vm15, $0x262, v0  }
0x2f9: {  	v5 =	vsel vm8, $0x3F7, v5;
	[tilespmem:$0x1FAA0] =	vst v0;
	v0 =	vsel vm15, $0x582, v4  }
0x2fa: {  	v5 =	vsel vm9, $0x4BC, v5;
	[tilespmem:$0x1FAB0] =	vst v0;
	v0 =	vld [tilespmem:$0x1FAC0]  }
0x2fb: {  	v5 =	vsel vm10, $0x4BD, v5  }
0x2fc: {  	v5 =	vsel vm11, $0x4BE, v5;
	v6 =	vsel vm4, $0x333, v6  }
0x2fd: {  	v5 =	vsel vm12, $0x4BF, v5;
	v6 =	vsel vm5, $0x3F8, v6  }
0x2fe: {  	v5 =	vsel vm13, $0x584, v5;
	v6 =	vsel vm6, $0x3F9, v6  }
0x2ff: {  	v6 =	vsel vm7, $0x3FA, v6;
	v5 =	vsel vm14, $0x585, v5;
	v0 =	vsel vm15, $0x266, v0  }
0x300: {  	v6 =	vsel vm8, $0x3FB, v6;
	[tilespmem:$0x1FAD0] =	vst v0;
	v0 =	vsel vm15, $0x586, v5  }
0x301: {  	v6 =	vsel vm9, $0x4C0, v6;
	[tilespmem:$0x1FAE0] =	vst v0;
	v0 =	vld [tilespmem:$0x1FAF0]  }
0x302: {  	v6 =	vsel vm10, $0x4C1, v6  }
0x303: {  	v7 =	vsel vm4, $0x337, v7;
	v6 =	vsel vm11, $0x4C2, v6  }
0x304: {  	v31 =	vsel vm4, $0x3BF, v31;
	v7 =	vsel vm5, $0x3FC, v7;
	v6 =	vsel vm12, $0x4C3, v6  }
0x305: {  	v30 =	vsel vm4, $0x3C3, v30;
	v7 =	vsel vm6, $0x3FD, v7;
	v6 =	vsel vm13, $0x588, v6  }
0x306: {  	v7 =	vsel vm7, $0x3FE, v7;
	v6 =	vsel vm14, $0x589, v6;
	v0 =	vsel vm15, $0x26A, v0  }
0x307: {  	v31 =	vsel vm5, $0x484, v31;
	v7 =	vsel vm8, $0x3FF, v7;
	[tilespmem:$0x1FB00] =	vst v0;
	v0 =	vsel vm15, $0x58A, v6  }
0x308: {  	v30 =	vsel vm5, $0x488, v30;
	v31 =	vsel vm6, $0x485, v31;
	v7 =	vsel vm9, $0x4C4, v7;
	[tilespmem:$0x1FB10] =	vst v0;
	v0 =	vld [tilespmem:$0x1FB20]  }
0x309: {  	v30 =	vsel vm6, $0x489, v30;
	v31 =	vsel vm7, $0x486, v31;
	v7 =	vsel vm10, $0x4C5, v7  }
0x30a: {  	v30 =	vsel vm7, $0x48A, v30;
	v7 =	vsel vm11, $0x4C6, v7;
	v8 =	vsel vm4, $0x33B, v8  }
0x30b: {  	v31 =	vsel vm8, $0x487, v31;
	v7 =	vsel vm12, $0x4C7, v7;
	v8 =	vsel vm5, $0x400, v8  }
0x30c: {  	v30 =	vsel vm8, $0x48B, v30;
	v7 =	vsel vm13, $0x58C, v7;
	v8 =	vsel vm6, $0x401, v8  }
0x30d: {  	v8 =	vsel vm7, $0x402, v8;
	v7 =	vsel vm14, $0x58D, v7;
	v0 =	vsel vm15, $0x26E, v0  }
0x30e: {  	v31 =	vsel vm9, $0x54C, v31;
	v8 =	vsel vm8, $0x403, v8;
	[tilespmem:$0x1FB30] =	vst v0;
	v0 =	vsel vm15, $0x58E, v7  }
0x30f: {  	v30 =	vsel vm9, $0x550, v30;
	v9 =	vsel vm4, $0x33F, v9;
	v8 =	vsel vm9, $0x4C8, v8;
	[tilespmem:$0x1FB40] =	vst v0;
	v0 =	vld [tilespmem:$0x1FB50]  }
0x310: {  	v11 =	vsel vm4, $0x347, v11;
	v9 =	vsel vm5, $0x404, v9;
	v8 =	vsel vm10, $0x4C9, v8  }
0x311: {  	v11 =	vsel vm5, $0x40C, v11;
	v9 =	vsel vm6, $0x405, v9;
	v8 =	vsel vm11, $0x4CA, v8  }
0x312: {  	v11 =	vsel vm6, $0x40D, v11;
	v13 =	vsel vm4, $0x34F, v13;
	v8 =	vsel vm12, $0x4CB, v8  }
0x313: {  	v9 =	vsel vm7, $0x406, v9;
	v11 =	vsel vm7, $0x40E, v11;
	v8 =	vsel vm13, $0x590, v8  }
0x314: {  	v13 =	vsel vm5, $0x414, v13;
	v8 =	vsel vm14, $0x591, v8;
	v0 =	vsel vm15, $0x272, v0  }
0x315: {  	v9 =	vsel vm8, $0x407, v9;
	v11 =	vsel vm8, $0x40F, v11;
	[tilespmem:$0x1FB60] =	vst v0;
	v0 =	vsel vm15, $0x592, v8  }
0x316: {  	v13 =	vsel vm6, $0x415, v13;
	v9 =	vsel vm9, $0x4CC, v9;
	v11 =	vsel vm9, $0x4D4, v11;
	[tilespmem:$0x1FB70] =	vst v0;
	v0 =	vld [tilespmem:$0x1FB80]  }
0x317: {  	v13 =	vsel vm7, $0x416, v13;
	v9 =	vsel vm10, $0x4CD, v9;
	v11 =	vsel vm10, $0x4D5, v11  }
0x318: {  	v13 =	vsel vm8, $0x417, v13;
	v9 =	vsel vm11, $0x4CE, v9;
	v10 =	vsel vm4, $0x343, v10  }
0x319: {  	v11 =	vsel vm11, $0x4D6, v11;
	v9 =	vsel vm12, $0x4CF, v9;
	v10 =	vsel vm5, $0x408, v10  }
0x31a: {  	v13 =	vsel vm9, $0x4DC, v13;
	v9 =	vsel vm13, $0x594, v9;
	v10 =	vsel vm6, $0x409, v10  }
0x31b: {  	v10 =	vsel vm7, $0x40A, v10;
	v9 =	vsel vm14, $0x595, v9;
	v0 =	vsel vm15, $0x276, v0  }
0x31c: {  	v11 =	vsel vm12, $0x4D7, v11;
	v10 =	vsel vm8, $0x40B, v10;
	[tilespmem:$0x1FB90] =	vst v0;
	v0 =	vsel vm15, $0x596, v9  }
0x31d: {  	v13 =	vsel vm10, $0x4DD, v13;
	v11 =	vsel vm13, $0x59C, v11;
	v10 =	vsel vm9, $0x4D0, v10;
	[tilespmem:$0x1FBA0] =	vst v0;
	v0 =	vld [tilespmem:$0x1FBB0]  }
0x31e: {  	v17 =	vsel vm4, $0x35F, v17;
	v13 =	vsel vm11, $0x4DE, v13;
	v10 =	vsel vm10, $0x4D1, v10  }
0x31f: {  	v17 =	vsel vm5, $0x424, v17;
	v19 =	vsel vm4, $0x367, v19;
	v10 =	vsel vm11, $0x4D2, v10  }
0x320: {  	v17 =	vsel vm6, $0x425, v17;
	v19 =	vsel vm5, $0x42C, v19;
	v10 =	vsel vm12, $0x4D3, v10  }
0x321: {  	v17 =	vsel vm7, $0x426, v17;
	v19 =	vsel vm6, $0x42D, v19;
	v10 =	vsel vm13, $0x598, v10  }
0x322: {  	v19 =	vsel vm7, $0x42E, v19;
	v10 =	vsel vm14, $0x599, v10;
	v0 =	vsel vm15, $0x27A, v0  }
0x323: {  	v17 =	vsel vm8, $0x427, v17;
	v19 =	vsel vm8, $0x42F, v19;
	[tilespmem:$0x1FBC0] =	vst v0;
	v0 =	vsel vm15, $0x59A, v10  }
0x324: {  	v13 =	vsel vm12, $0x4DF, v13;
	v17 =	vsel vm9, $0x4EC, v17;
	v19 =	vsel vm9, $0x4F4, v19;
	[tilespmem:$0x1FBD0] =	vst v0;
	v0 =	vld [tilespmem:$0x1FBE0]  }
0x325: {  	v13 =	vsel vm13, $0x5A4, v13;
	v17 =	vsel vm10, $0x4ED, v17;
	v19 =	vsel vm10, $0x4F5, v19  }
0x326: {  	v17 =	vsel vm11, $0x4EE, v17;
	v19 =	vsel vm11, $0x4F6, v19;
	v12 =	vsel vm4, $0x34B, v12  }
0x327: {  	v17 =	vsel vm12, $0x4EF, v17;
	v19 =	vsel vm12, $0x4F7, v19;
	v12 =	vsel vm5, $0x410, v12  }
0x328: {  	v17 =	vsel vm13, $0x5B4, v17;
	v19 =	vsel vm13, $0x5BC, v19;
	v12 =	vsel vm6, $0x411, v12  }
0x329: {  	v12 =	vsel vm7, $0x412, v12;
	v11 =	vsel vm14, $0x59D, v11;
	v0 =	vsel vm15, $0x27E, v0  }
0x32a: {  	v36 =	vsel vm6, $0x101, v36;
	v12 =	vsel vm8, $0x413, v12;
	[tilespmem:$0x1FBF0] =	vst v0;
	v0 =	vsel vm15, $0x59E, v11  }
0x32b: {  	v40 =	vsel vm6, $0x111, v40;
	v36 =	vsel vm7, $0x102, v36;
	v12 =	vsel vm9, $0x4D8, v12;
	[tilespmem:$0x1FC00] =	vst v0;
	v0 =	vld [tilespmem:$0x1FC10]  }
0x32c: {  	v40 =	vsel vm7, $0x112, v40;
	v37 =	vsel vm6, $0x105, v37;
	v12 =	vsel vm10, $0x4D9, v12  }
0x32d: {  	v38 =	vsel vm6, $0x109, v38;
	v36 =	vsel vm8, $0x103, v36;
	v12 =	vsel vm11, $0x4DA, v12  }
0x32e: {  	v40 =	vsel vm8, $0x113, v40;
	v37 =	vsel vm7, $0x106, v37;
	v12 =	vsel vm12, $0x4DB, v12  }
0x32f: {  	v38 =	vsel vm7, $0x10A, v38;
	v36 =	vsel vm9, $0x1C8, v36;
	v12 =	vsel vm13, $0x5A0, v12  }
0x330: {  	v40 =	vsel vm9, $0x1D8, v40;
	v12 =	vsel vm14, $0x5A1, v12;
	v0 =	vsel vm15, $0x282, v0  }
0x331: {  	v14 =	vsel vm4, $0x353, v14;
	v16 =	vsel vm4, $0x35B, v16;
	[tilespmem:$0x1FC20] =	vst v0;
	v0 =	vsel vm15, $0x5A2, v12  }
0x332: {  	v18 =	vsel vm4, $0x363, v18;
	v39 =	vsel vm6, $0x10D, v39;
	v37 =	vsel vm8, $0x107, v37;
	[tilespmem:$0x1FC30] =	vst v0;
	v0 =	vld [tilespmem:$0x1FC40]  }
0x333: {  	v38 =	vsel vm8, $0x10B, v38;
	v36 =	vsel vm10, $0x1C9, v36;
	v40 =	vsel vm10, $0x1D9, v40  }
0x334: {  	v14 =	vsel vm5, $0x418, v14;
	v16 =	vsel vm5, $0x420, v16;
	v18 =	vsel vm5, $0x428, v18  }
0x335: {  	v39 =	vsel vm7, $0x10E, v39;
	v37 =	vsel vm9, $0x1CC, v37;
	v38 =	vsel vm9, $0x1D0, v38  }
0x336: {  	v36 =	vsel vm11, $0x1CA, v36;
	v40 =	vsel vm11, $0x1DA, v40;
	v14 =	vsel vm6, $0x419, v14  }
0x337: {  	v14 =	vsel vm7, $0x41A, v14;
	v13 =	vsel vm14, $0x5A5, v13;
	v0 =	vsel vm15, $0x286, v0  }
0x338: {  	v16 =	vsel vm6, $0x421, v16;
	v14 =	vsel vm8, $0x41B, v14;
	[tilespmem:$0x1FC50] =	vst v0;
	v0 =	vsel vm15, $0x5A6, v13  }
0x339: {  	v18 =	vsel vm6, $0x429, v18;
	v39 =	vsel vm8, $0x10F, v39;
	v14 =	vsel vm9, $0x4E0, v14;
	[tilespmem:$0x1FC60] =	vst v0;
	v0 =	vld [tilespmem:$0x1FC70]  }
0x33a: {  	v37 =	vsel vm10, $0x1CD, v37;
	v38 =	vsel vm10, $0x1D1, v38;
	v14 =	vsel vm10, $0x4E1, v14  }
0x33b: {  	v36 =	vsel vm12, $0x1CB, v36;
	v16 =	vsel vm7, $0x422, v16;
	v14 =	vsel vm11, $0x4E2, v14  }
0x33c: {  	v18 =	vsel vm7, $0x42A, v18;
	v39 =	vsel vm9, $0x1D4, v39;
	v14 =	vsel vm12, $0x4E3, v14  }
0x33d: {  	v37 =	vsel vm11, $0x1CE, v37;
	v38 =	vsel vm11, $0x1D2, v38;
	v14 =	vsel vm13, $0x5A8, v14  }
0x33e: {  	v36 =	vsel vm13, $0x290, v36;
	v14 =	vsel vm14, $0x5A9, v14;
	v0 =	vsel vm15, $0x28A, v0  }
0x33f: {  	v16 =	vsel vm8, $0x423, v16;
	v18 =	vsel vm8, $0x42B, v18;
	[tilespmem:$0x1FC80] =	vst v0;
	v0 =	vsel vm15, $0x5AA, v14  }
0x340: {  	v39 =	vsel vm10, $0x1D5, v39;
	v37 =	vsel vm12, $0x1CF, v37;
	v38 =	vsel vm12, $0x1D3, v38;
	[tilespmem:$0x1FC90] =	vst v0;
	v0 =	vld [tilespmem:$0x1FCA0]  }
0x341: {  	v16 =	vsel vm9, $0x4E8, v16;
	v18 =	vsel vm9, $0x4F0, v18;
	v15 =	vsel vm10, $0x4E5, v15  }
0x342: {  	v39 =	vsel vm11, $0x1D6, v39;
	v37 =	vsel vm13, $0x294, v37;
	v15 =	vsel vm11, $0x4E6, v15  }
0x343: {  	v38 =	vsel vm13, $0x298, v38;
	v16 =	vsel vm10, $0x4E9, v16;
	v15 =	vsel vm12, $0x4E7, v15  }
0x344: {  	v36 =	vsel vm14, $0x291, v36;
	v16 =	vsel vm11, $0x4EA, v16;
	v15 =	vsel vm13, $0x5AC, v15  }
0x345: {  	v16 =	vsel vm12, $0x4EB, v16;
	v15 =	vsel vm14, $0x5AD, v15;
	v0 =	vsel vm15, $0x28E, v0  }
0x346: {  	v17 =	vsel vm14, $0x5B5, v17;
	v16 =	vsel vm13, $0x5B0, v16;
	[tilespmem:$0x1FCB0] =	vst v0;
	v0 =	vsel vm15, $0x5AE, v15  }
0x347: {  	v18 =	vsel vm10, $0x4F1, v18;
	v16 =	vsel vm14, $0x5B1, v16;
	[tilespmem:$0x1FCC0] =	vst v0;
	v0 =	vsel vm15, $0x292, v36  }
0x348: {  	v37 =	vsel vm14, $0x295, v37;
	v18 =	vsel vm11, $0x4F2, v18;
	[tilespmem:$0x1FCD0] =	vst v0;
	v0 =	vsel vm15, $0x5B2, v16  }
0x349: {  	v39 =	vsel vm12, $0x1D7, v39;
	v18 =	vsel vm12, $0x4F3, v18;
	[tilespmem:$0x1FCE0] =	vst v0;
	v0 =	vsel vm15, $0x296, v37  }
0x34a: {  	v38 =	vsel vm14, $0x299, v38;
	v18 =	vsel vm13, $0x5B8, v18;
	[tilespmem:$0x1FCF0] =	vst v0;
	v0 =	vsel vm15, $0x5B6, v17  }
0x34b: {  	v39 =	vsel vm13, $0x29C, v39;
	v18 =	vsel vm14, $0x5B9, v18;
	[tilespmem:$0x1FD00] =	vst v0;
	v0 =	vsel vm15, $0x29A, v38  }
0x34c: {  	v40 =	vsel vm12, $0x1DB, v40;
	v39 =	vsel vm14, $0x29D, v39;
	[tilespmem:$0x1FD10] =	vst v0;
	v0 =	vsel vm15, $0x5BA, v18  }
0x34d: {  	v40 =	vsel vm13, $0x2A0, v40;
	v19 =	vsel vm14, $0x5BD, v19;
	[tilespmem:$0x1FD20] =	vst v0;
	v0 =	vsel vm15, $0x29E, v39  }
0x34e: {  	v31 =	vsel vm10, $0x54D, v31;
	v40 =	vsel vm14, $0x2A1, v40;
	[tilespmem:$0x1FD30] =	vst v0;
	v0 =	vsel vm15, $0x5BE, v19  }
0x34f: {  	v30 =	vsel vm10, $0x551, v30;
	v31 =	vsel vm11, $0x54E, v31;
	[tilespmem:$0x1FD40] =	vst v0;
	v0 =	vsel vm15, $0x2A2, v40  }
0x350: {  	v30 =	vsel vm11, $0x552, v30;
	v31 =	vsel vm12, $0x54F, v31;
	v47 =	vsel vm6, $0x12D, v47;
	[tilespmem:$0x1FD50] =	vst v0;
	v0 =	vld [tilespmem:$0x1FD60]  }
0x351: {  	v30 =	vsel vm12, $0x553, v30;
	v21 =	vsel vm4, $0x36F, v21;
	v47 =	vsel vm7, $0x12E, v47  }
0x352: {  	v31 =	vsel vm13, $0x614, v31;
	v21 =	vsel vm5, $0x434, v21;
	v47 =	vsel vm8, $0x12F, v47  }
0x353: {  	v30 =	vsel vm13, $0x618, v30;
	v21 =	vsel vm6, $0x435, v21;
	v47 =	vsel vm9, $0x1F4, v47  }
0x354: {  	v62 =	vsel vm4, $0x37B, v62;
	v21 =	vsel vm7, $0x436, v21;
	v47 =	vsel vm10, $0x1F5, v47  }
0x355: {  	v63 =	vsel vm4, $0x377, v63;
	v47 =	vsel vm11, $0x1F6, v47;
	v46 =	vsel vm15, $0x2B6, v0;
	v0 =	vld [tilespmem:$0x1FD70]  }
0x356: {  	v62 =	vsel vm5, $0x440, v62;
	v21 =	vsel vm8, $0x437, v21;
	v47 =	vsel vm12, $0x1F7, v47  }
0x357: {  	v63 =	vsel vm5, $0x43C, v63;
	v62 =	vsel vm6, $0x441, v62;
	v47 =	vsel vm13, $0x2BC, v47  }
0x358: {  	v21 =	vsel vm9, $0x4FC, v21;
	v63 =	vsel vm6, $0x43D, v63;
	v45 =	vsel vm14, $0x2BD, v47  }
0x359: {  	v62 =	vsel vm7, $0x442, v62;
	v21 =	vsel vm10, $0x4FD, v21;
	v63 =	vsel vm7, $0x43E, v63;
	[tilespmem:$0x1FD80] =	vst v45  }
0x35a: {  	v62 =	vsel vm8, $0x443, v62;
	v21 =	vsel vm11, $0x4FE, v21;
	[tilespmem:$0x1FE80] =	vst v48;
	v48 =	vsel vm15, $0x2BA, v0;
	v0 =	vld [tilespmem:$0x1FD80]  }
0x35b: {  	v63 =	vsel vm8, $0x43F, v63;
	v62 =	vsel vm9, $0x508, v62;
	v21 =	vsel vm12, $0x4FF, v21  }
0x35c: {  	v63 =	vsel vm9, $0x504, v63;
	v62 =	vsel vm10, $0x509, v62;
	v21 =	vsel vm13, $0x5C4, v21  }
0x35d: {  	v61 =	vsel vm4, $0x37F, v61;
	v63 =	vsel vm10, $0x505, v63;
	v62 =	vsel vm11, $0x50A, v62  }
0x35e: {  	v59 =	vsel vm4, $0x387, v59;
	v61 =	vsel vm5, $0x444, v61;
	v63 =	vsel vm11, $0x506, v63  }
0x35f: {  	v62 =	vsel vm12, $0x50B, v62;
	v60 =	vsel vm4, $0x383, v60;
	[tilespmem:$0x1FEA0] =	vst v50;
	v50 =	vsel vm15, $0x2BE, v0;
	v0 =	vld [tilespmem:$0x1FD90]  }
0x360: {  	v58 =	vsel vm4, $0x38B, v58;
	v59 =	vsel vm5, $0x44C, v59;
	v61 =	vsel vm6, $0x445, v61  }
0x361: {  	v63 =	vsel vm12, $0x507, v63;
	v62 =	vsel vm13, $0x5D0, v62;
	v60 =	vsel vm5, $0x448, v60  }
0x362: {  	v58 =	vsel vm5, $0x450, v58;
	v59 =	vsel vm6, $0x44D, v59;
	v61 =	vsel vm7, $0x446, v61  }
0x363: {  	v63 =	vsel vm13, $0x5CC, v63;
	v60 =	vsel vm6, $0x449, v60;
	v58 =	vsel vm6, $0x451, v58  }
0x364: {  	v59 =	vsel vm7, $0x44E, v59;
	v61 =	vsel vm8, $0x447, v61;
	[tilespmem:$0x1FEC0] =	vst v52;
	v52 =	vsel vm15, $0x2C2, v0;
	v0 =	vld [tilespmem:$0x1FDA0]  }
0x365: {  	v60 =	vsel vm7, $0x44A, v60;
	v58 =	vsel vm7, $0x452, v58;
	v59 =	vsel vm8, $0x44F, v59  }
0x366: {  	v61 =	vsel vm9, $0x50C, v61;
	v57 =	vsel vm4, $0x38F, v57;
	v60 =	vsel vm8, $0x44B, v60  }
0x367: {  	v58 =	vsel vm8, $0x453, v58;
	v59 =	vsel vm9, $0x514, v59;
	v61 =	vsel vm10, $0x50D, v61  }
0x368: {  	v57 =	vsel vm5, $0x454, v57;
	v60 =	vsel vm9, $0x510, v60;
	v58 =	vsel vm9, $0x518, v58  }
0x369: {  	v59 =	vsel vm10, $0x515, v59;
	v61 =	vsel vm11, $0x50E, v61;
	[tilespmem:$0x1FEE0] =	vst v54;
	v54 =	vsel vm15, $0x2C6, v0;
	v0 =	vld [tilespmem:$0x1FDB0]  }
0x36a: {  	v57 =	vsel vm6, $0x455, v57;
	v60 =	vsel vm10, $0x511, v60;
	v58 =	vsel vm10, $0x519, v58  }
0x36b: {  	v59 =	vsel vm11, $0x516, v59;
	v61 =	vsel vm12, $0x50F, v61;
	v57 =	vsel vm7, $0x456, v57  }
0x36c: {  	v60 =	vsel vm11, $0x512, v60;
	v58 =	vsel vm11, $0x51A, v58;
	v57 =	vsel vm8, $0x457, v57  }
0x36d: {  	v59 =	vsel vm12, $0x517, v59;
	v61 =	vsel vm13, $0x5D4, v61;
	v57 =	vsel vm9, $0x51C, v57  }
0x36e: {  	v60 =	vsel vm12, $0x513, v60;
	v57 =	vsel vm10, $0x51D, v57;
	[tilespmem:$0x1FF00] =	vst v56;
	v56 =	vsel vm15, $0x2CA, v0;
	v0 =	vld [tilespmem:$0x1FDC0]  }
0x36f: {  	v58 =	vsel vm12, $0x51B, v58;
	v59 =	vsel vm13, $0x5DC, v59;
	v57 =	vsel vm11, $0x51E, v57  }
0x370: {  	v60 =	vsel vm13, $0x5D8, v60;
	v58 =	vsel vm13, $0x5E0, v58;
	v57 =	vsel vm12, $0x51F, v57  }
0x371: {  	v57 =	vsel vm13, $0x5E4, v57;
	v33 =	vsel vm4, $0x3B7, v33;
	v32 =	vsel vm4, $0x3BB, v32  }
0x372: {  	v34 =	vsel vm4, $0x3B3, v34;
	v33 =	vsel vm5, $0x47C, v33;
	v57 =	vsel vm14, $0x5E5, v57  }
0x373: {  	v32 =	vsel vm5, $0x480, v32;
	[tilespmem:$0x1FEF0] =	vst v55;
	v55 =	vsel vm15, $0x5E6, v57;
	v57 =	vsel vm15, $0x5EA, v0;
	v0 =	vld [tilespmem:$0x1FDD0]  }
0x374: {  	v35 =	vsel vm4, $0x3AF, v35;
	v34 =	vsel vm5, $0x478, v34;
	v33 =	vsel vm6, $0x47D, v33  }
0x375: {  	v32 =	vsel vm6, $0x481, v32;
	v35 =	vsel vm5, $0x474, v35;
	v34 =	vsel vm6, $0x479, v34  }
0x376: {  	v33 =	vsel vm7, $0x47E, v33;
	v32 =	vsel vm7, $0x482, v32;
	v35 =	vsel vm6, $0x475, v35  }
0x377: {  	v34 =	vsel vm7, $0x47A, v34;
	v33 =	vsel vm8, $0x47F, v33;
	v58 =	vsel vm14, $0x5E1, v58  }
0x378: {  	v32 =	vsel vm8, $0x483, v32;
	[tilespmem:$0x1FED0] =	vst v53;
	v53 =	vsel vm15, $0x5E2, v58;
	v58 =	vsel vm15, $0x2CE, v0;
	v0 =	vld [tilespmem:$0x1FDE0]  }
0x379: {  	v35 =	vsel vm7, $0x476, v35;
	v34 =	vsel vm8, $0x47B, v34;
	v33 =	vsel vm9, $0x544, v33  }
0x37a: {  	v32 =	vsel vm9, $0x548, v32;
	v35 =	vsel vm8, $0x477, v35;
	v34 =	vsel vm9, $0x540, v34  }
0x37b: {  	v33 =	vsel vm10, $0x545, v33;
	v32 =	vsel vm10, $0x549, v32;
	v29 =	vsel vm4, $0x3C7, v29  }
0x37c: {  	v35 =	vsel vm9, $0x53C, v35;
	v34 =	vsel vm10, $0x541, v34;
	v59 =	vsel vm14, $0x5DD, v59  }
0x37d: {  	v33 =	vsel vm11, $0x546, v33;
	[tilespmem:$0x1FEB0] =	vst v51;
	v51 =	vsel vm15, $0x5DE, v59;
	v59 =	vsel vm15, $0x5EE, v0;
	v0 =	vld [tilespmem:$0x1FDF0]  }
0x37e: {  	v32 =	vsel vm11, $0x54A, v32;
	v29 =	vsel vm5, $0x48C, v29;
	v35 =	vsel vm10, $0x53D, v35  }
0x37f: {  	v34 =	vsel vm11, $0x542, v34;
	v33 =	vsel vm12, $0x547, v33;
	v32 =	vsel vm12, $0x54B, v32  }
0x380: {  	v29 =	vsel vm6, $0x48D, v29;
	v35 =	vsel vm11, $0x53E, v35;
	v34 =	vsel vm12, $0x543, v34  }
0x381: {  	v33 =	vsel vm13, $0x60C, v33;
	v32 =	vsel vm13, $0x610, v32;
	v60 =	vsel vm14, $0x5D9, v60  }
0x382: {  	v44 =	vsel vm6, $0x121, v44;
	[tilespmem:$0x1FE90] =	vst v49;
	v49 =	vsel vm15, $0x5DA, v60;
	v60 =	vsel vm15, $0x2D2, v0;
	v0 =	vld [tilespmem:$0x1FE00]  }
0x383: {  	v29 =	vsel vm7, $0x48E, v29;
	v35 =	vsel vm12, $0x53F, v35;
	v34 =	vsel vm13, $0x608, v34  }
0x384: {  	v44 =	vsel vm7, $0x122, v44;
	v29 =	vsel vm8, $0x48F, v29;
	v35 =	vsel vm13, $0x604, v35;
	[tilespmem:$0x1FFA0] =	vst v23;
	v23 =	vld [tilespmem:$0x1FA20]  }
0x385: {  	v41 =	vsel vm6, $0x115, v41;
	v42 =	vsel vm6, $0x119, v42;
	v44 =	vsel vm8, $0x123, v44  }
0x386: {  	v29 =	vsel vm9, $0x554, v29;
	v41 =	vsel vm7, $0x116, v41;
	v61 =	vsel vm14, $0x5D5, v61  }
0x387: {  	v42 =	vsel vm7, $0x11A, v42;
	v47 =	vsel vm15, $0x5D6, v61;
	v61 =	vsel vm15, $0x5F2, v0;
	v0 =	vld [tilespmem:$0x1FE10]  }
0x388: {  	v44 =	vsel vm9, $0x1E8, v44;
	v43 =	vsel vm6, $0x11D, v43;
	v42 =	vsel vm8, $0x11B, v42  }
0x389: {  	v43 =	vsel vm7, $0x11E, v43;
	v42 =	vsel vm9, $0x1E0, v42;
	v23 =	vsel vm14, $0x31D, v23  }
0x38a: {  	v29 =	vsel vm10, $0x555, v29;
	v43 =	vsel vm8, $0x11F, v43;
	v42 =	vsel vm10, $0x1E1, v42;
	[tilespmem:$0x1FFB0] =	vst v23;
	v23 =	vld [tilespmem:$0x1FA30]  }
0x38b: {  	v43 =	vsel vm9, $0x1E4, v43;
	v42 =	vsel vm11, $0x1E2, v42;
	v62 =	vsel vm14, $0x5D1, v62  }
0x38c: {  	v43 =	vsel vm10, $0x1E5, v43;
	v45 =	vsel vm15, $0x5D2, v62;
	v62 =	vsel vm15, $0x2D6, v0;
	v0 =	vld [tilespmem:$0x1FE20]  }
0x38d: {  	s2 =	simm.s32 $0x0;
	v20 =	vsel vm4, $0x36B, v20;
	v42 =	vsel vm12, $0x1E3, v42;
	v43 =	vsel vm11, $0x1E6, v43  }
0x38e: {  	v41 =	vsel vm8, $0x117, v41;
	v42 =	vsel vm13, $0x2A8, v42;
	v43 =	vsel vm12, $0x1E7, v43;
	[smem:$0x7FF] =	sst s2  }
0x38f: {  	v42 =	vsel vm14, $0x2A9, v42;
	v43 =	vsel vm13, $0x2AC, v43;
	s3 =	rddreg [dreg:$0x0];
	[tilespmem:$0x1FF70] =	vst v24;
	v2 =	vld [tilespmem:$0x1FE50];
	v23 =	vsel vm14, $0x63D, v23  }
0x390: {  	v63 =	vsel vm14, $0x5CD, v63;
	v43 =	vsel vm14, $0x2AD, v43;
	s8 =	rddreg [dreg:$0x1];
	v1 =	vld [tilespmem:$0x1FE40];
	[tilespmem:$0x1FFC0] =	vst v23;
	v40 =	vsel vm15, $0x2AA, v42  }
0x391: {  	s0 =	rddreg [dreg:$0x2];
	v42 =	vsel vm15, $0x2AE, v43;
	v43 =	vsel vm15, $0x5CE, v63;
	v63 =	vsel vm15, $0x5F6, v0;
	v0 =	vld [tilespmem:$0x1FE30];
	_ =	strace $0x80000047  }
0x392: {  	v44 =	vsel vm10, $0x1E9, v44;
	v29 =	vsel vm11, $0x556, v29;
	v20 =	vsel vm5, $0x430, v20;
	v3 =	vld [tilespmem:$0x1FE60]  }
0x393: {  	v41 =	vsel vm9, $0x1DC, v41;
	v44 =	vsel vm11, $0x1EA, v44;
	v29 =	vsel vm12, $0x557, v29;
	v4 =	vld [tilespmem:$0x1FE70]  }
0x394: {  	v20 =	vsel vm6, $0x431, v20;
	v41 =	vsel vm10, $0x1DD, v41;
	v44 =	vsel vm12, $0x1EB, v44;
	v5 =	vld [tilespmem:$0x1FE80]  }
0x395: {  	v29 =	vsel vm13, $0x61C, v29;
	v20 =	vsel vm7, $0x432, v20;
	v22 =	vsel vm4, $0x373, v22;
	v6 =	vld [tilespmem:$0x1FE90]  }
0x396: {  	v41 =	vsel vm11, $0x1DE, v41;
	v20 =	vsel vm8, $0x433, v20;
	v22 =	vsel vm5, $0x438, v22;
	v8 =	vld [tilespmem:$0x1FEA0]  }
0x397: {  	v44 =	vsel vm13, $0x2B0, v44;
	v20 =	vsel vm9, $0x4F8, v20;
	v22 =	vsel vm6, $0x439, v22;
	v10 =	vld [tilespmem:$0x1FEB0]  }
0x398: {  	v41 =	vsel vm12, $0x1DF, v41;
	v20 =	vsel vm10, $0x4F9, v20;
	v22 =	vsel vm7, $0x43A, v22;
	v12 =	vld [tilespmem:$0x1FEC0]  }
0x399: {  	v41 =	vsel vm13, $0x2A4, v41;
	v20 =	vsel vm11, $0x4FA, v20;
	v22 =	vsel vm8, $0x43B, v22;
	v36 =	vld [tilespmem:$0x1FF90]  }
0x39a: {  	v21 =	vsel vm14, $0x5C5, v21;
	v20 =	vsel vm12, $0x4FB, v20;
	v22 =	vsel vm9, $0x500, v22;
	v14 =	vld [tilespmem:$0x1FED0]  }
0x39b: {  	v44 =	vsel vm14, $0x2B1, v44;
	v20 =	vsel vm13, $0x5C0, v20;
	v22 =	vsel vm10, $0x501, v22;
	v16 =	vld [tilespmem:$0x1FEE0]  }
0x39c: {  	v35 =	vsel vm14, $0x605, v35;
	v20 =	vsel vm14, $0x5C1, v20;
	v22 =	vsel vm11, $0x502, v22;
	v18 =	vld [tilespmem:$0x1FEF0]  }
0x39d: {  	v32 =	vsel vm14, $0x611, v32;
	v22 =	vsel vm12, $0x503, v22;
	v37 =	vsel vm15, $0x5C2, v20;
	v20 =	vld [tilespmem:$0x1FF00]  }
0x39e: {  	v22 =	vsel vm13, $0x5C8, v22;
	v13 =	vsel vm15, $0x612, v32;
	v32 =	vsel vm15, $0x31A, v36;
	v36 =	vld [tilespmem:$0x1FFA0]  }
0x39f: {  	v41 =	vsel vm14, $0x2A5, v41;
	v22 =	vsel vm14, $0x5C9, v22;
	v39 =	vsel vm15, $0x5C6, v21;
	v21 =	vld [tilespmem:$0x1FF10]  }
0x3a0: {  	v34 =	vsel vm14, $0x609, v34;
	v38 =	vsel vm15, $0x2A6, v41;
	v41 =	vsel vm15, $0x5CA, v22;
	v22 =	vld [tilespmem:$0x1FF20]  }
0x3a1: {  	s4 =	srdreg.scid;
	v33 =	vsel vm14, $0x60D, v33;
	v31 =	vsel vm14, $0x615, v31;
	v30 =	vsel vm14, $0x619, v30;
	v24 =	vld [tilespmem:$0x1FF30]  }
0x3a2: {  	s1 =	stileid.u32;
	s13 =	simm.s32 $0x12C0;
	s14 =	simm.s32 $0xE100;
	v29 =	vsel vm14, $0x61D, v29;
	v44 =	vsel vm15, $0x2B2, v44;
	v23 =	vsel vm15, $0x626, v27;
	v27 =	vld [tilespmem:$0x1FF40]  }
0x3a3: {  	s15 =	simm.s32 $0x1;
	s16 =	simm.s32 $0x2;
	s11 =	smul.u32 $0x1900, s1;
	v26 =	vsel vm15, $0x30E, v26;
	v11 =	vsel vm15, $0x60E, v33;
	v33 =	vsel vm15, $0x63A, v36;
	v36 =	vld [tilespmem:$0x1FFB0]  }
0x3a4: {  	s6 =	sand.u32 $0x1, s4;
	s26 =	sshll.u32 s1, $0x1;
	s30 =	smul.u32 $0x32000, s1;
	v25 =	vsel vm15, $0x62A, v28;
	v2 =	vsel vm15, $0x2DE, v2;
	v1 =	vsel vm15, $0x5FA, v1;
	v28 =	vld [tilespmem:$0x1FF50]  }
0x3a5: {  	s17 =	simm.s32 $0x3;
	s4 =	sor.u32 s6, s26;
	s12 =	smul.u32 $0xC80, s6;
	v7 =	vsel vm15, $0x606, v35;
	v9 =	vsel vm15, $0x60A, v34;
	v19 =	vsel vm15, $0x61E, v29;
	v29 =	vld [tilespmem:$0x1FF60]  }
0x3a6: {  	s18 =	simm.s32 $0x4;
	s9 =	ssub.s32 $0x2, s6;
	s5 =	smul.u32 $0xC80, s4;
	v15 =	vsel vm15, $0x616, v31;
	v17 =	vsel vm15, $0x61A, v30;
	v30 =	vld [tilespmem:$0x1FF70];
	v0 =	vsel vm15, $0x2DA, v0  }
0x3a7: {  	s19 =	simm.s32 $0x0;
	s4 =	smul.u32 $0x6400, s4;
	s10 =	sshrl.u32 s9, $0x1;
	v31 =	vld [tilespmem:$0x1FF80];
	v3 =	vsel vm15, $0x5FE, v3;
	v4 =	vsel vm15, $0x2E2, v4;
	v5 =	vsel vm15, $0x602, v5  }
0x3a8: {  	s31 =	smul.u32 $0x19000, s6;
	s9 =	ssub.s32 s9, s10;
	s10 =	simm.s32 $0x640;
	v6 =	vsel vm15, $0x2E6, v6;
	v8 =	vsel vm15, $0x2EA, v8;
	v34 =	vsel vm15, $0x31E, v36;
	v36 =	vld [tilespmem:$0x1FFC0]  }
.Ltmp0:
0x3a9: {  	s28 =	sshrl.u32 s4, $0x3;
	s6 =	smax.u32 s9, $0x1;
	v10 =	vsel vm15, $0x2EE, v10;
	v12 =	vsel vm15, $0x2F2, v12;
	v14 =	vsel vm15, $0x2F6, v14;
	(pc) =	sbr.rel .LBB2_1-.Ltmp0, $4  }
0x3aa: {  	s9 =	simm.s32 $0x5;
	s7 =	sadd.s32 $0x600, s3;
	s3 =	sadd.s32 $0xF42A00, s3;
	v16 =	vsel vm15, $0x2FA, v16;
	v18 =	vsel vm15, $0x2FE, v18;
	v20 =	vsel vm15, $0x302, v20  }
0x3ab: {  	s8 =	sadd.s32 s30, s8;
	s4 =	sadd.s32 s7, s5;
	s29 =	sadd.s32 s7, s28;
	[tilespmem:$0x1FFD0] =	vst v51;
	v21 =	vsel vm15, $0x622, v21;
	v22 =	vsel vm15, $0x306, v22;
	v24 =	vsel vm15, $0x30A, v24  }
0x3ac: {  	s7 =	sadd.s32 s11, s7;
	s8 =	sadd.s32 s31, s8;
	s11 =	simm.s32 $0xC80;
	[tilespmem:$0x1FFE0] =	vst v1;
	v27 =	vsel vm15, $0x62E, v27;
	v28 =	vsel vm15, $0x312, v28;
	v29 =	vsel vm15, $0x632, v29  }
0x3ad: {  	s5 =	sadd.s32 $0xC8, s29;
	s7 =	sadd.s32 s12, s7;
	s12 =	simm.s32 $0x1900;
	[tilespmem:$0x1FFF0] =	vst v37;
	v30 =	vsel vm15, $0x316, v30;
	v31 =	vsel vm15, $0x636, v31;
	v35 =	vsel vm15, $0x63E, v36  }
.LBB2_6:
0x3ae: {  	s19 =	sadd.s32 $0x1, s19  }
0x3af: {  	_ =	swait.ge [sflag:s17], $0xC800;
	p0 =	sne.s32 s19, s6  }
.Ltmp1:
0x3b0: {  	[sflag:s17] =	ssyncset.done $0x0;
	(pc) =	sbr.rel @!p0 .LBB2_7-.Ltmp1, $4  }
0x3b1: {  	[sflag:s17] =	ssyncadd.s32 $0xFFFF3800  }
0x3b2: {  	_ =	swait.ge [sflag:s18], $0xC800  }
0x3b3: {  	[sflag:s18] =	ssyncset.done $0x0  }
0x3b4: {  	[sflag:s18] =	ssyncadd.s32 $0xFFFF3800  }
.LBB2_1:
0x3b5: {  	[tilespmem:s2], [sflag:$0x5] =	stream.linear.gather [hbm4b:s4+s2], $0x640, $0x38;
	[tilespmem:$0x1A900] =	vst v63  }
0x3b6: {  	_ =	swait.ge [sflag:s9], $0x640  }
0x3b7: {  	v1 =	vld [tilespmem:$0x1FA50];
	_ =	sdelay $0x5  }
0x3b8: {  	[sflag:s9] =	ssyncset.done $0x0  }
0x3b9: {  	[sflag:s9] =	ssyncadd.s32 $0xFFFFF9C0  }
0x3ba: {  	v36 =	vld.idx.msk [tilespmem:v1+s2+$0x0], $0xffff;
	v1 =	vmov v0  }
0x3bb: {  	v0 =	vmovc v63;
	v63 =	vmovc v62;
	v62 =	vmov v61;
	v61 =	vmov v60;
	v60 =	vmov v59  }
0x3bc: {  	v59 =	vmovc v58;
	v58 =	vmovc v57;
	v57 =	vmov v56;
	v56 =	vmov v55;
	v55 =	vmov v54;
	v54 =	vld [tilespmem:$0x1FA60];
	_ =	sdelay $0x4  }
0x3bd: {  	v37 =	vmov v7  }
0x3be: {  	v7 =	vmovc v6;
	v6 =	vmovc v5;
	v5 =	vmov v4;
	v4 =	vmov v3;
	v3 =	vmov v2;
	v2 =	vld [tilespmem:$0x1FA70]  }
0x3bf: {  	[tilespmem:$0xC80] =	vst v36  }
0x3c0: {  	v36 =	vld.idx.msk [tilespmem:v54+s2+$0x0], $0xffff;
	_ =	sdelay $0x4  }
0x3c1: {  	[tilespmem:$0xC90] =	vst v36  }
0x3c2: {  	v36 =	vld.idx.msk [tilespmem:v2+s2+$0x0], $0xffff;
	_ =	sdelay $0x4  }
0x3c3: {  	[tilespmem:$0xCA0] =	vst v36;
	v36 =	vld [tilespmem:$0x1FA80];
	_ =	sdelay $0x7  }
0x3c4: {  	v36 =	vld.idx.msk [tilespmem:v36+s2+$0x0], $0xffff;
	_ =	sdelay $0x4  }
0x3c5: {  	[tilespmem:$0xCB0] =	vst v36;
	v36 =	vld [tilespmem:$0x1FAA0];
	_ =	sdelay $0x7  }
0x3c6: {  	v36 =	vld.idx.msk [tilespmem:v36+s2+$0x0], $0xffff;
	_ =	sdelay $0x4  }
0x3c7: {  	[tilespmem:$0xCC0] =	vst v36;
	v36 =	vld [tilespmem:$0x1FAB0];
	_ =	sdelay $0x7  }
0x3c8: {  	v36 =	vld.idx.msk [tilespmem:v36+s2+$0x0], $0xffff;
	_ =	sdelay $0x4  }
0x3c9: {  	[tilespmem:$0xCD0] =	vst v36;
	v36 =	vld [tilespmem:$0x1FAD0];
	_ =	sdelay $0x7  }
0x3ca: {  	v36 =	vld.idx.msk [tilespmem:v36+s2+$0x0], $0xffff;
	_ =	sdelay $0x4  }
0x3cb: {  	[tilespmem:$0xCE0] =	vst v36;
	v36 =	vld [tilespmem:$0x1FAE0];
	_ =	sdelay $0x7  }
0x3cc: {  	v36 =	vld.idx.msk [tilespmem:v36+s2+$0x0], $0xffff;
	_ =	sdelay $0x4  }
0x3cd: {  	[tilespmem:$0xCF0] =	vst v36;
	v36 =	vld [tilespmem:$0x1FB00];
	_ =	sdelay $0x7  }
0x3ce: {  	v36 =	vld.idx.msk [tilespmem:v36+s2+$0x0], $0xffff;
	_ =	sdelay $0x4  }
0x3cf: {  	[tilespmem:$0xD00] =	vst v36;
	v36 =	vld [tilespmem:$0x1FB10];
	_ =	sdelay $0x7  }
0x3d0: {  	v36 =	vld.idx.msk [tilespmem:v36+s2+$0x0], $0xffff;
	_ =	sdelay $0x4  }
0x3d1: {  	[tilespmem:$0xD10] =	vst v36;
	v36 =	vld [tilespmem:$0x1FB30];
	_ =	sdelay $0x7  }
0x3d2: {  	v36 =	vld.idx.msk [tilespmem:v36+s2+$0x0], $0xffff;
	_ =	sdelay $0x4  }
0x3d3: {  	[tilespmem:$0xD20] =	vst v36;
	v36 =	vld [tilespmem:$0x1FB40];
	_ =	sdelay $0x7  }
0x3d4: {  	v36 =	vld.idx.msk [tilespmem:v36+s2+$0x0], $0xffff;
	_ =	sdelay $0x4  }
0x3d5: {  	[tilespmem:$0xD30] =	vst v36;
	v36 =	vld [tilespmem:$0x1FB60];
	_ =	sdelay $0x7  }
0x3d6: {  	v36 =	vld.idx.msk [tilespmem:v36+s2+$0x0], $0xffff;
	_ =	sdelay $0x4  }
0x3d7: {  	[tilespmem:$0xD40] =	vst v36;
	v36 =	vld [tilespmem:$0x1FB70];
	_ =	sdelay $0x7  }
0x3d8: {  	v36 =	vld.idx.msk [tilespmem:v36+s2+$0x0], $0xffff;
	_ =	sdelay $0x4  }
0x3d9: {  	[tilespmem:$0xD50] =	vst v36;
	v36 =	vld [tilespmem:$0x1FB90];
	_ =	sdelay $0x7  }
0x3da: {  	v36 =	vld.idx.msk [tilespmem:v36+s2+$0x0], $0xffff;
	_ =	sdelay $0x4  }
0x3db: {  	[tilespmem:$0xD60] =	vst v36;
	v36 =	vld [tilespmem:$0x1FBA0];
	_ =	sdelay $0x7  }
0x3dc: {  	v36 =	vld.idx.msk [tilespmem:v36+s2+$0x0], $0xffff;
	_ =	sdelay $0x4  }
0x3dd: {  	[tilespmem:$0xD70] =	vst v36;
	v36 =	vld [tilespmem:$0x1FBC0];
	_ =	sdelay $0x7  }
0x3de: {  	v36 =	vld.idx.msk [tilespmem:v36+s2+$0x0], $0xffff;
	_ =	sdelay $0x4  }
0x3df: {  	[tilespmem:$0xD80] =	vst v36;
	v36 =	vld [tilespmem:$0x1FBD0];
	_ =	sdelay $0x7  }
0x3e0: {  	v36 =	vld.idx.msk [tilespmem:v36+s2+$0x0], $0xffff;
	_ =	sdelay $0x4  }
0x3e1: {  	[tilespmem:$0xD90] =	vst v36;
	v36 =	vld [tilespmem:$0x1FBF0];
	_ =	sdelay $0x7  }
0x3e2: {  	v36 =	vld.idx.msk [tilespmem:v36+s2+$0x0], $0xffff;
	_ =	sdelay $0x4  }
0x3e3: {  	[tilespmem:$0xDA0] =	vst v36;
	v36 =	vld [tilespmem:$0x1FC00];
	_ =	sdelay $0x7  }
0x3e4: {  	v36 =	vld.idx.msk [tilespmem:v36+s2+$0x0], $0xffff;
	_ =	sdelay $0x4  }
0x3e5: {  	[tilespmem:$0xDB0] =	vst v36;
	v36 =	vld [tilespmem:$0x1FC20];
	_ =	sdelay $0x7  }
0x3e6: {  	v36 =	vld.idx.msk [tilespmem:v36+s2+$0x0], $0xffff;
	_ =	sdelay $0x4  }
0x3e7: {  	[tilespmem:$0xDC0] =	vst v36;
	v36 =	vld [tilespmem:$0x1FC30];
	_ =	sdelay $0x7  }
0x3e8: {  	v36 =	vld.idx.msk [tilespmem:v36+s2+$0x0], $0xffff;
	_ =	sdelay $0x4  }
0x3e9: {  	[tilespmem:$0xDD0] =	vst v36;
	v36 =	vld [tilespmem:$0x1FC50];
	_ =	sdelay $0x7  }
0x3ea: {  	v36 =	vld.idx.msk [tilespmem:v36+s2+$0x0], $0xffff;
	_ =	sdelay $0x4  }
0x3eb: {  	[tilespmem:$0xDE0] =	vst v36;
	v36 =	vld [tilespmem:$0x1FC60];
	_ =	sdelay $0x7  }
0x3ec: {  	v36 =	vld.idx.msk [tilespmem:v36+s2+$0x0], $0xffff;
	_ =	sdelay $0x4  }
0x3ed: {  	[tilespmem:$0xDF0] =	vst v36;
	v36 =	vld [tilespmem:$0x1FC80];
	_ =	sdelay $0x7  }
0x3ee: {  	v36 =	vld.idx.msk [tilespmem:v36+s2+$0x0], $0xffff;
	_ =	sdelay $0x4  }
0x3ef: {  	[tilespmem:$0xE00] =	vst v36;
	v36 =	vld [tilespmem:$0x1FC90];
	_ =	sdelay $0x7  }
0x3f0: {  	v36 =	vld.idx.msk [tilespmem:v36+s2+$0x0], $0xffff;
	_ =	sdelay $0x4  }
0x3f1: {  	[tilespmem:$0xE10] =	vst v36;
	v36 =	vld [tilespmem:$0x1FCB0];
	_ =	sdelay $0x7  }
0x3f2: {  	v36 =	vld.idx.msk [tilespmem:v36+s2+$0x0], $0xffff;
	_ =	sdelay $0x4  }
0x3f3: {  	[tilespmem:$0xE20] =	vst v36;
	v36 =	vld [tilespmem:$0x1FCC0];
	_ =	sdelay $0x7  }
0x3f4: {  	v36 =	vld.idx.msk [tilespmem:v36+s2+$0x0], $0xffff;
	_ =	sdelay $0x4  }
0x3f5: {  	[tilespmem:$0xE30] =	vst v36;
	v36 =	vld [tilespmem:$0x1FCD0];
	_ =	sdelay $0x7  }
0x3f6: {  	v36 =	vld.idx.msk [tilespmem:v36+s2+$0x0], $0xffff;
	_ =	sdelay $0x4  }
0x3f7: {  	[tilespmem:$0xE40] =	vst v36;
	v36 =	vld [tilespmem:$0x1FCE0];
	_ =	sdelay $0x7  }
0x3f8: {  	v36 =	vld.idx.msk [tilespmem:v36+s2+$0x0], $0xffff;
	_ =	sdelay $0x4  }
0x3f9: {  	[tilespmem:$0xE50] =	vst v36;
	v36 =	vld [tilespmem:$0x1FCF0];
	_ =	sdelay $0x7  }
0x3fa: {  	v36 =	vld.idx.msk [tilespmem:v36+s2+$0x0], $0xffff;
	_ =	sdelay $0x4  }
0x3fb: {  	[tilespmem:$0xE60] =	vst v36;
	v36 =	vld [tilespmem:$0x1FD00];
	_ =	sdelay $0x7  }
0x3fc: {  	v36 =	vld.idx.msk [tilespmem:v36+s2+$0x0], $0xffff;
	_ =	sdelay $0x4  }
0x3fd: {  	[tilespmem:$0xE70] =	vst v36;
	v36 =	vld [tilespmem:$0x1FD10];
	_ =	sdelay $0x7  }
0x3fe: {  	v36 =	vld.idx.msk [tilespmem:v36+s2+$0x0], $0xffff;
	_ =	sdelay $0x4  }
0x3ff: {  	[tilespmem:$0xE80] =	vst v36;
	v36 =	vld [tilespmem:$0x1FD20];
	_ =	sdelay $0x7  }
0x400: {  	v36 =	vld.idx.msk [tilespmem:v36+s2+$0x0], $0xffff;
	_ =	sdelay $0x4  }
0x401: {  	[tilespmem:$0xE90] =	vst v36;
	v36 =	vld [tilespmem:$0x1FD30];
	_ =	sdelay $0x7  }
0x402: {  	v36 =	vld.idx.msk [tilespmem:v36+s2+$0x0], $0xffff;
	_ =	sdelay $0x4  }
0x403: {  	[tilespmem:$0xEA0] =	vst v36;
	v36 =	vld [tilespmem:$0x1FD40];
	_ =	sdelay $0x7  }
0x404: {  	v36 =	vld.idx.msk [tilespmem:v36+s2+$0x0], $0xffff;
	_ =	sdelay $0x4  }
0x405: {  	[tilespmem:$0xEB0] =	vst v36;
	v36 =	vld [tilespmem:$0x1FD50];
	_ =	sdelay $0x4  }
0x406: {  	v2 =	vmov v3  }
0x407: {  	v3 =	vmovc v4;
	v4 =	vmovc v5;
	v5 =	vmov v6;
	v6 =	vmov v7;
	v7 =	vmov v37;
	v37 =	vld [tilespmem:$0x1FFF0];
	_ =	sdelay $0x1  }
0x408: {  	v36 =	vld.idx.msk [tilespmem:v36+s2+$0x0], $0xffff;
	_ =	sdelay $0x4  }
0x409: {  	[tilespmem:$0xEC0] =	vst v36  }
0x40a: {  	v36 =	vld.idx.msk [tilespmem:v37+s2+$0x0], $0xffff;
	_ =	sdelay $0x4  }
0x40b: {  	[tilespmem:$0xED0] =	vst v36  }
0x40c: {  	v36 =	vld.idx.msk [tilespmem:v38+s2+$0x0], $0xffff;
	_ =	sdelay $0x3  }
0x40d: {  	v51 =	vmov v50  }
0x40e: {  	v50 =	vmovc v49;
	v49 =	vmovc v48;
	v48 =	vmov v47;
	v47 =	vmov v46;
	v46 =	vmov v45;
	[tilespmem:$0xEE0] =	vst v36  }
0x40f: {  	v45 =	vmovc v44;
	v44 =	vmovc v43;
	v43 =	vmov v42;
	v42 =	vmov v41;
	v41 =	vmov v40;
	v36 =	vld.idx.msk [tilespmem:v39+s2+$0x0], $0xffff  }
0x410: {  	v40 =	vmov v41;
	_ =	sdelay $0x3  }
0x411: {  	[tilespmem:$0xEF0] =	vst v36  }
0x412: {  	v36 =	vld.idx.msk [tilespmem:v40+s2+$0x0], $0xffff  }
0x413: {  	v41 =	vmov v42;
	_ =	sdelay $0x3  }
0x414: {  	[tilespmem:$0xF00] =	vst v36  }
0x415: {  	v36 =	vld.idx.msk [tilespmem:v41+s2+$0x0], $0xffff  }
0x416: {  	v42 =	vmov v43;
	_ =	sdelay $0x3  }
0x417: {  	[tilespmem:$0xF10] =	vst v36  }
0x418: {  	v36 =	vld.idx.msk [tilespmem:v42+s2+$0x0], $0xffff  }
0x419: {  	v43 =	vmov v44;
	_ =	sdelay $0x3  }
0x41a: {  	[tilespmem:$0xF20] =	vst v36  }
0x41b: {  	v36 =	vld.idx.msk [tilespmem:v43+s2+$0x0], $0xffff  }
0x41c: {  	v44 =	vmov v45;
	_ =	sdelay $0x3  }
0x41d: {  	[tilespmem:$0xF30] =	vst v36  }
0x41e: {  	v36 =	vld.idx.msk [tilespmem:v44+s2+$0x0], $0xffff  }
0x41f: {  	v45 =	vmov v46;
	_ =	sdelay $0x3  }
0x420: {  	[tilespmem:$0xF40] =	vst v36  }
0x421: {  	v36 =	vld.idx.msk [tilespmem:v45+s2+$0x0], $0xffff  }
0x422: {  	v46 =	vmov v47;
	_ =	sdelay $0x3  }
0x423: {  	[tilespmem:$0xF50] =	vst v36  }
0x424: {  	v36 =	vld.idx.msk [tilespmem:v46+s2+$0x0], $0xffff  }
0x425: {  	v47 =	vmov v48;
	_ =	sdelay $0x3  }
0x426: {  	[tilespmem:$0xF60] =	vst v36  }
0x427: {  	v36 =	vld.idx.msk [tilespmem:v47+s2+$0x0], $0xffff  }
0x428: {  	v48 =	vmov v49;
	_ =	sdelay $0x3  }
0x429: {  	[tilespmem:$0xF70] =	vst v36  }
0x42a: {  	v36 =	vld.idx.msk [tilespmem:v48+s2+$0x0], $0xffff  }
0x42b: {  	v49 =	vmov v50;
	_ =	sdelay $0x3  }
0x42c: {  	[tilespmem:$0xF80] =	vst v36  }
0x42d: {  	v36 =	vld.idx.msk [tilespmem:v49+s2+$0x0], $0xffff  }
0x42e: {  	v50 =	vmov v51;
	_ =	sdelay $0x2  }
0x42f: {  	v51 =	vld [tilespmem:$0x1FFD0]  }
0x430: {  	[tilespmem:$0xF90] =	vst v36  }
0x431: {  	v36 =	vld.idx.msk [tilespmem:v50+s2+$0x0], $0xffff;
	_ =	sdelay $0x4  }
0x432: {  	[tilespmem:$0xFA0] =	vst v36  }
0x433: {  	v36 =	vld.idx.msk [tilespmem:v51+s2+$0x0], $0xffff;
	_ =	sdelay $0x4  }
0x434: {  	[tilespmem:$0xFB0] =	vst v36  }
0x435: {  	v36 =	vld.idx.msk [tilespmem:v52+s2+$0x0], $0xffff;
	_ =	sdelay $0x4  }
0x436: {  	[tilespmem:$0xFC0] =	vst v36  }
0x437: {  	v36 =	vld.idx.msk [tilespmem:v53+s2+$0x0], $0xffff  }
0x438: {  	v54 =	vmov v55;
	_ =	sdelay $0x3  }
0x439: {  	[tilespmem:$0xFD0] =	vst v36  }
0x43a: {  	v36 =	vld.idx.msk [tilespmem:v54+s2+$0x0], $0xffff  }
0x43b: {  	v55 =	vmov v56;
	_ =	sdelay $0x3  }
0x43c: {  	[tilespmem:$0xFE0] =	vst v36  }
0x43d: {  	v36 =	vld.idx.msk [tilespmem:v55+s2+$0x0], $0xffff  }
0x43e: {  	v56 =	vmov v57;
	_ =	sdelay $0x3  }
0x43f: {  	[tilespmem:$0xFF0] =	vst v36  }
0x440: {  	v36 =	vld.idx.msk [tilespmem:v56+s2+$0x0], $0xffff  }
0x441: {  	v57 =	vmov v58;
	_ =	sdelay $0x3  }
0x442: {  	[tilespmem:$0x1000] =	vst v36  }
0x443: {  	v36 =	vld.idx.msk [tilespmem:v57+s2+$0x0], $0xffff  }
0x444: {  	v58 =	vmov v59;
	_ =	sdelay $0x3  }
0x445: {  	[tilespmem:$0x1010] =	vst v36  }
0x446: {  	v36 =	vld.idx.msk [tilespmem:v58+s2+$0x0], $0xffff  }
0x447: {  	v59 =	vmov v60;
	_ =	sdelay $0x3  }
0x448: {  	[tilespmem:$0x1020] =	vst v36  }
0x449: {  	v36 =	vld.idx.msk [tilespmem:v59+s2+$0x0], $0xffff  }
0x44a: {  	v60 =	vmov v61;
	_ =	sdelay $0x3  }
0x44b: {  	[tilespmem:$0x1030] =	vst v36  }
0x44c: {  	v36 =	vld.idx.msk [tilespmem:v60+s2+$0x0], $0xffff  }
0x44d: {  	v61 =	vmov v62;
	_ =	sdelay $0x3  }
0x44e: {  	[tilespmem:$0x1040] =	vst v36  }
0x44f: {  	v36 =	vld.idx.msk [tilespmem:v61+s2+$0x0], $0xffff  }
0x450: {  	v62 =	vmov v63;
	_ =	sdelay $0x3  }
0x451: {  	[tilespmem:$0x1050] =	vst v36  }
0x452: {  	v36 =	vld.idx.msk [tilespmem:v62+s2+$0x0], $0xffff  }
0x453: {  	v63 =	vmov v0;
	_ =	sdelay $0x3  }
0x454: {  	[tilespmem:$0x1060] =	vst v36  }
0x455: {  	v36 =	vld.idx.msk [tilespmem:v63+s2+$0x0], $0xffff  }
0x456: {  	v0 =	vmov v1;
	_ =	sdelay $0x2  }
0x457: {  	v1 =	vld [tilespmem:$0x1FFE0]  }
0x458: {  	[tilespmem:$0x1070] =	vst v36  }
0x459: {  	v36 =	vld.idx.msk [tilespmem:v0+s2+$0x0], $0xffff;
	_ =	sdelay $0x4  }
0x45a: {  	[tilespmem:$0x1080] =	vst v36  }
0x45b: {  	v36 =	vld.idx.msk [tilespmem:v1+s2+$0x0], $0xffff;
	_ =	sdelay $0x4  }
0x45c: {  	[tilespmem:$0x1090] =	vst v36  }
0x45d: {  	v36 =	vld.idx.msk [tilespmem:v2+s2+$0x0], $0xffff;
	_ =	sdelay $0x4  }
0x45e: {  	[tilespmem:$0x10A0] =	vst v36  }
0x45f: {  	v36 =	vld.idx.msk [tilespmem:v3+s2+$0x0], $0xffff;
	_ =	sdelay $0x4  }
0x460: {  	[tilespmem:$0x10B0] =	vst v36  }
0x461: {  	v36 =	vld.idx.msk [tilespmem:v4+s2+$0x0], $0xffff;
	_ =	sdelay $0x4  }
0x462: {  	[tilespmem:$0x10C0] =	vst v36  }
0x463: {  	v36 =	vld.idx.msk [tilespmem:v5+s2+$0x0], $0xffff;
	_ =	sdelay $0x4  }
0x464: {  	[tilespmem:$0x10D0] =	vst v36  }
0x465: {  	v36 =	vld.idx.msk [tilespmem:v6+s2+$0x0], $0xffff;
	_ =	sdelay $0x4  }
0x466: {  	[tilespmem:$0x10E0] =	vst v36  }
0x467: {  	v36 =	vld.idx.msk [tilespmem:v7+s2+$0x0], $0xffff;
	_ =	sdelay $0x4  }
0x468: {  	[tilespmem:$0x10F0] =	vst v36  }
0x469: {  	v36 =	vld.idx.msk [tilespmem:v8+s2+$0x0], $0xffff;
	_ =	sdelay $0x4  }
0x46a: {  	[tilespmem:$0x1100] =	vst v36  }
0x46b: {  	v36 =	vld.idx.msk [tilespmem:v9+s2+$0x0], $0xffff;
	_ =	sdelay $0x4  }
0x46c: {  	[tilespmem:$0x1110] =	vst v36  }
0x46d: {  	v36 =	vld.idx.msk [tilespmem:v10+s2+$0x0], $0xffff;
	_ =	sdelay $0x4  }
0x46e: {  	[tilespmem:$0x1120] =	vst v36  }
0x46f: {  	v36 =	vld.idx.msk [tilespmem:v11+s2+$0x0], $0xffff;
	_ =	sdelay $0x4  }
0x470: {  	[tilespmem:$0x1130] =	vst v36  }
0x471: {  	v36 =	vld.idx.msk [tilespmem:v12+s2+$0x0], $0xffff;
	_ =	sdelay $0x4  }
0x472: {  	[tilespmem:$0x1140] =	vst v36  }
0x473: {  	v36 =	vld.idx.msk [tilespmem:v13+s2+$0x0], $0xffff;
	_ =	sdelay $0x4  }
0x474: {  	[tilespmem:$0x1150] =	vst v36  }
0x475: {  	v36 =	vld.idx.msk [tilespmem:v14+s2+$0x0], $0xffff;
	_ =	sdelay $0x4  }
0x476: {  	[tilespmem:$0x1160] =	vst v36  }
0x477: {  	v36 =	vld.idx.msk [tilespmem:v15+s2+$0x0], $0xffff;
	_ =	sdelay $0x4  }
0x478: {  	[tilespmem:$0x1170] =	vst v36  }
0x479: {  	v36 =	vld.idx.msk [tilespmem:v16+s2+$0x0], $0xffff;
	_ =	sdelay $0x4  }
0x47a: {  	[tilespmem:$0x1180] =	vst v36  }
0x47b: {  	v36 =	vld.idx.msk [tilespmem:v17+s2+$0x0], $0xffff;
	_ =	sdelay $0x4  }
0x47c: {  	[tilespmem:$0x1190] =	vst v36  }
0x47d: {  	v36 =	vld.idx.msk [tilespmem:v18+s2+$0x0], $0xffff;
	_ =	sdelay $0x4  }
0x47e: {  	[tilespmem:$0x11A0] =	vst v36  }
0x47f: {  	v36 =	vld.idx.msk [tilespmem:v19+s2+$0x0], $0xffff;
	_ =	sdelay $0x4  }
0x480: {  	[tilespmem:$0x11B0] =	vst v36  }
0x481: {  	v36 =	vld.idx.msk [tilespmem:v20+s2+$0x0], $0xffff;
	_ =	sdelay $0x4  }
0x482: {  	[tilespmem:$0x11C0] =	vst v36  }
0x483: {  	v36 =	vld.idx.msk [tilespmem:v21+s2+$0x0], $0xffff;
	_ =	sdelay $0x4  }
0x484: {  	[tilespmem:$0x11D0] =	vst v36  }
0x485: {  	v36 =	vld.idx.msk [tilespmem:v22+s2+$0x0], $0xffff;
	_ =	sdelay $0x4  }
0x486: {  	[tilespmem:$0x11E0] =	vst v36  }
0x487: {  	v36 =	vld.idx.msk [tilespmem:v23+s2+$0x0], $0xffff;
	_ =	sdelay $0x4  }
0x488: {  	[tilespmem:$0x11F0] =	vst v36  }
0x489: {  	v36 =	vld.idx.msk [tilespmem:v24+s2+$0x0], $0xffff;
	_ =	sdelay $0x4  }
0x48a: {  	[tilespmem:$0x1200] =	vst v36  }
0x48b: {  	v36 =	vld.idx.msk [tilespmem:v25+s2+$0x0], $0xffff;
	_ =	sdelay $0x4  }
0x48c: {  	[tilespmem:$0x1210] =	vst v36  }
0x48d: {  	v36 =	vld.idx.msk [tilespmem:v26+s2+$0x0], $0xffff;
	_ =	sdelay $0x4  }
0x48e: {  	[tilespmem:$0x1220] =	vst v36  }
0x48f: {  	v36 =	vld.idx.msk [tilespmem:v27+s2+$0x0], $0xffff;
	_ =	sdelay $0x4  }
0x490: {  	[tilespmem:$0x1230] =	vst v36  }
0x491: {  	v36 =	vld.idx.msk [tilespmem:v28+s2+$0x0], $0xffff;
	_ =	sdelay $0x4  }
0x492: {  	[tilespmem:$0x1240] =	vst v36  }
0x493: {  	v36 =	vld.idx.msk [tilespmem:v29+s2+$0x0], $0xffff;
	_ =	sdelay $0x4  }
0x494: {  	[tilespmem:$0x1250] =	vst v36  }
0x495: {  	v36 =	vld.idx.msk [tilespmem:v30+s2+$0x0], $0xffff;
	_ =	sdelay $0x4  }
0x496: {  	[tilespmem:$0x1260] =	vst v36  }
0x497: {  	v36 =	vld.idx.msk [tilespmem:v31+s2+$0x0], $0xffff;
	_ =	sdelay $0x4  }
0x498: {  	[tilespmem:$0x1270] =	vst v36  }
0x499: {  	v36 =	vld.idx.msk [tilespmem:v32+s2+$0x0], $0xffff;
	_ =	sdelay $0x4  }
0x49a: {  	[tilespmem:$0x1280] =	vst v36  }
0x49b: {  	v36 =	vld.idx.msk [tilespmem:v33+s2+$0x0], $0xffff;
	_ =	sdelay $0x4  }
0x49c: {  	[tilespmem:$0x1290] =	vst v36  }
0x49d: {  	v36 =	vld.idx.msk [tilespmem:v34+s2+$0x0], $0xffff;
	_ =	sdelay $0x4  }
0x49e: {  	[tilespmem:$0x12A0] =	vst v36  }
0x49f: {  	v36 =	vld.idx.msk [tilespmem:v35+s2+$0x0], $0xffff;
	_ =	sdelay $0x4  }
0x4a0: {  	[tilespmem:$0x12B0] =	vst v36  }
0x4a1: {  	[tilespmem:s12], [sflag:$0x1] =	stream.indirect.gather [hbm4b:s3+s10], $0x20, s11, s10, $0xb8;
	[tilespmem:$0x1A900] =	vst v63  }
0x4a2: {  	_ = 	snop  }
0x4a3: {  	[tilespmem:s10], [sflag:$0x5] =	stream.linear.gather [hbm4b:s5+s2], $0x640, $0x38;
	[tilespmem:$0x1A900] =	vst v63  }
0x4a4: {  	_ =	swait.ge [sflag:s9], $0x640  }
0x4a5: {  	v36 =	vld [tilespmem:$0x1FA50];
	_ =	sdelay $0x5  }
0x4a6: {  	[sflag:s9] =	ssyncset.done $0x0  }
0x4a7: {  	[sflag:s9] =	ssyncadd.s32 $0xFFFFF9C0  }
0x4a8: {  	v36 =	vld.idx.msk [tilespmem:v36+s10+$0x0], $0xffff;
	_ =	sdelay $0x4  }
0x4a9: {  	[tilespmem:$0x12C0] =	vst v36;
	v36 =	vld [tilespmem:$0x1FA60];
	_ =	sdelay $0x7  }
0x4aa: {  	v36 =	vld.idx.msk [tilespmem:v36+s10+$0x0], $0xffff;
	_ =	sdelay $0x4  }
0x4ab: {  	[tilespmem:$0x12D0] =	vst v36;
	v36 =	vld [tilespmem:$0x1FA70];
	_ =	sdelay $0x7  }
0x4ac: {  	v36 =	vld.idx.msk [tilespmem:v36+s10+$0x0], $0xffff;
	_ =	sdelay $0x4  }
0x4ad: {  	[tilespmem:$0x12E0] =	vst v36;
	v36 =	vld [tilespmem:$0x1FA80];
	_ =	sdelay $0x7  }
0x4ae: {  	v36 =	vld.idx.msk [tilespmem:v36+s10+$0x0], $0xffff;
	_ =	sdelay $0x4  }
0x4af: {  	[tilespmem:$0x12F0] =	vst v36;
	v36 =	vld [tilespmem:$0x1FAA0];
	_ =	sdelay $0x7  }
0x4b0: {  	v36 =	vld.idx.msk [tilespmem:v36+s10+$0x0], $0xffff;
	_ =	sdelay $0x4  }
0x4b1: {  	[tilespmem:$0x1300] =	vst v36;
	v36 =	vld [tilespmem:$0x1FAB0];
	_ =	sdelay $0x7  }
0x4b2: {  	v36 =	vld.idx.msk [tilespmem:v36+s10+$0x0], $0xffff;
	_ =	sdelay $0x4  }
0x4b3: {  	[tilespmem:$0x1310] =	vst v36;
	v36 =	vld [tilespmem:$0x1FAD0];
	_ =	sdelay $0x7  }
0x4b4: {  	v36 =	vld.idx.msk [tilespmem:v36+s10+$0x0], $0xffff;
	_ =	sdelay $0x4  }
0x4b5: {  	[tilespmem:$0x1320] =	vst v36;
	v36 =	vld [tilespmem:$0x1FAE0];
	_ =	sdelay $0x7  }
0x4b6: {  	v36 =	vld.idx.msk [tilespmem:v36+s10+$0x0], $0xffff;
	_ =	sdelay $0x4  }
0x4b7: {  	[tilespmem:$0x1330] =	vst v36;
	v36 =	vld [tilespmem:$0x1FB00];
	_ =	sdelay $0x7  }
0x4b8: {  	v36 =	vld.idx.msk [tilespmem:v36+s10+$0x0], $0xffff;
	_ =	sdelay $0x4  }
0x4b9: {  	[tilespmem:$0x1340] =	vst v36;
	v36 =	vld [tilespmem:$0x1FB10];
	_ =	sdelay $0x7  }
0x4ba: {  	v36 =	vld.idx.msk [tilespmem:v36+s10+$0x0], $0xffff;
	_ =	sdelay $0x4  }
0x4bb: {  	[tilespmem:$0x1350] =	vst v36;
	v36 =	vld [tilespmem:$0x1FB30];
	_ =	sdelay $0x7  }
0x4bc: {  	v36 =	vld.idx.msk [tilespmem:v36+s10+$0x0], $0xffff;
	_ =	sdelay $0x4  }
0x4bd: {  	[tilespmem:$0x1360] =	vst v36;
	v36 =	vld [tilespmem:$0x1FB40];
	_ =	sdelay $0x7  }
0x4be: {  	v36 =	vld.idx.msk [tilespmem:v36+s10+$0x0], $0xffff;
	_ =	sdelay $0x4  }
0x4bf: {  	[tilespmem:$0x1370] =	vst v36;
	v36 =	vld [tilespmem:$0x1FB60];
	_ =	sdelay $0x7  }
0x4c0: {  	v36 =	vld.idx.msk [tilespmem:v36+s10+$0x0], $0xffff;
	_ =	sdelay $0x4  }
0x4c1: {  	[tilespmem:$0x1380] =	vst v36;
	v36 =	vld [tilespmem:$0x1FB70];
	_ =	sdelay $0x7  }
0x4c2: {  	v36 =	vld.idx.msk [tilespmem:v36+s10+$0x0], $0xffff;
	_ =	sdelay $0x4  }
0x4c3: {  	[tilespmem:$0x1390] =	vst v36;
	v36 =	vld [tilespmem:$0x1FB90];
	_ =	sdelay $0x7  }
0x4c4: {  	v36 =	vld.idx.msk [tilespmem:v36+s10+$0x0], $0xffff;
	_ =	sdelay $0x4  }
0x4c5: {  	[tilespmem:$0x13A0] =	vst v36;
	v36 =	vld [tilespmem:$0x1FBA0];
	_ =	sdelay $0x7  }
0x4c6: {  	v36 =	vld.idx.msk [tilespmem:v36+s10+$0x0], $0xffff;
	_ =	sdelay $0x4  }
0x4c7: {  	[tilespmem:$0x13B0] =	vst v36;
	v36 =	vld [tilespmem:$0x1FBC0];
	_ =	sdelay $0x7  }
0x4c8: {  	v36 =	vld.idx.msk [tilespmem:v36+s10+$0x0], $0xffff;
	_ =	sdelay $0x4  }
0x4c9: {  	[tilespmem:$0x13C0] =	vst v36;
	v36 =	vld [tilespmem:$0x1FBD0];
	_ =	sdelay $0x7  }
0x4ca: {  	v36 =	vld.idx.msk [tilespmem:v36+s10+$0x0], $0xffff;
	_ =	sdelay $0x4  }
0x4cb: {  	[tilespmem:$0x13D0] =	vst v36;
	v36 =	vld [tilespmem:$0x1FBF0];
	_ =	sdelay $0x7  }
0x4cc: {  	v36 =	vld.idx.msk [tilespmem:v36+s10+$0x0], $0xffff;
	_ =	sdelay $0x4  }
0x4cd: {  	[tilespmem:$0x13E0] =	vst v36;
	v36 =	vld [tilespmem:$0x1FC00];
	_ =	sdelay $0x7  }
0x4ce: {  	v36 =	vld.idx.msk [tilespmem:v36+s10+$0x0], $0xffff;
	_ =	sdelay $0x4  }
0x4cf: {  	[tilespmem:$0x13F0] =	vst v36;
	v36 =	vld [tilespmem:$0x1FC20];
	_ =	sdelay $0x7  }
0x4d0: {  	v36 =	vld.idx.msk [tilespmem:v36+s10+$0x0], $0xffff;
	_ =	sdelay $0x4  }
0x4d1: {  	[tilespmem:$0x1400] =	vst v36;
	v36 =	vld [tilespmem:$0x1FC30];
	_ =	sdelay $0x7  }
0x4d2: {  	v36 =	vld.idx.msk [tilespmem:v36+s10+$0x0], $0xffff;
	_ =	sdelay $0x4  }
0x4d3: {  	[tilespmem:$0x1410] =	vst v36;
	v36 =	vld [tilespmem:$0x1FC50];
	_ =	sdelay $0x7  }
0x4d4: {  	v36 =	vld.idx.msk [tilespmem:v36+s10+$0x0], $0xffff;
	_ =	sdelay $0x4  }
0x4d5: {  	[tilespmem:$0x1420] =	vst v36;
	v36 =	vld [tilespmem:$0x1FC60];
	_ =	sdelay $0x7  }
0x4d6: {  	v36 =	vld.idx.msk [tilespmem:v36+s10+$0x0], $0xffff;
	_ =	sdelay $0x4  }
0x4d7: {  	[tilespmem:$0x1430] =	vst v36;
	v36 =	vld [tilespmem:$0x1FC80];
	_ =	sdelay $0x7  }
0x4d8: {  	v36 =	vld.idx.msk [tilespmem:v36+s10+$0x0], $0xffff;
	_ =	sdelay $0x4  }
0x4d9: {  	[tilespmem:$0x1440] =	vst v36;
	v36 =	vld [tilespmem:$0x1FC90];
	_ =	sdelay $0x7  }
0x4da: {  	v36 =	vld.idx.msk [tilespmem:v36+s10+$0x0], $0xffff;
	_ =	sdelay $0x4  }
0x4db: {  	[tilespmem:$0x1450] =	vst v36;
	v36 =	vld [tilespmem:$0x1FCB0];
	_ =	sdelay $0x7  }
0x4dc: {  	v36 =	vld.idx.msk [tilespmem:v36+s10+$0x0], $0xffff;
	_ =	sdelay $0x4  }
0x4dd: {  	[tilespmem:$0x1460] =	vst v36;
	v36 =	vld [tilespmem:$0x1FCC0];
	_ =	sdelay $0x7  }
0x4de: {  	v36 =	vld.idx.msk [tilespmem:v36+s10+$0x0], $0xffff;
	_ =	sdelay $0x4  }
0x4df: {  	[tilespmem:$0x1470] =	vst v36;
	v36 =	vld [tilespmem:$0x1FCD0];
	_ =	sdelay $0x7  }
0x4e0: {  	v36 =	vld.idx.msk [tilespmem:v36+s10+$0x0], $0xffff;
	_ =	sdelay $0x4  }
0x4e1: {  	[tilespmem:$0x1480] =	vst v36;
	v36 =	vld [tilespmem:$0x1FCE0];
	_ =	sdelay $0x7  }
0x4e2: {  	v36 =	vld.idx.msk [tilespmem:v36+s10+$0x0], $0xffff;
	_ =	sdelay $0x4  }
0x4e3: {  	[tilespmem:$0x1490] =	vst v36;
	v36 =	vld [tilespmem:$0x1FCF0];
	_ =	sdelay $0x7  }
0x4e4: {  	v36 =	vld.idx.msk [tilespmem:v36+s10+$0x0], $0xffff;
	_ =	sdelay $0x4  }
0x4e5: {  	[tilespmem:$0x14A0] =	vst v36;
	v36 =	vld [tilespmem:$0x1FD00];
	_ =	sdelay $0x7  }
0x4e6: {  	v36 =	vld.idx.msk [tilespmem:v36+s10+$0x0], $0xffff;
	_ =	sdelay $0x4  }
0x4e7: {  	[tilespmem:$0x14B0] =	vst v36;
	v36 =	vld [tilespmem:$0x1FD10];
	_ =	sdelay $0x7  }
0x4e8: {  	v36 =	vld.idx.msk [tilespmem:v36+s10+$0x0], $0xffff;
	_ =	sdelay $0x4  }
0x4e9: {  	[tilespmem:$0x14C0] =	vst v36;
	v36 =	vld [tilespmem:$0x1FD20];
	_ =	sdelay $0x7  }
0x4ea: {  	v36 =	vld.idx.msk [tilespmem:v36+s10+$0x0], $0xffff;
	_ =	sdelay $0x4  }
0x4eb: {  	[tilespmem:$0x14D0] =	vst v36;
	v36 =	vld [tilespmem:$0x1FD30];
	_ =	sdelay $0x7  }
0x4ec: {  	v36 =	vld.idx.msk [tilespmem:v36+s10+$0x0], $0xffff;
	_ =	sdelay $0x4  }
0x4ed: {  	[tilespmem:$0x14E0] =	vst v36;
	v36 =	vld [tilespmem:$0x1FD40];
	_ =	sdelay $0x7  }
0x4ee: {  	v36 =	vld.idx.msk [tilespmem:v36+s10+$0x0], $0xffff;
	_ =	sdelay $0x4  }
0x4ef: {  	[tilespmem:$0x14F0] =	vst v36;
	v36 =	vld [tilespmem:$0x1FD50];
	_ =	sdelay $0x7  }
0x4f0: {  	v36 =	vld.idx.msk [tilespmem:v36+s10+$0x0], $0xffff;
	_ =	sdelay $0x4  }
0x4f1: {  	[tilespmem:$0x1500] =	vst v36  }
0x4f2: {  	v36 =	vld.idx.msk [tilespmem:v37+s10+$0x0], $0xffff;
	_ =	sdelay $0x4  }
0x4f3: {  	[tilespmem:$0x1510] =	vst v36  }
0x4f4: {  	v36 =	vld.idx.msk [tilespmem:v38+s10+$0x0], $0xffff;
	_ =	sdelay $0x4  }
0x4f5: {  	[tilespmem:$0x1520] =	vst v36  }
0x4f6: {  	v36 =	vld.idx.msk [tilespmem:v39+s10+$0x0], $0xffff;
	_ =	sdelay $0x4  }
0x4f7: {  	[tilespmem:$0x1530] =	vst v36  }
0x4f8: {  	v36 =	vld.idx.msk [tilespmem:v40+s10+$0x0], $0xffff;
	_ =	sdelay $0x4  }
0x4f9: {  	[tilespmem:$0x1540] =	vst v36  }
0x4fa: {  	v36 =	vld.idx.msk [tilespmem:v41+s10+$0x0], $0xffff;
	_ =	sdelay $0x4  }
0x4fb: {  	[tilespmem:$0x1550] =	vst v36  }
0x4fc: {  	v36 =	vld.idx.msk [tilespmem:v42+s10+$0x0], $0xffff;
	_ =	sdelay $0x4  }
0x4fd: {  	[tilespmem:$0x1560] =	vst v36  }
0x4fe: {  	v36 =	vld.idx.msk [tilespmem:v43+s10+$0x0], $0xffff;
	_ =	sdelay $0x4  }
0x4ff: {  	[tilespmem:$0x1570] =	vst v36  }
0x500: {  	v36 =	vld.idx.msk [tilespmem:v44+s10+$0x0], $0xffff;
	_ =	sdelay $0x4  }
0x501: {  	[tilespmem:$0x1580] =	vst v36  }
0x502: {  	v36 =	vld.idx.msk [tilespmem:v45+s10+$0x0], $0xffff;
	_ =	sdelay $0x4  }
0x503: {  	[tilespmem:$0x1590] =	vst v36  }
0x504: {  	v36 =	vld.idx.msk [tilespmem:v46+s10+$0x0], $0xffff;
	_ =	sdelay $0x4  }
0x505: {  	[tilespmem:$0x15A0] =	vst v36  }
0x506: {  	v36 =	vld.idx.msk [tilespmem:v47+s10+$0x0], $0xffff;
	_ =	sdelay $0x4  }
0x507: {  	[tilespmem:$0x15B0] =	vst v36  }
0x508: {  	v36 =	vld.idx.msk [tilespmem:v48+s10+$0x0], $0xffff;
	_ =	sdelay $0x4  }
0x509: {  	[tilespmem:$0x15C0] =	vst v36  }
0x50a: {  	v36 =	vld.idx.msk [tilespmem:v49+s10+$0x0], $0xffff;
	_ =	sdelay $0x4  }
0x50b: {  	[tilespmem:$0x15D0] =	vst v36  }
0x50c: {  	v36 =	vld.idx.msk [tilespmem:v50+s10+$0x0], $0xffff;
	_ =	sdelay $0x4  }
0x50d: {  	[tilespmem:$0x15E0] =	vst v36  }
0x50e: {  	v36 =	vld.idx.msk [tilespmem:v51+s10+$0x0], $0xffff;
	_ =	sdelay $0x4  }
0x50f: {  	[tilespmem:$0x15F0] =	vst v36  }
0x510: {  	v36 =	vld.idx.msk [tilespmem:v52+s10+$0x0], $0xffff;
	_ =	sdelay $0x4  }
0x511: {  	[tilespmem:$0x1600] =	vst v36  }
0x512: {  	v36 =	vld.idx.msk [tilespmem:v53+s10+$0x0], $0xffff;
	_ =	sdelay $0x4  }
0x513: {  	[tilespmem:$0x1610] =	vst v36  }
0x514: {  	v36 =	vld.idx.msk [tilespmem:v54+s10+$0x0], $0xffff;
	_ =	sdelay $0x4  }
0x515: {  	[tilespmem:$0x1620] =	vst v36  }
0x516: {  	v36 =	vld.idx.msk [tilespmem:v55+s10+$0x0], $0xffff;
	_ =	sdelay $0x4  }
0x517: {  	[tilespmem:$0x1630] =	vst v36  }
0x518: {  	v36 =	vld.idx.msk [tilespmem:v56+s10+$0x0], $0xffff;
	_ =	sdelay $0x4  }
0x519: {  	[tilespmem:$0x1640] =	vst v36  }
0x51a: {  	v36 =	vld.idx.msk [tilespmem:v57+s10+$0x0], $0xffff;
	_ =	sdelay $0x4  }
0x51b: {  	[tilespmem:$0x1650] =	vst v36  }
0x51c: {  	v36 =	vld.idx.msk [tilespmem:v58+s10+$0x0], $0xffff;
	_ =	sdelay $0x4  }
0x51d: {  	[tilespmem:$0x1660] =	vst v36  }
0x51e: {  	v36 =	vld.idx.msk [tilespmem:v59+s10+$0x0], $0xffff;
	_ =	sdelay $0x4  }
0x51f: {  	[tilespmem:$0x1670] =	vst v36  }
0x520: {  	v36 =	vld.idx.msk [tilespmem:v60+s10+$0x0], $0xffff;
	_ =	sdelay $0x4  }
0x521: {  	[tilespmem:$0x1680] =	vst v36  }
0x522: {  	v36 =	vld.idx.msk [tilespmem:v61+s10+$0x0], $0xffff;
	_ =	sdelay $0x4  }
0x523: {  	[tilespmem:$0x1690] =	vst v36  }
0x524: {  	v36 =	vld.idx.msk [tilespmem:v62+s10+$0x0], $0xffff;
	_ =	sdelay $0x4  }
0x525: {  	[tilespmem:$0x16A0] =	vst v36  }
0x526: {  	v36 =	vld.idx.msk [tilespmem:v63+s10+$0x0], $0xffff;
	_ =	sdelay $0x4  }
0x527: {  	[tilespmem:$0x16B0] =	vst v36  }
0x528: {  	v36 =	vld.idx.msk [tilespmem:v0+s10+$0x0], $0xffff;
	_ =	sdelay $0x4  }
0x529: {  	[tilespmem:$0x16C0] =	vst v36  }
0x52a: {  	v36 =	vld.idx.msk [tilespmem:v1+s10+$0x0], $0xffff;
	_ =	sdelay $0x4  }
0x52b: {  	[tilespmem:$0x16D0] =	vst v36  }
0x52c: {  	v36 =	vld.idx.msk [tilespmem:v2+s10+$0x0], $0xffff;
	_ =	sdelay $0x4  }
0x52d: {  	[tilespmem:$0x16E0] =	vst v36  }
0x52e: {  	v36 =	vld.idx.msk [tilespmem:v3+s10+$0x0], $0xffff;
	_ =	sdelay $0x4  }
0x52f: {  	[tilespmem:$0x16F0] =	vst v36  }
0x530: {  	v36 =	vld.idx.msk [tilespmem:v4+s10+$0x0], $0xffff;
	_ =	sdelay $0x4  }
0x531: {  	[tilespmem:$0x1700] =	vst v36  }
0x532: {  	v36 =	vld.idx.msk [tilespmem:v5+s10+$0x0], $0xffff;
	_ =	sdelay $0x4  }
0x533: {  	[tilespmem:$0x1710] =	vst v36  }
0x534: {  	v36 =	vld.idx.msk [tilespmem:v6+s10+$0x0], $0xffff;
	_ =	sdelay $0x4  }
0x535: {  	[tilespmem:$0x1720] =	vst v36  }
0x536: {  	v36 =	vld.idx.msk [tilespmem:v7+s10+$0x0], $0xffff;
	_ =	sdelay $0x4  }
0x537: {  	[tilespmem:$0x1730] =	vst v36  }
0x538: {  	v36 =	vld.idx.msk [tilespmem:v8+s10+$0x0], $0xffff;
	_ =	sdelay $0x4  }
0x539: {  	[tilespmem:$0x1740] =	vst v36  }
0x53a: {  	v36 =	vld.idx.msk [tilespmem:v9+s10+$0x0], $0xffff;
	_ =	sdelay $0x4  }
0x53b: {  	[tilespmem:$0x1750] =	vst v36  }
0x53c: {  	v36 =	vld.idx.msk [tilespmem:v10+s10+$0x0], $0xffff;
	_ =	sdelay $0x4  }
0x53d: {  	[tilespmem:$0x1760] =	vst v36  }
0x53e: {  	v36 =	vld.idx.msk [tilespmem:v11+s10+$0x0], $0xffff;
	_ =	sdelay $0x4  }
0x53f: {  	[tilespmem:$0x1770] =	vst v36  }
0x540: {  	v36 =	vld.idx.msk [tilespmem:v12+s10+$0x0], $0xffff;
	_ =	sdelay $0x4  }
0x541: {  	[tilespmem:$0x1780] =	vst v36  }
0x542: {  	v36 =	vld.idx.msk [tilespmem:v13+s10+$0x0], $0xffff;
	_ =	sdelay $0x4  }
0x543: {  	[tilespmem:$0x1790] =	vst v36  }
0x544: {  	v36 =	vld.idx.msk [tilespmem:v14+s10+$0x0], $0xffff;
	_ =	sdelay $0x4  }
0x545: {  	[tilespmem:$0x17A0] =	vst v36  }
0x546: {  	v36 =	vld.idx.msk [tilespmem:v15+s10+$0x0], $0xffff;
	_ =	sdelay $0x4  }
0x547: {  	[tilespmem:$0x17B0] =	vst v36  }
0x548: {  	v36 =	vld.idx.msk [tilespmem:v16+s10+$0x0], $0xffff;
	_ =	sdelay $0x4  }
0x549: {  	[tilespmem:$0x17C0] =	vst v36  }
0x54a: {  	v36 =	vld.idx.msk [tilespmem:v17+s10+$0x0], $0xffff;
	_ =	sdelay $0x4  }
0x54b: {  	[tilespmem:$0x17D0] =	vst v36  }
0x54c: {  	v36 =	vld.idx.msk [tilespmem:v18+s10+$0x0], $0xffff;
	_ =	sdelay $0x4  }
0x54d: {  	[tilespmem:$0x17E0] =	vst v36  }
0x54e: {  	v36 =	vld.idx.msk [tilespmem:v19+s10+$0x0], $0xffff;
	_ =	sdelay $0x4  }
0x54f: {  	[tilespmem:$0x17F0] =	vst v36  }
0x550: {  	v36 =	vld.idx.msk [tilespmem:v20+s10+$0x0], $0xffff;
	_ =	sdelay $0x4  }
0x551: {  	[tilespmem:$0x1800] =	vst v36  }
0x552: {  	v36 =	vld.idx.msk [tilespmem:v21+s10+$0x0], $0xffff;
	_ =	sdelay $0x4  }
0x553: {  	[tilespmem:$0x1810] =	vst v36  }
0x554: {  	v36 =	vld.idx.msk [tilespmem:v22+s10+$0x0], $0xffff;
	_ =	sdelay $0x4  }
0x555: {  	[tilespmem:$0x1820] =	vst v36  }
0x556: {  	v36 =	vld.idx.msk [tilespmem:v23+s10+$0x0], $0xffff;
	_ =	sdelay $0x4  }
0x557: {  	[tilespmem:$0x1830] =	vst v36  }
0x558: {  	v36 =	vld.idx.msk [tilespmem:v24+s10+$0x0], $0xffff;
	_ =	sdelay $0x4  }
0x559: {  	[tilespmem:$0x1840] =	vst v36  }
0x55a: {  	v36 =	vld.idx.msk [tilespmem:v25+s10+$0x0], $0xffff;
	_ =	sdelay $0x4  }
0x55b: {  	[tilespmem:$0x1850] =	vst v36  }
0x55c: {  	v36 =	vld.idx.msk [tilespmem:v26+s10+$0x0], $0xffff;
	_ =	sdelay $0x4  }
0x55d: {  	[tilespmem:$0x1860] =	vst v36  }
0x55e: {  	v36 =	vld.idx.msk [tilespmem:v27+s10+$0x0], $0xffff;
	_ =	sdelay $0x4  }
0x55f: {  	[tilespmem:$0x1870] =	vst v36  }
0x560: {  	v36 =	vld.idx.msk [tilespmem:v28+s10+$0x0], $0xffff;
	_ =	sdelay $0x4  }
0x561: {  	[tilespmem:$0x1880] =	vst v36  }
0x562: {  	v36 =	vld.idx.msk [tilespmem:v29+s10+$0x0], $0xffff;
	_ =	sdelay $0x4  }
0x563: {  	[tilespmem:$0x1890] =	vst v36  }
0x564: {  	v36 =	vld.idx.msk [tilespmem:v30+s10+$0x0], $0xffff;
	_ =	sdelay $0x4  }
0x565: {  	[tilespmem:$0x18A0] =	vst v36  }
0x566: {  	v36 =	vld.idx.msk [tilespmem:v31+s10+$0x0], $0xffff;
	_ =	sdelay $0x4  }
0x567: {  	[tilespmem:$0x18B0] =	vst v36  }
0x568: {  	v36 =	vld.idx.msk [tilespmem:v32+s10+$0x0], $0xffff;
	_ =	sdelay $0x4  }
0x569: {  	[tilespmem:$0x18C0] =	vst v36  }
0x56a: {  	v36 =	vld.idx.msk [tilespmem:v33+s10+$0x0], $0xffff;
	_ =	sdelay $0x4  }
0x56b: {  	[tilespmem:$0x18D0] =	vst v36  }
0x56c: {  	v36 =	vld.idx.msk [tilespmem:v34+s10+$0x0], $0xffff;
	_ =	sdelay $0x4  }
0x56d: {  	[tilespmem:$0x18E0] =	vst v36  }
0x56e: {  	v36 =	vld.idx.msk [tilespmem:v35+s10+$0x0], $0xffff;
	_ =	sdelay $0x4  }
0x56f: {  	s20 =	smov.u32 s8;
	s21 =	simm.s32 $0x0;
	[tilespmem:$0x18F0] =	vst v36  }
0x570: {  	[tilespmem:s14], [sflag:$0x2] =	stream.indirect.gather [hbm4b:s3+s10], $0x20, s13, s10, $0xb8;
	[tilespmem:$0x1A900] =	vst v63  }
.LBB2_2:
0x571: {  	p0 =	seq.s32 s21, $0xAF0  }
.Ltmp2:
0x572: {  	_ = 	snop;
	(pc) =	sbr.rel @p0 .LBB2_4-.Ltmp2, $4  }
0x573: {  	_ =	swait.ge [sflag:s15], $0xC800  }
0x574: {  	[sflag:s15] =	ssyncset.done $0x0  }
0x575: {  	[sflag:s15] =	ssyncadd.s32 $0xFFFF3800  }
0x576: {  	[hbm4b:s20+s2] =	stream.linear.scatter [tilespmem:s12], [sflag:$0x3], $0xC800, $0x38;
	[tilespmem:$0x1A900] =	vst v63  }
0x577: {  	_ =	swait.ge [sflag:s17], $0xC800  }
0x578: {  	s22 =	sadd.s32 s21, s7;
	[sflag:s17] =	ssyncset.done $0x0  }
0x579: {  	s22 =	sadd.s32 $0x190, s22;
	[sflag:s17] =	ssyncadd.s32 $0xFFFF3800  }
0x57a: {  	[tilespmem:s2], [sflag:$0x5] =	stream.linear.gather [hbm4b:s22+s2], $0x640, $0x38;
	[tilespmem:$0x1A900] =	vst v63  }
0x57b: {  	_ =	swait.ge [sflag:s9], $0x640  }
0x57c: {  	v36 =	vld [tilespmem:$0x1FA50];
	_ =	sdelay $0x5  }
0x57d: {  	[sflag:s9] =	ssyncset.done $0x0  }
0x57e: {  	[sflag:s9] =	ssyncadd.s32 $0xFFFFF9C0  }
0x57f: {  	v36 =	vld.idx.msk [tilespmem:v36+s2+$0x0], $0xffff;
	_ =	sdelay $0x4  }
0x580: {  	[tilespmem:$0xC80] =	vst v36;
	v36 =	vld [tilespmem:$0x1FA60];
	_ =	sdelay $0x7  }
0x581: {  	v36 =	vld.idx.msk [tilespmem:v36+s2+$0x0], $0xffff;
	_ =	sdelay $0x4  }
0x582: {  	[tilespmem:$0xC90] =	vst v36;
	v36 =	vld [tilespmem:$0x1FA70];
	_ =	sdelay $0x7  }
0x583: {  	v36 =	vld.idx.msk [tilespmem:v36+s2+$0x0], $0xffff;
	_ =	sdelay $0x4  }
0x584: {  	[tilespmem:$0xCA0] =	vst v36;
	v36 =	vld [tilespmem:$0x1FA80];
	_ =	sdelay $0x7  }
0x585: {  	v36 =	vld.idx.msk [tilespmem:v36+s2+$0x0], $0xffff;
	_ =	sdelay $0x4  }
0x586: {  	[tilespmem:$0xCB0] =	vst v36;
	v36 =	vld [tilespmem:$0x1FAA0];
	_ =	sdelay $0x7  }
0x587: {  	v36 =	vld.idx.msk [tilespmem:v36+s2+$0x0], $0xffff;
	_ =	sdelay $0x4  }
0x588: {  	[tilespmem:$0xCC0] =	vst v36;
	v36 =	vld [tilespmem:$0x1FAB0];
	_ =	sdelay $0x7  }
0x589: {  	v36 =	vld.idx.msk [tilespmem:v36+s2+$0x0], $0xffff;
	_ =	sdelay $0x4  }
0x58a: {  	[tilespmem:$0xCD0] =	vst v36;
	v36 =	vld [tilespmem:$0x1FAD0];
	_ =	sdelay $0x7  }
0x58b: {  	v36 =	vld.idx.msk [tilespmem:v36+s2+$0x0], $0xffff;
	_ =	sdelay $0x4  }
0x58c: {  	[tilespmem:$0xCE0] =	vst v36;
	v36 =	vld [tilespmem:$0x1FAE0];
	_ =	sdelay $0x7  }
0x58d: {  	v36 =	vld.idx.msk [tilespmem:v36+s2+$0x0], $0xffff;
	_ =	sdelay $0x4  }
0x58e: {  	[tilespmem:$0xCF0] =	vst v36;
	v36 =	vld [tilespmem:$0x1FB00];
	_ =	sdelay $0x7  }
0x58f: {  	v36 =	vld.idx.msk [tilespmem:v36+s2+$0x0], $0xffff;
	_ =	sdelay $0x4  }
0x590: {  	[tilespmem:$0xD00] =	vst v36;
	v36 =	vld [tilespmem:$0x1FB10];
	_ =	sdelay $0x7  }
0x591: {  	v36 =	vld.idx.msk [tilespmem:v36+s2+$0x0], $0xffff;
	_ =	sdelay $0x4  }
0x592: {  	[tilespmem:$0xD10] =	vst v36;
	v36 =	vld [tilespmem:$0x1FB30];
	_ =	sdelay $0x7  }
0x593: {  	v36 =	vld.idx.msk [tilespmem:v36+s2+$0x0], $0xffff;
	_ =	sdelay $0x4  }
0x594: {  	[tilespmem:$0xD20] =	vst v36;
	v36 =	vld [tilespmem:$0x1FB40];
	_ =	sdelay $0x7  }
0x595: {  	v36 =	vld.idx.msk [tilespmem:v36+s2+$0x0], $0xffff;
	_ =	sdelay $0x4  }
0x596: {  	[tilespmem:$0xD30] =	vst v36;
	v36 =	vld [tilespmem:$0x1FB60];
	_ =	sdelay $0x7  }
0x597: {  	v36 =	vld.idx.msk [tilespmem:v36+s2+$0x0], $0xffff;
	_ =	sdelay $0x4  }
0x598: {  	[tilespmem:$0xD40] =	vst v36;
	v36 =	vld [tilespmem:$0x1FB70];
	_ =	sdelay $0x7  }
0x599: {  	v36 =	vld.idx.msk [tilespmem:v36+s2+$0x0], $0xffff;
	_ =	sdelay $0x4  }
0x59a: {  	[tilespmem:$0xD50] =	vst v36;
	v36 =	vld [tilespmem:$0x1FB90];
	_ =	sdelay $0x7  }
0x59b: {  	v36 =	vld.idx.msk [tilespmem:v36+s2+$0x0], $0xffff;
	_ =	sdelay $0x4  }
0x59c: {  	[tilespmem:$0xD60] =	vst v36;
	v36 =	vld [tilespmem:$0x1FBA0];
	_ =	sdelay $0x7  }
0x59d: {  	v36 =	vld.idx.msk [tilespmem:v36+s2+$0x0], $0xffff;
	_ =	sdelay $0x4  }
0x59e: {  	[tilespmem:$0xD70] =	vst v36;
	v36 =	vld [tilespmem:$0x1FBC0];
	_ =	sdelay $0x7  }
0x59f: {  	v36 =	vld.idx.msk [tilespmem:v36+s2+$0x0], $0xffff;
	_ =	sdelay $0x4  }
0x5a0: {  	[tilespmem:$0xD80] =	vst v36;
	v36 =	vld [tilespmem:$0x1FBD0];
	_ =	sdelay $0x7  }
0x5a1: {  	v36 =	vld.idx.msk [tilespmem:v36+s2+$0x0], $0xffff;
	_ =	sdelay $0x4  }
0x5a2: {  	[tilespmem:$0xD90] =	vst v36;
	v36 =	vld [tilespmem:$0x1FBF0];
	_ =	sdelay $0x7  }
0x5a3: {  	v36 =	vld.idx.msk [tilespmem:v36+s2+$0x0], $0xffff;
	_ =	sdelay $0x4  }
0x5a4: {  	[tilespmem:$0xDA0] =	vst v36;
	v36 =	vld [tilespmem:$0x1FC00];
	_ =	sdelay $0x7  }
0x5a5: {  	v36 =	vld.idx.msk [tilespmem:v36+s2+$0x0], $0xffff;
	_ =	sdelay $0x4  }
0x5a6: {  	[tilespmem:$0xDB0] =	vst v36;
	v36 =	vld [tilespmem:$0x1FC20];
	_ =	sdelay $0x7  }
0x5a7: {  	v36 =	vld.idx.msk [tilespmem:v36+s2+$0x0], $0xffff;
	_ =	sdelay $0x4  }
0x5a8: {  	[tilespmem:$0xDC0] =	vst v36;
	v36 =	vld [tilespmem:$0x1FC30];
	_ =	sdelay $0x7  }
0x5a9: {  	v36 =	vld.idx.msk [tilespmem:v36+s2+$0x0], $0xffff;
	_ =	sdelay $0x4  }
0x5aa: {  	[tilespmem:$0xDD0] =	vst v36;
	v36 =	vld [tilespmem:$0x1FC50];
	_ =	sdelay $0x7  }
0x5ab: {  	v36 =	vld.idx.msk [tilespmem:v36+s2+$0x0], $0xffff;
	_ =	sdelay $0x4  }
0x5ac: {  	[tilespmem:$0xDE0] =	vst v36;
	v36 =	vld [tilespmem:$0x1FC60];
	_ =	sdelay $0x7  }
0x5ad: {  	v36 =	vld.idx.msk [tilespmem:v36+s2+$0x0], $0xffff;
	_ =	sdelay $0x4  }
0x5ae: {  	[tilespmem:$0xDF0] =	vst v36;
	v36 =	vld [tilespmem:$0x1FC80];
	_ =	sdelay $0x7  }
0x5af: {  	v36 =	vld.idx.msk [tilespmem:v36+s2+$0x0], $0xffff;
	_ =	sdelay $0x4  }
0x5b0: {  	[tilespmem:$0xE00] =	vst v36;
	v36 =	vld [tilespmem:$0x1FC90];
	_ =	sdelay $0x7  }
0x5b1: {  	v36 =	vld.idx.msk [tilespmem:v36+s2+$0x0], $0xffff;
	_ =	sdelay $0x4  }
0x5b2: {  	[tilespmem:$0xE10] =	vst v36;
	v36 =	vld [tilespmem:$0x1FCB0];
	_ =	sdelay $0x7  }
0x5b3: {  	v36 =	vld.idx.msk [tilespmem:v36+s2+$0x0], $0xffff;
	_ =	sdelay $0x4  }
0x5b4: {  	[tilespmem:$0xE20] =	vst v36;
	v36 =	vld [tilespmem:$0x1FCC0];
	_ =	sdelay $0x7  }
0x5b5: {  	v36 =	vld.idx.msk [tilespmem:v36+s2+$0x0], $0xffff;
	_ =	sdelay $0x4  }
0x5b6: {  	[tilespmem:$0xE30] =	vst v36;
	v36 =	vld [tilespmem:$0x1FCD0];
	_ =	sdelay $0x7  }
0x5b7: {  	v36 =	vld.idx.msk [tilespmem:v36+s2+$0x0], $0xffff;
	_ =	sdelay $0x4  }
0x5b8: {  	[tilespmem:$0xE40] =	vst v36;
	v36 =	vld [tilespmem:$0x1FCE0];
	_ =	sdelay $0x7  }
0x5b9: {  	v36 =	vld.idx.msk [tilespmem:v36+s2+$0x0], $0xffff;
	_ =	sdelay $0x4  }
0x5ba: {  	[tilespmem:$0xE50] =	vst v36;
	v36 =	vld [tilespmem:$0x1FCF0];
	_ =	sdelay $0x7  }
0x5bb: {  	v36 =	vld.idx.msk [tilespmem:v36+s2+$0x0], $0xffff;
	_ =	sdelay $0x4  }
0x5bc: {  	[tilespmem:$0xE60] =	vst v36;
	v36 =	vld [tilespmem:$0x1FD00];
	_ =	sdelay $0x7  }
0x5bd: {  	v36 =	vld.idx.msk [tilespmem:v36+s2+$0x0], $0xffff;
	_ =	sdelay $0x4  }
0x5be: {  	[tilespmem:$0xE70] =	vst v36;
	v36 =	vld [tilespmem:$0x1FD10];
	_ =	sdelay $0x7  }
0x5bf: {  	v36 =	vld.idx.msk [tilespmem:v36+s2+$0x0], $0xffff;
	_ =	sdelay $0x4  }
0x5c0: {  	[tilespmem:$0xE80] =	vst v36;
	v36 =	vld [tilespmem:$0x1FD20];
	_ =	sdelay $0x7  }
0x5c1: {  	v36 =	vld.idx.msk [tilespmem:v36+s2+$0x0], $0xffff;
	_ =	sdelay $0x4  }
0x5c2: {  	[tilespmem:$0xE90] =	vst v36;
	v36 =	vld [tilespmem:$0x1FD30];
	_ =	sdelay $0x7  }
0x5c3: {  	v36 =	vld.idx.msk [tilespmem:v36+s2+$0x0], $0xffff;
	_ =	sdelay $0x4  }
0x5c4: {  	[tilespmem:$0xEA0] =	vst v36;
	v36 =	vld [tilespmem:$0x1FD40];
	_ =	sdelay $0x7  }
0x5c5: {  	v36 =	vld.idx.msk [tilespmem:v36+s2+$0x0], $0xffff;
	_ =	sdelay $0x4  }
0x5c6: {  	[tilespmem:$0xEB0] =	vst v36;
	v36 =	vld [tilespmem:$0x1FD50];
	_ =	sdelay $0x7  }
0x5c7: {  	v36 =	vld.idx.msk [tilespmem:v36+s2+$0x0], $0xffff;
	_ =	sdelay $0x4  }
0x5c8: {  	[tilespmem:$0xEC0] =	vst v36  }
0x5c9: {  	v36 =	vld.idx.msk [tilespmem:v37+s2+$0x0], $0xffff;
	_ =	sdelay $0x4  }
0x5ca: {  	[tilespmem:$0xED0] =	vst v36  }
0x5cb: {  	v36 =	vld.idx.msk [tilespmem:v38+s2+$0x0], $0xffff;
	_ =	sdelay $0x4  }
0x5cc: {  	[tilespmem:$0xEE0] =	vst v36  }
0x5cd: {  	v36 =	vld.idx.msk [tilespmem:v39+s2+$0x0], $0xffff;
	_ =	sdelay $0x4  }
0x5ce: {  	[tilespmem:$0xEF0] =	vst v36  }
0x5cf: {  	v36 =	vld.idx.msk [tilespmem:v40+s2+$0x0], $0xffff;
	_ =	sdelay $0x4  }
0x5d0: {  	[tilespmem:$0xF00] =	vst v36  }
0x5d1: {  	v36 =	vld.idx.msk [tilespmem:v41+s2+$0x0], $0xffff;
	_ =	sdelay $0x4  }
0x5d2: {  	[tilespmem:$0xF10] =	vst v36  }
0x5d3: {  	v36 =	vld.idx.msk [tilespmem:v42+s2+$0x0], $0xffff;
	_ =	sdelay $0x4  }
0x5d4: {  	[tilespmem:$0xF20] =	vst v36  }
0x5d5: {  	v36 =	vld.idx.msk [tilespmem:v43+s2+$0x0], $0xffff;
	_ =	sdelay $0x4  }
0x5d6: {  	[tilespmem:$0xF30] =	vst v36  }
0x5d7: {  	v36 =	vld.idx.msk [tilespmem:v44+s2+$0x0], $0xffff;
	_ =	sdelay $0x4  }
0x5d8: {  	[tilespmem:$0xF40] =	vst v36  }
0x5d9: {  	v36 =	vld.idx.msk [tilespmem:v45+s2+$0x0], $0xffff;
	_ =	sdelay $0x4  }
0x5da: {  	[tilespmem:$0xF50] =	vst v36  }
0x5db: {  	v36 =	vld.idx.msk [tilespmem:v46+s2+$0x0], $0xffff;
	_ =	sdelay $0x4  }
0x5dc: {  	[tilespmem:$0xF60] =	vst v36  }
0x5dd: {  	v36 =	vld.idx.msk [tilespmem:v47+s2+$0x0], $0xffff;
	_ =	sdelay $0x4  }
0x5de: {  	[tilespmem:$0xF70] =	vst v36  }
0x5df: {  	v36 =	vld.idx.msk [tilespmem:v48+s2+$0x0], $0xffff;
	_ =	sdelay $0x4  }
0x5e0: {  	[tilespmem:$0xF80] =	vst v36  }
0x5e1: {  	v36 =	vld.idx.msk [tilespmem:v49+s2+$0x0], $0xffff;
	_ =	sdelay $0x4  }
0x5e2: {  	[tilespmem:$0xF90] =	vst v36  }
0x5e3: {  	v36 =	vld.idx.msk [tilespmem:v50+s2+$0x0], $0xffff;
	_ =	sdelay $0x4  }
0x5e4: {  	[tilespmem:$0xFA0] =	vst v36  }
0x5e5: {  	v36 =	vld.idx.msk [tilespmem:v51+s2+$0x0], $0xffff;
	_ =	sdelay $0x4  }
0x5e6: {  	[tilespmem:$0xFB0] =	vst v36  }
0x5e7: {  	v36 =	vld.idx.msk [tilespmem:v52+s2+$0x0], $0xffff;
	_ =	sdelay $0x4  }
0x5e8: {  	[tilespmem:$0xFC0] =	vst v36  }
0x5e9: {  	v36 =	vld.idx.msk [tilespmem:v53+s2+$0x0], $0xffff;
	_ =	sdelay $0x4  }
0x5ea: {  	[tilespmem:$0xFD0] =	vst v36  }
0x5eb: {  	v36 =	vld.idx.msk [tilespmem:v54+s2+$0x0], $0xffff;
	_ =	sdelay $0x4  }
0x5ec: {  	[tilespmem:$0xFE0] =	vst v36  }
0x5ed: {  	v36 =	vld.idx.msk [tilespmem:v55+s2+$0x0], $0xffff;
	_ =	sdelay $0x4  }
0x5ee: {  	[tilespmem:$0xFF0] =	vst v36  }
0x5ef: {  	v36 =	vld.idx.msk [tilespmem:v56+s2+$0x0], $0xffff;
	_ =	sdelay $0x4  }
0x5f0: {  	[tilespmem:$0x1000] =	vst v36  }
0x5f1: {  	v36 =	vld.idx.msk [tilespmem:v57+s2+$0x0], $0xffff;
	_ =	sdelay $0x4  }
0x5f2: {  	[tilespmem:$0x1010] =	vst v36  }
0x5f3: {  	v36 =	vld.idx.msk [tilespmem:v58+s2+$0x0], $0xffff;
	_ =	sdelay $0x4  }
0x5f4: {  	[tilespmem:$0x1020] =	vst v36  }
0x5f5: {  	v36 =	vld.idx.msk [tilespmem:v59+s2+$0x0], $0xffff;
	_ =	sdelay $0x4  }
0x5f6: {  	[tilespmem:$0x1030] =	vst v36  }
0x5f7: {  	v36 =	vld.idx.msk [tilespmem:v60+s2+$0x0], $0xffff;
	_ =	sdelay $0x4  }
0x5f8: {  	[tilespmem:$0x1040] =	vst v36  }
0x5f9: {  	v36 =	vld.idx.msk [tilespmem:v61+s2+$0x0], $0xffff;
	_ =	sdelay $0x4  }
0x5fa: {  	[tilespmem:$0x1050] =	vst v36  }
0x5fb: {  	v36 =	vld.idx.msk [tilespmem:v62+s2+$0x0], $0xffff;
	_ =	sdelay $0x4  }
0x5fc: {  	[tilespmem:$0x1060] =	vst v36  }
0x5fd: {  	v36 =	vld.idx.msk [tilespmem:v63+s2+$0x0], $0xffff;
	_ =	sdelay $0x4  }
0x5fe: {  	[tilespmem:$0x1070] =	vst v36  }
0x5ff: {  	v36 =	vld.idx.msk [tilespmem:v0+s2+$0x0], $0xffff;
	_ =	sdelay $0x4  }
0x600: {  	[tilespmem:$0x1080] =	vst v36  }
0x601: {  	v36 =	vld.idx.msk [tilespmem:v1+s2+$0x0], $0xffff;
	_ =	sdelay $0x4  }
0x602: {  	[tilespmem:$0x1090] =	vst v36  }
0x603: {  	v36 =	vld.idx.msk [tilespmem:v2+s2+$0x0], $0xffff;
	_ =	sdelay $0x4  }
0x604: {  	[tilespmem:$0x10A0] =	vst v36  }
0x605: {  	v36 =	vld.idx.msk [tilespmem:v3+s2+$0x0], $0xffff;
	_ =	sdelay $0x4  }
0x606: {  	[tilespmem:$0x10B0] =	vst v36  }
0x607: {  	v36 =	vld.idx.msk [tilespmem:v4+s2+$0x0], $0xffff;
	_ =	sdelay $0x4  }
0x608: {  	[tilespmem:$0x10C0] =	vst v36  }
0x609: {  	v36 =	vld.idx.msk [tilespmem:v5+s2+$0x0], $0xffff;
	_ =	sdelay $0x4  }
0x60a: {  	[tilespmem:$0x10D0] =	vst v36  }
0x60b: {  	v36 =	vld.idx.msk [tilespmem:v6+s2+$0x0], $0xffff;
	_ =	sdelay $0x4  }
0x60c: {  	[tilespmem:$0x10E0] =	vst v36  }
0x60d: {  	v36 =	vld.idx.msk [tilespmem:v7+s2+$0x0], $0xffff;
	_ =	sdelay $0x4  }
0x60e: {  	[tilespmem:$0x10F0] =	vst v36  }
0x60f: {  	v36 =	vld.idx.msk [tilespmem:v8+s2+$0x0], $0xffff;
	_ =	sdelay $0x4  }
0x610: {  	[tilespmem:$0x1100] =	vst v36  }
0x611: {  	v36 =	vld.idx.msk [tilespmem:v9+s2+$0x0], $0xffff;
	_ =	sdelay $0x4  }
0x612: {  	[tilespmem:$0x1110] =	vst v36  }
0x613: {  	v36 =	vld.idx.msk [tilespmem:v10+s2+$0x0], $0xffff;
	_ =	sdelay $0x4  }
0x614: {  	[tilespmem:$0x1120] =	vst v36  }
0x615: {  	v36 =	vld.idx.msk [tilespmem:v11+s2+$0x0], $0xffff;
	_ =	sdelay $0x4  }
0x616: {  	[tilespmem:$0x1130] =	vst v36  }
0x617: {  	v36 =	vld.idx.msk [tilespmem:v12+s2+$0x0], $0xffff;
	_ =	sdelay $0x4  }
0x618: {  	[tilespmem:$0x1140] =	vst v36  }
0x619: {  	v36 =	vld.idx.msk [tilespmem:v13+s2+$0x0], $0xffff;
	_ =	sdelay $0x4  }
0x61a: {  	[tilespmem:$0x1150] =	vst v36  }
0x61b: {  	v36 =	vld.idx.msk [tilespmem:v14+s2+$0x0], $0xffff;
	_ =	sdelay $0x4  }
0x61c: {  	[tilespmem:$0x1160] =	vst v36  }
0x61d: {  	v36 =	vld.idx.msk [tilespmem:v15+s2+$0x0], $0xffff;
	_ =	sdelay $0x4  }
0x61e: {  	[tilespmem:$0x1170] =	vst v36  }
0x61f: {  	v36 =	vld.idx.msk [tilespmem:v16+s2+$0x0], $0xffff;
	_ =	sdelay $0x4  }
0x620: {  	[tilespmem:$0x1180] =	vst v36  }
0x621: {  	v36 =	vld.idx.msk [tilespmem:v17+s2+$0x0], $0xffff;
	_ =	sdelay $0x4  }
0x622: {  	[tilespmem:$0x1190] =	vst v36  }
0x623: {  	v36 =	vld.idx.msk [tilespmem:v18+s2+$0x0], $0xffff;
	_ =	sdelay $0x4  }
0x624: {  	[tilespmem:$0x11A0] =	vst v36  }
0x625: {  	v36 =	vld.idx.msk [tilespmem:v19+s2+$0x0], $0xffff;
	_ =	sdelay $0x4  }
0x626: {  	[tilespmem:$0x11B0] =	vst v36  }
0x627: {  	v36 =	vld.idx.msk [tilespmem:v20+s2+$0x0], $0xffff;
	_ =	sdelay $0x4  }
0x628: {  	[tilespmem:$0x11C0] =	vst v36  }
0x629: {  	v36 =	vld.idx.msk [tilespmem:v21+s2+$0x0], $0xffff;
	_ =	sdelay $0x4  }
0x62a: {  	[tilespmem:$0x11D0] =	vst v36  }
0x62b: {  	v36 =	vld.idx.msk [tilespmem:v22+s2+$0x0], $0xffff;
	_ =	sdelay $0x4  }
0x62c: {  	[tilespmem:$0x11E0] =	vst v36  }
0x62d: {  	v36 =	vld.idx.msk [tilespmem:v23+s2+$0x0], $0xffff;
	_ =	sdelay $0x4  }
0x62e: {  	[tilespmem:$0x11F0] =	vst v36  }
0x62f: {  	v36 =	vld.idx.msk [tilespmem:v24+s2+$0x0], $0xffff;
	_ =	sdelay $0x4  }
0x630: {  	[tilespmem:$0x1200] =	vst v36  }
0x631: {  	v36 =	vld.idx.msk [tilespmem:v25+s2+$0x0], $0xffff;
	_ =	sdelay $0x4  }
0x632: {  	[tilespmem:$0x1210] =	vst v36  }
0x633: {  	v36 =	vld.idx.msk [tilespmem:v26+s2+$0x0], $0xffff;
	_ =	sdelay $0x4  }
0x634: {  	[tilespmem:$0x1220] =	vst v36  }
0x635: {  	v36 =	vld.idx.msk [tilespmem:v27+s2+$0x0], $0xffff;
	_ =	sdelay $0x4  }
0x636: {  	[tilespmem:$0x1230] =	vst v36  }
0x637: {  	v36 =	vld.idx.msk [tilespmem:v28+s2+$0x0], $0xffff;
	_ =	sdelay $0x4  }
0x638: {  	[tilespmem:$0x1240] =	vst v36  }
0x639: {  	v36 =	vld.idx.msk [tilespmem:v29+s2+$0x0], $0xffff;
	_ =	sdelay $0x4  }
0x63a: {  	[tilespmem:$0x1250] =	vst v36  }
0x63b: {  	v36 =	vld.idx.msk [tilespmem:v30+s2+$0x0], $0xffff;
	_ =	sdelay $0x4  }
0x63c: {  	[tilespmem:$0x1260] =	vst v36  }
0x63d: {  	v36 =	vld.idx.msk [tilespmem:v31+s2+$0x0], $0xffff;
	_ =	sdelay $0x4  }
0x63e: {  	[tilespmem:$0x1270] =	vst v36  }
0x63f: {  	v36 =	vld.idx.msk [tilespmem:v32+s2+$0x0], $0xffff;
	_ =	sdelay $0x4  }
0x640: {  	[tilespmem:$0x1280] =	vst v36  }
0x641: {  	v36 =	vld.idx.msk [tilespmem:v33+s2+$0x0], $0xffff;
	_ =	sdelay $0x4  }
0x642: {  	[tilespmem:$0x1290] =	vst v36  }
0x643: {  	v36 =	vld.idx.msk [tilespmem:v34+s2+$0x0], $0xffff;
	_ =	sdelay $0x4  }
0x644: {  	[tilespmem:$0x12A0] =	vst v36  }
0x645: {  	v36 =	vld.idx.msk [tilespmem:v35+s2+$0x0], $0xffff;
	_ =	sdelay $0x4  }
0x646: {  	[tilespmem:$0x12B0] =	vst v36  }
0x647: {  	[tilespmem:s12], [sflag:$0x1] =	stream.indirect.gather [hbm4b:s3+s10], $0x20, s11, s10, $0xb8;
	[tilespmem:$0x1A900] =	vst v63  }
.LBB2_4:
.Ltmp3:
0x648: {  	(pc) =	sbr.rel @p0 .LBB2_6-.Ltmp3, $4  }
0x649: {  	_ =	swait.ge [sflag:s16], $0xC800  }
0x64a: {  	[sflag:s16] =	ssyncset.done $0x0  }
0x64b: {  	s22 =	sadd.s32 $0x1900, s20;
	[sflag:s16] =	ssyncadd.s32 $0xFFFF3800  }
0x64c: {  	[hbm4b:s22+s2] =	stream.linear.scatter [tilespmem:s14], [sflag:$0x4], $0xC800, $0x38;
	[tilespmem:$0x1A900] =	vst v63  }
0x64d: {  	_ =	swait.ge [sflag:s18], $0xC800  }
0x64e: {  	s22 =	sadd.s32 s21, s7;
	[sflag:s18] =	ssyncset.done $0x0  }
0x64f: {  	s22 =	sadd.s32 $0x258, s22;
	[sflag:s18] =	ssyncadd.s32 $0xFFFF3800  }
0x650: {  	[tilespmem:s10], [sflag:$0x5] =	stream.linear.gather [hbm4b:s22+s2], $0x640, $0x38;
	[tilespmem:$0x1A900] =	vst v63  }
0x651: {  	_ =	swait.ge [sflag:s9], $0x640  }
0x652: {  	v36 =	vld [tilespmem:$0x1FA50];
	_ =	sdelay $0x5  }
0x653: {  	[sflag:s9] =	ssyncset.done $0x0  }
0x654: {  	[sflag:s9] =	ssyncadd.s32 $0xFFFFF9C0  }
0x655: {  	v36 =	vld.idx.msk [tilespmem:v36+s10+$0x0], $0xffff;
	_ =	sdelay $0x4  }
0x656: {  	[tilespmem:$0x12C0] =	vst v36;
	v36 =	vld [tilespmem:$0x1FA60];
	_ =	sdelay $0x7  }
0x657: {  	v36 =	vld.idx.msk [tilespmem:v36+s10+$0x0], $0xffff;
	_ =	sdelay $0x4  }
0x658: {  	[tilespmem:$0x12D0] =	vst v36;
	v36 =	vld [tilespmem:$0x1FA70];
	_ =	sdelay $0x7  }
0x659: {  	v36 =	vld.idx.msk [tilespmem:v36+s10+$0x0], $0xffff;
	_ =	sdelay $0x4  }
0x65a: {  	[tilespmem:$0x12E0] =	vst v36;
	v36 =	vld [tilespmem:$0x1FA80];
	_ =	sdelay $0x7  }
0x65b: {  	v36 =	vld.idx.msk [tilespmem:v36+s10+$0x0], $0xffff;
	_ =	sdelay $0x4  }
0x65c: {  	[tilespmem:$0x12F0] =	vst v36;
	v36 =	vld [tilespmem:$0x1FAA0];
	_ =	sdelay $0x7  }
0x65d: {  	v36 =	vld.idx.msk [tilespmem:v36+s10+$0x0], $0xffff;
	_ =	sdelay $0x4  }
0x65e: {  	[tilespmem:$0x1300] =	vst v36;
	v36 =	vld [tilespmem:$0x1FAB0];
	_ =	sdelay $0x7  }
0x65f: {  	v36 =	vld.idx.msk [tilespmem:v36+s10+$0x0], $0xffff;
	_ =	sdelay $0x4  }
0x660: {  	[tilespmem:$0x1310] =	vst v36;
	v36 =	vld [tilespmem:$0x1FAD0];
	_ =	sdelay $0x7  }
0x661: {  	v36 =	vld.idx.msk [tilespmem:v36+s10+$0x0], $0xffff;
	_ =	sdelay $0x4  }
0x662: {  	[tilespmem:$0x1320] =	vst v36;
	v36 =	vld [tilespmem:$0x1FAE0];
	_ =	sdelay $0x7  }
0x663: {  	v36 =	vld.idx.msk [tilespmem:v36+s10+$0x0], $0xffff;
	_ =	sdelay $0x4  }
0x664: {  	[tilespmem:$0x1330] =	vst v36;
	v36 =	vld [tilespmem:$0x1FB00];
	_ =	sdelay $0x7  }
0x665: {  	v36 =	vld.idx.msk [tilespmem:v36+s10+$0x0], $0xffff;
	_ =	sdelay $0x4  }
0x666: {  	[tilespmem:$0x1340] =	vst v36;
	v36 =	vld [tilespmem:$0x1FB10];
	_ =	sdelay $0x7  }
0x667: {  	v36 =	vld.idx.msk [tilespmem:v36+s10+$0x0], $0xffff;
	_ =	sdelay $0x4  }
0x668: {  	[tilespmem:$0x1350] =	vst v36;
	v36 =	vld [tilespmem:$0x1FB30];
	_ =	sdelay $0x7  }
0x669: {  	v36 =	vld.idx.msk [tilespmem:v36+s10+$0x0], $0xffff;
	_ =	sdelay $0x4  }
0x66a: {  	[tilespmem:$0x1360] =	vst v36;
	v36 =	vld [tilespmem:$0x1FB40];
	_ =	sdelay $0x7  }
0x66b: {  	v36 =	vld.idx.msk [tilespmem:v36+s10+$0x0], $0xffff;
	_ =	sdelay $0x4  }
0x66c: {  	[tilespmem:$0x1370] =	vst v36;
	v36 =	vld [tilespmem:$0x1FB60];
	_ =	sdelay $0x7  }
0x66d: {  	v36 =	vld.idx.msk [tilespmem:v36+s10+$0x0], $0xffff;
	_ =	sdelay $0x4  }
0x66e: {  	[tilespmem:$0x1380] =	vst v36;
	v36 =	vld [tilespmem:$0x1FB70];
	_ =	sdelay $0x7  }
0x66f: {  	v36 =	vld.idx.msk [tilespmem:v36+s10+$0x0], $0xffff;
	_ =	sdelay $0x4  }
0x670: {  	[tilespmem:$0x1390] =	vst v36;
	v36 =	vld [tilespmem:$0x1FB90];
	_ =	sdelay $0x7  }
0x671: {  	v36 =	vld.idx.msk [tilespmem:v36+s10+$0x0], $0xffff;
	_ =	sdelay $0x4  }
0x672: {  	[tilespmem:$0x13A0] =	vst v36;
	v36 =	vld [tilespmem:$0x1FBA0];
	_ =	sdelay $0x7  }
0x673: {  	v36 =	vld.idx.msk [tilespmem:v36+s10+$0x0], $0xffff;
	_ =	sdelay $0x4  }
0x674: {  	[tilespmem:$0x13B0] =	vst v36;
	v36 =	vld [tilespmem:$0x1FBC0];
	_ =	sdelay $0x7  }
0x675: {  	v36 =	vld.idx.msk [tilespmem:v36+s10+$0x0], $0xffff;
	_ =	sdelay $0x4  }
0x676: {  	[tilespmem:$0x13C0] =	vst v36;
	v36 =	vld [tilespmem:$0x1FBD0];
	_ =	sdelay $0x7  }
0x677: {  	v36 =	vld.idx.msk [tilespmem:v36+s10+$0x0], $0xffff;
	_ =	sdelay $0x4  }
0x678: {  	[tilespmem:$0x13D0] =	vst v36;
	v36 =	vld [tilespmem:$0x1FBF0];
	_ =	sdelay $0x7  }
0x679: {  	v36 =	vld.idx.msk [tilespmem:v36+s10+$0x0], $0xffff;
	_ =	sdelay $0x4  }
0x67a: {  	[tilespmem:$0x13E0] =	vst v36;
	v36 =	vld [tilespmem:$0x1FC00];
	_ =	sdelay $0x7  }
0x67b: {  	v36 =	vld.idx.msk [tilespmem:v36+s10+$0x0], $0xffff;
	_ =	sdelay $0x4  }
0x67c: {  	[tilespmem:$0x13F0] =	vst v36;
	v36 =	vld [tilespmem:$0x1FC20];
	_ =	sdelay $0x7  }
0x67d: {  	v36 =	vld.idx.msk [tilespmem:v36+s10+$0x0], $0xffff;
	_ =	sdelay $0x4  }
0x67e: {  	[tilespmem:$0x1400] =	vst v36;
	v36 =	vld [tilespmem:$0x1FC30];
	_ =	sdelay $0x7  }
0x67f: {  	v36 =	vld.idx.msk [tilespmem:v36+s10+$0x0], $0xffff;
	_ =	sdelay $0x4  }
0x680: {  	[tilespmem:$0x1410] =	vst v36;
	v36 =	vld [tilespmem:$0x1FC50];
	_ =	sdelay $0x7  }
0x681: {  	v36 =	vld.idx.msk [tilespmem:v36+s10+$0x0], $0xffff;
	_ =	sdelay $0x4  }
0x682: {  	[tilespmem:$0x1420] =	vst v36;
	v36 =	vld [tilespmem:$0x1FC60];
	_ =	sdelay $0x7  }
0x683: {  	v36 =	vld.idx.msk [tilespmem:v36+s10+$0x0], $0xffff;
	_ =	sdelay $0x4  }
0x684: {  	[tilespmem:$0x1430] =	vst v36;
	v36 =	vld [tilespmem:$0x1FC80];
	_ =	sdelay $0x7  }
0x685: {  	v36 =	vld.idx.msk [tilespmem:v36+s10+$0x0], $0xffff;
	_ =	sdelay $0x4  }
0x686: {  	[tilespmem:$0x1440] =	vst v36;
	v36 =	vld [tilespmem:$0x1FC90];
	_ =	sdelay $0x7  }
0x687: {  	v36 =	vld.idx.msk [tilespmem:v36+s10+$0x0], $0xffff;
	_ =	sdelay $0x4  }
0x688: {  	[tilespmem:$0x1450] =	vst v36;
	v36 =	vld [tilespmem:$0x1FCB0];
	_ =	sdelay $0x7  }
0x689: {  	v36 =	vld.idx.msk [tilespmem:v36+s10+$0x0], $0xffff;
	_ =	sdelay $0x4  }
0x68a: {  	[tilespmem:$0x1460] =	vst v36;
	v36 =	vld [tilespmem:$0x1FCC0];
	_ =	sdelay $0x7  }
0x68b: {  	v36 =	vld.idx.msk [tilespmem:v36+s10+$0x0], $0xffff;
	_ =	sdelay $0x4  }
0x68c: {  	[tilespmem:$0x1470] =	vst v36;
	v36 =	vld [tilespmem:$0x1FCD0];
	_ =	sdelay $0x7  }
0x68d: {  	v36 =	vld.idx.msk [tilespmem:v36+s10+$0x0], $0xffff;
	_ =	sdelay $0x4  }
0x68e: {  	[tilespmem:$0x1480] =	vst v36;
	v36 =	vld [tilespmem:$0x1FCE0];
	_ =	sdelay $0x7  }
0x68f: {  	v36 =	vld.idx.msk [tilespmem:v36+s10+$0x0], $0xffff;
	_ =	sdelay $0x4  }
0x690: {  	[tilespmem:$0x1490] =	vst v36;
	v36 =	vld [tilespmem:$0x1FCF0];
	_ =	sdelay $0x7  }
0x691: {  	v36 =	vld.idx.msk [tilespmem:v36+s10+$0x0], $0xffff;
	_ =	sdelay $0x4  }
0x692: {  	[tilespmem:$0x14A0] =	vst v36;
	v36 =	vld [tilespmem:$0x1FD00];
	_ =	sdelay $0x7  }
0x693: {  	v36 =	vld.idx.msk [tilespmem:v36+s10+$0x0], $0xffff;
	_ =	sdelay $0x4  }
0x694: {  	[tilespmem:$0x14B0] =	vst v36;
	v36 =	vld [tilespmem:$0x1FD10];
	_ =	sdelay $0x7  }
0x695: {  	v36 =	vld.idx.msk [tilespmem:v36+s10+$0x0], $0xffff;
	_ =	sdelay $0x4  }
0x696: {  	[tilespmem:$0x14C0] =	vst v36;
	v36 =	vld [tilespmem:$0x1FD20];
	_ =	sdelay $0x7  }
0x697: {  	v36 =	vld.idx.msk [tilespmem:v36+s10+$0x0], $0xffff;
	_ =	sdelay $0x4  }
0x698: {  	[tilespmem:$0x14D0] =	vst v36;
	v36 =	vld [tilespmem:$0x1FD30];
	_ =	sdelay $0x7  }
0x699: {  	v36 =	vld.idx.msk [tilespmem:v36+s10+$0x0], $0xffff;
	_ =	sdelay $0x4  }
0x69a: {  	[tilespmem:$0x14E0] =	vst v36;
	v36 =	vld [tilespmem:$0x1FD40];
	_ =	sdelay $0x7  }
0x69b: {  	v36 =	vld.idx.msk [tilespmem:v36+s10+$0x0], $0xffff;
	_ =	sdelay $0x4  }
0x69c: {  	[tilespmem:$0x14F0] =	vst v36;
	v36 =	vld [tilespmem:$0x1FD50];
	_ =	sdelay $0x7  }
0x69d: {  	v36 =	vld.idx.msk [tilespmem:v36+s10+$0x0], $0xffff;
	_ =	sdelay $0x4  }
0x69e: {  	[tilespmem:$0x1500] =	vst v36  }
0x69f: {  	v36 =	vld.idx.msk [tilespmem:v37+s10+$0x0], $0xffff;
	_ =	sdelay $0x4  }
0x6a0: {  	[tilespmem:$0x1510] =	vst v36  }
0x6a1: {  	v36 =	vld.idx.msk [tilespmem:v38+s10+$0x0], $0xffff;
	_ =	sdelay $0x4  }
0x6a2: {  	[tilespmem:$0x1520] =	vst v36  }
0x6a3: {  	v36 =	vld.idx.msk [tilespmem:v39+s10+$0x0], $0xffff;
	_ =	sdelay $0x4  }
0x6a4: {  	[tilespmem:$0x1530] =	vst v36  }
0x6a5: {  	v36 =	vld.idx.msk [tilespmem:v40+s10+$0x0], $0xffff;
	_ =	sdelay $0x4  }
0x6a6: {  	[tilespmem:$0x1540] =	vst v36  }
0x6a7: {  	v36 =	vld.idx.msk [tilespmem:v41+s10+$0x0], $0xffff;
	_ =	sdelay $0x4  }
0x6a8: {  	[tilespmem:$0x1550] =	vst v36  }
0x6a9: {  	v36 =	vld.idx.msk [tilespmem:v42+s10+$0x0], $0xffff;
	_ =	sdelay $0x4  }
0x6aa: {  	[tilespmem:$0x1560] =	vst v36  }
0x6ab: {  	v36 =	vld.idx.msk [tilespmem:v43+s10+$0x0], $0xffff;
	_ =	sdelay $0x4  }
0x6ac: {  	[tilespmem:$0x1570] =	vst v36  }
0x6ad: {  	v36 =	vld.idx.msk [tilespmem:v44+s10+$0x0], $0xffff;
	_ =	sdelay $0x4  }
0x6ae: {  	[tilespmem:$0x1580] =	vst v36  }
0x6af: {  	v36 =	vld.idx.msk [tilespmem:v45+s10+$0x0], $0xffff;
	_ =	sdelay $0x4  }
0x6b0: {  	[tilespmem:$0x1590] =	vst v36  }
0x6b1: {  	v36 =	vld.idx.msk [tilespmem:v46+s10+$0x0], $0xffff;
	_ =	sdelay $0x4  }
0x6b2: {  	[tilespmem:$0x15A0] =	vst v36  }
0x6b3: {  	v36 =	vld.idx.msk [tilespmem:v47+s10+$0x0], $0xffff;
	_ =	sdelay $0x4  }
0x6b4: {  	[tilespmem:$0x15B0] =	vst v36  }
0x6b5: {  	v36 =	vld.idx.msk [tilespmem:v48+s10+$0x0], $0xffff;
	_ =	sdelay $0x4  }
0x6b6: {  	[tilespmem:$0x15C0] =	vst v36  }
0x6b7: {  	v36 =	vld.idx.msk [tilespmem:v49+s10+$0x0], $0xffff;
	_ =	sdelay $0x4  }
0x6b8: {  	[tilespmem:$0x15D0] =	vst v36  }
0x6b9: {  	v36 =	vld.idx.msk [tilespmem:v50+s10+$0x0], $0xffff;
	_ =	sdelay $0x4  }
0x6ba: {  	[tilespmem:$0x15E0] =	vst v36  }
0x6bb: {  	v36 =	vld.idx.msk [tilespmem:v51+s10+$0x0], $0xffff;
	_ =	sdelay $0x4  }
0x6bc: {  	[tilespmem:$0x15F0] =	vst v36  }
0x6bd: {  	v36 =	vld.idx.msk [tilespmem:v52+s10+$0x0], $0xffff;
	_ =	sdelay $0x4  }
0x6be: {  	[tilespmem:$0x1600] =	vst v36  }
0x6bf: {  	v36 =	vld.idx.msk [tilespmem:v53+s10+$0x0], $0xffff;
	_ =	sdelay $0x4  }
0x6c0: {  	[tilespmem:$0x1610] =	vst v36  }
0x6c1: {  	v36 =	vld.idx.msk [tilespmem:v54+s10+$0x0], $0xffff;
	_ =	sdelay $0x4  }
0x6c2: {  	[tilespmem:$0x1620] =	vst v36  }
0x6c3: {  	v36 =	vld.idx.msk [tilespmem:v55+s10+$0x0], $0xffff;
	_ =	sdelay $0x4  }
0x6c4: {  	[tilespmem:$0x1630] =	vst v36  }
0x6c5: {  	v36 =	vld.idx.msk [tilespmem:v56+s10+$0x0], $0xffff;
	_ =	sdelay $0x4  }
0x6c6: {  	[tilespmem:$0x1640] =	vst v36  }
0x6c7: {  	v36 =	vld.idx.msk [tilespmem:v57+s10+$0x0], $0xffff;
	_ =	sdelay $0x4  }
0x6c8: {  	[tilespmem:$0x1650] =	vst v36  }
0x6c9: {  	v36 =	vld.idx.msk [tilespmem:v58+s10+$0x0], $0xffff;
	_ =	sdelay $0x4  }
0x6ca: {  	[tilespmem:$0x1660] =	vst v36  }
0x6cb: {  	v36 =	vld.idx.msk [tilespmem:v59+s10+$0x0], $0xffff;
	_ =	sdelay $0x4  }
0x6cc: {  	[tilespmem:$0x1670] =	vst v36  }
0x6cd: {  	v36 =	vld.idx.msk [tilespmem:v60+s10+$0x0], $0xffff;
	_ =	sdelay $0x4  }
0x6ce: {  	[tilespmem:$0x1680] =	vst v36  }
0x6cf: {  	v36 =	vld.idx.msk [tilespmem:v61+s10+$0x0], $0xffff;
	_ =	sdelay $0x4  }
0x6d0: {  	[tilespmem:$0x1690] =	vst v36  }
0x6d1: {  	v36 =	vld.idx.msk [tilespmem:v62+s10+$0x0], $0xffff;
	_ =	sdelay $0x4  }
0x6d2: {  	[tilespmem:$0x16A0] =	vst v36  }
0x6d3: {  	v36 =	vld.idx.msk [tilespmem:v63+s10+$0x0], $0xffff;
	_ =	sdelay $0x4  }
0x6d4: {  	[tilespmem:$0x16B0] =	vst v36  }
0x6d5: {  	v36 =	vld.idx.msk [tilespmem:v0+s10+$0x0], $0xffff;
	_ =	sdelay $0x4  }
0x6d6: {  	[tilespmem:$0x16C0] =	vst v36  }
0x6d7: {  	v36 =	vld.idx.msk [tilespmem:v1+s10+$0x0], $0xffff;
	_ =	sdelay $0x4  }
0x6d8: {  	[tilespmem:$0x16D0] =	vst v36  }
0x6d9: {  	v36 =	vld.idx.msk [tilespmem:v2+s10+$0x0], $0xffff;
	_ =	sdelay $0x4  }
0x6da: {  	[tilespmem:$0x16E0] =	vst v36  }
0x6db: {  	v36 =	vld.idx.msk [tilespmem:v3+s10+$0x0], $0xffff;
	_ =	sdelay $0x4  }
0x6dc: {  	[tilespmem:$0x16F0] =	vst v36  }
0x6dd: {  	v36 =	vld.idx.msk [tilespmem:v4+s10+$0x0], $0xffff;
	_ =	sdelay $0x4  }
0x6de: {  	[tilespmem:$0x1700] =	vst v36  }
0x6df: {  	v36 =	vld.idx.msk [tilespmem:v5+s10+$0x0], $0xffff;
	_ =	sdelay $0x4  }
0x6e0: {  	[tilespmem:$0x1710] =	vst v36  }
0x6e1: {  	v36 =	vld.idx.msk [tilespmem:v6+s10+$0x0], $0xffff;
	_ =	sdelay $0x4  }
0x6e2: {  	[tilespmem:$0x1720] =	vst v36  }
0x6e3: {  	v36 =	vld.idx.msk [tilespmem:v7+s10+$0x0], $0xffff;
	_ =	sdelay $0x4  }
0x6e4: {  	[tilespmem:$0x1730] =	vst v36  }
0x6e5: {  	v36 =	vld.idx.msk [tilespmem:v8+s10+$0x0], $0xffff;
	_ =	sdelay $0x4  }
0x6e6: {  	[tilespmem:$0x1740] =	vst v36  }
0x6e7: {  	v36 =	vld.idx.msk [tilespmem:v9+s10+$0x0], $0xffff;
	_ =	sdelay $0x4  }
0x6e8: {  	[tilespmem:$0x1750] =	vst v36  }
0x6e9: {  	v36 =	vld.idx.msk [tilespmem:v10+s10+$0x0], $0xffff;
	_ =	sdelay $0x4  }
0x6ea: {  	[tilespmem:$0x1760] =	vst v36  }
0x6eb: {  	v36 =	vld.idx.msk [tilespmem:v11+s10+$0x0], $0xffff;
	_ =	sdelay $0x4  }
0x6ec: {  	[tilespmem:$0x1770] =	vst v36  }
0x6ed: {  	v36 =	vld.idx.msk [tilespmem:v12+s10+$0x0], $0xffff;
	_ =	sdelay $0x4  }
0x6ee: {  	[tilespmem:$0x1780] =	vst v36  }
0x6ef: {  	v36 =	vld.idx.msk [tilespmem:v13+s10+$0x0], $0xffff;
	_ =	sdelay $0x4  }
0x6f0: {  	[tilespmem:$0x1790] =	vst v36  }
0x6f1: {  	v36 =	vld.idx.msk [tilespmem:v14+s10+$0x0], $0xffff;
	_ =	sdelay $0x4  }
0x6f2: {  	[tilespmem:$0x17A0] =	vst v36  }
0x6f3: {  	v36 =	vld.idx.msk [tilespmem:v15+s10+$0x0], $0xffff;
	_ =	sdelay $0x4  }
0x6f4: {  	[tilespmem:$0x17B0] =	vst v36  }
0x6f5: {  	v36 =	vld.idx.msk [tilespmem:v16+s10+$0x0], $0xffff;
	_ =	sdelay $0x4  }
0x6f6: {  	[tilespmem:$0x17C0] =	vst v36  }
0x6f7: {  	v36 =	vld.idx.msk [tilespmem:v17+s10+$0x0], $0xffff;
	_ =	sdelay $0x4  }
0x6f8: {  	[tilespmem:$0x17D0] =	vst v36  }
0x6f9: {  	v36 =	vld.idx.msk [tilespmem:v18+s10+$0x0], $0xffff;
	_ =	sdelay $0x4  }
0x6fa: {  	[tilespmem:$0x17E0] =	vst v36  }
0x6fb: {  	v36 =	vld.idx.msk [tilespmem:v19+s10+$0x0], $0xffff;
	_ =	sdelay $0x4  }
0x6fc: {  	[tilespmem:$0x17F0] =	vst v36  }
0x6fd: {  	v36 =	vld.idx.msk [tilespmem:v20+s10+$0x0], $0xffff;
	_ =	sdelay $0x4  }
0x6fe: {  	[tilespmem:$0x1800] =	vst v36  }
0x6ff: {  	v36 =	vld.idx.msk [tilespmem:v21+s10+$0x0], $0xffff;
	_ =	sdelay $0x4  }
0x700: {  	[tilespmem:$0x1810] =	vst v36  }
0x701: {  	v36 =	vld.idx.msk [tilespmem:v22+s10+$0x0], $0xffff;
	_ =	sdelay $0x4  }
0x702: {  	[tilespmem:$0x1820] =	vst v36  }
0x703: {  	v36 =	vld.idx.msk [tilespmem:v23+s10+$0x0], $0xffff;
	_ =	sdelay $0x4  }
0x704: {  	[tilespmem:$0x1830] =	vst v36  }
0x705: {  	v36 =	vld.idx.msk [tilespmem:v24+s10+$0x0], $0xffff;
	_ =	sdelay $0x4  }
0x706: {  	[tilespmem:$0x1840] =	vst v36  }
0x707: {  	v36 =	vld.idx.msk [tilespmem:v25+s10+$0x0], $0xffff;
	_ =	sdelay $0x4  }
0x708: {  	[tilespmem:$0x1850] =	vst v36  }
0x709: {  	v36 =	vld.idx.msk [tilespmem:v26+s10+$0x0], $0xffff;
	_ =	sdelay $0x4  }
0x70a: {  	[tilespmem:$0x1860] =	vst v36  }
0x70b: {  	v36 =	vld.idx.msk [tilespmem:v27+s10+$0x0], $0xffff;
	_ =	sdelay $0x4  }
0x70c: {  	[tilespmem:$0x1870] =	vst v36  }
0x70d: {  	v36 =	vld.idx.msk [tilespmem:v28+s10+$0x0], $0xffff;
	_ =	sdelay $0x4  }
0x70e: {  	[tilespmem:$0x1880] =	vst v36  }
0x70f: {  	v36 =	vld.idx.msk [tilespmem:v29+s10+$0x0], $0xffff;
	_ =	sdelay $0x4  }
0x710: {  	[tilespmem:$0x1890] =	vst v36  }
0x711: {  	v36 =	vld.idx.msk [tilespmem:v30+s10+$0x0], $0xffff;
	_ =	sdelay $0x4  }
0x712: {  	[tilespmem:$0x18A0] =	vst v36  }
0x713: {  	v36 =	vld.idx.msk [tilespmem:v31+s10+$0x0], $0xffff;
	_ =	sdelay $0x4  }
0x714: {  	[tilespmem:$0x18B0] =	vst v36  }
0x715: {  	v36 =	vld.idx.msk [tilespmem:v32+s10+$0x0], $0xffff;
	_ =	sdelay $0x4  }
0x716: {  	[tilespmem:$0x18C0] =	vst v36  }
0x717: {  	v36 =	vld.idx.msk [tilespmem:v33+s10+$0x0], $0xffff;
	_ =	sdelay $0x4  }
0x718: {  	[tilespmem:$0x18D0] =	vst v36  }
0x719: {  	v36 =	vld.idx.msk [tilespmem:v34+s10+$0x0], $0xffff;
	_ =	sdelay $0x4  }
0x71a: {  	[tilespmem:$0x18E0] =	vst v36  }
0x71b: {  	v36 =	vld.idx.msk [tilespmem:v35+s10+$0x0], $0xffff;
	_ =	sdelay $0x1  }
.Ltmp4:
0x71c: {  	_ = 	snop;
	(pc) =	sbr.rel .LBB2_2-.Ltmp4, $3  }
0x71d: {  	_ =	sdelay $0x1  }
0x71e: {  	s21 =	sadd.s32 $0x190, s21;
	s20 =	sadd.s32 $0x3200, s20;
	[tilespmem:$0x18F0] =	vst v36  }
0x71f: {  	[tilespmem:s14], [sflag:$0x2] =	stream.indirect.gather [hbm4b:s3+s10], $0x20, s13, s10, $0xb8;
	[tilespmem:$0x1A900] =	vst v63  }
.LBB2_7:
0x720: {  	_ =	sfence.sel $0x180000  }
0x721: {  	[bflag:$0x0] =	sbarrier.arrive $0xFFFF  }
0x722: {  	p0 =	sne.s32 s1, $0x0;
	_ =	strace $0x90000047  }
0x723: {  	s0 =	sadd.s32 @!p0 $0x100000, s0;
	[bflag:$0x2] =	sbarrier.arrive $0xFFFF  }
0x724: {  	[sflag:s0] =	ssyncadd.tile.s32 @!p0 $0x1;
	_ =	shalt  }
.Lfunc_end2:
_tile_overlayer_lowered:
.L_overlay_start_2:
0x725: {  	(tag) =	ssettag $0x2  }
0x726: {  	s0 =	rddreg [dreg:$0x0];
	s2 =	stileid.u32  }
0x727: {  	s1 =	rddreg [dreg:$0x1];
	p0 =	sne.s32 s2, $0x0  }
0x728: {  	s3 =	rddreg [dreg:$0x2];
	[bflag:$0x3] =	sbarrier.arrive $0xFFFF;
	s2 =	simm.s32 @!p0 $0x1C05  }
0x729: {  	[timem:s3], [sflag:s2] =	dma.local @!p0 [hbm:s0], s1  }
0x72a: {  	s0 =	simm.s32 @!p0 $0x5  }
0x72b: {  	_ =	swait.ge @!p0 [sflag:s0], s1  }
0x72c: {  	s1 =	ssub.s32 @!p0 $0x0, s1;
	[sflag:s0] =	ssyncset.done @!p0 $0x0  }
0x72d: {  	[sflag:s0] =	ssyncadd.s32 @!p0 s1  }
0x72e: {  	[bflag:$0x3] =	sbarrier.arrive $0xFFFF  }
0x72f: {  	_ =	shalt  }

</sc_bundles>
